<compile_context>
chip_gen: v7x
topology: tpu7x:2x2x1
jax: 0.10.2.dev20260603
libtpu: 0.0.44.dev20260713+nightly
codegen_flags: <defaults>
</compile_context>

<pallas_src>
import dataclasses
import functools

import jax
import jax.numpy as jnp
from jax import lax
from jax.experimental import pallas as pl
from jax.experimental.pallas import tpu as pltpu
from jax.experimental.pallas import tpu_sc as plsc

NN = 10000
EE = 320000
FF = 128
HH = 64
CC = 40
NC, NS, L = 2, 16, 16
NW = NC * NS
NPAD = 10240
CHUNK = 80
EPW = EE // NW
NCHUNK = EPW // CHUNK
RB = 1000
ZPW = NPAD // NS

_mesh = plsc.VectorSubcoreMesh(core_axis_name="c", subcore_axis_name="s")
_cp = pltpu.CompilerParams()
if "needs_layout_passes" in pltpu.CompilerParams.__dataclass_fields__:
    _cp = dataclasses.replace(_cp, needs_layout_passes=False)
if "use_tc_tiling_on_sc" in pltpu.CompilerParams.__dataclass_fields__:
    _cp = dataclasses.replace(_cp, use_tc_tiling_on_sc=False)
_f32 = jnp.float32
_i32 = jnp.int32


def _ds(b, n):
    return pl.ds(b, n)


def _m1_body(x_ref, wg_ref, w1_ref, h_ref, xw_ref):
    x = x_ref[...]
    h_ref[...] = jnp.dot(x, wg_ref[...], preferred_element_type=_f32)
    xw_ref[...] = jnp.dot(x, w1_ref[...], preferred_element_type=_f32)


def _m1(inputs, W_gl, W1):
    return pl.pallas_call(
        _m1_body,
        grid=(NN // RB,),
        in_specs=[
            pl.BlockSpec((RB, FF), lambda i: (i, 0)),
            pl.BlockSpec((FF, HH), lambda i: (0, 0)),
            pl.BlockSpec((FF, HH), lambda i: (0, 0)),
        ],
        out_specs=[
            pl.BlockSpec((RB, HH), lambda i: (i, 0)),
            pl.BlockSpec((RB, HH), lambda i: (i, 0)),
        ],
        out_shape=[
            jax.ShapeDtypeStruct((NN, HH), _f32),
            jax.ShapeDtypeStruct((NN, HH), _f32),
        ],
    )(inputs, W_gl, W1)


@functools.partial(
    pl.kernel,
    out_type=(
        jax.ShapeDtypeStruct((EE,), _f32),
        jax.ShapeDtypeStruct((NW, NPAD), _f32),
    ),
    mesh=_mesh,
    compiler_params=_cp,
    scratch_types=[
        pltpu.VMEM((NPAD,), _f32),
        pltpu.VMEM((NCHUNK, CHUNK), _i32),
        pltpu.VMEM((NCHUNK, CHUNK), _i32),
        pltpu.VMEM((2 * CHUNK, HH), _f32),
        pltpu.VMEM((2 * CHUNK, HH), _f32),
        pltpu.VMEM((EPW,), _f32),
        pltpu.VMEM((HH * L,), _f32),
        pltpu.SemaphoreType.DMA,
    ],
)
def _ka(h_hbm, src_hbm, dst_hbm, at_hbm, ex_hbm, s_hbm,
        s_acc, isrc, idst, hs, hd, exall, at_v, sem):
    cid = lax.axis_index("c")
    sid = lax.axis_index("s")
    wid = cid * NS + sid
    lane = lax.iota(_i32, L)

    pltpu.sync_copy(at_hbm, at_v)
    pltpu.sync_copy(src_hbm.at[wid], isrc)
    pltpu.sync_copy(dst_hbm.at[wid], idst)

    zv = jnp.zeros((L,), _f32)

    @pl.loop(0, NPAD // L)
    def _(i):
        s_acc[_ds(i * L, L)] = zv

    pltpu.async_copy(h_hbm.at[isrc.at[0]], hs.at[_ds(0, CHUNK)], sem)
    pltpu.async_copy(h_hbm.at[idst.at[0]], hd.at[_ds(0, CHUNK)], sem)

    @pl.loop(0, NCHUNK)
    def _(c):
        boff = jnp.bitwise_and(c, 1) * CHUNK
        nboff = CHUNK - boff

        @pl.when(c + 1 < NCHUNK)
        def _():
            pltpu.async_copy(h_hbm.at[isrc.at[c + 1]],
                             hs.at[_ds(nboff, CHUNK)], sem)
            pltpu.async_copy(h_hbm.at[idst.at[c + 1]],
                             hd.at[_ds(nboff, CHUNK)], sem)

        pltpu.make_async_copy(h_hbm.at[isrc.at[c]],
                              hs.at[_ds(boff, CHUNK)], sem).wait()
        pltpu.make_async_copy(h_hbm.at[idst.at[c]],
                              hd.at[_ds(boff, CHUNK)], sem).wait()

        cv = jnp.full((L,), 0, _i32) + c

        @pl.loop(0, CHUNK // L)
        def _(g):
            rowg = lane + g * L
            browg = rowg + boff
            accs = [jnp.zeros((L,), _f32) for _ in range(4)]
            for j in range(HH):
                colj = jnp.bitwise_and(lane + j, HH - 1)
                hsj = plsc.load_gather(hs, [browg, colj])
                hdj = plsc.load_gather(hd, [browg, colj])
                aj = at_v[_ds(j * L, L)]
                accs[j % 4] = accs[j % 4] + aj * jnp.abs(hsj - hdj)
            acc = (accs[0] + accs[1]) + (accs[2] + accs[3])
            exv = jnp.exp(jnp.maximum(acc, 0.0))
            dstv = plsc.load_gather(idst, [cv, rowg])
            plsc.addupdate_scatter(s_acc, [dstv], exv)
            exall[_ds(c * CHUNK + g * L, L)] = exv

    pltpu.sync_copy(exall, ex_hbm.at[_ds(wid * EPW, EPW)])
    pltpu.sync_copy(s_acc, s_hbm.at[wid])


def _ms_body(sp_ref, rec_ref, ind_ref):
    s = jnp.sum(sp_ref[...], axis=0).reshape(1, NPAD)
    pos = s > 0.0
    rec_ref[...] = jnp.where(pos, 1.0 / s, 0.0)
    ind_ref[...] = jnp.where(pos, 1.0, 0.0)


def _ms(s_parts):
    return pl.pallas_call(
        _ms_body,
        grid=(1,),
        in_specs=[pl.BlockSpec((NW, NPAD), lambda i: (0, 0))],
        out_specs=[
            pl.BlockSpec((1, NPAD), lambda i: (0, 0)),
            pl.BlockSpec((1, NPAD), lambda i: (0, 0)),
        ],
        out_shape=[
            jax.ShapeDtypeStruct((1, NPAD), _f32),
            jax.ShapeDtypeStruct((1, NPAD), _f32),
        ],
    )(s_parts)


@functools.partial(
    pl.kernel,
    out_type=(
        jax.ShapeDtypeStruct((EE,), _f32),
        jax.ShapeDtypeStruct((EE,), _f32),
        jax.ShapeDtypeStruct((NC, NPAD, HH), _f32),
    ),
    mesh=_mesh,
    compiler_params=_cp,
    scratch_types=[
        pltpu.VMEM((NPAD,), _f32),
        pltpu.VMEM((NPAD,), _f32),
        pltpu.VMEM((NCHUNK, CHUNK), _i32),
        pltpu.VMEM((NCHUNK, CHUNK), _i32),
        pltpu.VMEM((EPW,), _f32),
        pltpu.VMEM((EPW,), _f32),
        pltpu.VMEM((EPW,), _f32),
        pltpu.VMEM((2 * CHUNK, HH), _f32),
        pltpu.VMEM_SHARED((NPAD, HH), _f32),
        pltpu.SemaphoreType.DMA,
        pltpu.SemaphoreType.DMA,
    ],
)
def _kb(rec_hbm, ind_hbm, ex_hbm, src_hbm, dst_hbm, xw_hbm, z_hbm,
        ew_hbm, nm_hbm, acc_hbm,
        rec, ind, isrc, idst, exall, ewall, nmall, xwb, acc_sh, sem_g, sem_a):
    cid = lax.axis_index("c")
    sid = lax.axis_index("s")
    wid = cid * NS + sid
    lane = lax.iota(_i32, L)

    pltpu.sync_copy(rec_hbm.at[0], rec)
    pltpu.sync_copy(ind_hbm.at[0], ind)
    pltpu.sync_copy(src_hbm.at[wid], isrc)
    pltpu.sync_copy(dst_hbm.at[wid], idst)
    pltpu.sync_copy(ex_hbm.at[_ds(wid * EPW, EPW)], exall)
    pltpu.sync_copy(z_hbm, acc_sh.at[_ds(sid * ZPW, ZPW)])
    plsc.subcore_barrier()

    @pl.loop(0, NCHUNK)
    def _(c):
        cv = jnp.full((L,), 0, _i32) + c
        for g in range(CHUNK // L):
            colg = lane + g * L
            srcv = plsc.load_gather(isrc, [cv, colg])
            dstv = plsc.load_gather(idst, [cv, colg])
            exv = exall[_ds(c * CHUNK + g * L, L)]
            ew = exv * plsc.load_gather(rec, [dstv])
            nm = ew * plsc.load_gather(ind, [srcv])
            ewall[_ds(c * CHUNK + g * L, L)] = ew
            nmall[_ds(c * CHUNK + g * L, L)] = nm

    pltpu.async_copy(xw_hbm.at[isrc.at[0]], xwb.at[_ds(0, CHUNK)], sem_g)

    @pl.loop(0, NCHUNK)
    def _(c):
        boff = jnp.bitwise_and(c, 1) * CHUNK
        nboff = CHUNK - boff

        @pl.when(c >= 1)
        def _():
            pltpu.make_async_copy(xwb.at[_ds(nboff, CHUNK)],
                                  acc_sh.at[idst.at[c - 1]], sem_a).wait()

        @pl.when(c + 1 < NCHUNK)
        def _():
            pltpu.async_copy(xw_hbm.at[isrc.at[c + 1]],
                             xwb.at[_ds(nboff, CHUNK)], sem_g)

        pltpu.make_async_copy(xw_hbm.at[isrc.at[c]],
                              xwb.at[_ds(boff, CHUNK)], sem_g).wait()

        @pl.loop(0, CHUNK // L)
        def _(g):
            nmv = nmall[_ds(c * CHUNK + g * L, L)]
            rowv = boff + g * L + lane
            for j in range(HH):
                colj = jnp.bitwise_and(lane + j, HH - 1)
                v = plsc.load_gather(xwb, [rowv, colj])
                plsc.store_scatter(xwb, [rowv, colj], v * nmv)

        pltpu.async_copy(xwb.at[_ds(boff, CHUNK)],
                         acc_sh.at[idst.at[c]], sem_a, add=True)

    pltpu.make_async_copy(xwb.at[_ds(0, CHUNK)],
                          acc_sh.at[idst.at[NCHUNK - 1]], sem_a).wait()
    pltpu.sync_copy(ewall, ew_hbm.at[_ds(wid * EPW, EPW)])
    pltpu.sync_copy(nmall, nm_hbm.at[_ds(wid * EPW, EPW)])

    plsc.subcore_barrier()
    pltpu.sync_copy(acc_sh.at[_ds(sid * ZPW, ZPW)],
                    acc_hbm.at[cid, _ds(sid * ZPW, ZPW)])


@functools.partial(
    pl.kernel,
    out_type=jax.ShapeDtypeStruct((NC, NPAD, HH), _f32),
    mesh=_mesh,
    compiler_params=_cp,
    scratch_types=[
        pltpu.VMEM((NCHUNK, CHUNK), _i32),
        pltpu.VMEM((NCHUNK, CHUNK), _i32),
        pltpu.VMEM((EPW,), _f32),
        pltpu.VMEM((2 * CHUNK, HH), _f32),
        pltpu.VMEM_SHARED((NPAD, HH), _f32),
        pltpu.SemaphoreType.DMA,
        pltpu.SemaphoreType.DMA,
    ],
)
def _kc(nm_hbm, src_hbm, dst_hbm, xw_hbm, z_hbm, acc_hbm,
        isrc, idst, nmall, xwb, acc_sh, sem_g, sem_a):
    cid = lax.axis_index("c")
    sid = lax.axis_index("s")
    wid = cid * NS + sid
    lane = lax.iota(_i32, L)

    pltpu.sync_copy(src_hbm.at[wid], isrc)
    pltpu.sync_copy(dst_hbm.at[wid], idst)
    pltpu.sync_copy(nm_hbm.at[_ds(wid * EPW, EPW)], nmall)
    pltpu.sync_copy(z_hbm, acc_sh.at[_ds(sid * ZPW, ZPW)])
    plsc.subcore_barrier()

    pltpu.async_copy(xw_hbm.at[isrc.at[0]], xwb.at[_ds(0, CHUNK)], sem_g)

    @pl.loop(0, NCHUNK)
    def _(c):
        boff = jnp.bitwise_and(c, 1) * CHUNK
        nboff = CHUNK - boff

        @pl.when(c >= 1)
        def _():
            pltpu.make_async_copy(xwb.at[_ds(nboff, CHUNK)],
                                  acc_sh.at[idst.at[c - 1]], sem_a).wait()

        @pl.when(c + 1 < NCHUNK)
        def _():
            pltpu.async_copy(xw_hbm.at[isrc.at[c + 1]],
                             xwb.at[_ds(nboff, CHUNK)], sem_g)

        pltpu.make_async_copy(xw_hbm.at[isrc.at[c]],
                              xwb.at[_ds(boff, CHUNK)], sem_g).wait()

        @pl.loop(0, CHUNK // L)
        def _(g):
            nmv = nmall[_ds(c * CHUNK + g * L, L)]
            rowv = boff + g * L + lane
            for j in range(HH):
                colj = jnp.bitwise_and(lane + j, HH - 1)
                v = plsc.load_gather(xwb, [rowv, colj])
                plsc.store_scatter(xwb, [rowv, colj], v * nmv)

        pltpu.async_copy(xwb.at[_ds(boff, CHUNK)],
                         acc_sh.at[idst.at[c]], sem_a, add=True)

    pltpu.make_async_copy(xwb.at[_ds(0, CHUNK)],
                          acc_sh.at[idst.at[NCHUNK - 1]], sem_a).wait()

    plsc.subcore_barrier()
    pltpu.sync_copy(acc_sh.at[_ds(sid * ZPW, ZPW)],
                    acc_hbm.at[cid, _ds(sid * ZPW, ZPW)])


def _m2_body(acc_ref, b1_ref, w2_ref, out_ref):
    a = acc_ref[0] + acc_ref[1]
    x1 = jnp.maximum(a + b1_ref[...], 0.0)
    out_ref[...] = jnp.dot(x1, w2_ref[...], preferred_element_type=_f32)


def _m2(acc1, b1, W2pad):
    return pl.pallas_call(
        _m2_body,
        grid=(NN // RB,),
        in_specs=[
            pl.BlockSpec((2, RB, HH), lambda i: (0, i, 0)),
            pl.BlockSpec((1, HH), lambda i: (0, 0)),
            pl.BlockSpec((HH, HH), lambda i: (0, 0)),
        ],
        out_specs=pl.BlockSpec((RB, HH), lambda i: (i, 0)),
        out_shape=jax.ShapeDtypeStruct((NN, HH), _f32),
    )(acc1, b1, W2pad)


def _m3_body(acc_ref, b2_ref, out_ref):
    out_ref[...] = acc_ref[0, :, :CC] + acc_ref[1, :, :CC] + b2_ref[...]


def _m3(acc2, b2):
    return pl.pallas_call(
        _m3_body,
        grid=(NN // RB,),
        in_specs=[
            pl.BlockSpec((2, RB, HH), lambda i: (0, i, 0)),
            pl.BlockSpec((1, CC), lambda i: (0, 0)),
        ],
        out_specs=pl.BlockSpec((RB, CC), lambda i: (i, 0)),
        out_shape=jax.ShapeDtypeStruct((NN, CC), _f32),
    )(acc2, b2)


def kernel(inputs, edge_index, W_gl, a_gl, W1, b1, W2, b2):
    src3 = edge_index[0].reshape(NW, NCHUNK, CHUNK)
    dst3 = edge_index[1].reshape(NW, NCHUNK, CHUNK)
    rot = (jnp.arange(HH)[:, None] + jnp.arange(L)[None, :]) % HH
    a_tiled = a_gl[rot].reshape(HH * L)
    W2pad = jnp.zeros((HH, HH), _f32).at[:, :CC].set(W2)
    zblk = jnp.zeros((ZPW, HH), _f32)

    h, xw1 = _m1(inputs, W_gl, W1)
    ex, s_parts = _ka(h, src3, dst3, a_tiled)
    rec, ind = _ms(s_parts)
    ew, norm, acc1 = _kb(rec, ind, ex, src3, dst3, xw1, zblk)
    xw2 = _m2(acc1, b1.reshape(1, HH), W2pad)
    acc2 = _kc(norm, src3, dst3, xw2, zblk)
    x2 = _m3(acc2, b2.reshape(1, CC))
    return (h, ew, x2)

# --- scband reference (transcript-rebuilt; emitter-appended) ---
"""Pipeline reference for scband-sglcn-86535001079835 (READ-ONLY COPY).

The authoritative reference and input builder live on the scoring server;
editing this copy changes nothing except your own understanding.
"""

import jax, jax.numpy as jnp
import numpy as np

N = 10000
E = 320000
NFEAT = 128
HIDD_GL = 64
NHID = 64
NCLASS = 40


def setup_inputs(seed: int = 0) -> dict:
    key = jax.random.key(seed)
    ks = jax.random.split(key, 8)
    inputs = jax.random.normal(ks[0], (N, NFEAT), dtype=jnp.float32)
    edge_index = jax.random.randint(ks[1], (2, E), 0, N, dtype=jnp.int32)
    W_gl = jax.random.normal(ks[2], (NFEAT, HIDD_GL), dtype=jnp.float32) * 0.05
    a_gl = jax.random.normal(ks[3], (HIDD_GL,), dtype=jnp.float32) * 0.05
    W1 = jax.random.normal(ks[4], (NFEAT, NHID), dtype=jnp.float32) * 0.05
    b1 = jnp.zeros((NHID,), dtype=jnp.float32)
    W2 = jax.random.normal(ks[5], (NHID, NCLASS), dtype=jnp.float32) * 0.05
    b2 = jnp.zeros((NCLASS,), dtype=jnp.float32)
    return {"inputs": inputs, "edge_index": edge_index, "W_gl": W_gl, "a_gl": a_gl,
            "W1": W1, "b1": b1, "W2": W2, "b2": b2}


def _segment_softmax(e, seg, num_segments):
    m = jax.ops.segment_max(e, seg, num_segments=num_segments)
    m = jnp.where(jnp.isfinite(m), m, 0.0)
    ex = jnp.exp(e - m[seg])
    s = jax.ops.segment_sum(ex, seg, num_segments=num_segments)
    return ex / (s[seg] + 1e-16)


def _gcn_conv(x, edge_index, edge_weight, W, b):
    src, dst = edge_index[0], edge_index[1]
    xw = x @ W
    deg = jax.ops.segment_sum(edge_weight, dst, num_segments=x.shape[0])
    dis = jnp.where(deg > 0, deg ** -0.5, 0.0)
    norm = dis[src] * edge_weight * dis[dst]
    msg = xw[src] * norm[:, None]
    out = jax.ops.segment_sum(msg, dst, num_segments=x.shape[0])
    return out + b


def reference(inputs, edge_index, W_gl, a_gl, W1, b1, W2, b2):
    # dropout p=0.0 (eval) -> identity
    src, dst = edge_index[0], edge_index[1]
    # SparseGraphLearn (GLCN-style): h = xW; e_ij = relu(a^T |h_i - h_j|); sparse softmax per dst
    h = inputs @ W_gl
    e = jax.nn.relu(jnp.abs(h[src] - h[dst]) @ a_gl)
    edge_weight = _segment_softmax(e, dst, N)
    # Two GCN layers using learned edge weights with symmetric degree normalization
    x = jax.nn.relu(_gcn_conv(inputs, edge_index, edge_weight, W1, b1))
    x = _gcn_conv(x, edge_index, edge_weight, W2, b2)
    return (h, edge_weight, x)

if __name__ == "__main__":
    import jax
    _d = setup_inputs()
    print(jax.jit(kernel)(*tuple(_d.values())))

</pallas_src>

<mosaic_0001>
#map = affine_map<(d0, d1) -> (0, 0)>
#map1 = affine_map<(d0, d1) -> (0)>
#map2 = affine_map<(d0, d1) -> (0, 0, 0)>
module attributes {stable_mosaic.version = 14 : i64} {
  func.func @_kb(%arg0: i32, %arg1: i32, %arg2: memref<1x10240xf32, #tpu.memory_space<hbm>>, %arg3: memref<1x10240xf32, #tpu.memory_space<hbm>>, %arg4: memref<320000xf32, #tpu.memory_space<hbm>>, %arg5: memref<32x125x80xi32, #tpu.memory_space<hbm>>, %arg6: memref<32x125x80xi32, #tpu.memory_space<hbm>>, %arg7: memref<10000x64xf32, #tpu.memory_space<hbm>>, %arg8: memref<640x64xf32, #tpu.memory_space<hbm>>, %arg9: memref<320000xf32, #tpu.memory_space<hbm>>, %arg10: memref<320000xf32, #tpu.memory_space<hbm>>, %arg11: memref<2x10240x64xf32, #tpu.memory_space<hbm>>, %arg12: memref<10240xf32, #tpu.memory_space<vmem>>, %arg13: memref<10240xf32, #tpu.memory_space<vmem>>, %arg14: memref<125x80xi32, #tpu.memory_space<vmem>>, %arg15: memref<125x80xi32, #tpu.memory_space<vmem>>, %arg16: memref<10000xf32, #tpu.memory_space<vmem>>, %arg17: memref<10000xf32, #tpu.memory_space<vmem>>, %arg18: memref<10000xf32, #tpu.memory_space<vmem>>, %arg19: memref<160x64xf32, #tpu.memory_space<vmem>>, %arg20: memref<10240x64xf32, #tpu.memory_space<vmem_shared>>, %arg21: memref<!tpu.dma_semaphore, #tpu.memory_space<semaphore_mem>>, %arg22: memref<!tpu.dma_semaphore, #tpu.memory_space<semaphore_mem>>) attributes {dimension_semantics = [#tpu.dimension_semantics<core_parallel>, #tpu.dimension_semantics<subcore_parallel>], iteration_bounds = array<i64: 2, 16>, scalar_prefetch = 0 : i64, scratch_operands = 11 : i64, tpu.core_type = #tpu.core_type<sc_vector_subcore>, window_params = [{transform_indices = #map}, {transform_indices = #map}, {transform_indices = #map1}, {transform_indices = #map2}, {transform_indices = #map2}, {transform_indices = #map}, {transform_indices = #map}, {transform_indices = #map1}, {transform_indices = #map1}, {transform_indices = #map2}]} {
    %mul3A = arith.constant 16 : i32
    %mul3A_0 = arith.muli %arg0, %mul3A : i32
    %add3A = arith.addi %mul3A_0, %arg1 : i32
    %iota3A = tpu.iota {dimensions = array<i32: 0>} : vector<16xi32>
    %run_scoped3A = arith.constant 0 : i32
    "tpu.region"() ({
      %run_scoped3A_42 = tpu.sem_alloc : memref<!tpu.dma_semaphore, #tpu.memory_space<semaphore_mem>>
      %dma_start3A_43 = arith.constant 0 : i32
      %dma_start3A_44 = tpu.memref_slice %arg2[%run_scoped3A, %dma_start3A_43] : memref<1x10240xf32, #tpu.memory_space<hbm>> -> memref<1x10240xf32, #tpu.memory_space<hbm>>
      %dma_start3A_45 = tpu.memref_squeeze %dma_start3A_44 : memref<1x10240xf32, #tpu.memory_space<hbm>> -> memref<10240xf32, #tpu.memory_space<hbm>>
      %dma_start3A_46 = arith.constant 0 : i32
      %dma_start3A_47 = tpu.memref_slice %arg2[%run_scoped3A, %dma_start3A_46] : memref<1x10240xf32, #tpu.memory_space<hbm>> -> memref<1x10240xf32, #tpu.memory_space<hbm>>
      %dma_start3A_48 = tpu.memref_squeeze %dma_start3A_47 : memref<1x10240xf32, #tpu.memory_space<hbm>> -> memref<10240xf32, #tpu.memory_space<hbm>>
      tpu.enqueue_dma source(%dma_start3A_48 : memref<10240xf32, #tpu.memory_space<hbm>>) target(%arg12 : memref<10240xf32, #tpu.memory_space<vmem>>) target_semaphore(%run_scoped3A_42 : memref<!tpu.dma_semaphore, #tpu.memory_space<semaphore_mem>>)
      %dma_wait3A_49 = arith.constant 0 : i32
      %dma_wait3A_50 = tpu.memref_slice %arg2[%run_scoped3A, %dma_wait3A_49] : memref<1x10240xf32, #tpu.memory_space<hbm>> -> memref<1x10240xf32, #tpu.memory_space<hbm>>
      %dma_wait3A_51 = tpu.memref_squeeze %dma_wait3A_50 : memref<1x10240xf32, #tpu.memory_space<hbm>> -> memref<10240xf32, #tpu.memory_space<hbm>>
      %dma_wait3A_52 = arith.constant 0 : i32
      %dma_wait3A_53 = tpu.memref_slice %arg2[%run_scoped3A, %dma_wait3A_52] : memref<1x10240xf32, #tpu.memory_space<hbm>> -> memref<1x10240xf32, #tpu.memory_space<hbm>>
      %dma_wait3A_54 = tpu.memref_squeeze %dma_wait3A_53 : memref<1x10240xf32, #tpu.memory_space<hbm>> -> memref<10240xf32, #tpu.memory_space<hbm>>
      tpu.wait_dma2 semaphore(%run_scoped3A_42 : memref<!tpu.dma_semaphore, #tpu.memory_space<semaphore_mem>>) src(%dma_wait3A_54 : memref<10240xf32, #tpu.memory_space<hbm>>) dst(%arg12 : memref<10240xf32, #tpu.memory_space<vmem>>)
      tpu.yield
    }) : () -> ()
    %run_scoped3A_1 = arith.constant 0 : i32
    "tpu.region"() ({
      %run_scoped3A_42 = tpu.sem_alloc : memref<!tpu.dma_semaphore, #tpu.memory_space<semaphore_mem>>
      %dma_start3A_43 = arith.constant 0 : i32
      %dma_start3A_44 = tpu.memref_slice %arg3[%run_scoped3A_1, %dma_start3A_43] : memref<1x10240xf32, #tpu.memory_space<hbm>> -> memref<1x10240xf32, #tpu.memory_space<hbm>>
      %dma_start3A_45 = tpu.memref_squeeze %dma_start3A_44 : memref<1x10240xf32, #tpu.memory_space<hbm>> -> memref<10240xf32, #tpu.memory_space<hbm>>
      %dma_start3A_46 = arith.constant 0 : i32
      %dma_start3A_47 = tpu.memref_slice %arg3[%run_scoped3A_1, %dma_start3A_46] : memref<1x10240xf32, #tpu.memory_space<hbm>> -> memref<1x10240xf32, #tpu.memory_space<hbm>>
      %dma_start3A_48 = tpu.memref_squeeze %dma_start3A_47 : memref<1x10240xf32, #tpu.memory_space<hbm>> -> memref<10240xf32, #tpu.memory_space<hbm>>
      tpu.enqueue_dma source(%dma_start3A_48 : memref<10240xf32, #tpu.memory_space<hbm>>) target(%arg13 : memref<10240xf32, #tpu.memory_space<vmem>>) target_semaphore(%run_scoped3A_42 : memref<!tpu.dma_semaphore, #tpu.memory_space<semaphore_mem>>)
      %dma_wait3A_49 = arith.constant 0 : i32
      %dma_wait3A_50 = tpu.memref_slice %arg3[%run_scoped3A_1, %dma_wait3A_49] : memref<1x10240xf32, #tpu.memory_space<hbm>> -> memref<1x10240xf32, #tpu.memory_space<hbm>>
      %dma_wait3A_51 = tpu.memref_squeeze %dma_wait3A_50 : memref<1x10240xf32, #tpu.memory_space<hbm>> -> memref<10240xf32, #tpu.memory_space<hbm>>
      %dma_wait3A_52 = arith.constant 0 : i32
      %dma_wait3A_53 = tpu.memref_slice %arg3[%run_scoped3A_1, %dma_wait3A_52] : memref<1x10240xf32, #tpu.memory_space<hbm>> -> memref<1x10240xf32, #tpu.memory_space<hbm>>
      %dma_wait3A_54 = tpu.memref_squeeze %dma_wait3A_53 : memref<1x10240xf32, #tpu.memory_space<hbm>> -> memref<10240xf32, #tpu.memory_space<hbm>>
      tpu.wait_dma2 semaphore(%run_scoped3A_42 : memref<!tpu.dma_semaphore, #tpu.memory_space<semaphore_mem>>) src(%dma_wait3A_54 : memref<10240xf32, #tpu.memory_space<hbm>>) dst(%arg13 : memref<10240xf32, #tpu.memory_space<vmem>>)
      tpu.yield
    }) : () -> ()
    "tpu.region"() ({
      %run_scoped3A_42 = tpu.sem_alloc : memref<!tpu.dma_semaphore, #tpu.memory_space<semaphore_mem>>
      %dma_start3A_43 = arith.constant 0 : i32
      %dma_start3A_44 = arith.constant 0 : i32
      %dma_start3A_45 = tpu.memref_slice %arg5[%add3A, %dma_start3A_43, %dma_start3A_44] : memref<32x125x80xi32, #tpu.memory_space<hbm>> -> memref<1x125x80xi32, #tpu.memory_space<hbm>>
      %dma_start3A_46 = tpu.memref_squeeze %dma_start3A_45 : memref<1x125x80xi32, #tpu.memory_space<hbm>> -> memref<125x80xi32, #tpu.memory_space<hbm>>
      %dma_start3A_47 = arith.constant 0 : i32
      %dma_start3A_48 = arith.constant 0 : i32
      %dma_start3A_49 = tpu.memref_slice %arg5[%add3A, %dma_start3A_47, %dma_start3A_48] : memref<32x125x80xi32, #tpu.memory_space<hbm>> -> memref<1x125x80xi32, #tpu.memory_space<hbm>>
      %dma_start3A_50 = tpu.memref_squeeze %dma_start3A_49 : memref<1x125x80xi32, #tpu.memory_space<hbm>> -> memref<125x80xi32, #tpu.memory_space<hbm>>
      tpu.enqueue_dma source(%dma_start3A_50 : memref<125x80xi32, #tpu.memory_space<hbm>>) target(%arg14 : memref<125x80xi32, #tpu.memory_space<vmem>>) target_semaphore(%run_scoped3A_42 : memref<!tpu.dma_semaphore, #tpu.memory_space<semaphore_mem>>)
      %dma_wait3A_51 = arith.constant 0 : i32
      %dma_wait3A_52 = arith.constant 0 : i32
      %dma_wait3A_53 = tpu.memref_slice %arg5[%add3A, %dma_wait3A_51, %dma_wait3A_52] : memref<32x125x80xi32, #tpu.memory_space<hbm>> -> memref<1x125x80xi32, #tpu.memory_space<hbm>>
      %dma_wait3A_54 = tpu.memref_squeeze %dma_wait3A_53 : memref<1x125x80xi32, #tpu.memory_space<hbm>> -> memref<125x80xi32, #tpu.memory_space<hbm>>
      %dma_wait3A_55 = arith.constant 0 : i32
      %dma_wait3A_56 = arith.constant 0 : i32
      %dma_wait3A_57 = tpu.memref_slice %arg5[%add3A, %dma_wait3A_55, %dma_wait3A_56] : memref<32x125x80xi32, #tpu.memory_space<hbm>> -> memref<1x125x80xi32, #tpu.memory_space<hbm>>
      %dma_wait3A_58 = tpu.memref_squeeze %dma_wait3A_57 : memref<1x125x80xi32, #tpu.memory_space<hbm>> -> memref<125x80xi32, #tpu.memory_space<hbm>>
      tpu.wait_dma2 semaphore(%run_scoped3A_42 : memref<!tpu.dma_semaphore, #tpu.memory_space<semaphore_mem>>) src(%dma_wait3A_58 : memref<125x80xi32, #tpu.memory_space<hbm>>) dst(%arg14 : memref<125x80xi32, #tpu.memory_space<vmem>>)
      tpu.yield
    }) : () -> ()
    "tpu.region"() ({
      %run_scoped3A_42 = tpu.sem_alloc : memref<!tpu.dma_semaphore, #tpu.memory_space<semaphore_mem>>
      %dma_start3A_43 = arith.constant 0 : i32
      %dma_start3A_44 = arith.constant 0 : i32
      %dma_start3A_45 = tpu.memref_slice %arg6[%add3A, %dma_start3A_43, %dma_start3A_44] : memref<32x125x80xi32, #tpu.memory_space<hbm>> -> memref<1x125x80xi32, #tpu.memory_space<hbm>>
      %dma_start3A_46 = tpu.memref_squeeze %dma_start3A_45 : memref<1x125x80xi32, #tpu.memory_space<hbm>> -> memref<125x80xi32, #tpu.memory_space<hbm>>
      %dma_start3A_47 = arith.constant 0 : i32
      %dma_start3A_48 = arith.constant 0 : i32
      %dma_start3A_49 = tpu.memref_slice %arg6[%add3A, %dma_start3A_47, %dma_start3A_48] : memref<32x125x80xi32, #tpu.memory_space<hbm>> -> memref<1x125x80xi32, #tpu.memory_space<hbm>>
      %dma_start3A_50 = tpu.memref_squeeze %dma_start3A_49 : memref<1x125x80xi32, #tpu.memory_space<hbm>> -> memref<125x80xi32, #tpu.memory_space<hbm>>
      tpu.enqueue_dma source(%dma_start3A_50 : memref<125x80xi32, #tpu.memory_space<hbm>>) target(%arg15 : memref<125x80xi32, #tpu.memory_space<vmem>>) target_semaphore(%run_scoped3A_42 : memref<!tpu.dma_semaphore, #tpu.memory_space<semaphore_mem>>)
      %dma_wait3A_51 = arith.constant 0 : i32
      %dma_wait3A_52 = arith.constant 0 : i32
      %dma_wait3A_53 = tpu.memref_slice %arg6[%add3A, %dma_wait3A_51, %dma_wait3A_52] : memref<32x125x80xi32, #tpu.memory_space<hbm>> -> memref<1x125x80xi32, #tpu.memory_space<hbm>>
      %dma_wait3A_54 = tpu.memref_squeeze %dma_wait3A_53 : memref<1x125x80xi32, #tpu.memory_space<hbm>> -> memref<125x80xi32, #tpu.memory_space<hbm>>
      %dma_wait3A_55 = arith.constant 0 : i32
      %dma_wait3A_56 = arith.constant 0 : i32
      %dma_wait3A_57 = tpu.memref_slice %arg6[%add3A, %dma_wait3A_55, %dma_wait3A_56] : memref<32x125x80xi32, #tpu.memory_space<hbm>> -> memref<1x125x80xi32, #tpu.memory_space<hbm>>
      %dma_wait3A_58 = tpu.memref_squeeze %dma_wait3A_57 : memref<1x125x80xi32, #tpu.memory_space<hbm>> -> memref<125x80xi32, #tpu.memory_space<hbm>>
      tpu.wait_dma2 semaphore(%run_scoped3A_42 : memref<!tpu.dma_semaphore, #tpu.memory_space<semaphore_mem>>) src(%dma_wait3A_58 : memref<125x80xi32, #tpu.memory_space<hbm>>) dst(%arg15 : memref<125x80xi32, #tpu.memory_space<vmem>>)
      tpu.yield
    }) : () -> ()
    %mul3A_2 = arith.constant 10000 : i32
    %mul3A_3 = arith.muli %add3A, %mul3A_2 : i32
    "tpu.region"() ({
      %run_scoped3A_42 = tpu.sem_alloc : memref<!tpu.dma_semaphore, #tpu.memory_space<semaphore_mem>>
      %dma_start3A_43 = tpu.memref_slice %arg4[%mul3A_3] : memref<320000xf32, #tpu.memory_space<hbm>> -> memref<10000xf32, #tpu.memory_space<hbm>>
      %dma_start3A_44 = tpu.memref_slice %arg4[%mul3A_3] : memref<320000xf32, #tpu.memory_space<hbm>> -> memref<10000xf32, #tpu.memory_space<hbm>>
      tpu.enqueue_dma source(%dma_start3A_44 : memref<10000xf32, #tpu.memory_space<hbm>>) target(%arg16 : memref<10000xf32, #tpu.memory_space<vmem>>) target_semaphore(%run_scoped3A_42 : memref<!tpu.dma_semaphore, #tpu.memory_space<semaphore_mem>>)
      %dma_wait3A_45 = tpu.memref_slice %arg4[%mul3A_3] : memref<320000xf32, #tpu.memory_space<hbm>> -> memref<10000xf32, #tpu.memory_space<hbm>>
      %dma_wait3A_46 = tpu.memref_slice %arg4[%mul3A_3] : memref<320000xf32, #tpu.memory_space<hbm>> -> memref<10000xf32, #tpu.memory_space<hbm>>
      tpu.wait_dma2 semaphore(%run_scoped3A_42 : memref<!tpu.dma_semaphore, #tpu.memory_space<semaphore_mem>>) src(%dma_wait3A_46 : memref<10000xf32, #tpu.memory_space<hbm>>) dst(%arg16 : memref<10000xf32, #tpu.memory_space<vmem>>)
      tpu.yield
    }) : () -> ()
    %mul3A_4 = arith.constant 640 : i32
    %mul3A_5 = arith.muli %arg1, %mul3A_4 : i32
    "tpu.region"() ({
      %run_scoped3A_42 = tpu.sem_alloc : memref<!tpu.dma_semaphore, #tpu.memory_space<semaphore_mem>>
      %dma_start3A_43 = arith.constant 0 : i32
      %dma_start3A_44 = tpu.memref_slice %arg20[%mul3A_5, %dma_start3A_43] : memref<10240x64xf32, #tpu.memory_space<vmem_shared>> -> memref<640x64xf32, #tpu.memory_space<vmem_shared>>
      tpu.enqueue_dma source(%arg8 : memref<640x64xf32, #tpu.memory_space<hbm>>) target(%dma_start3A_44 : memref<640x64xf32, #tpu.memory_space<vmem_shared>>) target_semaphore(%run_scoped3A_42 : memref<!tpu.dma_semaphore, #tpu.memory_space<semaphore_mem>>)
      %dma_wait3A_45 = arith.constant 0 : i32
      %dma_wait3A_46 = tpu.memref_slice %arg20[%mul3A_5, %dma_wait3A_45] : memref<10240x64xf32, #tpu.memory_space<vmem_shared>> -> memref<640x64xf32, #tpu.memory_space<vmem_shared>>
      tpu.wait_dma2 semaphore(%run_scoped3A_42 : memref<!tpu.dma_semaphore, #tpu.memory_space<semaphore_mem>>) src(%arg8 : memref<640x64xf32, #tpu.memory_space<hbm>>) dst(%dma_wait3A_46 : memref<640x64xf32, #tpu.memory_space<vmem_shared>>)
      tpu.yield
    }) : () -> ()
    %barrier3A = arith.constant 0 : index
    tpu.barrier barrier_id(%barrier3A)
    %scan3A = arith.constant 0 : i32
    %scan3A_6 = arith.constant 125 : i32
    %scan3A_7 = arith.addi %scan3A, %scan3A_6 : i32
    %scan3A_8 = arith.constant 1 : i32
    scf.for %scan3A_42 = %scan3A to %scan3A_7 step %scan3A_8  : i32 {
      %mul3A_43 = arith.constant 1 : i32
      %mul3A_44 = arith.muli %scan3A_42, %mul3A_43 : i32
      %add3A_45 = arith.constant 0 : i32
      %add3A_46 = arith.addi %add3A_45, %mul3A_44 : i32
      %broadcast_in_dim3A = arith.constant 0 : i32
      %broadcast_in_dim3A_47 = vector.broadcast %broadcast_in_dim3A : i32 to vector<16xi32>
      %add3A_48 = vector.broadcast %add3A_46 : i32 to vector<16xi32>
      %add3A_49 = arith.addi %broadcast_in_dim3A_47, %add3A_48 : vector<16xi32>
      %add3A_50 = arith.constant 0 : i32
      %add3A_51 = vector.broadcast %add3A_50 : i32 to vector<16xi32>
      %add3A_52 = arith.addi %iota3A, %add3A_51 : vector<16xi32>
      %gather3A = tpu.vector_load_idx %arg14[%add3A_49, %add3A_52] : memref<125x80xi32, #tpu.memory_space<vmem>>[vector<16xi32>, vector<16xi32>], vector<16xi32>,
      %gather3A_53 = tpu.vector_load_idx %arg15[%add3A_49, %add3A_52] : memref<125x80xi32, #tpu.memory_space<vmem>>[vector<16xi32>, vector<16xi32>], vector<16xi32>,
      %mul3A_54 = arith.constant 80 : i32
      %mul3A_55 = arith.muli %add3A_46, %mul3A_54 : i32
      %add3A_56 = arith.constant 0 : i32
      %add3A_57 = arith.addi %mul3A_55, %add3A_56 : i32
      %get3A = arith.index_cast %add3A_57 : i32 to index
      %get3A_58 = tpu.vector_load %arg16[%get3A] {strides = array<i32>} : memref<10000xf32, #tpu.memory_space<vmem>>, vector<16xf32>,
      %gather3A_59 = tpu.vector_load_idx %arg12[%gather3A_53] : memref<10240xf32, #tpu.memory_space<vmem>>[vector<16xi32>], vector<16xf32>,
      %mul3A_60 = arith.mulf %get3A_58, %gather3A_59 : vector<16xf32>
      %gather3A_61 = tpu.vector_load_idx %arg13[%gather3A] : memref<10240xf32, #tpu.memory_space<vmem>>[vector<16xi32>], vector<16xf32>,
      %mul3A_62 = arith.mulf %mul3A_60, %gather3A_61 : vector<16xf32>
      %mul3A_63 = arith.constant 80 : i32
      %mul3A_64 = arith.muli %add3A_46, %mul3A_63 : i32
      %add3A_65 = arith.constant 0 : i32
      %add3A_66 = arith.addi %mul3A_64, %add3A_65 : i32
      %swap3A = arith.index_cast %add3A_66 : i32 to index
      %swap3A_67 = tpu.vector_load %arg17[%swap3A] {strides = array<i32>} : memref<10000xf32, #tpu.memory_space<vmem>>, vector<16xf32>,
      tpu.vector_store %arg17[%swap3A], %mul3A_60 {strides = array<i32>} : memref<10000xf32, #tpu.memory_space<vmem>>, vector<16xf32>,
      %mul3A_68 = arith.constant 80 : i32
      %mul3A_69 = arith.muli %add3A_46, %mul3A_68 : i32
      %add3A_70 = arith.constant 0 : i32
      %add3A_71 = arith.addi %mul3A_69, %add3A_70 : i32
      %swap3A_72 = arith.index_cast %add3A_71 : i32 to index
      %swap3A_73 = tpu.vector_load %arg18[%swap3A_72] {strides = array<i32>} : memref<10000xf32, #tpu.memory_space<vmem>>, vector<16xf32>,
      tpu.vector_store %arg18[%swap3A_72], %mul3A_62 {strides = array<i32>} : memref<10000xf32, #tpu.memory_space<vmem>>, vector<16xf32>,
      %add3A_74 = arith.constant 16 : i32
      %add3A_75 = vector.broadcast %add3A_74 : i32 to vector<16xi32>
      %add3A_76 = arith.addi %iota3A, %add3A_75 : vector<16xi32>
      %gather3A_77 = tpu.vector_load_idx %arg14[%add3A_49, %add3A_76] : memref<125x80xi32, #tpu.memory_space<vmem>>[vector<16xi32>, vector<16xi32>], vector<16xi32>,
      %gather3A_78 = tpu.vector_load_idx %arg15[%add3A_49, %add3A_76] : memref<125x80xi32, #tpu.memory_space<vmem>>[vector<16xi32>, vector<16xi32>], vector<16xi32>,
      %mul3A_79 = arith.constant 80 : i32
      %mul3A_80 = arith.muli %add3A_46, %mul3A_79 : i32
      %add3A_81 = arith.constant 16 : i32
      %add3A_82 = arith.addi %mul3A_80, %add3A_81 : i32
      %get3A_83 = arith.index_cast %add3A_82 : i32 to index
      %get3A_84 = tpu.vector_load %arg16[%get3A_83] {strides = array<i32>} : memref<10000xf32, #tpu.memory_space<vmem>>, vector<16xf32>,
      %gather3A_85 = tpu.vector_load_idx %arg12[%gather3A_78] : memref<10240xf32, #tpu.memory_space<vmem>>[vector<16xi32>], vector<16xf32>,
      %mul3A_86 = arith.mulf %get3A_84, %gather3A_85 : vector<16xf32>
      %gather3A_87 = tpu.vector_load_idx %arg13[%gather3A_77] : memref<10240xf32, #tpu.memory_space<vmem>>[vector<16xi32>], vector<16xf32>,
      %mul3A_88 = arith.mulf %mul3A_86, %gather3A_87 : vector<16xf32>
      %mul3A_89 = arith.constant 80 : i32
      %mul3A_90 = arith.muli %add3A_46, %mul3A_89 : i32
      %add3A_91 = arith.constant 16 : i32
      %add3A_92 = arith.addi %mul3A_90, %add3A_91 : i32
      %swap3A_93 = arith.index_cast %add3A_92 : i32 to index
      %swap3A_94 = tpu.vector_load %arg17[%swap3A_93] {strides = array<i32>} : memref<10000xf32, #tpu.memory_space<vmem>>, vector<16xf32>,
      tpu.vector_store %arg17[%swap3A_93], %mul3A_86 {strides = array<i32>} : memref<10000xf32, #tpu.memory_space<vmem>>, vector<16xf32>,
      %mul3A_95 = arith.constant 80 : i32
      %mul3A_96 = arith.muli %add3A_46, %mul3A_95 : i32
      %add3A_97 = arith.constant 16 : i32
      %add3A_98 = arith.addi %mul3A_96, %add3A_97 : i32
      %swap3A_99 = arith.index_cast %add3A_98 : i32 to index
      %swap3A_100 = tpu.vector_load %arg18[%swap3A_99] {strides = array<i32>} : memref<10000xf32, #tpu.memory_space<vmem>>, vector<16xf32>,
      tpu.vector_store %arg18[%swap3A_99], %mul3A_88 {strides = array<i32>} : memref<10000xf32, #tpu.memory_space<vmem>>, vector<16xf32>,
      %add3A_101 = arith.constant 32 : i32
      %add3A_102 = vector.broadcast %add3A_101 : i32 to vector<16xi32>
      %add3A_103 = arith.addi %iota3A, %add3A_102 : vector<16xi32>
      %gather3A_104 = tpu.vector_load_idx %arg14[%add3A_49, %add3A_103] : memref<125x80xi32, #tpu.memory_space<vmem>>[vector<16xi32>, vector<16xi32>], vector<16xi32>,
      %gather3A_105 = tpu.vector_load_idx %arg15[%add3A_49, %add3A_103] : memref<125x80xi32, #tpu.memory_space<vmem>>[vector<16xi32>, vector<16xi32>], vector<16xi32>,
      %mul3A_106 = arith.constant 80 : i32
      %mul3A_107 = arith.muli %add3A_46, %mul3A_106 : i32
      %add3A_108 = arith.constant 32 : i32
      %add3A_109 = arith.addi %mul3A_107, %add3A_108 : i32
      %get3A_110 = arith.index_cast %add3A_109 : i32 to index
      %get3A_111 = tpu.vector_load %arg16[%get3A_110] {strides = array<i32>} : memref<10000xf32, #tpu.memory_space<vmem>>, vector<16xf32>,
      %gather3A_112 = tpu.vector_load_idx %arg12[%gather3A_105] : memref<10240xf32, #tpu.memory_space<vmem>>[vector<16xi32>], vector<16xf32>,
      %mul3A_113 = arith.mulf %get3A_111, %gather3A_112 : vector<16xf32>
      %gather3A_114 = tpu.vector_load_idx %arg13[%gather3A_104] : memref<10240xf32, #tpu.memory_space<vmem>>[vector<16xi32>], vector<16xf32>,
      %mul3A_115 = arith.mulf %mul3A_113, %gather3A_114 : vector<16xf32>
      %mul3A_116 = arith.constant 80 : i32
      %mul3A_117 = arith.muli %add3A_46, %mul3A_116 : i32
      %add3A_118 = arith.constant 32 : i32
      %add3A_119 = arith.addi %mul3A_117, %add3A_118 : i32
      %swap3A_120 = arith.index_cast %add3A_119 : i32 to index
      %swap3A_121 = tpu.vector_load %arg17[%swap3A_120] {strides = array<i32>} : memref<10000xf32, #tpu.memory_space<vmem>>, vector<16xf32>,
      tpu.vector_store %arg17[%swap3A_120], %mul3A_113 {strides = array<i32>} : memref<10000xf32, #tpu.memory_space<vmem>>, vector<16xf32>,
      %mul3A_122 = arith.constant 80 : i32
      %mul3A_123 = arith.muli %add3A_46, %mul3A_122 : i32
      %add3A_124 = arith.constant 32 : i32
      %add3A_125 = arith.addi %mul3A_123, %add3A_124 : i32
      %swap3A_126 = arith.index_cast %add3A_125 : i32 to index
      %swap3A_127 = tpu.vector_load %arg18[%swap3A_126] {strides = array<i32>} : memref<10000xf32, #tpu.memory_space<vmem>>, vector<16xf32>,
      tpu.vector_store %arg18[%swap3A_126], %mul3A_115 {strides = array<i32>} : memref<10000xf32, #tpu.memory_space<vmem>>, vector<16xf32>,
      %add3A_128 = arith.constant 48 : i32
      %add3A_129 = vector.broadcast %add3A_128 : i32 to vector<16xi32>
      %add3A_130 = arith.addi %iota3A, %add3A_129 : vector<16xi32>
      %gather3A_131 = tpu.vector_load_idx %arg14[%add3A_49, %add3A_130] : memref<125x80xi32, #tpu.memory_space<vmem>>[vector<16xi32>, vector<16xi32>], vector<16xi32>,
      %gather3A_132 = tpu.vector_load_idx %arg15[%add3A_49, %add3A_130] : memref<125x80xi32, #tpu.memory_space<vmem>>[vector<16xi32>, vector<16xi32>], vector<16xi32>,
      %mul3A_133 = arith.constant 80 : i32
      %mul3A_134 = arith.muli %add3A_46, %mul3A_133 : i32
      %add3A_135 = arith.constant 48 : i32
      %add3A_136 = arith.addi %mul3A_134, %add3A_135 : i32
      %get3A_137 = arith.index_cast %add3A_136 : i32 to index
      %get3A_138 = tpu.vector_load %arg16[%get3A_137] {strides = array<i32>} : memref<10000xf32, #tpu.memory_space<vmem>>, vector<16xf32>,
      %gather3A_139 = tpu.vector_load_idx %arg12[%gather3A_132] : memref<10240xf32, #tpu.memory_space<vmem>>[vector<16xi32>], vector<16xf32>,
      %mul3A_140 = arith.mulf %get3A_138, %gather3A_139 : vector<16xf32>
      %gather3A_141 = tpu.vector_load_idx %arg13[%gather3A_131] : memref<10240xf32, #tpu.memory_space<vmem>>[vector<16xi32>], vector<16xf32>,
      %mul3A_142 = arith.mulf %mul3A_140, %gather3A_141 : vector<16xf32>
      %mul3A_143 = arith.constant 80 : i32
      %mul3A_144 = arith.muli %add3A_46, %mul3A_143 : i32
      %add3A_145 = arith.constant 48 : i32
      %add3A_146 = arith.addi %mul3A_144, %add3A_145 : i32
      %swap3A_147 = arith.index_cast %add3A_146 : i32 to index
      %swap3A_148 = tpu.vector_load %arg17[%swap3A_147] {strides = array<i32>} : memref<10000xf32, #tpu.memory_space<vmem>>, vector<16xf32>,
      tpu.vector_store %arg17[%swap3A_147], %mul3A_140 {strides = array<i32>} : memref<10000xf32, #tpu.memory_space<vmem>>, vector<16xf32>,
      %mul3A_149 = arith.constant 80 : i32
      %mul3A_150 = arith.muli %add3A_46, %mul3A_149 : i32
      %add3A_151 = arith.constant 48 : i32
      %add3A_152 = arith.addi %mul3A_150, %add3A_151 : i32
      %swap3A_153 = arith.index_cast %add3A_152 : i32 to index
      %swap3A_154 = tpu.vector_load %arg18[%swap3A_153] {strides = array<i32>} : memref<10000xf32, #tpu.memory_space<vmem>>, vector<16xf32>,
      tpu.vector_store %arg18[%swap3A_153], %mul3A_142 {strides = array<i32>} : memref<10000xf32, #tpu.memory_space<vmem>>, vector<16xf32>,
      %add3A_155 = arith.constant 64 : i32
      %add3A_156 = vector.broadcast %add3A_155 : i32 to vector<16xi32>
      %add3A_157 = arith.addi %iota3A, %add3A_156 : vector<16xi32>
      %gather3A_158 = tpu.vector_load_idx %arg14[%add3A_49, %add3A_157] : memref<125x80xi32, #tpu.memory_space<vmem>>[vector<16xi32>, vector<16xi32>], vector<16xi32>,
      %gather3A_159 = tpu.vector_load_idx %arg15[%add3A_49, %add3A_157] : memref<125x80xi32, #tpu.memory_space<vmem>>[vector<16xi32>, vector<16xi32>], vector<16xi32>,
      %mul3A_160 = arith.constant 80 : i32
      %mul3A_161 = arith.muli %add3A_46, %mul3A_160 : i32
      %add3A_162 = arith.constant 64 : i32
      %add3A_163 = arith.addi %mul3A_161, %add3A_162 : i32
      %get3A_164 = arith.index_cast %add3A_163 : i32 to index
      %get3A_165 = tpu.vector_load %arg16[%get3A_164] {strides = array<i32>} : memref<10000xf32, #tpu.memory_space<vmem>>, vector<16xf32>,
      %gather3A_166 = tpu.vector_load_idx %arg12[%gather3A_159] : memref<10240xf32, #tpu.memory_space<vmem>>[vector<16xi32>], vector<16xf32>,
      %mul3A_167 = arith.mulf %get3A_165, %gather3A_166 : vector<16xf32>
      %gather3A_168 = tpu.vector_load_idx %arg13[%gather3A_158] : memref<10240xf32, #tpu.memory_space<vmem>>[vector<16xi32>], vector<16xf32>,
      %mul3A_169 = arith.mulf %mul3A_167, %gather3A_168 : vector<16xf32>
      %mul3A_170 = arith.constant 80 : i32
      %mul3A_171 = arith.muli %add3A_46, %mul3A_170 : i32
      %add3A_172 = arith.constant 64 : i32
      %add3A_173 = arith.addi %mul3A_171, %add3A_172 : i32
      %swap3A_174 = arith.index_cast %add3A_173 : i32 to index
      %swap3A_175 = tpu.vector_load %arg17[%swap3A_174] {strides = array<i32>} : memref<10000xf32, #tpu.memory_space<vmem>>, vector<16xf32>,
      tpu.vector_store %arg17[%swap3A_174], %mul3A_167 {strides = array<i32>} : memref<10000xf32, #tpu.memory_space<vmem>>, vector<16xf32>,
      %mul3A_176 = arith.constant 80 : i32
      %mul3A_177 = arith.muli %add3A_46, %mul3A_176 : i32
      %add3A_178 = arith.constant 64 : i32
      %add3A_179 = arith.addi %mul3A_177, %add3A_178 : i32
      %swap3A_180 = arith.index_cast %add3A_179 : i32 to index
      %swap3A_181 = tpu.vector_load %arg18[%swap3A_180] {strides = array<i32>} : memref<10000xf32, #tpu.memory_space<vmem>>, vector<16xf32>,
      tpu.vector_store %arg18[%swap3A_180], %mul3A_169 {strides = array<i32>} : memref<10000xf32, #tpu.memory_space<vmem>>, vector<16xf32>,
    }
    %scan3A_9 = arith.constant 125 : i32
    %dma_start3A = arith.constant 0 : i32
    %dma_start3A_10 = arith.constant 0 : i32
    %dma_start3A_11 = arith.constant 0 : i32
    %dma_start3A_12 = tpu.memref_slice %arg19[%dma_start3A_10, %dma_start3A_11] : memref<160x64xf32, #tpu.memory_space<vmem>> -> memref<80x64xf32, #tpu.memory_space<vmem>>
    %dma_start3A_13 = arith.constant 0 : i32
    %dma_start3A_14 = tpu.memref_slice %arg14[%dma_start3A, %dma_start3A_13] : memref<125x80xi32, #tpu.memory_space<vmem>> -> memref<1x80xi32, #tpu.memory_space<vmem>>
    %dma_start3A_15 = tpu.memref_squeeze %dma_start3A_14 : memref<1x80xi32, #tpu.memory_space<vmem>> -> memref<80xi32, #tpu.memory_space<vmem>>
    %dma_start3A_16 = arith.constant 0 : i32
    %dma_start3A_17 = arith.constant 0 : i32
    %dma_start3A_18 = tpu.memref_slice %arg7[%dma_start3A_16, %dma_start3A_17] : memref<10000x64xf32, #tpu.memory_space<hbm>> -> memref<10000x64xf32, #tpu.memory_space<hbm>>
    tpu.enqueue_indirect_dma source(%dma_start3A_18 : memref<10000x64xf32, #tpu.memory_space<hbm>>) target(%dma_start3A_12 : memref<80x64xf32, #tpu.memory_space<vmem>>) offsets(%dma_start3A_15 : memref<80xi32, #tpu.memory_space<vmem>>) semaphore(%arg21 : memref<!tpu.dma_semaphore, #tpu.memory_space<semaphore_mem>>)
    %scan3A_19 = arith.constant 0 : i32
    %scan3A_20 = arith.constant 125 : i32
    %scan3A_21 = arith.addi %scan3A_19, %scan3A_20 : i32
    %scan3A_22 = arith.constant 1 : i32
    scf.for %scan3A_42 = %scan3A_19 to %scan3A_21 step %scan3A_22  : i32 {
      %mul3A_43 = arith.constant 1 : i32
      %mul3A_44 = arith.muli %scan3A_42, %mul3A_43 : i32
      %add3A_45 = arith.constant 0 : i32
      %add3A_46 = arith.addi %add3A_45, %mul3A_44 : i32
      %and3A = arith.constant 1 : i32
      %and3A_47 = arith.andi %add3A_46, %and3A : i32
      %mul3A_48 = arith.constant 80 : i32
      %mul3A_49 = arith.muli %and3A_47, %mul3A_48 : i32
      %sub3A = arith.constant 80 : i32
      %sub3A_50 = arith.subi %sub3A, %mul3A_49 : i32
      %ge3A = arith.constant 1 : i32
      %ge3A_51 = arith.cmpi sge, %add3A_46, %ge3A : i32
      %convert_element_type3A = arith.extui %ge3A_51 : i1 to i32
      %cond3A = arith.constant 0 : i32
      %cond3A_52 = arith.cmpi ne, %convert_element_type3A, %cond3A : i32
      scf.if %cond3A_52 {
        %sub3A_80 = arith.constant 1 : i32
        %sub3A_81 = arith.subi %add3A_46, %sub3A_80 : i32
        %dma_wait3A_82 = arith.constant 0 : i32
        %dma_wait3A_83 = tpu.memref_slice %arg19[%sub3A_50, %dma_wait3A_82] : memref<160x64xf32, #tpu.memory_space<vmem>> -> memref<80x64xf32, #tpu.memory_space<vmem>>
        %dma_wait3A_84 = arith.constant 0 : i32
        %dma_wait3A_85 = tpu.memref_slice %arg15[%sub3A_81, %dma_wait3A_84] : memref<125x80xi32, #tpu.memory_space<vmem>> -> memref<1x80xi32, #tpu.memory_space<vmem>>
        %dma_wait3A_86 = tpu.memref_squeeze %dma_wait3A_85 : memref<1x80xi32, #tpu.memory_space<vmem>> -> memref<80xi32, #tpu.memory_space<vmem>>
        %dma_wait3A_87 = arith.constant 0 : i32
        %dma_wait3A_88 = arith.constant 0 : i32
        %dma_wait3A_89 = tpu.memref_slice %arg20[%dma_wait3A_87, %dma_wait3A_88] : memref<10240x64xf32, #tpu.memory_space<vmem_shared>> -> memref<10240x64xf32, #tpu.memory_space<vmem_shared>>
        tpu.wait_indirect_dma semaphore(%arg22 : memref<!tpu.dma_semaphore, #tpu.memory_space<semaphore_mem>>) src(%dma_wait3A_83 : memref<80x64xf32, #tpu.memory_space<vmem>>) dst(%dma_wait3A_89 : memref<10240x64xf32, #tpu.memory_space<vmem_shared>>)
      } else {
      }
      %add3A_53 = arith.constant 1 : i32
      %add3A_54 = arith.addi %add3A_46, %add3A_53 : i32
      %lt3A = arith.constant 125 : i32
      %lt3A_55 = arith.cmpi slt, %add3A_54, %lt3A : i32
      %convert_element_type3A_56 = arith.extui %lt3A_55 : i1 to i32
      %cond3A_57 = arith.constant 0 : i32
      %cond3A_58 = arith.cmpi ne, %convert_element_type3A_56, %cond3A_57 : i32
      scf.if %cond3A_58 {
        %add3A_80 = arith.constant 1 : i32
        %add3A_81 = arith.addi %add3A_46, %add3A_80 : i32
        %dma_start3A_82 = arith.constant 0 : i32
        %dma_start3A_83 = tpu.memref_slice %arg19[%sub3A_50, %dma_start3A_82] : memref<160x64xf32, #tpu.memory_space<vmem>> -> memref<80x64xf32, #tpu.memory_space<vmem>>
        %dma_start3A_84 = arith.constant 0 : i32
        %dma_start3A_85 = tpu.memref_slice %arg14[%add3A_81, %dma_start3A_84] : memref<125x80xi32, #tpu.memory_space<vmem>> -> memref<1x80xi32, #tpu.memory_space<vmem>>
        %dma_start3A_86 = tpu.memref_squeeze %dma_start3A_85 : memref<1x80xi32, #tpu.memory_space<vmem>> -> memref<80xi32, #tpu.memory_space<vmem>>
        %dma_start3A_87 = arith.constant 0 : i32
        %dma_start3A_88 = arith.constant 0 : i32
        %dma_start3A_89 = tpu.memref_slice %arg7[%dma_start3A_87, %dma_start3A_88] : memref<10000x64xf32, #tpu.memory_space<hbm>> -> memref<10000x64xf32, #tpu.memory_space<hbm>>
        tpu.enqueue_indirect_dma source(%dma_start3A_89 : memref<10000x64xf32, #tpu.memory_space<hbm>>) target(%dma_start3A_83 : memref<80x64xf32, #tpu.memory_space<vmem>>) offsets(%dma_start3A_86 : memref<80xi32, #tpu.memory_space<vmem>>) semaphore(%arg21 : memref<!tpu.dma_semaphore, #tpu.memory_space<semaphore_mem>>)
      } else {
      }
      %dma_wait3A_59 = arith.constant 0 : i32
      %dma_wait3A_60 = tpu.memref_slice %arg19[%mul3A_49, %dma_wait3A_59] : memref<160x64xf32, #tpu.memory_space<vmem>> -> memref<80x64xf32, #tpu.memory_space<vmem>>
      %dma_wait3A_61 = arith.constant 0 : i32
      %dma_wait3A_62 = tpu.memref_slice %arg14[%add3A_46, %dma_wait3A_61] : memref<125x80xi32, #tpu.memory_space<vmem>> -> memref<1x80xi32, #tpu.memory_space<vmem>>
      %dma_wait3A_63 = tpu.memref_squeeze %dma_wait3A_62 : memref<1x80xi32, #tpu.memory_space<vmem>> -> memref<80xi32, #tpu.memory_space<vmem>>
      %dma_wait3A_64 = arith.constant 0 : i32
      %dma_wait3A_65 = arith.constant 0 : i32
      %dma_wait3A_66 = tpu.memref_slice %arg7[%dma_wait3A_64, %dma_wait3A_65] : memref<10000x64xf32, #tpu.memory_space<hbm>> -> memref<10000x64xf32, #tpu.memory_space<hbm>>
      tpu.wait_indirect_dma semaphore(%arg21 : memref<!tpu.dma_semaphore, #tpu.memory_space<semaphore_mem>>) src(%dma_wait3A_66 : memref<10000x64xf32, #tpu.memory_space<hbm>>) dst(%dma_wait3A_60 : memref<80x64xf32, #tpu.memory_space<vmem>>)
      %scan3A_67 = arith.constant 0 : i32
      %scan3A_68 = arith.constant 5 : i32
      %scan3A_69 = arith.addi %scan3A_67, %scan3A_68 : i32
      %scan3A_70 = arith.constant 1 : i32
      scf.for %scan3A_80 = %scan3A_67 to %scan3A_69 step %scan3A_70  : i32 {
        %mul3A_81 = arith.constant 1 : i32
        %mul3A_82 = arith.muli %scan3A_80, %mul3A_81 : i32
        %add3A_83 = arith.constant 0 : i32
        %add3A_84 = arith.addi %add3A_83, %mul3A_82 : i32
        %mul3A_85 = arith.constant 80 : i32
        %mul3A_86 = arith.muli %add3A_46, %mul3A_85 : i32
        %mul3A_87 = arith.constant 16 : i32
        %mul3A_88 = arith.muli %add3A_84, %mul3A_87 : i32
        %add3A_89 = arith.addi %mul3A_86, %mul3A_88 : i32
        %get3A = arith.index_cast %add3A_89 : i32 to index
        %get3A_90 = tpu.vector_load %arg18[%get3A] {strides = array<i32>} : memref<10000xf32, #tpu.memory_space<vmem>>, vector<16xf32>,
        %mul3A_91 = arith.constant 16 : i32
        %mul3A_92 = arith.muli %add3A_84, %mul3A_91 : i32
        %add3A_93 = arith.addi %mul3A_49, %mul3A_92 : i32
        %add3A_94 = vector.broadcast %add3A_93 : i32 to vector<16xi32>
        %add3A_95 = arith.addi %add3A_94, %iota3A : vector<16xi32>
        %add3A_96 = arith.constant 0 : i32
        %add3A_97 = vector.broadcast %add3A_96 : i32 to vector<16xi32>
        %add3A_98 = arith.addi %iota3A, %add3A_97 : vector<16xi32>
        %and3A_99 = arith.constant 63 : i32
        %and3A_100 = vector.broadcast %and3A_99 : i32 to vector<16xi32>
        %and3A_101 = arith.andi %add3A_98, %and3A_100 : vector<16xi32>
        %gather3A = tpu.vector_load_idx %arg19[%add3A_95, %and3A_101] : memref<160x64xf32, #tpu.memory_space<vmem>>[vector<16xi32>, vector<16xi32>], vector<16xf32>,
        %mul3A_102 = arith.mulf %gather3A, %get3A_90 : vector<16xf32>
        tpu.vector_store_idx %arg19[%add3A_95, %and3A_101], %mul3A_102 : memref<160x64xf32, #tpu.memory_space<vmem>>[vector<16xi32>, vector<16xi32>], vector<16xf32>,
        %add3A_103 = arith.constant 1 : i32
        %add3A_104 = vector.broadcast %add3A_103 : i32 to vector<16xi32>
        %add3A_105 = arith.addi %iota3A, %add3A_104 : vector<16xi32>
        %and3A_106 = arith.constant 63 : i32
        %and3A_107 = vector.broadcast %and3A_106 : i32 to vector<16xi32>
        %and3A_108 = arith.andi %add3A_105, %and3A_107 : vector<16xi32>
        %gather3A_109 = tpu.vector_load_idx %arg19[%add3A_95, %and3A_108] : memref<160x64xf32, #tpu.memory_space<vmem>>[vector<16xi32>, vector<16xi32>], vector<16xf32>,
        %mul3A_110 = arith.mulf %gather3A_109, %get3A_90 : vector<16xf32>
        tpu.vector_store_idx %arg19[%add3A_95, %and3A_108], %mul3A_110 : memref<160x64xf32, #tpu.memory_space<vmem>>[vector<16xi32>, vector<16xi32>], vector<16xf32>,
        %add3A_111 = arith.constant 2 : i32
        %add3A_112 = vector.broadcast %add3A_111 : i32 to vector<16xi32>
        %add3A_113 = arith.addi %iota3A, %add3A_112 : vector<16xi32>
        %and3A_114 = arith.constant 63 : i32
        %and3A_115 = vector.broadcast %and3A_114 : i32 to vector<16xi32>
        %and3A_116 = arith.andi %add3A_113, %and3A_115 : vector<16xi32>
        %gather3A_117 = tpu.vector_load_idx %arg19[%add3A_95, %and3A_116] : memref<160x64xf32, #tpu.memory_space<vmem>>[vector<16xi32>, vector<16xi32>], vector<16xf32>,
        %mul3A_118 = arith.mulf %gather3A_117, %get3A_90 : vector<16xf32>
        tpu.vector_store_idx %arg19[%add3A_95, %and3A_116], %mul3A_118 : memref<160x64xf32, #tpu.memory_space<vmem>>[vector<16xi32>, vector<16xi32>], vector<16xf32>,
        %add3A_119 = arith.constant 3 : i32
        %add3A_120 = vector.broadcast %add3A_119 : i32 to vector<16xi32>
        %add3A_121 = arith.addi %iota3A, %add3A_120 : vector<16xi32>
        %and3A_122 = arith.constant 63 : i32
        %and3A_123 = vector.broadcast %and3A_122 : i32 to vector<16xi32>
        %and3A_124 = arith.andi %add3A_121, %and3A_123 : vector<16xi32>
        %gather3A_125 = tpu.vector_load_idx %arg19[%add3A_95, %and3A_124] : memref<160x64xf32, #tpu.memory_space<vmem>>[vector<16xi32>, vector<16xi32>], vector<16xf32>,
        %mul3A_126 = arith.mulf %gather3A_125, %get3A_90 : vector<16xf32>
        tpu.vector_store_idx %arg19[%add3A_95, %and3A_124], %mul3A_126 : memref<160x64xf32, #tpu.memory_space<vmem>>[vector<16xi32>, vector<16xi32>], vector<16xf32>,
        %add3A_127 = arith.constant 4 : i32
        %add3A_128 = vector.broadcast %add3A_127 : i32 to vector<16xi32>
        %add3A_129 = arith.addi %iota3A, %add3A_128 : vector<16xi32>
        %and3A_130 = arith.constant 63 : i32
        %and3A_131 = vector.broadcast %and3A_130 : i32 to vector<16xi32>
        %and3A_132 = arith.andi %add3A_129, %and3A_131 : vector<16xi32>
        %gather3A_133 = tpu.vector_load_idx %arg19[%add3A_95, %and3A_132] : memref<160x64xf32, #tpu.memory_space<vmem>>[vector<16xi32>, vector<16xi32>], vector<16xf32>,
        %mul3A_134 = arith.mulf %gather3A_133, %get3A_90 : vector<16xf32>
        tpu.vector_store_idx %arg19[%add3A_95, %and3A_132], %mul3A_134 : memref<160x64xf32, #tpu.memory_space<vmem>>[vector<16xi32>, vector<16xi32>], vector<16xf32>,
        %add3A_135 = arith.constant 5 : i32
        %add3A_136 = vector.broadcast %add3A_135 : i32 to vector<16xi32>
        %add3A_137 = arith.addi %iota3A, %add3A_136 : vector<16xi32>
        %and3A_138 = arith.constant 63 : i32
        %and3A_139 = vector.broadcast %and3A_138 : i32 to vector<16xi32>
        %and3A_140 = arith.andi %add3A_137, %and3A_139 : vector<16xi32>
        %gather3A_141 = tpu.vector_load_idx %arg19[%add3A_95, %and3A_140] : memref<160x64xf32, #tpu.memory_space<vmem>>[vector<16xi32>, vector<16xi32>], vector<16xf32>,
        %mul3A_142 = arith.mulf %gather3A_141, %get3A_90 : vector<16xf32>
        tpu.vector_store_idx %arg19[%add3A_95, %and3A_140], %mul3A_142 : memref<160x64xf32, #tpu.memory_space<vmem>>[vector<16xi32>, vector<16xi32>], vector<16xf32>,
        %add3A_143 = arith.constant 6 : i32
        %add3A_144 = vector.broadcast %add3A_143 : i32 to vector<16xi32>
        %add3A_145 = arith.addi %iota3A, %add3A_144 : vector<16xi32>
        %and3A_146 = arith.constant 63 : i32
        %and3A_147 = vector.broadcast %and3A_146 : i32 to vector<16xi32>
        %and3A_148 = arith.andi %add3A_145, %and3A_147 : vector<16xi32>
        %gather3A_149 = tpu.vector_load_idx %arg19[%add3A_95, %and3A_148] : memref<160x64xf32, #tpu.memory_space<vmem>>[vector<16xi32>, vector<16xi32>], vector<16xf32>,
        %mul3A_150 = arith.mulf %gather3A_149, %get3A_90 : vector<16xf32>
        tpu.vector_store_idx %arg19[%add3A_95, %and3A_148], %mul3A_150 : memref<160x64xf32, #tpu.memory_space<vmem>>[vector<16xi32>, vector<16xi32>], vector<16xf32>,
        %add3A_151 = arith.constant 7 : i32
        %add3A_152 = vector.broadcast %add3A_151 : i32 to vector<16xi32>
        %add3A_153 = arith.addi %iota3A, %add3A_152 : vector<16xi32>
        %and3A_154 = arith.constant 63 : i32
        %and3A_155 = vector.broadcast %and3A_154 : i32 to vector<16xi32>
        %and3A_156 = arith.andi %add3A_153, %and3A_155 : vector<16xi32>
        %gather3A_157 = tpu.vector_load_idx %arg19[%add3A_95, %and3A_156] : memref<160x64xf32, #tpu.memory_space<vmem>>[vector<16xi32>, vector<16xi32>], vector<16xf32>,
        %mul3A_158 = arith.mulf %gather3A_157, %get3A_90 : vector<16xf32>
        tpu.vector_store_idx %arg19[%add3A_95, %and3A_156], %mul3A_158 : memref<160x64xf32, #tpu.memory_space<vmem>>[vector<16xi32>, vector<16xi32>], vector<16xf32>,
        %add3A_159 = arith.constant 8 : i32
        %add3A_160 = vector.broadcast %add3A_159 : i32 to vector<16xi32>
        %add3A_161 = arith.addi %iota3A, %add3A_160 : vector<16xi32>
        %and3A_162 = arith.constant 63 : i32
        %and3A_163 = vector.broadcast %and3A_162 : i32 to vector<16xi32>
        %and3A_164 = arith.andi %add3A_161, %and3A_163 : vector<16xi32>
        %gather3A_165 = tpu.vector_load_idx %arg19[%add3A_95, %and3A_164] : memref<160x64xf32, #tpu.memory_space<vmem>>[vector<16xi32>, vector<16xi32>], vector<16xf32>,
        %mul3A_166 = arith.mulf %gather3A_165, %get3A_90 : vector<16xf32>
        tpu.vector_store_idx %arg19[%add3A_95, %and3A_164], %mul3A_166 : memref<160x64xf32, #tpu.memory_space<vmem>>[vector<16xi32>, vector<16xi32>], vector<16xf32>,
        %add3A_167 = arith.constant 9 : i32
        %add3A_168 = vector.broadcast %add3A_167 : i32 to vector<16xi32>
        %add3A_169 = arith.addi %iota3A, %add3A_168 : vector<16xi32>
        %and3A_170 = arith.constant 63 : i32
        %and3A_171 = vector.broadcast %and3A_170 : i32 to vector<16xi32>
        %and3A_172 = arith.andi %add3A_169, %and3A_171 : vector<16xi32>
        %gather3A_173 = tpu.vector_load_idx %arg19[%add3A_95, %and3A_172] : memref<160x64xf32, #tpu.memory_space<vmem>>[vector<16xi32>, vector<16xi32>], vector<16xf32>,
        %mul3A_174 = arith.mulf %gather3A_173, %get3A_90 : vector<16xf32>
        tpu.vector_store_idx %arg19[%add3A_95, %and3A_172], %mul3A_174 : memref<160x64xf32, #tpu.memory_space<vmem>>[vector<16xi32>, vector<16xi32>], vector<16xf32>,
        %add3A_175 = arith.constant 10 : i32
        %add3A_176 = vector.broadcast %add3A_175 : i32 to vector<16xi32>
        %add3A_177 = arith.addi %iota3A, %add3A_176 : vector<16xi32>
        %and3A_178 = arith.constant 63 : i32
        %and3A_179 = vector.broadcast %and3A_178 : i32 to vector<16xi32>
        %and3A_180 = arith.andi %add3A_177, %and3A_179 : vector<16xi32>
        %gather3A_181 = tpu.vector_load_idx %arg19[%add3A_95, %and3A_180] : memref<160x64xf32, #tpu.memory_space<vmem>>[vector<16xi32>, vector<16xi32>], vector<16xf32>,
        %mul3A_182 = arith.mulf %gather3A_181, %get3A_90 : vector<16xf32>
        tpu.vector_store_idx %arg19[%add3A_95, %and3A_180], %mul3A_182 : memref<160x64xf32, #tpu.memory_space<vmem>>[vector<16xi32>, vector<16xi32>], vector<16xf32>,
        %add3A_183 = arith.constant 11 : i32
        %add3A_184 = vector.broadcast %add3A_183 : i32 to vector<16xi32>
        %add3A_185 = arith.addi %iota3A, %add3A_184 : vector<16xi32>
        %and3A_186 = arith.constant 63 : i32
        %and3A_187 = vector.broadcast %and3A_186 : i32 to vector<16xi32>
        %and3A_188 = arith.andi %add3A_185, %and3A_187 : vector<16xi32>
        %gather3A_189 = tpu.vector_load_idx %arg19[%add3A_95, %and3A_188] : memref<160x64xf32, #tpu.memory_space<vmem>>[vector<16xi32>, vector<16xi32>], vector<16xf32>,
        %mul3A_190 = arith.mulf %gather3A_189, %get3A_90 : vector<16xf32>
        tpu.vector_store_idx %arg19[%add3A_95, %and3A_188], %mul3A_190 : memref<160x64xf32, #tpu.memory_space<vmem>>[vector<16xi32>, vector<16xi32>], vector<16xf32>,
        %add3A_191 = arith.constant 12 : i32
        %add3A_192 = vector.broadcast %add3A_191 : i32 to vector<16xi32>
        %add3A_193 = arith.addi %iota3A, %add3A_192 : vector<16xi32>
        %and3A_194 = arith.constant 63 : i32
        %and3A_195 = vector.broadcast %and3A_194 : i32 to vector<16xi32>
        %and3A_196 = arith.andi %add3A_193, %and3A_195 : vector<16xi32>
        %gather3A_197 = tpu.vector_load_idx %arg19[%add3A_95, %and3A_196] : memref<160x64xf32, #tpu.memory_space<vmem>>[vector<16xi32>, vector<16xi32>], vector<16xf32>,
        %mul3A_198 = arith.mulf %gather3A_197, %get3A_90 : vector<16xf32>
        tpu.vector_store_idx %arg19[%add3A_95, %and3A_196], %mul3A_198 : memref<160x64xf32, #tpu.memory_space<vmem>>[vector<16xi32>, vector<16xi32>], vector<16xf32>,
        %add3A_199 = arith.constant 13 : i32
        %add3A_200 = vector.broadcast %add3A_199 : i32 to vector<16xi32>
        %add3A_201 = arith.addi %iota3A, %add3A_200 : vector<16xi32>
        %and3A_202 = arith.constant 63 : i32
        %and3A_203 = vector.broadcast %and3A_202 : i32 to vector<16xi32>
        %and3A_204 = arith.andi %add3A_201, %and3A_203 : vector<16xi32>
        %gather3A_205 = tpu.vector_load_idx %arg19[%add3A_95, %and3A_204] : memref<160x64xf32, #tpu.memory_space<vmem>>[vector<16xi32>, vector<16xi32>], vector<16xf32>,
        %mul3A_206 = arith.mulf %gather3A_205, %get3A_90 : vector<16xf32>
        tpu.vector_store_idx %arg19[%add3A_95, %and3A_204], %mul3A_206 : memref<160x64xf32, #tpu.memory_space<vmem>>[vector<16xi32>, vector<16xi32>], vector<16xf32>,
        %add3A_207 = arith.constant 14 : i32
        %add3A_208 = vector.broadcast %add3A_207 : i32 to vector<16xi32>
        %add3A_209 = arith.addi %iota3A, %add3A_208 : vector<16xi32>
        %and3A_210 = arith.constant 63 : i32
        %and3A_211 = vector.broadcast %and3A_210 : i32 to vector<16xi32>
        %and3A_212 = arith.andi %add3A_209, %and3A_211 : vector<16xi32>
        %gather3A_213 = tpu.vector_load_idx %arg19[%add3A_95, %and3A_212] : memref<160x64xf32, #tpu.memory_space<vmem>>[vector<16xi32>, vector<16xi32>], vector<16xf32>,
        %mul3A_214 = arith.mulf %gather3A_213, %get3A_90 : vector<16xf32>
        tpu.vector_store_idx %arg19[%add3A_95, %and3A_212], %mul3A_214 : memref<160x64xf32, #tpu.memory_space<vmem>>[vector<16xi32>, vector<16xi32>], vector<16xf32>,
        %add3A_215 = arith.constant 15 : i32
        %add3A_216 = vector.broadcast %add3A_215 : i32 to vector<16xi32>
        %add3A_217 = arith.addi %iota3A, %add3A_216 : vector<16xi32>
        %and3A_218 = arith.constant 63 : i32
        %and3A_219 = vector.broadcast %and3A_218 : i32 to vector<16xi32>
        %and3A_220 = arith.andi %add3A_217, %and3A_219 : vector<16xi32>
        %gather3A_221 = tpu.vector_load_idx %arg19[%add3A_95, %and3A_220] : memref<160x64xf32, #tpu.memory_space<vmem>>[vector<16xi32>, vector<16xi32>], vector<16xf32>,
        %mul3A_222 = arith.mulf %gather3A_221, %get3A_90 : vector<16xf32>
        tpu.vector_store_idx %arg19[%add3A_95, %and3A_220], %mul3A_222 : memref<160x64xf32, #tpu.memory_space<vmem>>[vector<16xi32>, vector<16xi32>], vector<16xf32>,
        %add3A_223 = arith.constant 16 : i32
        %add3A_224 = vector.broadcast %add3A_223 : i32 to vector<16xi32>
        %add3A_225 = arith.addi %iota3A, %add3A_224 : vector<16xi32>
        %and3A_226 = arith.constant 63 : i32
        %and3A_227 = vector.broadcast %and3A_226 : i32 to vector<16xi32>
        %and3A_228 = arith.andi %add3A_225, %and3A_227 : vector<16xi32>
        %gather3A_229 = tpu.vector_load_idx %arg19[%add3A_95, %and3A_228] : memref<160x64xf32, #tpu.memory_space<vmem>>[vector<16xi32>, vector<16xi32>], vector<16xf32>,
        %mul3A_230 = arith.mulf %gather3A_229, %get3A_90 : vector<16xf32>
        tpu.vector_store_idx %arg19[%add3A_95, %and3A_228], %mul3A_230 : memref<160x64xf32, #tpu.memory_space<vmem>>[vector<16xi32>, vector<16xi32>], vector<16xf32>,
        %add3A_231 = arith.constant 17 : i32
        %add3A_232 = vector.broadcast %add3A_231 : i32 to vector<16xi32>
        %add3A_233 = arith.addi %iota3A, %add3A_232 : vector<16xi32>
        %and3A_234 = arith.constant 63 : i32
        %and3A_235 = vector.broadcast %and3A_234 : i32 to vector<16xi32>
        %and3A_236 = arith.andi %add3A_233, %and3A_235 : vector<16xi32>
        %gather3A_237 = tpu.vector_load_idx %arg19[%add3A_95, %and3A_236] : memref<160x64xf32, #tpu.memory_space<vmem>>[vector<16xi32>, vector<16xi32>], vector<16xf32>,
        %mul3A_238 = arith.mulf %gather3A_237, %get3A_90 : vector<16xf32>
        tpu.vector_store_idx %arg19[%add3A_95, %and3A_236], %mul3A_238 : memref<160x64xf32, #tpu.memory_space<vmem>>[vector<16xi32>, vector<16xi32>], vector<16xf32>,
        %add3A_239 = arith.constant 18 : i32
        %add3A_240 = vector.broadcast %add3A_239 : i32 to vector<16xi32>
        %add3A_241 = arith.addi %iota3A, %add3A_240 : vector<16xi32>
        %and3A_242 = arith.constant 63 : i32
        %and3A_243 = vector.broadcast %and3A_242 : i32 to vector<16xi32>
        %and3A_244 = arith.andi %add3A_241, %and3A_243 : vector<16xi32>
        %gather3A_245 = tpu.vector_load_idx %arg19[%add3A_95, %and3A_244] : memref<160x64xf32, #tpu.memory_space<vmem>>[vector<16xi32>, vector<16xi32>], vector<16xf32>,
        %mul3A_246 = arith.mulf %gather3A_245, %get3A_90 : vector<16xf32>
        tpu.vector_store_idx %arg19[%add3A_95, %and3A_244], %mul3A_246 : memref<160x64xf32, #tpu.memory_space<vmem>>[vector<16xi32>, vector<16xi32>], vector<16xf32>,
        %add3A_247 = arith.constant 19 : i32
        %add3A_248 = vector.broadcast %add3A_247 : i32 to vector<16xi32>
        %add3A_249 = arith.addi %iota3A, %add3A_248 : vector<16xi32>
        %and3A_250 = arith.constant 63 : i32
        %and3A_251 = vector.broadcast %and3A_250 : i32 to vector<16xi32>
        %and3A_252 = arith.andi %add3A_249, %and3A_251 : vector<16xi32>
        %gather3A_253 = tpu.vector_load_idx %arg19[%add3A_95, %and3A_252] : memref<160x64xf32, #tpu.memory_space<vmem>>[vector<16xi32>, vector<16xi32>], vector<16xf32>,
        %mul3A_254 = arith.mulf %gather3A_253, %get3A_90 : vector<16xf32>
        tpu.vector_store_idx %arg19[%add3A_95, %and3A_252], %mul3A_254 : memref<160x64xf32, #tpu.memory_space<vmem>>[vector<16xi32>, vector<16xi32>], vector<16xf32>,
        %add3A_255 = arith.constant 20 : i32
        %add3A_256 = vector.broadcast %add3A_255 : i32 to vector<16xi32>
        %add3A_257 = arith.addi %iota3A, %add3A_256 : vector<16xi32>
        %and3A_258 = arith.constant 63 : i32
        %and3A_259 = vector.broadcast %and3A_258 : i32 to vector<16xi32>
        %and3A_260 = arith.andi %add3A_257, %and3A_259 : vector<16xi32>
        %gather3A_261 = tpu.vector_load_idx %arg19[%add3A_95, %and3A_260] : memref<160x64xf32, #tpu.memory_space<vmem>>[vector<16xi32>, vector<16xi32>], vector<16xf32>,
        %mul3A_262 = arith.mulf %gather3A_261, %get3A_90 : vector<16xf32>
        tpu.vector_store_idx %arg19[%add3A_95, %and3A_260], %mul3A_262 : memref<160x64xf32, #tpu.memory_space<vmem>>[vector<16xi32>, vector<16xi32>], vector<16xf32>,
        %add3A_263 = arith.constant 21 : i32
        %add3A_264 = vector.broadcast %add3A_263 : i32 to vector<16xi32>
        %add3A_265 = arith.addi %iota3A, %add3A_264 : vector<16xi32>
        %and3A_266 = arith.constant 63 : i32
        %and3A_267 = vector.broadcast %and3A_266 : i32 to vector<16xi32>
        %and3A_268 = arith.andi %add3A_265, %and3A_267 : vector<16xi32>
        %gather3A_269 = tpu.vector_load_idx %arg19[%add3A_95, %and3A_268] : memref<160x64xf32, #tpu.memory_space<vmem>>[vector<16xi32>, vector<16xi32>], vector<16xf32>,
        %mul3A_270 = arith.mulf %gather3A_269, %get3A_90 : vector<16xf32>
        tpu.vector_store_idx %arg19[%add3A_95, %and3A_268], %mul3A_270 : memref<160x64xf32, #tpu.memory_space<vmem>>[vector<16xi32>, vector<16xi32>], vector<16xf32>,
        %add3A_271 = arith.constant 22 : i32
        %add3A_272 = vector.broadcast %add3A_271 : i32 to vector<16xi32>
        %add3A_273 = arith.addi %iota3A, %add3A_272 : vector<16xi32>
        %and3A_274 = arith.constant 63 : i32
        %and3A_275 = vector.broadcast %and3A_274 : i32 to vector<16xi32>
        %and3A_276 = arith.andi %add3A_273, %and3A_275 : vector<16xi32>
        %gather3A_277 = tpu.vector_load_idx %arg19[%add3A_95, %and3A_276] : memref<160x64xf32, #tpu.memory_space<vmem>>[vector<16xi32>, vector<16xi32>], vector<16xf32>,
        %mul3A_278 = arith.mulf %gather3A_277, %get3A_90 : vector<16xf32>
        tpu.vector_store_idx %arg19[%add3A_95, %and3A_276], %mul3A_278 : memref<160x64xf32, #tpu.memory_space<vmem>>[vector<16xi32>, vector<16xi32>], vector<16xf32>,
        %add3A_279 = arith.constant 23 : i32
        %add3A_280 = vector.broadcast %add3A_279 : i32 to vector<16xi32>
        %add3A_281 = arith.addi %iota3A, %add3A_280 : vector<16xi32>
        %and3A_282 = arith.constant 63 : i32
        %and3A_283 = vector.broadcast %and3A_282 : i32 to vector<16xi32>
        %and3A_284 = arith.andi %add3A_281, %and3A_283 : vector<16xi32>
        %gather3A_285 = tpu.vector_load_idx %arg19[%add3A_95, %and3A_284] : memref<160x64xf32, #tpu.memory_space<vmem>>[vector<16xi32>, vector<16xi32>], vector<16xf32>,
        %mul3A_286 = arith.mulf %gather3A_285, %get3A_90 : vector<16xf32>
        tpu.vector_store_idx %arg19[%add3A_95, %and3A_284], %mul3A_286 : memref<160x64xf32, #tpu.memory_space<vmem>>[vector<16xi32>, vector<16xi32>], vector<16xf32>,
        %add3A_287 = arith.constant 24 : i32
        %add3A_288 = vector.broadcast %add3A_287 : i32 to vector<16xi32>
        %add3A_289 = arith.addi %iota3A, %add3A_288 : vector<16xi32>
        %and3A_290 = arith.constant 63 : i32
        %and3A_291 = vector.broadcast %and3A_290 : i32 to vector<16xi32>
        %and3A_292 = arith.andi %add3A_289, %and3A_291 : vector<16xi32>
        %gather3A_293 = tpu.vector_load_idx %arg19[%add3A_95, %and3A_292] : memref<160x64xf32, #tpu.memory_space<vmem>>[vector<16xi32>, vector<16xi32>], vector<16xf32>,
        %mul3A_294 = arith.mulf %gather3A_293, %get3A_90 : vector<16xf32>
        tpu.vector_store_idx %arg19[%add3A_95, %and3A_292], %mul3A_294 : memref<160x64xf32, #tpu.memory_space<vmem>>[vector<16xi32>, vector<16xi32>], vector<16xf32>,
        %add3A_295 = arith.constant 25 : i32
        %add3A_296 = vector.broadcast %add3A_295 : i32 to vector<16xi32>
        %add3A_297 = arith.addi %iota3A, %add3A_296 : vector<16xi32>
        %and3A_298 = arith.constant 63 : i32
        %and3A_299 = vector.broadcast %and3A_298 : i32 to vector<16xi32>
        %and3A_300 = arith.andi %add3A_297, %and3A_299 : vector<16xi32>
        %gather3A_301 = tpu.vector_load_idx %arg19[%add3A_95, %and3A_300] : memref<160x64xf32, #tpu.memory_space<vmem>>[vector<16xi32>, vector<16xi32>], vector<16xf32>,
        %mul3A_302 = arith.mulf %gather3A_301, %get3A_90 : vector<16xf32>
        tpu.vector_store_idx %arg19[%add3A_95, %and3A_300], %mul3A_302 : memref<160x64xf32, #tpu.memory_space<vmem>>[vector<16xi32>, vector<16xi32>], vector<16xf32>,
        %add3A_303 = arith.constant 26 : i32
        %add3A_304 = vector.broadcast %add3A_303 : i32 to vector<16xi32>
        %add3A_305 = arith.addi %iota3A, %add3A_304 : vector<16xi32>
        %and3A_306 = arith.constant 63 : i32
        %and3A_307 = vector.broadcast %and3A_306 : i32 to vector<16xi32>
        %and3A_308 = arith.andi %add3A_305, %and3A_307 : vector<16xi32>
        %gather3A_309 = tpu.vector_load_idx %arg19[%add3A_95, %and3A_308] : memref<160x64xf32, #tpu.memory_space<vmem>>[vector<16xi32>, vector<16xi32>], vector<16xf32>,
        %mul3A_310 = arith.mulf %gather3A_309, %get3A_90 : vector<16xf32>
        tpu.vector_store_idx %arg19[%add3A_95, %and3A_308], %mul3A_310 : memref<160x64xf32, #tpu.memory_space<vmem>>[vector<16xi32>, vector<16xi32>], vector<16xf32>,
        %add3A_311 = arith.constant 27 : i32
        %add3A_312 = vector.broadcast %add3A_311 : i32 to vector<16xi32>
        %add3A_313 = arith.addi %iota3A, %add3A_312 : vector<16xi32>
        %and3A_314 = arith.constant 63 : i32
        %and3A_315 = vector.broadcast %and3A_314 : i32 to vector<16xi32>
        %and3A_316 = arith.andi %add3A_313, %and3A_315 : vector<16xi32>
        %gather3A_317 = tpu.vector_load_idx %arg19[%add3A_95, %and3A_316] : memref<160x64xf32, #tpu.memory_space<vmem>>[vector<16xi32>, vector<16xi32>], vector<16xf32>,
        %mul3A_318 = arith.mulf %gather3A_317, %get3A_90 : vector<16xf32>
        tpu.vector_store_idx %arg19[%add3A_95, %and3A_316], %mul3A_318 : memref<160x64xf32, #tpu.memory_space<vmem>>[vector<16xi32>, vector<16xi32>], vector<16xf32>,
        %add3A_319 = arith.constant 28 : i32
        %add3A_320 = vector.broadcast %add3A_319 : i32 to vector<16xi32>
        %add3A_321 = arith.addi %iota3A, %add3A_320 : vector<16xi32>
        %and3A_322 = arith.constant 63 : i32
        %and3A_323 = vector.broadcast %and3A_322 : i32 to vector<16xi32>
        %and3A_324 = arith.andi %add3A_321, %and3A_323 : vector<16xi32>
        %gather3A_325 = tpu.vector_load_idx %arg19[%add3A_95, %and3A_324] : memref<160x64xf32, #tpu.memory_space<vmem>>[vector<16xi32>, vector<16xi32>], vector<16xf32>,
        %mul3A_326 = arith.mulf %gather3A_325, %get3A_90 : vector<16xf32>
        tpu.vector_store_idx %arg19[%add3A_95, %and3A_324], %mul3A_326 : memref<160x64xf32, #tpu.memory_space<vmem>>[vector<16xi32>, vector<16xi32>], vector<16xf32>,
        %add3A_327 = arith.constant 29 : i32
        %add3A_328 = vector.broadcast %add3A_327 : i32 to vector<16xi32>
        %add3A_329 = arith.addi %iota3A, %add3A_328 : vector<16xi32>
        %and3A_330 = arith.constant 63 : i32
        %and3A_331 = vector.broadcast %and3A_330 : i32 to vector<16xi32>
        %and3A_332 = arith.andi %add3A_329, %and3A_331 : vector<16xi32>
        %gather3A_333 = tpu.vector_load_idx %arg19[%add3A_95, %and3A_332] : memref<160x64xf32, #tpu.memory_space<vmem>>[vector<16xi32>, vector<16xi32>], vector<16xf32>,
        %mul3A_334 = arith.mulf %gather3A_333, %get3A_90 : vector<16xf32>
        tpu.vector_store_idx %arg19[%add3A_95, %and3A_332], %mul3A_334 : memref<160x64xf32, #tpu.memory_space<vmem>>[vector<16xi32>, vector<16xi32>], vector<16xf32>,
        %add3A_335 = arith.constant 30 : i32
        %add3A_336 = vector.broadcast %add3A_335 : i32 to vector<16xi32>
        %add3A_337 = arith.addi %iota3A, %add3A_336 : vector<16xi32>
        %and3A_338 = arith.constant 63 : i32
        %and3A_339 = vector.broadcast %and3A_338 : i32 to vector<16xi32>
        %and3A_340 = arith.andi %add3A_337, %and3A_339 : vector<16xi32>
        %gather3A_341 = tpu.vector_load_idx %arg19[%add3A_95, %and3A_340] : memref<160x64xf32, #tpu.memory_space<vmem>>[vector<16xi32>, vector<16xi32>], vector<16xf32>,
        %mul3A_342 = arith.mulf %gather3A_341, %get3A_90 : vector<16xf32>
        tpu.vector_store_idx %arg19[%add3A_95, %and3A_340], %mul3A_342 : memref<160x64xf32, #tpu.memory_space<vmem>>[vector<16xi32>, vector<16xi32>], vector<16xf32>,
        %add3A_343 = arith.constant 31 : i32
        %add3A_344 = vector.broadcast %add3A_343 : i32 to vector<16xi32>
        %add3A_345 = arith.addi %iota3A, %add3A_344 : vector<16xi32>
        %and3A_346 = arith.constant 63 : i32
        %and3A_347 = vector.broadcast %and3A_346 : i32 to vector<16xi32>
        %and3A_348 = arith.andi %add3A_345, %and3A_347 : vector<16xi32>
        %gather3A_349 = tpu.vector_load_idx %arg19[%add3A_95, %and3A_348] : memref<160x64xf32, #tpu.memory_space<vmem>>[vector<16xi32>, vector<16xi32>], vector<16xf32>,
        %mul3A_350 = arith.mulf %gather3A_349, %get3A_90 : vector<16xf32>
        tpu.vector_store_idx %arg19[%add3A_95, %and3A_348], %mul3A_350 : memref<160x64xf32, #tpu.memory_space<vmem>>[vector<16xi32>, vector<16xi32>], vector<16xf32>,
        %add3A_351 = arith.constant 32 : i32
        %add3A_352 = vector.broadcast %add3A_351 : i32 to vector<16xi32>
        %add3A_353 = arith.addi %iota3A, %add3A_352 : vector<16xi32>
        %and3A_354 = arith.constant 63 : i32
        %and3A_355 = vector.broadcast %and3A_354 : i32 to vector<16xi32>
        %and3A_356 = arith.andi %add3A_353, %and3A_355 : vector<16xi32>
        %gather3A_357 = tpu.vector_load_idx %arg19[%add3A_95, %and3A_356] : memref<160x64xf32, #tpu.memory_space<vmem>>[vector<16xi32>, vector<16xi32>], vector<16xf32>,
        %mul3A_358 = arith.mulf %gather3A_357, %get3A_90 : vector<16xf32>
        tpu.vector_store_idx %arg19[%add3A_95, %and3A_356], %mul3A_358 : memref<160x64xf32, #tpu.memory_space<vmem>>[vector<16xi32>, vector<16xi32>], vector<16xf32>,
        %add3A_359 = arith.constant 33 : i32
        %add3A_360 = vector.broadcast %add3A_359 : i32 to vector<16xi32>
        %add3A_361 = arith.addi %iota3A, %add3A_360 : vector<16xi32>
        %and3A_362 = arith.constant 63 : i32
        %and3A_363 = vector.broadcast %and3A_362 : i32 to vector<16xi32>
        %and3A_364 = arith.andi %add3A_361, %and3A_363 : vector<16xi32>
        %gather3A_365 = tpu.vector_load_idx %arg19[%add3A_95, %and3A_364] : memref<160x64xf32, #tpu.memory_space<vmem>>[vector<16xi32>, vector<16xi32>], vector<16xf32>,
        %mul3A_366 = arith.mulf %gather3A_365, %get3A_90 : vector<16xf32>
        tpu.vector_store_idx %arg19[%add3A_95, %and3A_364], %mul3A_366 : memref<160x64xf32, #tpu.memory_space<vmem>>[vector<16xi32>, vector<16xi32>], vector<16xf32>,
        %add3A_367 = arith.constant 34 : i32
        %add3A_368 = vector.broadcast %add3A_367 : i32 to vector<16xi32>
        %add3A_369 = arith.addi %iota3A, %add3A_368 : vector<16xi32>
        %and3A_370 = arith.constant 63 : i32
        %and3A_371 = vector.broadcast %and3A_370 : i32 to vector<16xi32>
        %and3A_372 = arith.andi %add3A_369, %and3A_371 : vector<16xi32>
        %gather3A_373 = tpu.vector_load_idx %arg19[%add3A_95, %and3A_372] : memref<160x64xf32, #tpu.memory_space<vmem>>[vector<16xi32>, vector<16xi32>], vector<16xf32>,
        %mul3A_374 = arith.mulf %gather3A_373, %get3A_90 : vector<16xf32>
        tpu.vector_store_idx %arg19[%add3A_95, %and3A_372], %mul3A_374 : memref<160x64xf32, #tpu.memory_space<vmem>>[vector<16xi32>, vector<16xi32>], vector<16xf32>,
        %add3A_375 = arith.constant 35 : i32
        %add3A_376 = vector.broadcast %add3A_375 : i32 to vector<16xi32>
        %add3A_377 = arith.addi %iota3A, %add3A_376 : vector<16xi32>
        %and3A_378 = arith.constant 63 : i32
        %and3A_379 = vector.broadcast %and3A_378 : i32 to vector<16xi32>
        %and3A_380 = arith.andi %add3A_377, %and3A_379 : vector<16xi32>
        %gather3A_381 = tpu.vector_load_idx %arg19[%add3A_95, %and3A_380] : memref<160x64xf32, #tpu.memory_space<vmem>>[vector<16xi32>, vector<16xi32>], vector<16xf32>,
        %mul3A_382 = arith.mulf %gather3A_381, %get3A_90 : vector<16xf32>
        tpu.vector_store_idx %arg19[%add3A_95, %and3A_380], %mul3A_382 : memref<160x64xf32, #tpu.memory_space<vmem>>[vector<16xi32>, vector<16xi32>], vector<16xf32>,
        %add3A_383 = arith.constant 36 : i32
        %add3A_384 = vector.broadcast %add3A_383 : i32 to vector<16xi32>
        %add3A_385 = arith.addi %iota3A, %add3A_384 : vector<16xi32>
        %and3A_386 = arith.constant 63 : i32
        %and3A_387 = vector.broadcast %and3A_386 : i32 to vector<16xi32>
        %and3A_388 = arith.andi %add3A_385, %and3A_387 : vector<16xi32>
        %gather3A_389 = tpu.vector_load_idx %arg19[%add3A_95, %and3A_388] : memref<160x64xf32, #tpu.memory_space<vmem>>[vector<16xi32>, vector<16xi32>], vector<16xf32>,
        %mul3A_390 = arith.mulf %gather3A_389, %get3A_90 : vector<16xf32>
        tpu.vector_store_idx %arg19[%add3A_95, %and3A_388], %mul3A_390 : memref<160x64xf32, #tpu.memory_space<vmem>>[vector<16xi32>, vector<16xi32>], vector<16xf32>,
        %add3A_391 = arith.constant 37 : i32
        %add3A_392 = vector.broadcast %add3A_391 : i32 to vector<16xi32>
        %add3A_393 = arith.addi %iota3A, %add3A_392 : vector<16xi32>
        %and3A_394 = arith.constant 63 : i32
        %and3A_395 = vector.broadcast %and3A_394 : i32 to vector<16xi32>
        %and3A_396 = arith.andi %add3A_393, %and3A_395 : vector<16xi32>
        %gather3A_397 = tpu.vector_load_idx %arg19[%add3A_95, %and3A_396] : memref<160x64xf32, #tpu.memory_space<vmem>>[vector<16xi32>, vector<16xi32>], vector<16xf32>,
        %mul3A_398 = arith.mulf %gather3A_397, %get3A_90 : vector<16xf32>
        tpu.vector_store_idx %arg19[%add3A_95, %and3A_396], %mul3A_398 : memref<160x64xf32, #tpu.memory_space<vmem>>[vector<16xi32>, vector<16xi32>], vector<16xf32>,
        %add3A_399 = arith.constant 38 : i32
        %add3A_400 = vector.broadcast %add3A_399 : i32 to vector<16xi32>
        %add3A_401 = arith.addi %iota3A, %add3A_400 : vector<16xi32>
        %and3A_402 = arith.constant 63 : i32
        %and3A_403 = vector.broadcast %and3A_402 : i32 to vector<16xi32>
        %and3A_404 = arith.andi %add3A_401, %and3A_403 : vector<16xi32>
        %gather3A_405 = tpu.vector_load_idx %arg19[%add3A_95, %and3A_404] : memref<160x64xf32, #tpu.memory_space<vmem>>[vector<16xi32>, vector<16xi32>], vector<16xf32>,
        %mul3A_406 = arith.mulf %gather3A_405, %get3A_90 : vector<16xf32>
        tpu.vector_store_idx %arg19[%add3A_95, %and3A_404], %mul3A_406 : memref<160x64xf32, #tpu.memory_space<vmem>>[vector<16xi32>, vector<16xi32>], vector<16xf32>,
        %add3A_407 = arith.constant 39 : i32
        %add3A_408 = vector.broadcast %add3A_407 : i32 to vector<16xi32>
        %add3A_409 = arith.addi %iota3A, %add3A_408 : vector<16xi32>
        %and3A_410 = arith.constant 63 : i32
        %and3A_411 = vector.broadcast %and3A_410 : i32 to vector<16xi32>
        %and3A_412 = arith.andi %add3A_409, %and3A_411 : vector<16xi32>
        %gather3A_413 = tpu.vector_load_idx %arg19[%add3A_95, %and3A_412] : memref<160x64xf32, #tpu.memory_space<vmem>>[vector<16xi32>, vector<16xi32>], vector<16xf32>,
        %mul3A_414 = arith.mulf %gather3A_413, %get3A_90 : vector<16xf32>
        tpu.vector_store_idx %arg19[%add3A_95, %and3A_412], %mul3A_414 : memref<160x64xf32, #tpu.memory_space<vmem>>[vector<16xi32>, vector<16xi32>], vector<16xf32>,
        %add3A_415 = arith.constant 40 : i32
        %add3A_416 = vector.broadcast %add3A_415 : i32 to vector<16xi32>
        %add3A_417 = arith.addi %iota3A, %add3A_416 : vector<16xi32>
        %and3A_418 = arith.constant 63 : i32
        %and3A_419 = vector.broadcast %and3A_418 : i32 to vector<16xi32>
        %and3A_420 = arith.andi %add3A_417, %and3A_419 : vector<16xi32>
        %gather3A_421 = tpu.vector_load_idx %arg19[%add3A_95, %and3A_420] : memref<160x64xf32, #tpu.memory_space<vmem>>[vector<16xi32>, vector<16xi32>], vector<16xf32>,
        %mul3A_422 = arith.mulf %gather3A_421, %get3A_90 : vector<16xf32>
        tpu.vector_store_idx %arg19[%add3A_95, %and3A_420], %mul3A_422 : memref<160x64xf32, #tpu.memory_space<vmem>>[vector<16xi32>, vector<16xi32>], vector<16xf32>,
        %add3A_423 = arith.constant 41 : i32
        %add3A_424 = vector.broadcast %add3A_423 : i32 to vector<16xi32>
        %add3A_425 = arith.addi %iota3A, %add3A_424 : vector<16xi32>
        %and3A_426 = arith.constant 63 : i32
        %and3A_427 = vector.broadcast %and3A_426 : i32 to vector<16xi32>
        %and3A_428 = arith.andi %add3A_425, %and3A_427 : vector<16xi32>
        %gather3A_429 = tpu.vector_load_idx %arg19[%add3A_95, %and3A_428] : memref<160x64xf32, #tpu.memory_space<vmem>>[vector<16xi32>, vector<16xi32>], vector<16xf32>,
        %mul3A_430 = arith.mulf %gather3A_429, %get3A_90 : vector<16xf32>
        tpu.vector_store_idx %arg19[%add3A_95, %and3A_428], %mul3A_430 : memref<160x64xf32, #tpu.memory_space<vmem>>[vector<16xi32>, vector<16xi32>], vector<16xf32>,
        %add3A_431 = arith.constant 42 : i32
        %add3A_432 = vector.broadcast %add3A_431 : i32 to vector<16xi32>
        %add3A_433 = arith.addi %iota3A, %add3A_432 : vector<16xi32>
        %and3A_434 = arith.constant 63 : i32
        %and3A_435 = vector.broadcast %and3A_434 : i32 to vector<16xi32>
        %and3A_436 = arith.andi %add3A_433, %and3A_435 : vector<16xi32>
        %gather3A_437 = tpu.vector_load_idx %arg19[%add3A_95, %and3A_436] : memref<160x64xf32, #tpu.memory_space<vmem>>[vector<16xi32>, vector<16xi32>], vector<16xf32>,
        %mul3A_438 = arith.mulf %gather3A_437, %get3A_90 : vector<16xf32>
        tpu.vector_store_idx %arg19[%add3A_95, %and3A_436], %mul3A_438 : memref<160x64xf32, #tpu.memory_space<vmem>>[vector<16xi32>, vector<16xi32>], vector<16xf32>,
        %add3A_439 = arith.constant 43 : i32
        %add3A_440 = vector.broadcast %add3A_439 : i32 to vector<16xi32>
        %add3A_441 = arith.addi %iota3A, %add3A_440 : vector<16xi32>
        %and3A_442 = arith.constant 63 : i32
        %and3A_443 = vector.broadcast %and3A_442 : i32 to vector<16xi32>
        %and3A_444 = arith.andi %add3A_441, %and3A_443 : vector<16xi32>
        %gather3A_445 = tpu.vector_load_idx %arg19[%add3A_95, %and3A_444] : memref<160x64xf32, #tpu.memory_space<vmem>>[vector<16xi32>, vector<16xi32>], vector<16xf32>,
        %mul3A_446 = arith.mulf %gather3A_445, %get3A_90 : vector<16xf32>
        tpu.vector_store_idx %arg19[%add3A_95, %and3A_444], %mul3A_446 : memref<160x64xf32, #tpu.memory_space<vmem>>[vector<16xi32>, vector<16xi32>], vector<16xf32>,
        %add3A_447 = arith.constant 44 : i32
        %add3A_448 = vector.broadcast %add3A_447 : i32 to vector<16xi32>
        %add3A_449 = arith.addi %iota3A, %add3A_448 : vector<16xi32>
        %and3A_450 = arith.constant 63 : i32
        %and3A_451 = vector.broadcast %and3A_450 : i32 to vector<16xi32>
        %and3A_452 = arith.andi %add3A_449, %and3A_451 : vector<16xi32>
        %gather3A_453 = tpu.vector_load_idx %arg19[%add3A_95, %and3A_452] : memref<160x64xf32, #tpu.memory_space<vmem>>[vector<16xi32>, vector<16xi32>], vector<16xf32>,
        %mul3A_454 = arith.mulf %gather3A_453, %get3A_90 : vector<16xf32>
        tpu.vector_store_idx %arg19[%add3A_95, %and3A_452], %mul3A_454 : memref<160x64xf32, #tpu.memory_space<vmem>>[vector<16xi32>, vector<16xi32>], vector<16xf32>,
        %add3A_455 = arith.constant 45 : i32
        %add3A_456 = vector.broadcast %add3A_455 : i32 to vector<16xi32>
        %add3A_457 = arith.addi %iota3A, %add3A_456 : vector<16xi32>
        %and3A_458 = arith.constant 63 : i32
        %and3A_459 = vector.broadcast %and3A_458 : i32 to vector<16xi32>
        %and3A_460 = arith.andi %add3A_457, %and3A_459 : vector<16xi32>
        %gather3A_461 = tpu.vector_load_idx %arg19[%add3A_95, %and3A_460] : memref<160x64xf32, #tpu.memory_space<vmem>>[vector<16xi32>, vector<16xi32>], vector<16xf32>,
        %mul3A_462 = arith.mulf %gather3A_461, %get3A_90 : vector<16xf32>
        tpu.vector_store_idx %arg19[%add3A_95, %and3A_460], %mul3A_462 : memref<160x64xf32, #tpu.memory_space<vmem>>[vector<16xi32>, vector<16xi32>], vector<16xf32>,
        %add3A_463 = arith.constant 46 : i32
        %add3A_464 = vector.broadcast %add3A_463 : i32 to vector<16xi32>
        %add3A_465 = arith.addi %iota3A, %add3A_464 : vector<16xi32>
        %and3A_466 = arith.constant 63 : i32
        %and3A_467 = vector.broadcast %and3A_466 : i32 to vector<16xi32>
        %and3A_468 = arith.andi %add3A_465, %and3A_467 : vector<16xi32>
        %gather3A_469 = tpu.vector_load_idx %arg19[%add3A_95, %and3A_468] : memref<160x64xf32, #tpu.memory_space<vmem>>[vector<16xi32>, vector<16xi32>], vector<16xf32>,
        %mul3A_470 = arith.mulf %gather3A_469, %get3A_90 : vector<16xf32>
        tpu.vector_store_idx %arg19[%add3A_95, %and3A_468], %mul3A_470 : memref<160x64xf32, #tpu.memory_space<vmem>>[vector<16xi32>, vector<16xi32>], vector<16xf32>,
        %add3A_471 = arith.constant 47 : i32
        %add3A_472 = vector.broadcast %add3A_471 : i32 to vector<16xi32>
        %add3A_473 = arith.addi %iota3A, %add3A_472 : vector<16xi32>
        %and3A_474 = arith.constant 63 : i32
        %and3A_475 = vector.broadcast %and3A_474 : i32 to vector<16xi32>
        %and3A_476 = arith.andi %add3A_473, %and3A_475 : vector<16xi32>
        %gather3A_477 = tpu.vector_load_idx %arg19[%add3A_95, %and3A_476] : memref<160x64xf32, #tpu.memory_space<vmem>>[vector<16xi32>, vector<16xi32>], vector<16xf32>,
        %mul3A_478 = arith.mulf %gather3A_477, %get3A_90 : vector<16xf32>
        tpu.vector_store_idx %arg19[%add3A_95, %and3A_476], %mul3A_478 : memref<160x64xf32, #tpu.memory_space<vmem>>[vector<16xi32>, vector<16xi32>], vector<16xf32>,
        %add3A_479 = arith.constant 48 : i32
        %add3A_480 = vector.broadcast %add3A_479 : i32 to vector<16xi32>
        %add3A_481 = arith.addi %iota3A, %add3A_480 : vector<16xi32>
        %and3A_482 = arith.constant 63 : i32
        %and3A_483 = vector.broadcast %and3A_482 : i32 to vector<16xi32>
        %and3A_484 = arith.andi %add3A_481, %and3A_483 : vector<16xi32>
        %gather3A_485 = tpu.vector_load_idx %arg19[%add3A_95, %and3A_484] : memref<160x64xf32, #tpu.memory_space<vmem>>[vector<16xi32>, vector<16xi32>], vector<16xf32>,
        %mul3A_486 = arith.mulf %gather3A_485, %get3A_90 : vector<16xf32>
        tpu.vector_store_idx %arg19[%add3A_95, %and3A_484], %mul3A_486 : memref<160x64xf32, #tpu.memory_space<vmem>>[vector<16xi32>, vector<16xi32>], vector<16xf32>,
        %add3A_487 = arith.constant 49 : i32
        %add3A_488 = vector.broadcast %add3A_487 : i32 to vector<16xi32>
        %add3A_489 = arith.addi %iota3A, %add3A_488 : vector<16xi32>
        %and3A_490 = arith.constant 63 : i32
        %and3A_491 = vector.broadcast %and3A_490 : i32 to vector<16xi32>
        %and3A_492 = arith.andi %add3A_489, %and3A_491 : vector<16xi32>
        %gather3A_493 = tpu.vector_load_idx %arg19[%add3A_95, %and3A_492] : memref<160x64xf32, #tpu.memory_space<vmem>>[vector<16xi32>, vector<16xi32>], vector<16xf32>,
        %mul3A_494 = arith.mulf %gather3A_493, %get3A_90 : vector<16xf32>
        tpu.vector_store_idx %arg19[%add3A_95, %and3A_492], %mul3A_494 : memref<160x64xf32, #tpu.memory_space<vmem>>[vector<16xi32>, vector<16xi32>], vector<16xf32>,
        %add3A_495 = arith.constant 50 : i32
        %add3A_496 = vector.broadcast %add3A_495 : i32 to vector<16xi32>
        %add3A_497 = arith.addi %iota3A, %add3A_496 : vector<16xi32>
        %and3A_498 = arith.constant 63 : i32
        %and3A_499 = vector.broadcast %and3A_498 : i32 to vector<16xi32>
        %and3A_500 = arith.andi %add3A_497, %and3A_499 : vector<16xi32>
        %gather3A_501 = tpu.vector_load_idx %arg19[%add3A_95, %and3A_500] : memref<160x64xf32, #tpu.memory_space<vmem>>[vector<16xi32>, vector<16xi32>], vector<16xf32>,
        %mul3A_502 = arith.mulf %gather3A_501, %get3A_90 : vector<16xf32>
        tpu.vector_store_idx %arg19[%add3A_95, %and3A_500], %mul3A_502 : memref<160x64xf32, #tpu.memory_space<vmem>>[vector<16xi32>, vector<16xi32>], vector<16xf32>,
        %add3A_503 = arith.constant 51 : i32
        %add3A_504 = vector.broadcast %add3A_503 : i32 to vector<16xi32>
        %add3A_505 = arith.addi %iota3A, %add3A_504 : vector<16xi32>
        %and3A_506 = arith.constant 63 : i32
        %and3A_507 = vector.broadcast %and3A_506 : i32 to vector<16xi32>
        %and3A_508 = arith.andi %add3A_505, %and3A_507 : vector<16xi32>
        %gather3A_509 = tpu.vector_load_idx %arg19[%add3A_95, %and3A_508] : memref<160x64xf32, #tpu.memory_space<vmem>>[vector<16xi32>, vector<16xi32>], vector<16xf32>,
        %mul3A_510 = arith.mulf %gather3A_509, %get3A_90 : vector<16xf32>
        tpu.vector_store_idx %arg19[%add3A_95, %and3A_508], %mul3A_510 : memref<160x64xf32, #tpu.memory_space<vmem>>[vector<16xi32>, vector<16xi32>], vector<16xf32>,
        %add3A_511 = arith.constant 52 : i32
        %add3A_512 = vector.broadcast %add3A_511 : i32 to vector<16xi32>
        %add3A_513 = arith.addi %iota3A, %add3A_512 : vector<16xi32>
        %and3A_514 = arith.constant 63 : i32
        %and3A_515 = vector.broadcast %and3A_514 : i32 to vector<16xi32>
        %and3A_516 = arith.andi %add3A_513, %and3A_515 : vector<16xi32>
        %gather3A_517 = tpu.vector_load_idx %arg19[%add3A_95, %and3A_516] : memref<160x64xf32, #tpu.memory_space<vmem>>[vector<16xi32>, vector<16xi32>], vector<16xf32>,
        %mul3A_518 = arith.mulf %gather3A_517, %get3A_90 : vector<16xf32>
        tpu.vector_store_idx %arg19[%add3A_95, %and3A_516], %mul3A_518 : memref<160x64xf32, #tpu.memory_space<vmem>>[vector<16xi32>, vector<16xi32>], vector<16xf32>,
        %add3A_519 = arith.constant 53 : i32
        %add3A_520 = vector.broadcast %add3A_519 : i32 to vector<16xi32>
        %add3A_521 = arith.addi %iota3A, %add3A_520 : vector<16xi32>
        %and3A_522 = arith.constant 63 : i32
        %and3A_523 = vector.broadcast %and3A_522 : i32 to vector<16xi32>
        %and3A_524 = arith.andi %add3A_521, %and3A_523 : vector<16xi32>
        %gather3A_525 = tpu.vector_load_idx %arg19[%add3A_95, %and3A_524] : memref<160x64xf32, #tpu.memory_space<vmem>>[vector<16xi32>, vector<16xi32>], vector<16xf32>,
        %mul3A_526 = arith.mulf %gather3A_525, %get3A_90 : vector<16xf32>
        tpu.vector_store_idx %arg19[%add3A_95, %and3A_524], %mul3A_526 : memref<160x64xf32, #tpu.memory_space<vmem>>[vector<16xi32>, vector<16xi32>], vector<16xf32>,
        %add3A_527 = arith.constant 54 : i32
        %add3A_528 = vector.broadcast %add3A_527 : i32 to vector<16xi32>
        %add3A_529 = arith.addi %iota3A, %add3A_528 : vector<16xi32>
        %and3A_530 = arith.constant 63 : i32
        %and3A_531 = vector.broadcast %and3A_530 : i32 to vector<16xi32>
        %and3A_532 = arith.andi %add3A_529, %and3A_531 : vector<16xi32>
        %gather3A_533 = tpu.vector_load_idx %arg19[%add3A_95, %and3A_532] : memref<160x64xf32, #tpu.memory_space<vmem>>[vector<16xi32>, vector<16xi32>], vector<16xf32>,
        %mul3A_534 = arith.mulf %gather3A_533, %get3A_90 : vector<16xf32>
        tpu.vector_store_idx %arg19[%add3A_95, %and3A_532], %mul3A_534 : memref<160x64xf32, #tpu.memory_space<vmem>>[vector<16xi32>, vector<16xi32>], vector<16xf32>,
        %add3A_535 = arith.constant 55 : i32
        %add3A_536 = vector.broadcast %add3A_535 : i32 to vector<16xi32>
        %add3A_537 = arith.addi %iota3A, %add3A_536 : vector<16xi32>
        %and3A_538 = arith.constant 63 : i32
        %and3A_539 = vector.broadcast %and3A_538 : i32 to vector<16xi32>
        %and3A_540 = arith.andi %add3A_537, %and3A_539 : vector<16xi32>
        %gather3A_541 = tpu.vector_load_idx %arg19[%add3A_95, %and3A_540] : memref<160x64xf32, #tpu.memory_space<vmem>>[vector<16xi32>, vector<16xi32>], vector<16xf32>,
        %mul3A_542 = arith.mulf %gather3A_541, %get3A_90 : vector<16xf32>
        tpu.vector_store_idx %arg19[%add3A_95, %and3A_540], %mul3A_542 : memref<160x64xf32, #tpu.memory_space<vmem>>[vector<16xi32>, vector<16xi32>], vector<16xf32>,
        %add3A_543 = arith.constant 56 : i32
        %add3A_544 = vector.broadcast %add3A_543 : i32 to vector<16xi32>
        %add3A_545 = arith.addi %iota3A, %add3A_544 : vector<16xi32>
        %and3A_546 = arith.constant 63 : i32
        %and3A_547 = vector.broadcast %and3A_546 : i32 to vector<16xi32>
        %and3A_548 = arith.andi %add3A_545, %and3A_547 : vector<16xi32>
        %gather3A_549 = tpu.vector_load_idx %arg19[%add3A_95, %and3A_548] : memref<160x64xf32, #tpu.memory_space<vmem>>[vector<16xi32>, vector<16xi32>], vector<16xf32>,
        %mul3A_550 = arith.mulf %gather3A_549, %get3A_90 : vector<16xf32>
        tpu.vector_store_idx %arg19[%add3A_95, %and3A_548], %mul3A_550 : memref<160x64xf32, #tpu.memory_space<vmem>>[vector<16xi32>, vector<16xi32>], vector<16xf32>,
        %add3A_551 = arith.constant 57 : i32
        %add3A_552 = vector.broadcast %add3A_551 : i32 to vector<16xi32>
        %add3A_553 = arith.addi %iota3A, %add3A_552 : vector<16xi32>
        %and3A_554 = arith.constant 63 : i32
        %and3A_555 = vector.broadcast %and3A_554 : i32 to vector<16xi32>
        %and3A_556 = arith.andi %add3A_553, %and3A_555 : vector<16xi32>
        %gather3A_557 = tpu.vector_load_idx %arg19[%add3A_95, %and3A_556] : memref<160x64xf32, #tpu.memory_space<vmem>>[vector<16xi32>, vector<16xi32>], vector<16xf32>,
        %mul3A_558 = arith.mulf %gather3A_557, %get3A_90 : vector<16xf32>
        tpu.vector_store_idx %arg19[%add3A_95, %and3A_556], %mul3A_558 : memref<160x64xf32, #tpu.memory_space<vmem>>[vector<16xi32>, vector<16xi32>], vector<16xf32>,
        %add3A_559 = arith.constant 58 : i32
        %add3A_560 = vector.broadcast %add3A_559 : i32 to vector<16xi32>
        %add3A_561 = arith.addi %iota3A, %add3A_560 : vector<16xi32>
        %and3A_562 = arith.constant 63 : i32
        %and3A_563 = vector.broadcast %and3A_562 : i32 to vector<16xi32>
        %and3A_564 = arith.andi %add3A_561, %and3A_563 : vector<16xi32>
        %gather3A_565 = tpu.vector_load_idx %arg19[%add3A_95, %and3A_564] : memref<160x64xf32, #tpu.memory_space<vmem>>[vector<16xi32>, vector<16xi32>], vector<16xf32>,
        %mul3A_566 = arith.mulf %gather3A_565, %get3A_90 : vector<16xf32>
        tpu.vector_store_idx %arg19[%add3A_95, %and3A_564], %mul3A_566 : memref<160x64xf32, #tpu.memory_space<vmem>>[vector<16xi32>, vector<16xi32>], vector<16xf32>,
        %add3A_567 = arith.constant 59 : i32
        %add3A_568 = vector.broadcast %add3A_567 : i32 to vector<16xi32>
        %add3A_569 = arith.addi %iota3A, %add3A_568 : vector<16xi32>
        %and3A_570 = arith.constant 63 : i32
        %and3A_571 = vector.broadcast %and3A_570 : i32 to vector<16xi32>
        %and3A_572 = arith.andi %add3A_569, %and3A_571 : vector<16xi32>
        %gather3A_573 = tpu.vector_load_idx %arg19[%add3A_95, %and3A_572] : memref<160x64xf32, #tpu.memory_space<vmem>>[vector<16xi32>, vector<16xi32>], vector<16xf32>,
        %mul3A_574 = arith.mulf %gather3A_573, %get3A_90 : vector<16xf32>
        tpu.vector_store_idx %arg19[%add3A_95, %and3A_572], %mul3A_574 : memref<160x64xf32, #tpu.memory_space<vmem>>[vector<16xi32>, vector<16xi32>], vector<16xf32>,
        %add3A_575 = arith.constant 60 : i32
        %add3A_576 = vector.broadcast %add3A_575 : i32 to vector<16xi32>
        %add3A_577 = arith.addi %iota3A, %add3A_576 : vector<16xi32>
        %and3A_578 = arith.constant 63 : i32
        %and3A_579 = vector.broadcast %and3A_578 : i32 to vector<16xi32>
        %and3A_580 = arith.andi %add3A_577, %and3A_579 : vector<16xi32>
        %gather3A_581 = tpu.vector_load_idx %arg19[%add3A_95, %and3A_580] : memref<160x64xf32, #tpu.memory_space<vmem>>[vector<16xi32>, vector<16xi32>], vector<16xf32>,
        %mul3A_582 = arith.mulf %gather3A_581, %get3A_90 : vector<16xf32>
        tpu.vector_store_idx %arg19[%add3A_95, %and3A_580], %mul3A_582 : memref<160x64xf32, #tpu.memory_space<vmem>>[vector<16xi32>, vector<16xi32>], vector<16xf32>,
        %add3A_583 = arith.constant 61 : i32
        %add3A_584 = vector.broadcast %add3A_583 : i32 to vector<16xi32>
        %add3A_585 = arith.addi %iota3A, %add3A_584 : vector<16xi32>
        %and3A_586 = arith.constant 63 : i32
        %and3A_587 = vector.broadcast %and3A_586 : i32 to vector<16xi32>
        %and3A_588 = arith.andi %add3A_585, %and3A_587 : vector<16xi32>
        %gather3A_589 = tpu.vector_load_idx %arg19[%add3A_95, %and3A_588] : memref<160x64xf32, #tpu.memory_space<vmem>>[vector<16xi32>, vector<16xi32>], vector<16xf32>,
        %mul3A_590 = arith.mulf %gather3A_589, %get3A_90 : vector<16xf32>
        tpu.vector_store_idx %arg19[%add3A_95, %and3A_588], %mul3A_590 : memref<160x64xf32, #tpu.memory_space<vmem>>[vector<16xi32>, vector<16xi32>], vector<16xf32>,
        %add3A_591 = arith.constant 62 : i32
        %add3A_592 = vector.broadcast %add3A_591 : i32 to vector<16xi32>
        %add3A_593 = arith.addi %iota3A, %add3A_592 : vector<16xi32>
        %and3A_594 = arith.constant 63 : i32
        %and3A_595 = vector.broadcast %and3A_594 : i32 to vector<16xi32>
        %and3A_596 = arith.andi %add3A_593, %and3A_595 : vector<16xi32>
        %gather3A_597 = tpu.vector_load_idx %arg19[%add3A_95, %and3A_596] : memref<160x64xf32, #tpu.memory_space<vmem>>[vector<16xi32>, vector<16xi32>], vector<16xf32>,
        %mul3A_598 = arith.mulf %gather3A_597, %get3A_90 : vector<16xf32>
        tpu.vector_store_idx %arg19[%add3A_95, %and3A_596], %mul3A_598 : memref<160x64xf32, #tpu.memory_space<vmem>>[vector<16xi32>, vector<16xi32>], vector<16xf32>,
        %add3A_599 = arith.constant 63 : i32
        %add3A_600 = vector.broadcast %add3A_599 : i32 to vector<16xi32>
        %add3A_601 = arith.addi %iota3A, %add3A_600 : vector<16xi32>
        %and3A_602 = arith.constant 63 : i32
        %and3A_603 = vector.broadcast %and3A_602 : i32 to vector<16xi32>
        %and3A_604 = arith.andi %add3A_601, %and3A_603 : vector<16xi32>
        %gather3A_605 = tpu.vector_load_idx %arg19[%add3A_95, %and3A_604] : memref<160x64xf32, #tpu.memory_space<vmem>>[vector<16xi32>, vector<16xi32>], vector<16xf32>,
        %mul3A_606 = arith.mulf %gather3A_605, %get3A_90 : vector<16xf32>
        tpu.vector_store_idx %arg19[%add3A_95, %and3A_604], %mul3A_606 : memref<160x64xf32, #tpu.memory_space<vmem>>[vector<16xi32>, vector<16xi32>], vector<16xf32>,
      }
      %scan3A_71 = arith.constant 5 : i32
      %dma_start3A_72 = arith.constant 0 : i32
      %dma_start3A_73 = tpu.memref_slice %arg19[%mul3A_49, %dma_start3A_72] : memref<160x64xf32, #tpu.memory_space<vmem>> -> memref<80x64xf32, #tpu.memory_space<vmem>>
      %dma_start3A_74 = arith.constant 0 : i32
      %dma_start3A_75 = tpu.memref_slice %arg15[%add3A_46, %dma_start3A_74] : memref<125x80xi32, #tpu.memory_space<vmem>> -> memref<1x80xi32, #tpu.memory_space<vmem>>
      %dma_start3A_76 = tpu.memref_squeeze %dma_start3A_75 : memref<1x80xi32, #tpu.memory_space<vmem>> -> memref<80xi32, #tpu.memory_space<vmem>>
      %dma_start3A_77 = arith.constant 0 : i32
      %dma_start3A_78 = arith.constant 0 : i32
      %dma_start3A_79 = tpu.memref_slice %arg20[%dma_start3A_77, %dma_start3A_78] : memref<10240x64xf32, #tpu.memory_space<vmem_shared>> -> memref<10240x64xf32, #tpu.memory_space<vmem_shared>>
      tpu.enqueue_indirect_dma source(%dma_start3A_73 : memref<80x64xf32, #tpu.memory_space<vmem>>) target(%dma_start3A_79 : memref<10240x64xf32, #tpu.memory_space<vmem_shared>>) offsets(%dma_start3A_76 : memref<80xi32, #tpu.memory_space<vmem>>) semaphore(%arg22 : memref<!tpu.dma_semaphore, #tpu.memory_space<semaphore_mem>>) {add = true}
    }
    %scan3A_23 = arith.constant 125 : i32
    %dma_wait3A = arith.constant 124 : i32
    %dma_wait3A_24 = arith.constant 0 : i32
    %dma_wait3A_25 = arith.constant 0 : i32
    %dma_wait3A_26 = tpu.memref_slice %arg19[%dma_wait3A_24, %dma_wait3A_25] : memref<160x64xf32, #tpu.memory_space<vmem>> -> memref<80x64xf32, #tpu.memory_space<vmem>>
    %dma_wait3A_27 = arith.constant 0 : i32
    %dma_wait3A_28 = tpu.memref_slice %arg15[%dma_wait3A, %dma_wait3A_27] : memref<125x80xi32, #tpu.memory_space<vmem>> -> memref<1x80xi32, #tpu.memory_space<vmem>>
    %dma_wait3A_29 = tpu.memref_squeeze %dma_wait3A_28 : memref<1x80xi32, #tpu.memory_space<vmem>> -> memref<80xi32, #tpu.memory_space<vmem>>
    %dma_wait3A_30 = arith.constant 0 : i32
    %dma_wait3A_31 = arith.constant 0 : i32
    %dma_wait3A_32 = tpu.memref_slice %arg20[%dma_wait3A_30, %dma_wait3A_31] : memref<10240x64xf32, #tpu.memory_space<vmem_shared>> -> memref<10240x64xf32, #tpu.memory_space<vmem_shared>>
    tpu.wait_indirect_dma semaphore(%arg22 : memref<!tpu.dma_semaphore, #tpu.memory_space<semaphore_mem>>) src(%dma_wait3A_26 : memref<80x64xf32, #tpu.memory_space<vmem>>) dst(%dma_wait3A_32 : memref<10240x64xf32, #tpu.memory_space<vmem_shared>>)
    %mul3A_33 = arith.constant 10000 : i32
    %mul3A_34 = arith.muli %add3A, %mul3A_33 : i32
    "tpu.region"() ({
      %run_scoped3A_42 = tpu.sem_alloc : memref<!tpu.dma_semaphore, #tpu.memory_space<semaphore_mem>>
      %dma_start3A_43 = tpu.memref_slice %arg9[%mul3A_34] : memref<320000xf32, #tpu.memory_space<hbm>> -> memref<10000xf32, #tpu.memory_space<hbm>>
      %dma_start3A_44 = tpu.memref_slice %arg9[%mul3A_34] : memref<320000xf32, #tpu.memory_space<hbm>> -> memref<10000xf32, #tpu.memory_space<hbm>>
      tpu.enqueue_dma source(%arg17 : memref<10000xf32, #tpu.memory_space<vmem>>) target(%dma_start3A_44 : memref<10000xf32, #tpu.memory_space<hbm>>) target_semaphore(%run_scoped3A_42 : memref<!tpu.dma_semaphore, #tpu.memory_space<semaphore_mem>>)
      %dma_wait3A_45 = tpu.memref_slice %arg9[%mul3A_34] : memref<320000xf32, #tpu.memory_space<hbm>> -> memref<10000xf32, #tpu.memory_space<hbm>>
      %dma_wait3A_46 = tpu.memref_slice %arg9[%mul3A_34] : memref<320000xf32, #tpu.memory_space<hbm>> -> memref<10000xf32, #tpu.memory_space<hbm>>
      tpu.wait_dma2 semaphore(%run_scoped3A_42 : memref<!tpu.dma_semaphore, #tpu.memory_space<semaphore_mem>>) src(%arg17 : memref<10000xf32, #tpu.memory_space<vmem>>) dst(%dma_wait3A_46 : memref<10000xf32, #tpu.memory_space<hbm>>)
      tpu.yield
    }) : () -> ()
    %mul3A_35 = arith.constant 10000 : i32
    %mul3A_36 = arith.muli %add3A, %mul3A_35 : i32
    "tpu.region"() ({
      %run_scoped3A_42 = tpu.sem_alloc : memref<!tpu.dma_semaphore, #tpu.memory_space<semaphore_mem>>
      %dma_start3A_43 = tpu.memref_slice %arg10[%mul3A_36] : memref<320000xf32, #tpu.memory_space<hbm>> -> memref<10000xf32, #tpu.memory_space<hbm>>
      %dma_start3A_44 = tpu.memref_slice %arg10[%mul3A_36] : memref<320000xf32, #tpu.memory_space<hbm>> -> memref<10000xf32, #tpu.memory_space<hbm>>
      tpu.enqueue_dma source(%arg18 : memref<10000xf32, #tpu.memory_space<vmem>>) target(%dma_start3A_44 : memref<10000xf32, #tpu.memory_space<hbm>>) target_semaphore(%run_scoped3A_42 : memref<!tpu.dma_semaphore, #tpu.memory_space<semaphore_mem>>)
      %dma_wait3A_45 = tpu.memref_slice %arg10[%mul3A_36] : memref<320000xf32, #tpu.memory_space<hbm>> -> memref<10000xf32, #tpu.memory_space<hbm>>
      %dma_wait3A_46 = tpu.memref_slice %arg10[%mul3A_36] : memref<320000xf32, #tpu.memory_space<hbm>> -> memref<10000xf32, #tpu.memory_space<hbm>>
      tpu.wait_dma2 semaphore(%run_scoped3A_42 : memref<!tpu.dma_semaphore, #tpu.memory_space<semaphore_mem>>) src(%arg18 : memref<10000xf32, #tpu.memory_space<vmem>>) dst(%dma_wait3A_46 : memref<10000xf32, #tpu.memory_space<hbm>>)
      tpu.yield
    }) : () -> ()
    %barrier3A_37 = arith.constant 0 : index
    tpu.barrier barrier_id(%barrier3A_37)
    %mul3A_38 = arith.constant 640 : i32
    %mul3A_39 = arith.muli %arg1, %mul3A_38 : i32
    %mul3A_40 = arith.constant 640 : i32
    %mul3A_41 = arith.muli %arg1, %mul3A_40 : i32
    "tpu.region"() ({
      %run_scoped3A_42 = tpu.sem_alloc : memref<!tpu.dma_semaphore, #tpu.memory_space<semaphore_mem>>
      %dma_start3A_43 = arith.constant 0 : i32
      %dma_start3A_44 = tpu.memref_slice %arg11[%arg0, %mul3A_41, %dma_start3A_43] : memref<2x10240x64xf32, #tpu.memory_space<hbm>> -> memref<1x640x64xf32, #tpu.memory_space<hbm>>
      %dma_start3A_45 = tpu.memref_squeeze %dma_start3A_44 : memref<1x640x64xf32, #tpu.memory_space<hbm>> -> memref<640x64xf32, #tpu.memory_space<hbm>>
      %dma_start3A_46 = arith.constant 0 : i32
      %dma_start3A_47 = tpu.memref_slice %arg20[%mul3A_39, %dma_start3A_46] : memref<10240x64xf32, #tpu.memory_space<vmem_shared>> -> memref<640x64xf32, #tpu.memory_space<vmem_shared>>
      tpu.enqueue_dma source(%dma_start3A_47 : memref<640x64xf32, #tpu.memory_space<vmem_shared>>) target(%dma_start3A_45 : memref<640x64xf32, #tpu.memory_space<hbm>>) target_semaphore(%run_scoped3A_42 : memref<!tpu.dma_semaphore, #tpu.memory_space<semaphore_mem>>)
      %dma_wait3A_48 = arith.constant 0 : i32
      %dma_wait3A_49 = tpu.memref_slice %arg11[%arg0, %mul3A_41, %dma_wait3A_48] : memref<2x10240x64xf32, #tpu.memory_space<hbm>> -> memref<1x640x64xf32, #tpu.memory_space<hbm>>
      %dma_wait3A_50 = tpu.memref_squeeze %dma_wait3A_49 : memref<1x640x64xf32, #tpu.memory_space<hbm>> -> memref<640x64xf32, #tpu.memory_space<hbm>>
      %dma_wait3A_51 = arith.constant 0 : i32
      %dma_wait3A_52 = tpu.memref_slice %arg20[%mul3A_39, %dma_wait3A_51] : memref<10240x64xf32, #tpu.memory_space<vmem_shared>> -> memref<640x64xf32, #tpu.memory_space<vmem_shared>>
      tpu.wait_dma2 semaphore(%run_scoped3A_42 : memref<!tpu.dma_semaphore, #tpu.memory_space<semaphore_mem>>) src(%dma_wait3A_52 : memref<640x64xf32, #tpu.memory_space<vmem_shared>>) dst(%dma_wait3A_50 : memref<640x64xf32, #tpu.memory_space<hbm>>)
      tpu.yield
    }) : () -> ()
    return
  }
}

#map = affine_map<(d0, d1) -> (0, 0)>
#map1 = affine_map<(d0, d1) -> (0, 0, 0)>
#map2 = affine_map<(d0, d1) -> (0)>
module attributes {stable_mosaic.version = 14 : i64} {
  func.func @_ka(%arg0: i32, %arg1: i32, %arg2: memref<10000x64xf32, #tpu.memory_space<hbm>>, %arg3: memref<32x125x80xi32, #tpu.memory_space<hbm>>, %arg4: memref<32x125x80xi32, #tpu.memory_space<hbm>>, %arg5: memref<1024xf32, #tpu.memory_space<hbm>>, %arg6: memref<320000xf32, #tpu.memory_space<hbm>>, %arg7: memref<32x10240xf32, #tpu.memory_space<hbm>>, %arg8: memref<10240xf32, #tpu.memory_space<vmem>>, %arg9: memref<125x80xi32, #tpu.memory_space<vmem>>, %arg10: memref<125x80xi32, #tpu.memory_space<vmem>>, %arg11: memref<160x64xf32, #tpu.memory_space<vmem>>, %arg12: memref<160x64xf32, #tpu.memory_space<vmem>>, %arg13: memref<10000xf32, #tpu.memory_space<vmem>>, %arg14: memref<1024xf32, #tpu.memory_space<vmem>>, %arg15: memref<!tpu.dma_semaphore, #tpu.memory_space<semaphore_mem>>) attributes {dimension_semantics = [#tpu.dimension_semantics<core_parallel>, #tpu.dimension_semantics<subcore_parallel>], iteration_bounds = array<i64: 2, 16>, scalar_prefetch = 0 : i64, scratch_operands = 8 : i64, tpu.core_type = #tpu.core_type<sc_vector_subcore>, window_params = [{transform_indices = #map}, {transform_indices = #map1}, {transform_indices = #map1}, {transform_indices = #map2}, {transform_indices = #map2}, {transform_indices = #map}]} {
    %mul3A = arith.constant 16 : i32
    %mul3A_0 = arith.muli %arg0, %mul3A : i32
    %add3A = arith.addi %mul3A_0, %arg1 : i32
    %iota3A = tpu.iota {dimensions = array<i32: 0>} : vector<16xi32>
    "tpu.region"() ({
      %run_scoped3A = tpu.sem_alloc : memref<!tpu.dma_semaphore, #tpu.memory_space<semaphore_mem>>
      tpu.enqueue_dma source(%arg5 : memref<1024xf32, #tpu.memory_space<hbm>>) target(%arg14 : memref<1024xf32, #tpu.memory_space<vmem>>) target_semaphore(%run_scoped3A : memref<!tpu.dma_semaphore, #tpu.memory_space<semaphore_mem>>)
      tpu.wait_dma2 semaphore(%run_scoped3A : memref<!tpu.dma_semaphore, #tpu.memory_space<semaphore_mem>>) src(%arg5 : memref<1024xf32, #tpu.memory_space<hbm>>) dst(%arg14 : memref<1024xf32, #tpu.memory_space<vmem>>)
      tpu.yield
    }) : () -> ()
    "tpu.region"() ({
      %run_scoped3A = tpu.sem_alloc : memref<!tpu.dma_semaphore, #tpu.memory_space<semaphore_mem>>
      %dma_start3A_32 = arith.constant 0 : i32
      %dma_start3A_33 = arith.constant 0 : i32
      %dma_start3A_34 = tpu.memref_slice %arg3[%add3A, %dma_start3A_32, %dma_start3A_33] : memref<32x125x80xi32, #tpu.memory_space<hbm>> -> memref<1x125x80xi32, #tpu.memory_space<hbm>>
      %dma_start3A_35 = tpu.memref_squeeze %dma_start3A_34 : memref<1x125x80xi32, #tpu.memory_space<hbm>> -> memref<125x80xi32, #tpu.memory_space<hbm>>
      %dma_start3A_36 = arith.constant 0 : i32
      %dma_start3A_37 = arith.constant 0 : i32
      %dma_start3A_38 = tpu.memref_slice %arg3[%add3A, %dma_start3A_36, %dma_start3A_37] : memref<32x125x80xi32, #tpu.memory_space<hbm>> -> memref<1x125x80xi32, #tpu.memory_space<hbm>>
      %dma_start3A_39 = tpu.memref_squeeze %dma_start3A_38 : memref<1x125x80xi32, #tpu.memory_space<hbm>> -> memref<125x80xi32, #tpu.memory_space<hbm>>
      tpu.enqueue_dma source(%dma_start3A_39 : memref<125x80xi32, #tpu.memory_space<hbm>>) target(%arg9 : memref<125x80xi32, #tpu.memory_space<vmem>>) target_semaphore(%run_scoped3A : memref<!tpu.dma_semaphore, #tpu.memory_space<semaphore_mem>>)
      %dma_wait3A = arith.constant 0 : i32
      %dma_wait3A_40 = arith.constant 0 : i32
      %dma_wait3A_41 = tpu.memref_slice %arg3[%add3A, %dma_wait3A, %dma_wait3A_40] : memref<32x125x80xi32, #tpu.memory_space<hbm>> -> memref<1x125x80xi32, #tpu.memory_space<hbm>>
      %dma_wait3A_42 = tpu.memref_squeeze %dma_wait3A_41 : memref<1x125x80xi32, #tpu.memory_space<hbm>> -> memref<125x80xi32, #tpu.memory_space<hbm>>
      %dma_wait3A_43 = arith.constant 0 : i32
      %dma_wait3A_44 = arith.constant 0 : i32
      %dma_wait3A_45 = tpu.memref_slice %arg3[%add3A, %dma_wait3A_43, %dma_wait3A_44] : memref<32x125x80xi32, #tpu.memory_space<hbm>> -> memref<1x125x80xi32, #tpu.memory_space<hbm>>
      %dma_wait3A_46 = tpu.memref_squeeze %dma_wait3A_45 : memref<1x125x80xi32, #tpu.memory_space<hbm>> -> memref<125x80xi32, #tpu.memory_space<hbm>>
      tpu.wait_dma2 semaphore(%run_scoped3A : memref<!tpu.dma_semaphore, #tpu.memory_space<semaphore_mem>>) src(%dma_wait3A_46 : memref<125x80xi32, #tpu.memory_space<hbm>>) dst(%arg9 : memref<125x80xi32, #tpu.memory_space<vmem>>)
      tpu.yield
    }) : () -> ()
    "tpu.region"() ({
      %run_scoped3A = tpu.sem_alloc : memref<!tpu.dma_semaphore, #tpu.memory_space<semaphore_mem>>
      %dma_start3A_32 = arith.constant 0 : i32
      %dma_start3A_33 = arith.constant 0 : i32
      %dma_start3A_34 = tpu.memref_slice %arg4[%add3A, %dma_start3A_32, %dma_start3A_33] : memref<32x125x80xi32, #tpu.memory_space<hbm>> -> memref<1x125x80xi32, #tpu.memory_space<hbm>>
      %dma_start3A_35 = tpu.memref_squeeze %dma_start3A_34 : memref<1x125x80xi32, #tpu.memory_space<hbm>> -> memref<125x80xi32, #tpu.memory_space<hbm>>
      %dma_start3A_36 = arith.constant 0 : i32
      %dma_start3A_37 = arith.constant 0 : i32
      %dma_start3A_38 = tpu.memref_slice %arg4[%add3A, %dma_start3A_36, %dma_start3A_37] : memref<32x125x80xi32, #tpu.memory_space<hbm>> -> memref<1x125x80xi32, #tpu.memory_space<hbm>>
      %dma_start3A_39 = tpu.memref_squeeze %dma_start3A_38 : memref<1x125x80xi32, #tpu.memory_space<hbm>> -> memref<125x80xi32, #tpu.memory_space<hbm>>
      tpu.enqueue_dma source(%dma_start3A_39 : memref<125x80xi32, #tpu.memory_space<hbm>>) target(%arg10 : memref<125x80xi32, #tpu.memory_space<vmem>>) target_semaphore(%run_scoped3A : memref<!tpu.dma_semaphore, #tpu.memory_space<semaphore_mem>>)
      %dma_wait3A = arith.constant 0 : i32
      %dma_wait3A_40 = arith.constant 0 : i32
      %dma_wait3A_41 = tpu.memref_slice %arg4[%add3A, %dma_wait3A, %dma_wait3A_40] : memref<32x125x80xi32, #tpu.memory_space<hbm>> -> memref<1x125x80xi32, #tpu.memory_space<hbm>>
      %dma_wait3A_42 = tpu.memref_squeeze %dma_wait3A_41 : memref<1x125x80xi32, #tpu.memory_space<hbm>> -> memref<125x80xi32, #tpu.memory_space<hbm>>
      %dma_wait3A_43 = arith.constant 0 : i32
      %dma_wait3A_44 = arith.constant 0 : i32
      %dma_wait3A_45 = tpu.memref_slice %arg4[%add3A, %dma_wait3A_43, %dma_wait3A_44] : memref<32x125x80xi32, #tpu.memory_space<hbm>> -> memref<1x125x80xi32, #tpu.memory_space<hbm>>
      %dma_wait3A_46 = tpu.memref_squeeze %dma_wait3A_45 : memref<1x125x80xi32, #tpu.memory_space<hbm>> -> memref<125x80xi32, #tpu.memory_space<hbm>>
      tpu.wait_dma2 semaphore(%run_scoped3A : memref<!tpu.dma_semaphore, #tpu.memory_space<semaphore_mem>>) src(%dma_wait3A_46 : memref<125x80xi32, #tpu.memory_space<hbm>>) dst(%arg10 : memref<125x80xi32, #tpu.memory_space<vmem>>)
      tpu.yield
    }) : () -> ()
    %broadcast_in_dim3A = arith.constant 0.000000e+00 : f32
    %broadcast_in_dim3A_1 = vector.broadcast %broadcast_in_dim3A : f32 to vector<16xf32>
    %scan3A = arith.constant 0 : i32
    %scan3A_2 = arith.constant 640 : i32
    %scan3A_3 = arith.addi %scan3A, %scan3A_2 : i32
    %scan3A_4 = arith.constant 1 : i32
    scf.for %scan3A_32 = %scan3A to %scan3A_3 step %scan3A_4  : i32 {
      %mul3A_33 = arith.constant 1 : i32
      %mul3A_34 = arith.muli %scan3A_32, %mul3A_33 : i32
      %add3A_35 = arith.constant 0 : i32
      %add3A_36 = arith.addi %add3A_35, %mul3A_34 : i32
      %mul3A_37 = arith.constant 16 : i32
      %mul3A_38 = arith.muli %add3A_36, %mul3A_37 : i32
      %swap3A = arith.index_cast %mul3A_38 : i32 to index
      %swap3A_39 = tpu.vector_load %arg8[%swap3A] {strides = array<i32>} : memref<10240xf32, #tpu.memory_space<vmem>>, vector<16xf32>,
      tpu.vector_store %arg8[%swap3A], %broadcast_in_dim3A_1 {strides = array<i32>} : memref<10240xf32, #tpu.memory_space<vmem>>, vector<16xf32>,
    }
    %scan3A_5 = arith.constant 640 : i32
    %dma_start3A = arith.constant 0 : i32
    %dma_start3A_6 = arith.constant 0 : i32
    %dma_start3A_7 = arith.constant 0 : i32
    %dma_start3A_8 = tpu.memref_slice %arg11[%dma_start3A_6, %dma_start3A_7] : memref<160x64xf32, #tpu.memory_space<vmem>> -> memref<80x64xf32, #tpu.memory_space<vmem>>
    %dma_start3A_9 = arith.constant 0 : i32
    %dma_start3A_10 = tpu.memref_slice %arg9[%dma_start3A, %dma_start3A_9] : memref<125x80xi32, #tpu.memory_space<vmem>> -> memref<1x80xi32, #tpu.memory_space<vmem>>
    %dma_start3A_11 = tpu.memref_squeeze %dma_start3A_10 : memref<1x80xi32, #tpu.memory_space<vmem>> -> memref<80xi32, #tpu.memory_space<vmem>>
    %dma_start3A_12 = arith.constant 0 : i32
    %dma_start3A_13 = arith.constant 0 : i32
    %dma_start3A_14 = tpu.memref_slice %arg2[%dma_start3A_12, %dma_start3A_13] : memref<10000x64xf32, #tpu.memory_space<hbm>> -> memref<10000x64xf32, #tpu.memory_space<hbm>>
    tpu.enqueue_indirect_dma source(%dma_start3A_14 : memref<10000x64xf32, #tpu.memory_space<hbm>>) target(%dma_start3A_8 : memref<80x64xf32, #tpu.memory_space<vmem>>) offsets(%dma_start3A_11 : memref<80xi32, #tpu.memory_space<vmem>>) semaphore(%arg15 : memref<!tpu.dma_semaphore, #tpu.memory_space<semaphore_mem>>)
    %dma_start3A_15 = arith.constant 0 : i32
    %dma_start3A_16 = arith.constant 0 : i32
    %dma_start3A_17 = arith.constant 0 : i32
    %dma_start3A_18 = tpu.memref_slice %arg12[%dma_start3A_16, %dma_start3A_17] : memref<160x64xf32, #tpu.memory_space<vmem>> -> memref<80x64xf32, #tpu.memory_space<vmem>>
    %dma_start3A_19 = arith.constant 0 : i32
    %dma_start3A_20 = tpu.memref_slice %arg10[%dma_start3A_15, %dma_start3A_19] : memref<125x80xi32, #tpu.memory_space<vmem>> -> memref<1x80xi32, #tpu.memory_space<vmem>>
    %dma_start3A_21 = tpu.memref_squeeze %dma_start3A_20 : memref<1x80xi32, #tpu.memory_space<vmem>> -> memref<80xi32, #tpu.memory_space<vmem>>
    %dma_start3A_22 = arith.constant 0 : i32
    %dma_start3A_23 = arith.constant 0 : i32
    %dma_start3A_24 = tpu.memref_slice %arg2[%dma_start3A_22, %dma_start3A_23] : memref<10000x64xf32, #tpu.memory_space<hbm>> -> memref<10000x64xf32, #tpu.memory_space<hbm>>
    tpu.enqueue_indirect_dma source(%dma_start3A_24 : memref<10000x64xf32, #tpu.memory_space<hbm>>) target(%dma_start3A_18 : memref<80x64xf32, #tpu.memory_space<vmem>>) offsets(%dma_start3A_21 : memref<80xi32, #tpu.memory_space<vmem>>) semaphore(%arg15 : memref<!tpu.dma_semaphore, #tpu.memory_space<semaphore_mem>>)
    %scan3A_25 = arith.constant 0 : i32
    %scan3A_26 = arith.constant 125 : i32
    %scan3A_27 = arith.addi %scan3A_25, %scan3A_26 : i32
    %scan3A_28 = arith.constant 1 : i32
    scf.for %scan3A_32 = %scan3A_25 to %scan3A_27 step %scan3A_28  : i32 {
      %mul3A_33 = arith.constant 1 : i32
      %mul3A_34 = arith.muli %scan3A_32, %mul3A_33 : i32
      %add3A_35 = arith.constant 0 : i32
      %add3A_36 = arith.addi %add3A_35, %mul3A_34 : i32
      %and3A = arith.constant 1 : i32
      %and3A_37 = arith.andi %add3A_36, %and3A : i32
      %mul3A_38 = arith.constant 80 : i32
      %mul3A_39 = arith.muli %and3A_37, %mul3A_38 : i32
      %sub3A = arith.constant 80 : i32
      %sub3A_40 = arith.subi %sub3A, %mul3A_39 : i32
      %add3A_41 = arith.constant 1 : i32
      %add3A_42 = arith.addi %add3A_36, %add3A_41 : i32
      %lt3A = arith.constant 125 : i32
      %lt3A_43 = arith.cmpi slt, %add3A_42, %lt3A : i32
      %convert_element_type3A = arith.extui %lt3A_43 : i1 to i32
      %cond3A = arith.constant 0 : i32
      %cond3A_44 = arith.cmpi ne, %convert_element_type3A, %cond3A : i32
      scf.if %cond3A_44 {
        %add3A_69 = arith.constant 1 : i32
        %add3A_70 = arith.addi %add3A_36, %add3A_69 : i32
        %dma_start3A_71 = arith.constant 0 : i32
        %dma_start3A_72 = tpu.memref_slice %arg11[%sub3A_40, %dma_start3A_71] : memref<160x64xf32, #tpu.memory_space<vmem>> -> memref<80x64xf32, #tpu.memory_space<vmem>>
        %dma_start3A_73 = arith.constant 0 : i32
        %dma_start3A_74 = tpu.memref_slice %arg9[%add3A_70, %dma_start3A_73] : memref<125x80xi32, #tpu.memory_space<vmem>> -> memref<1x80xi32, #tpu.memory_space<vmem>>
        %dma_start3A_75 = tpu.memref_squeeze %dma_start3A_74 : memref<1x80xi32, #tpu.memory_space<vmem>> -> memref<80xi32, #tpu.memory_space<vmem>>
        %dma_start3A_76 = arith.constant 0 : i32
        %dma_start3A_77 = arith.constant 0 : i32
        %dma_start3A_78 = tpu.memref_slice %arg2[%dma_start3A_76, %dma_start3A_77] : memref<10000x64xf32, #tpu.memory_space<hbm>> -> memref<10000x64xf32, #tpu.memory_space<hbm>>
        tpu.enqueue_indirect_dma source(%dma_start3A_78 : memref<10000x64xf32, #tpu.memory_space<hbm>>) target(%dma_start3A_72 : memref<80x64xf32, #tpu.memory_space<vmem>>) offsets(%dma_start3A_75 : memref<80xi32, #tpu.memory_space<vmem>>) semaphore(%arg15 : memref<!tpu.dma_semaphore, #tpu.memory_space<semaphore_mem>>)
        %add3A_79 = arith.constant 1 : i32
        %add3A_80 = arith.addi %add3A_36, %add3A_79 : i32
        %dma_start3A_81 = arith.constant 0 : i32
        %dma_start3A_82 = tpu.memref_slice %arg12[%sub3A_40, %dma_start3A_81] : memref<160x64xf32, #tpu.memory_space<vmem>> -> memref<80x64xf32, #tpu.memory_space<vmem>>
        %dma_start3A_83 = arith.constant 0 : i32
        %dma_start3A_84 = tpu.memref_slice %arg10[%add3A_80, %dma_start3A_83] : memref<125x80xi32, #tpu.memory_space<vmem>> -> memref<1x80xi32, #tpu.memory_space<vmem>>
        %dma_start3A_85 = tpu.memref_squeeze %dma_start3A_84 : memref<1x80xi32, #tpu.memory_space<vmem>> -> memref<80xi32, #tpu.memory_space<vmem>>
        %dma_start3A_86 = arith.constant 0 : i32
        %dma_start3A_87 = arith.constant 0 : i32
        %dma_start3A_88 = tpu.memref_slice %arg2[%dma_start3A_86, %dma_start3A_87] : memref<10000x64xf32, #tpu.memory_space<hbm>> -> memref<10000x64xf32, #tpu.memory_space<hbm>>
        tpu.enqueue_indirect_dma source(%dma_start3A_88 : memref<10000x64xf32, #tpu.memory_space<hbm>>) target(%dma_start3A_82 : memref<80x64xf32, #tpu.memory_space<vmem>>) offsets(%dma_start3A_85 : memref<80xi32, #tpu.memory_space<vmem>>) semaphore(%arg15 : memref<!tpu.dma_semaphore, #tpu.memory_space<semaphore_mem>>)
      } else {
      }
      %dma_wait3A = arith.constant 0 : i32
      %dma_wait3A_45 = tpu.memref_slice %arg11[%mul3A_39, %dma_wait3A] : memref<160x64xf32, #tpu.memory_space<vmem>> -> memref<80x64xf32, #tpu.memory_space<vmem>>
      %dma_wait3A_46 = arith.constant 0 : i32
      %dma_wait3A_47 = tpu.memref_slice %arg9[%add3A_36, %dma_wait3A_46] : memref<125x80xi32, #tpu.memory_space<vmem>> -> memref<1x80xi32, #tpu.memory_space<vmem>>
      %dma_wait3A_48 = tpu.memref_squeeze %dma_wait3A_47 : memref<1x80xi32, #tpu.memory_space<vmem>> -> memref<80xi32, #tpu.memory_space<vmem>>
      %dma_wait3A_49 = arith.constant 0 : i32
      %dma_wait3A_50 = arith.constant 0 : i32
      %dma_wait3A_51 = tpu.memref_slice %arg2[%dma_wait3A_49, %dma_wait3A_50] : memref<10000x64xf32, #tpu.memory_space<hbm>> -> memref<10000x64xf32, #tpu.memory_space<hbm>>
      tpu.wait_indirect_dma semaphore(%arg15 : memref<!tpu.dma_semaphore, #tpu.memory_space<semaphore_mem>>) src(%dma_wait3A_51 : memref<10000x64xf32, #tpu.memory_space<hbm>>) dst(%dma_wait3A_45 : memref<80x64xf32, #tpu.memory_space<vmem>>)
      %dma_wait3A_52 = arith.constant 0 : i32
      %dma_wait3A_53 = tpu.memref_slice %arg12[%mul3A_39, %dma_wait3A_52] : memref<160x64xf32, #tpu.memory_space<vmem>> -> memref<80x64xf32, #tpu.memory_space<vmem>>
      %dma_wait3A_54 = arith.constant 0 : i32
      %dma_wait3A_55 = tpu.memref_slice %arg10[%add3A_36, %dma_wait3A_54] : memref<125x80xi32, #tpu.memory_space<vmem>> -> memref<1x80xi32, #tpu.memory_space<vmem>>
      %dma_wait3A_56 = tpu.memref_squeeze %dma_wait3A_55 : memref<1x80xi32, #tpu.memory_space<vmem>> -> memref<80xi32, #tpu.memory_space<vmem>>
      %dma_wait3A_57 = arith.constant 0 : i32
      %dma_wait3A_58 = arith.constant 0 : i32
      %dma_wait3A_59 = tpu.memref_slice %arg2[%dma_wait3A_57, %dma_wait3A_58] : memref<10000x64xf32, #tpu.memory_space<hbm>> -> memref<10000x64xf32, #tpu.memory_space<hbm>>
      tpu.wait_indirect_dma semaphore(%arg15 : memref<!tpu.dma_semaphore, #tpu.memory_space<semaphore_mem>>) src(%dma_wait3A_59 : memref<10000x64xf32, #tpu.memory_space<hbm>>) dst(%dma_wait3A_53 : memref<80x64xf32, #tpu.memory_space<vmem>>)
      %broadcast_in_dim3A_60 = arith.constant 0 : i32
      %broadcast_in_dim3A_61 = vector.broadcast %broadcast_in_dim3A_60 : i32 to vector<16xi32>
      %add3A_62 = vector.broadcast %add3A_36 : i32 to vector<16xi32>
      %add3A_63 = arith.addi %broadcast_in_dim3A_61, %add3A_62 : vector<16xi32>
      %scan3A_64 = arith.constant 0 : i32
      %scan3A_65 = arith.constant 5 : i32
      %scan3A_66 = arith.addi %scan3A_64, %scan3A_65 : i32
      %scan3A_67 = arith.constant 1 : i32
      scf.for %scan3A_69 = %scan3A_64 to %scan3A_66 step %scan3A_67  : i32 {
        %mul3A_70 = arith.constant 1 : i32
        %mul3A_71 = arith.muli %scan3A_69, %mul3A_70 : i32
        %add3A_72 = arith.constant 0 : i32
        %add3A_73 = arith.addi %add3A_72, %mul3A_71 : i32
        %mul3A_74 = arith.constant 16 : i32
        %mul3A_75 = arith.muli %add3A_73, %mul3A_74 : i32
        %add3A_76 = vector.broadcast %mul3A_75 : i32 to vector<16xi32>
        %add3A_77 = arith.addi %iota3A, %add3A_76 : vector<16xi32>
        %add3A_78 = vector.broadcast %mul3A_39 : i32 to vector<16xi32>
        %add3A_79 = arith.addi %add3A_77, %add3A_78 : vector<16xi32>
        %broadcast_in_dim3A_80 = arith.constant 0.000000e+00 : f32
        %broadcast_in_dim3A_81 = vector.broadcast %broadcast_in_dim3A_80 : f32 to vector<16xf32>
        %broadcast_in_dim3A_82 = arith.constant 0.000000e+00 : f32
        %broadcast_in_dim3A_83 = vector.broadcast %broadcast_in_dim3A_82 : f32 to vector<16xf32>
        %broadcast_in_dim3A_84 = arith.constant 0.000000e+00 : f32
        %broadcast_in_dim3A_85 = vector.broadcast %broadcast_in_dim3A_84 : f32 to vector<16xf32>
        %broadcast_in_dim3A_86 = arith.constant 0.000000e+00 : f32
        %broadcast_in_dim3A_87 = vector.broadcast %broadcast_in_dim3A_86 : f32 to vector<16xf32>
        %add3A_88 = arith.constant 0 : i32
        %add3A_89 = vector.broadcast %add3A_88 : i32 to vector<16xi32>
        %add3A_90 = arith.addi %iota3A, %add3A_89 : vector<16xi32>
        %and3A_91 = arith.constant 63 : i32
        %and3A_92 = vector.broadcast %and3A_91 : i32 to vector<16xi32>
        %and3A_93 = arith.andi %add3A_90, %and3A_92 : vector<16xi32>
        %gather3A = tpu.vector_load_idx %arg11[%add3A_79, %and3A_93] : memref<160x64xf32, #tpu.memory_space<vmem>>[vector<16xi32>, vector<16xi32>], vector<16xf32>,
        %gather3A_94 = tpu.vector_load_idx %arg12[%add3A_79, %and3A_93] : memref<160x64xf32, #tpu.memory_space<vmem>>[vector<16xi32>, vector<16xi32>], vector<16xf32>,
        %get3A = arith.constant 0 : index
        %get3A_95 = tpu.vector_load %arg14[%get3A] {strides = array<i32>} : memref<1024xf32, #tpu.memory_space<vmem>>, vector<16xf32>,
        %sub3A_96 = arith.subf %gather3A, %gather3A_94 : vector<16xf32>
        %abs3A = math.absf %sub3A_96 : vector<16xf32>
        %mul3A_97 = arith.mulf %get3A_95, %abs3A : vector<16xf32>
        %add3A_98 = arith.addf %broadcast_in_dim3A_81, %mul3A_97 : vector<16xf32>
        %add3A_99 = arith.constant 1 : i32
        %add3A_100 = vector.broadcast %add3A_99 : i32 to vector<16xi32>
        %add3A_101 = arith.addi %iota3A, %add3A_100 : vector<16xi32>
        %and3A_102 = arith.constant 63 : i32
        %and3A_103 = vector.broadcast %and3A_102 : i32 to vector<16xi32>
        %and3A_104 = arith.andi %add3A_101, %and3A_103 : vector<16xi32>
        %gather3A_105 = tpu.vector_load_idx %arg11[%add3A_79, %and3A_104] : memref<160x64xf32, #tpu.memory_space<vmem>>[vector<16xi32>, vector<16xi32>], vector<16xf32>,
        %gather3A_106 = tpu.vector_load_idx %arg12[%add3A_79, %and3A_104] : memref<160x64xf32, #tpu.memory_space<vmem>>[vector<16xi32>, vector<16xi32>], vector<16xf32>,
        %get3A_107 = arith.constant 16 : index
        %get3A_108 = tpu.vector_load %arg14[%get3A_107] {strides = array<i32>} : memref<1024xf32, #tpu.memory_space<vmem>>, vector<16xf32>,
        %sub3A_109 = arith.subf %gather3A_105, %gather3A_106 : vector<16xf32>
        %abs3A_110 = math.absf %sub3A_109 : vector<16xf32>
        %mul3A_111 = arith.mulf %get3A_108, %abs3A_110 : vector<16xf32>
        %add3A_112 = arith.addf %broadcast_in_dim3A_83, %mul3A_111 : vector<16xf32>
        %add3A_113 = arith.constant 2 : i32
        %add3A_114 = vector.broadcast %add3A_113 : i32 to vector<16xi32>
        %add3A_115 = arith.addi %iota3A, %add3A_114 : vector<16xi32>
        %and3A_116 = arith.constant 63 : i32
        %and3A_117 = vector.broadcast %and3A_116 : i32 to vector<16xi32>
        %and3A_118 = arith.andi %add3A_115, %and3A_117 : vector<16xi32>
        %gather3A_119 = tpu.vector_load_idx %arg11[%add3A_79, %and3A_118] : memref<160x64xf32, #tpu.memory_space<vmem>>[vector<16xi32>, vector<16xi32>], vector<16xf32>,
        %gather3A_120 = tpu.vector_load_idx %arg12[%add3A_79, %and3A_118] : memref<160x64xf32, #tpu.memory_space<vmem>>[vector<16xi32>, vector<16xi32>], vector<16xf32>,
        %get3A_121 = arith.constant 32 : index
        %get3A_122 = tpu.vector_load %arg14[%get3A_121] {strides = array<i32>} : memref<1024xf32, #tpu.memory_space<vmem>>, vector<16xf32>,
        %sub3A_123 = arith.subf %gather3A_119, %gather3A_120 : vector<16xf32>
        %abs3A_124 = math.absf %sub3A_123 : vector<16xf32>
        %mul3A_125 = arith.mulf %get3A_122, %abs3A_124 : vector<16xf32>
        %add3A_126 = arith.addf %broadcast_in_dim3A_85, %mul3A_125 : vector<16xf32>
        %add3A_127 = arith.constant 3 : i32
        %add3A_128 = vector.broadcast %add3A_127 : i32 to vector<16xi32>
        %add3A_129 = arith.addi %iota3A, %add3A_128 : vector<16xi32>
        %and3A_130 = arith.constant 63 : i32
        %and3A_131 = vector.broadcast %and3A_130 : i32 to vector<16xi32>
        %and3A_132 = arith.andi %add3A_129, %and3A_131 : vector<16xi32>
        %gather3A_133 = tpu.vector_load_idx %arg11[%add3A_79, %and3A_132] : memref<160x64xf32, #tpu.memory_space<vmem>>[vector<16xi32>, vector<16xi32>], vector<16xf32>,
        %gather3A_134 = tpu.vector_load_idx %arg12[%add3A_79, %and3A_132] : memref<160x64xf32, #tpu.memory_space<vmem>>[vector<16xi32>, vector<16xi32>], vector<16xf32>,
        %get3A_135 = arith.constant 48 : index
        %get3A_136 = tpu.vector_load %arg14[%get3A_135] {strides = array<i32>} : memref<1024xf32, #tpu.memory_space<vmem>>, vector<16xf32>,
        %sub3A_137 = arith.subf %gather3A_133, %gather3A_134 : vector<16xf32>
        %abs3A_138 = math.absf %sub3A_137 : vector<16xf32>
        %mul3A_139 = arith.mulf %get3A_136, %abs3A_138 : vector<16xf32>
        %add3A_140 = arith.addf %broadcast_in_dim3A_87, %mul3A_139 : vector<16xf32>
        %add3A_141 = arith.constant 4 : i32
        %add3A_142 = vector.broadcast %add3A_141 : i32 to vector<16xi32>
        %add3A_143 = arith.addi %iota3A, %add3A_142 : vector<16xi32>
        %and3A_144 = arith.constant 63 : i32
        %and3A_145 = vector.broadcast %and3A_144 : i32 to vector<16xi32>
        %and3A_146 = arith.andi %add3A_143, %and3A_145 : vector<16xi32>
        %gather3A_147 = tpu.vector_load_idx %arg11[%add3A_79, %and3A_146] : memref<160x64xf32, #tpu.memory_space<vmem>>[vector<16xi32>, vector<16xi32>], vector<16xf32>,
        %gather3A_148 = tpu.vector_load_idx %arg12[%add3A_79, %and3A_146] : memref<160x64xf32, #tpu.memory_space<vmem>>[vector<16xi32>, vector<16xi32>], vector<16xf32>,
        %get3A_149 = arith.constant 64 : index
        %get3A_150 = tpu.vector_load %arg14[%get3A_149] {strides = array<i32>} : memref<1024xf32, #tpu.memory_space<vmem>>, vector<16xf32>,
        %sub3A_151 = arith.subf %gather3A_147, %gather3A_148 : vector<16xf32>
        %abs3A_152 = math.absf %sub3A_151 : vector<16xf32>
        %mul3A_153 = arith.mulf %get3A_150, %abs3A_152 : vector<16xf32>
        %add3A_154 = arith.addf %add3A_98, %mul3A_153 : vector<16xf32>
        %add3A_155 = arith.constant 5 : i32
        %add3A_156 = vector.broadcast %add3A_155 : i32 to vector<16xi32>
        %add3A_157 = arith.addi %iota3A, %add3A_156 : vector<16xi32>
        %and3A_158 = arith.constant 63 : i32
        %and3A_159 = vector.broadcast %and3A_158 : i32 to vector<16xi32>
        %and3A_160 = arith.andi %add3A_157, %and3A_159 : vector<16xi32>
        %gather3A_161 = tpu.vector_load_idx %arg11[%add3A_79, %and3A_160] : memref<160x64xf32, #tpu.memory_space<vmem>>[vector<16xi32>, vector<16xi32>], vector<16xf32>,
        %gather3A_162 = tpu.vector_load_idx %arg12[%add3A_79, %and3A_160] : memref<160x64xf32, #tpu.memory_space<vmem>>[vector<16xi32>, vector<16xi32>], vector<16xf32>,
        %get3A_163 = arith.constant 80 : index
        %get3A_164 = tpu.vector_load %arg14[%get3A_163] {strides = array<i32>} : memref<1024xf32, #tpu.memory_space<vmem>>, vector<16xf32>,
        %sub3A_165 = arith.subf %gather3A_161, %gather3A_162 : vector<16xf32>
        %abs3A_166 = math.absf %sub3A_165 : vector<16xf32>
        %mul3A_167 = arith.mulf %get3A_164, %abs3A_166 : vector<16xf32>
        %add3A_168 = arith.addf %add3A_112, %mul3A_167 : vector<16xf32>
        %add3A_169 = arith.constant 6 : i32
        %add3A_170 = vector.broadcast %add3A_169 : i32 to vector<16xi32>
        %add3A_171 = arith.addi %iota3A, %add3A_170 : vector<16xi32>
        %and3A_172 = arith.constant 63 : i32
        %and3A_173 = vector.broadcast %and3A_172 : i32 to vector<16xi32>
        %and3A_174 = arith.andi %add3A_171, %and3A_173 : vector<16xi32>
        %gather3A_175 = tpu.vector_load_idx %arg11[%add3A_79, %and3A_174] : memref<160x64xf32, #tpu.memory_space<vmem>>[vector<16xi32>, vector<16xi32>], vector<16xf32>,
        %gather3A_176 = tpu.vector_load_idx %arg12[%add3A_79, %and3A_174] : memref<160x64xf32, #tpu.memory_space<vmem>>[vector<16xi32>, vector<16xi32>], vector<16xf32>,
        %get3A_177 = arith.constant 96 : index
        %get3A_178 = tpu.vector_load %arg14[%get3A_177] {strides = array<i32>} : memref<1024xf32, #tpu.memory_space<vmem>>, vector<16xf32>,
        %sub3A_179 = arith.subf %gather3A_175, %gather3A_176 : vector<16xf32>
        %abs3A_180 = math.absf %sub3A_179 : vector<16xf32>
        %mul3A_181 = arith.mulf %get3A_178, %abs3A_180 : vector<16xf32>
        %add3A_182 = arith.addf %add3A_126, %mul3A_181 : vector<16xf32>
        %add3A_183 = arith.constant 7 : i32
        %add3A_184 = vector.broadcast %add3A_183 : i32 to vector<16xi32>
        %add3A_185 = arith.addi %iota3A, %add3A_184 : vector<16xi32>
        %and3A_186 = arith.constant 63 : i32
        %and3A_187 = vector.broadcast %and3A_186 : i32 to vector<16xi32>
        %and3A_188 = arith.andi %add3A_185, %and3A_187 : vector<16xi32>
        %gather3A_189 = tpu.vector_load_idx %arg11[%add3A_79, %and3A_188] : memref<160x64xf32, #tpu.memory_space<vmem>>[vector<16xi32>, vector<16xi32>], vector<16xf32>,
        %gather3A_190 = tpu.vector_load_idx %arg12[%add3A_79, %and3A_188] : memref<160x64xf32, #tpu.memory_space<vmem>>[vector<16xi32>, vector<16xi32>], vector<16xf32>,
        %get3A_191 = arith.constant 112 : index
        %get3A_192 = tpu.vector_load %arg14[%get3A_191] {strides = array<i32>} : memref<1024xf32, #tpu.memory_space<vmem>>, vector<16xf32>,
        %sub3A_193 = arith.subf %gather3A_189, %gather3A_190 : vector<16xf32>
        %abs3A_194 = math.absf %sub3A_193 : vector<16xf32>
        %mul3A_195 = arith.mulf %get3A_192, %abs3A_194 : vector<16xf32>
        %add3A_196 = arith.addf %add3A_140, %mul3A_195 : vector<16xf32>
        %add3A_197 = arith.constant 8 : i32
        %add3A_198 = vector.broadcast %add3A_197 : i32 to vector<16xi32>
        %add3A_199 = arith.addi %iota3A, %add3A_198 : vector<16xi32>
        %and3A_200 = arith.constant 63 : i32
        %and3A_201 = vector.broadcast %and3A_200 : i32 to vector<16xi32>
        %and3A_202 = arith.andi %add3A_199, %and3A_201 : vector<16xi32>
        %gather3A_203 = tpu.vector_load_idx %arg11[%add3A_79, %and3A_202] : memref<160x64xf32, #tpu.memory_space<vmem>>[vector<16xi32>, vector<16xi32>], vector<16xf32>,
        %gather3A_204 = tpu.vector_load_idx %arg12[%add3A_79, %and3A_202] : memref<160x64xf32, #tpu.memory_space<vmem>>[vector<16xi32>, vector<16xi32>], vector<16xf32>,
        %get3A_205 = arith.constant 128 : index
        %get3A_206 = tpu.vector_load %arg14[%get3A_205] {strides = array<i32>} : memref<1024xf32, #tpu.memory_space<vmem>>, vector<16xf32>,
        %sub3A_207 = arith.subf %gather3A_203, %gather3A_204 : vector<16xf32>
        %abs3A_208 = math.absf %sub3A_207 : vector<16xf32>
        %mul3A_209 = arith.mulf %get3A_206, %abs3A_208 : vector<16xf32>
        %add3A_210 = arith.addf %add3A_154, %mul3A_209 : vector<16xf32>
        %add3A_211 = arith.constant 9 : i32
        %add3A_212 = vector.broadcast %add3A_211 : i32 to vector<16xi32>
        %add3A_213 = arith.addi %iota3A, %add3A_212 : vector<16xi32>
        %and3A_214 = arith.constant 63 : i32
        %and3A_215 = vector.broadcast %and3A_214 : i32 to vector<16xi32>
        %and3A_216 = arith.andi %add3A_213, %and3A_215 : vector<16xi32>
        %gather3A_217 = tpu.vector_load_idx %arg11[%add3A_79, %and3A_216] : memref<160x64xf32, #tpu.memory_space<vmem>>[vector<16xi32>, vector<16xi32>], vector<16xf32>,
        %gather3A_218 = tpu.vector_load_idx %arg12[%add3A_79, %and3A_216] : memref<160x64xf32, #tpu.memory_space<vmem>>[vector<16xi32>, vector<16xi32>], vector<16xf32>,
        %get3A_219 = arith.constant 144 : index
        %get3A_220 = tpu.vector_load %arg14[%get3A_219] {strides = array<i32>} : memref<1024xf32, #tpu.memory_space<vmem>>, vector<16xf32>,
        %sub3A_221 = arith.subf %gather3A_217, %gather3A_218 : vector<16xf32>
        %abs3A_222 = math.absf %sub3A_221 : vector<16xf32>
        %mul3A_223 = arith.mulf %get3A_220, %abs3A_222 : vector<16xf32>
        %add3A_224 = arith.addf %add3A_168, %mul3A_223 : vector<16xf32>
        %add3A_225 = arith.constant 10 : i32
        %add3A_226 = vector.broadcast %add3A_225 : i32 to vector<16xi32>
        %add3A_227 = arith.addi %iota3A, %add3A_226 : vector<16xi32>
        %and3A_228 = arith.constant 63 : i32
        %and3A_229 = vector.broadcast %and3A_228 : i32 to vector<16xi32>
        %and3A_230 = arith.andi %add3A_227, %and3A_229 : vector<16xi32>
        %gather3A_231 = tpu.vector_load_idx %arg11[%add3A_79, %and3A_230] : memref<160x64xf32, #tpu.memory_space<vmem>>[vector<16xi32>, vector<16xi32>], vector<16xf32>,
        %gather3A_232 = tpu.vector_load_idx %arg12[%add3A_79, %and3A_230] : memref<160x64xf32, #tpu.memory_space<vmem>>[vector<16xi32>, vector<16xi32>], vector<16xf32>,
        %get3A_233 = arith.constant 160 : index
        %get3A_234 = tpu.vector_load %arg14[%get3A_233] {strides = array<i32>} : memref<1024xf32, #tpu.memory_space<vmem>>, vector<16xf32>,
        %sub3A_235 = arith.subf %gather3A_231, %gather3A_232 : vector<16xf32>
        %abs3A_236 = math.absf %sub3A_235 : vector<16xf32>
        %mul3A_237 = arith.mulf %get3A_234, %abs3A_236 : vector<16xf32>
        %add3A_238 = arith.addf %add3A_182, %mul3A_237 : vector<16xf32>
        %add3A_239 = arith.constant 11 : i32
        %add3A_240 = vector.broadcast %add3A_239 : i32 to vector<16xi32>
        %add3A_241 = arith.addi %iota3A, %add3A_240 : vector<16xi32>
        %and3A_242 = arith.constant 63 : i32
        %and3A_243 = vector.broadcast %and3A_242 : i32 to vector<16xi32>
        %and3A_244 = arith.andi %add3A_241, %and3A_243 : vector<16xi32>
        %gather3A_245 = tpu.vector_load_idx %arg11[%add3A_79, %and3A_244] : memref<160x64xf32, #tpu.memory_space<vmem>>[vector<16xi32>, vector<16xi32>], vector<16xf32>,
        %gather3A_246 = tpu.vector_load_idx %arg12[%add3A_79, %and3A_244] : memref<160x64xf32, #tpu.memory_space<vmem>>[vector<16xi32>, vector<16xi32>], vector<16xf32>,
        %get3A_247 = arith.constant 176 : index
        %get3A_248 = tpu.vector_load %arg14[%get3A_247] {strides = array<i32>} : memref<1024xf32, #tpu.memory_space<vmem>>, vector<16xf32>,
        %sub3A_249 = arith.subf %gather3A_245, %gather3A_246 : vector<16xf32>
        %abs3A_250 = math.absf %sub3A_249 : vector<16xf32>
        %mul3A_251 = arith.mulf %get3A_248, %abs3A_250 : vector<16xf32>
        %add3A_252 = arith.addf %add3A_196, %mul3A_251 : vector<16xf32>
        %add3A_253 = arith.constant 12 : i32
        %add3A_254 = vector.broadcast %add3A_253 : i32 to vector<16xi32>
        %add3A_255 = arith.addi %iota3A, %add3A_254 : vector<16xi32>
        %and3A_256 = arith.constant 63 : i32
        %and3A_257 = vector.broadcast %and3A_256 : i32 to vector<16xi32>
        %and3A_258 = arith.andi %add3A_255, %and3A_257 : vector<16xi32>
        %gather3A_259 = tpu.vector_load_idx %arg11[%add3A_79, %and3A_258] : memref<160x64xf32, #tpu.memory_space<vmem>>[vector<16xi32>, vector<16xi32>], vector<16xf32>,
        %gather3A_260 = tpu.vector_load_idx %arg12[%add3A_79, %and3A_258] : memref<160x64xf32, #tpu.memory_space<vmem>>[vector<16xi32>, vector<16xi32>], vector<16xf32>,
        %get3A_261 = arith.constant 192 : index
        %get3A_262 = tpu.vector_load %arg14[%get3A_261] {strides = array<i32>} : memref<1024xf32, #tpu.memory_space<vmem>>, vector<16xf32>,
        %sub3A_263 = arith.subf %gather3A_259, %gather3A_260 : vector<16xf32>
        %abs3A_264 = math.absf %sub3A_263 : vector<16xf32>
        %mul3A_265 = arith.mulf %get3A_262, %abs3A_264 : vector<16xf32>
        %add3A_266 = arith.addf %add3A_210, %mul3A_265 : vector<16xf32>
        %add3A_267 = arith.constant 13 : i32
        %add3A_268 = vector.broadcast %add3A_267 : i32 to vector<16xi32>
        %add3A_269 = arith.addi %iota3A, %add3A_268 : vector<16xi32>
        %and3A_270 = arith.constant 63 : i32
        %and3A_271 = vector.broadcast %and3A_270 : i32 to vector<16xi32>
        %and3A_272 = arith.andi %add3A_269, %and3A_271 : vector<16xi32>
        %gather3A_273 = tpu.vector_load_idx %arg11[%add3A_79, %and3A_272] : memref<160x64xf32, #tpu.memory_space<vmem>>[vector<16xi32>, vector<16xi32>], vector<16xf32>,
        %gather3A_274 = tpu.vector_load_idx %arg12[%add3A_79, %and3A_272] : memref<160x64xf32, #tpu.memory_space<vmem>>[vector<16xi32>, vector<16xi32>], vector<16xf32>,
        %get3A_275 = arith.constant 208 : index
        %get3A_276 = tpu.vector_load %arg14[%get3A_275] {strides = array<i32>} : memref<1024xf32, #tpu.memory_space<vmem>>, vector<16xf32>,
        %sub3A_277 = arith.subf %gather3A_273, %gather3A_274 : vector<16xf32>
        %abs3A_278 = math.absf %sub3A_277 : vector<16xf32>
        %mul3A_279 = arith.mulf %get3A_276, %abs3A_278 : vector<16xf32>
        %add3A_280 = arith.addf %add3A_224, %mul3A_279 : vector<16xf32>
        %add3A_281 = arith.constant 14 : i32
        %add3A_282 = vector.broadcast %add3A_281 : i32 to vector<16xi32>
        %add3A_283 = arith.addi %iota3A, %add3A_282 : vector<16xi32>
        %and3A_284 = arith.constant 63 : i32
        %and3A_285 = vector.broadcast %and3A_284 : i32 to vector<16xi32>
        %and3A_286 = arith.andi %add3A_283, %and3A_285 : vector<16xi32>
        %gather3A_287 = tpu.vector_load_idx %arg11[%add3A_79, %and3A_286] : memref<160x64xf32, #tpu.memory_space<vmem>>[vector<16xi32>, vector<16xi32>], vector<16xf32>,
        %gather3A_288 = tpu.vector_load_idx %arg12[%add3A_79, %and3A_286] : memref<160x64xf32, #tpu.memory_space<vmem>>[vector<16xi32>, vector<16xi32>], vector<16xf32>,
        %get3A_289 = arith.constant 224 : index
        %get3A_290 = tpu.vector_load %arg14[%get3A_289] {strides = array<i32>} : memref<1024xf32, #tpu.memory_space<vmem>>, vector<16xf32>,
        %sub3A_291 = arith.subf %gather3A_287, %gather3A_288 : vector<16xf32>
        %abs3A_292 = math.absf %sub3A_291 : vector<16xf32>
        %mul3A_293 = arith.mulf %get3A_290, %abs3A_292 : vector<16xf32>
        %add3A_294 = arith.addf %add3A_238, %mul3A_293 : vector<16xf32>
        %add3A_295 = arith.constant 15 : i32
        %add3A_296 = vector.broadcast %add3A_295 : i32 to vector<16xi32>
        %add3A_297 = arith.addi %iota3A, %add3A_296 : vector<16xi32>
        %and3A_298 = arith.constant 63 : i32
        %and3A_299 = vector.broadcast %and3A_298 : i32 to vector<16xi32>
        %and3A_300 = arith.andi %add3A_297, %and3A_299 : vector<16xi32>
        %gather3A_301 = tpu.vector_load_idx %arg11[%add3A_79, %and3A_300] : memref<160x64xf32, #tpu.memory_space<vmem>>[vector<16xi32>, vector<16xi32>], vector<16xf32>,
        %gather3A_302 = tpu.vector_load_idx %arg12[%add3A_79, %and3A_300] : memref<160x64xf32, #tpu.memory_space<vmem>>[vector<16xi32>, vector<16xi32>], vector<16xf32>,
        %get3A_303 = arith.constant 240 : index
        %get3A_304 = tpu.vector_load %arg14[%get3A_303] {strides = array<i32>} : memref<1024xf32, #tpu.memory_space<vmem>>, vector<16xf32>,
        %sub3A_305 = arith.subf %gather3A_301, %gather3A_302 : vector<16xf32>
        %abs3A_306 = math.absf %sub3A_305 : vector<16xf32>
        %mul3A_307 = arith.mulf %get3A_304, %abs3A_306 : vector<16xf32>
        %add3A_308 = arith.addf %add3A_252, %mul3A_307 : vector<16xf32>
        %add3A_309 = arith.constant 16 : i32
        %add3A_310 = vector.broadcast %add3A_309 : i32 to vector<16xi32>
        %add3A_311 = arith.addi %iota3A, %add3A_310 : vector<16xi32>
        %and3A_312 = arith.constant 63 : i32
        %and3A_313 = vector.broadcast %and3A_312 : i32 to vector<16xi32>
        %and3A_314 = arith.andi %add3A_311, %and3A_313 : vector<16xi32>
        %gather3A_315 = tpu.vector_load_idx %arg11[%add3A_79, %and3A_314] : memref<160x64xf32, #tpu.memory_space<vmem>>[vector<16xi32>, vector<16xi32>], vector<16xf32>,
        %gather3A_316 = tpu.vector_load_idx %arg12[%add3A_79, %and3A_314] : memref<160x64xf32, #tpu.memory_space<vmem>>[vector<16xi32>, vector<16xi32>], vector<16xf32>,
        %get3A_317 = arith.constant 256 : index
        %get3A_318 = tpu.vector_load %arg14[%get3A_317] {strides = array<i32>} : memref<1024xf32, #tpu.memory_space<vmem>>, vector<16xf32>,
        %sub3A_319 = arith.subf %gather3A_315, %gather3A_316 : vector<16xf32>
        %abs3A_320 = math.absf %sub3A_319 : vector<16xf32>
        %mul3A_321 = arith.mulf %get3A_318, %abs3A_320 : vector<16xf32>
        %add3A_322 = arith.addf %add3A_266, %mul3A_321 : vector<16xf32>
        %add3A_323 = arith.constant 17 : i32
        %add3A_324 = vector.broadcast %add3A_323 : i32 to vector<16xi32>
        %add3A_325 = arith.addi %iota3A, %add3A_324 : vector<16xi32>
        %and3A_326 = arith.constant 63 : i32
        %and3A_327 = vector.broadcast %and3A_326 : i32 to vector<16xi32>
        %and3A_328 = arith.andi %add3A_325, %and3A_327 : vector<16xi32>
        %gather3A_329 = tpu.vector_load_idx %arg11[%add3A_79, %and3A_328] : memref<160x64xf32, #tpu.memory_space<vmem>>[vector<16xi32>, vector<16xi32>], vector<16xf32>,
        %gather3A_330 = tpu.vector_load_idx %arg12[%add3A_79, %and3A_328] : memref<160x64xf32, #tpu.memory_space<vmem>>[vector<16xi32>, vector<16xi32>], vector<16xf32>,
        %get3A_331 = arith.constant 272 : index
        %get3A_332 = tpu.vector_load %arg14[%get3A_331] {strides = array<i32>} : memref<1024xf32, #tpu.memory_space<vmem>>, vector<16xf32>,
        %sub3A_333 = arith.subf %gather3A_329, %gather3A_330 : vector<16xf32>
        %abs3A_334 = math.absf %sub3A_333 : vector<16xf32>
        %mul3A_335 = arith.mulf %get3A_332, %abs3A_334 : vector<16xf32>
        %add3A_336 = arith.addf %add3A_280, %mul3A_335 : vector<16xf32>
        %add3A_337 = arith.constant 18 : i32
        %add3A_338 = vector.broadcast %add3A_337 : i32 to vector<16xi32>
        %add3A_339 = arith.addi %iota3A, %add3A_338 : vector<16xi32>
        %and3A_340 = arith.constant 63 : i32
        %and3A_341 = vector.broadcast %and3A_340 : i32 to vector<16xi32>
        %and3A_342 = arith.andi %add3A_339, %and3A_341 : vector<16xi32>
        %gather3A_343 = tpu.vector_load_idx %arg11[%add3A_79, %and3A_342] : memref<160x64xf32, #tpu.memory_space<vmem>>[vector<16xi32>, vector<16xi32>], vector<16xf32>,
        %gather3A_344 = tpu.vector_load_idx %arg12[%add3A_79, %and3A_342] : memref<160x64xf32, #tpu.memory_space<vmem>>[vector<16xi32>, vector<16xi32>], vector<16xf32>,
        %get3A_345 = arith.constant 288 : index
        %get3A_346 = tpu.vector_load %arg14[%get3A_345] {strides = array<i32>} : memref<1024xf32, #tpu.memory_space<vmem>>, vector<16xf32>,
        %sub3A_347 = arith.subf %gather3A_343, %gather3A_344 : vector<16xf32>
        %abs3A_348 = math.absf %sub3A_347 : vector<16xf32>
        %mul3A_349 = arith.mulf %get3A_346, %abs3A_348 : vector<16xf32>
        %add3A_350 = arith.addf %add3A_294, %mul3A_349 : vector<16xf32>
        %add3A_351 = arith.constant 19 : i32
        %add3A_352 = vector.broadcast %add3A_351 : i32 to vector<16xi32>
        %add3A_353 = arith.addi %iota3A, %add3A_352 : vector<16xi32>
        %and3A_354 = arith.constant 63 : i32
        %and3A_355 = vector.broadcast %and3A_354 : i32 to vector<16xi32>
        %and3A_356 = arith.andi %add3A_353, %and3A_355 : vector<16xi32>
        %gather3A_357 = tpu.vector_load_idx %arg11[%add3A_79, %and3A_356] : memref<160x64xf32, #tpu.memory_space<vmem>>[vector<16xi32>, vector<16xi32>], vector<16xf32>,
        %gather3A_358 = tpu.vector_load_idx %arg12[%add3A_79, %and3A_356] : memref<160x64xf32, #tpu.memory_space<vmem>>[vector<16xi32>, vector<16xi32>], vector<16xf32>,
        %get3A_359 = arith.constant 304 : index
        %get3A_360 = tpu.vector_load %arg14[%get3A_359] {strides = array<i32>} : memref<1024xf32, #tpu.memory_space<vmem>>, vector<16xf32>,
        %sub3A_361 = arith.subf %gather3A_357, %gather3A_358 : vector<16xf32>
        %abs3A_362 = math.absf %sub3A_361 : vector<16xf32>
        %mul3A_363 = arith.mulf %get3A_360, %abs3A_362 : vector<16xf32>
        %add3A_364 = arith.addf %add3A_308, %mul3A_363 : vector<16xf32>
        %add3A_365 = arith.constant 20 : i32
        %add3A_366 = vector.broadcast %add3A_365 : i32 to vector<16xi32>
        %add3A_367 = arith.addi %iota3A, %add3A_366 : vector<16xi32>
        %and3A_368 = arith.constant 63 : i32
        %and3A_369 = vector.broadcast %and3A_368 : i32 to vector<16xi32>
        %and3A_370 = arith.andi %add3A_367, %and3A_369 : vector<16xi32>
        %gather3A_371 = tpu.vector_load_idx %arg11[%add3A_79, %and3A_370] : memref<160x64xf32, #tpu.memory_space<vmem>>[vector<16xi32>, vector<16xi32>], vector<16xf32>,
        %gather3A_372 = tpu.vector_load_idx %arg12[%add3A_79, %and3A_370] : memref<160x64xf32, #tpu.memory_space<vmem>>[vector<16xi32>, vector<16xi32>], vector<16xf32>,
        %get3A_373 = arith.constant 320 : index
        %get3A_374 = tpu.vector_load %arg14[%get3A_373] {strides = array<i32>} : memref<1024xf32, #tpu.memory_space<vmem>>, vector<16xf32>,
        %sub3A_375 = arith.subf %gather3A_371, %gather3A_372 : vector<16xf32>
        %abs3A_376 = math.absf %sub3A_375 : vector<16xf32>
        %mul3A_377 = arith.mulf %get3A_374, %abs3A_376 : vector<16xf32>
        %add3A_378 = arith.addf %add3A_322, %mul3A_377 : vector<16xf32>
        %add3A_379 = arith.constant 21 : i32
        %add3A_380 = vector.broadcast %add3A_379 : i32 to vector<16xi32>
        %add3A_381 = arith.addi %iota3A, %add3A_380 : vector<16xi32>
        %and3A_382 = arith.constant 63 : i32
        %and3A_383 = vector.broadcast %and3A_382 : i32 to vector<16xi32>
        %and3A_384 = arith.andi %add3A_381, %and3A_383 : vector<16xi32>
        %gather3A_385 = tpu.vector_load_idx %arg11[%add3A_79, %and3A_384] : memref<160x64xf32, #tpu.memory_space<vmem>>[vector<16xi32>, vector<16xi32>], vector<16xf32>,
        %gather3A_386 = tpu.vector_load_idx %arg12[%add3A_79, %and3A_384] : memref<160x64xf32, #tpu.memory_space<vmem>>[vector<16xi32>, vector<16xi32>], vector<16xf32>,
        %get3A_387 = arith.constant 336 : index
        %get3A_388 = tpu.vector_load %arg14[%get3A_387] {strides = array<i32>} : memref<1024xf32, #tpu.memory_space<vmem>>, vector<16xf32>,
        %sub3A_389 = arith.subf %gather3A_385, %gather3A_386 : vector<16xf32>
        %abs3A_390 = math.absf %sub3A_389 : vector<16xf32>
        %mul3A_391 = arith.mulf %get3A_388, %abs3A_390 : vector<16xf32>
        %add3A_392 = arith.addf %add3A_336, %mul3A_391 : vector<16xf32>
        %add3A_393 = arith.constant 22 : i32
        %add3A_394 = vector.broadcast %add3A_393 : i32 to vector<16xi32>
        %add3A_395 = arith.addi %iota3A, %add3A_394 : vector<16xi32>
        %and3A_396 = arith.constant 63 : i32
        %and3A_397 = vector.broadcast %and3A_396 : i32 to vector<16xi32>
        %and3A_398 = arith.andi %add3A_395, %and3A_397 : vector<16xi32>
        %gather3A_399 = tpu.vector_load_idx %arg11[%add3A_79, %and3A_398] : memref<160x64xf32, #tpu.memory_space<vmem>>[vector<16xi32>, vector<16xi32>], vector<16xf32>,
        %gather3A_400 = tpu.vector_load_idx %arg12[%add3A_79, %and3A_398] : memref<160x64xf32, #tpu.memory_space<vmem>>[vector<16xi32>, vector<16xi32>], vector<16xf32>,
        %get3A_401 = arith.constant 352 : index
        %get3A_402 = tpu.vector_load %arg14[%get3A_401] {strides = array<i32>} : memref<1024xf32, #tpu.memory_space<vmem>>, vector<16xf32>,
        %sub3A_403 = arith.subf %gather3A_399, %gather3A_400 : vector<16xf32>
        %abs3A_404 = math.absf %sub3A_403 : vector<16xf32>
        %mul3A_405 = arith.mulf %get3A_402, %abs3A_404 : vector<16xf32>
        %add3A_406 = arith.addf %add3A_350, %mul3A_405 : vector<16xf32>
        %add3A_407 = arith.constant 23 : i32
        %add3A_408 = vector.broadcast %add3A_407 : i32 to vector<16xi32>
        %add3A_409 = arith.addi %iota3A, %add3A_408 : vector<16xi32>
        %and3A_410 = arith.constant 63 : i32
        %and3A_411 = vector.broadcast %and3A_410 : i32 to vector<16xi32>
        %and3A_412 = arith.andi %add3A_409, %and3A_411 : vector<16xi32>
        %gather3A_413 = tpu.vector_load_idx %arg11[%add3A_79, %and3A_412] : memref<160x64xf32, #tpu.memory_space<vmem>>[vector<16xi32>, vector<16xi32>], vector<16xf32>,
        %gather3A_414 = tpu.vector_load_idx %arg12[%add3A_79, %and3A_412] : memref<160x64xf32, #tpu.memory_space<vmem>>[vector<16xi32>, vector<16xi32>], vector<16xf32>,
        %get3A_415 = arith.constant 368 : index
        %get3A_416 = tpu.vector_load %arg14[%get3A_415] {strides = array<i32>} : memref<1024xf32, #tpu.memory_space<vmem>>, vector<16xf32>,
        %sub3A_417 = arith.subf %gather3A_413, %gather3A_414 : vector<16xf32>
        %abs3A_418 = math.absf %sub3A_417 : vector<16xf32>
        %mul3A_419 = arith.mulf %get3A_416, %abs3A_418 : vector<16xf32>
        %add3A_420 = arith.addf %add3A_364, %mul3A_419 : vector<16xf32>
        %add3A_421 = arith.constant 24 : i32
        %add3A_422 = vector.broadcast %add3A_421 : i32 to vector<16xi32>
        %add3A_423 = arith.addi %iota3A, %add3A_422 : vector<16xi32>
        %and3A_424 = arith.constant 63 : i32
        %and3A_425 = vector.broadcast %and3A_424 : i32 to vector<16xi32>
        %and3A_426 = arith.andi %add3A_423, %and3A_425 : vector<16xi32>
        %gather3A_427 = tpu.vector_load_idx %arg11[%add3A_79, %and3A_426] : memref<160x64xf32, #tpu.memory_space<vmem>>[vector<16xi32>, vector<16xi32>], vector<16xf32>,
        %gather3A_428 = tpu.vector_load_idx %arg12[%add3A_79, %and3A_426] : memref<160x64xf32, #tpu.memory_space<vmem>>[vector<16xi32>, vector<16xi32>], vector<16xf32>,
        %get3A_429 = arith.constant 384 : index
        %get3A_430 = tpu.vector_load %arg14[%get3A_429] {strides = array<i32>} : memref<1024xf32, #tpu.memory_space<vmem>>, vector<16xf32>,
        %sub3A_431 = arith.subf %gather3A_427, %gather3A_428 : vector<16xf32>
        %abs3A_432 = math.absf %sub3A_431 : vector<16xf32>
        %mul3A_433 = arith.mulf %get3A_430, %abs3A_432 : vector<16xf32>
        %add3A_434 = arith.addf %add3A_378, %mul3A_433 : vector<16xf32>
        %add3A_435 = arith.constant 25 : i32
        %add3A_436 = vector.broadcast %add3A_435 : i32 to vector<16xi32>
        %add3A_437 = arith.addi %iota3A, %add3A_436 : vector<16xi32>
        %and3A_438 = arith.constant 63 : i32
        %and3A_439 = vector.broadcast %and3A_438 : i32 to vector<16xi32>
        %and3A_440 = arith.andi %add3A_437, %and3A_439 : vector<16xi32>
        %gather3A_441 = tpu.vector_load_idx %arg11[%add3A_79, %and3A_440] : memref<160x64xf32, #tpu.memory_space<vmem>>[vector<16xi32>, vector<16xi32>], vector<16xf32>,
        %gather3A_442 = tpu.vector_load_idx %arg12[%add3A_79, %and3A_440] : memref<160x64xf32, #tpu.memory_space<vmem>>[vector<16xi32>, vector<16xi32>], vector<16xf32>,
        %get3A_443 = arith.constant 400 : index
        %get3A_444 = tpu.vector_load %arg14[%get3A_443] {strides = array<i32>} : memref<1024xf32, #tpu.memory_space<vmem>>, vector<16xf32>,
        %sub3A_445 = arith.subf %gather3A_441, %gather3A_442 : vector<16xf32>
        %abs3A_446 = math.absf %sub3A_445 : vector<16xf32>
        %mul3A_447 = arith.mulf %get3A_444, %abs3A_446 : vector<16xf32>
        %add3A_448 = arith.addf %add3A_392, %mul3A_447 : vector<16xf32>
        %add3A_449 = arith.constant 26 : i32
        %add3A_450 = vector.broadcast %add3A_449 : i32 to vector<16xi32>
        %add3A_451 = arith.addi %iota3A, %add3A_450 : vector<16xi32>
        %and3A_452 = arith.constant 63 : i32
        %and3A_453 = vector.broadcast %and3A_452 : i32 to vector<16xi32>
        %and3A_454 = arith.andi %add3A_451, %and3A_453 : vector<16xi32>
        %gather3A_455 = tpu.vector_load_idx %arg11[%add3A_79, %and3A_454] : memref<160x64xf32, #tpu.memory_space<vmem>>[vector<16xi32>, vector<16xi32>], vector<16xf32>,
        %gather3A_456 = tpu.vector_load_idx %arg12[%add3A_79, %and3A_454] : memref<160x64xf32, #tpu.memory_space<vmem>>[vector<16xi32>, vector<16xi32>], vector<16xf32>,
        %get3A_457 = arith.constant 416 : index
        %get3A_458 = tpu.vector_load %arg14[%get3A_457] {strides = array<i32>} : memref<1024xf32, #tpu.memory_space<vmem>>, vector<16xf32>,
        %sub3A_459 = arith.subf %gather3A_455, %gather3A_456 : vector<16xf32>
        %abs3A_460 = math.absf %sub3A_459 : vector<16xf32>
        %mul3A_461 = arith.mulf %get3A_458, %abs3A_460 : vector<16xf32>
        %add3A_462 = arith.addf %add3A_406, %mul3A_461 : vector<16xf32>
        %add3A_463 = arith.constant 27 : i32
        %add3A_464 = vector.broadcast %add3A_463 : i32 to vector<16xi32>
        %add3A_465 = arith.addi %iota3A, %add3A_464 : vector<16xi32>
        %and3A_466 = arith.constant 63 : i32
        %and3A_467 = vector.broadcast %and3A_466 : i32 to vector<16xi32>
        %and3A_468 = arith.andi %add3A_465, %and3A_467 : vector<16xi32>
        %gather3A_469 = tpu.vector_load_idx %arg11[%add3A_79, %and3A_468] : memref<160x64xf32, #tpu.memory_space<vmem>>[vector<16xi32>, vector<16xi32>], vector<16xf32>,
        %gather3A_470 = tpu.vector_load_idx %arg12[%add3A_79, %and3A_468] : memref<160x64xf32, #tpu.memory_space<vmem>>[vector<16xi32>, vector<16xi32>], vector<16xf32>,
        %get3A_471 = arith.constant 432 : index
        %get3A_472 = tpu.vector_load %arg14[%get3A_471] {strides = array<i32>} : memref<1024xf32, #tpu.memory_space<vmem>>, vector<16xf32>,
        %sub3A_473 = arith.subf %gather3A_469, %gather3A_470 : vector<16xf32>
        %abs3A_474 = math.absf %sub3A_473 : vector<16xf32>
        %mul3A_475 = arith.mulf %get3A_472, %abs3A_474 : vector<16xf32>
        %add3A_476 = arith.addf %add3A_420, %mul3A_475 : vector<16xf32>
        %add3A_477 = arith.constant 28 : i32
        %add3A_478 = vector.broadcast %add3A_477 : i32 to vector<16xi32>
        %add3A_479 = arith.addi %iota3A, %add3A_478 : vector<16xi32>
        %and3A_480 = arith.constant 63 : i32
        %and3A_481 = vector.broadcast %and3A_480 : i32 to vector<16xi32>
        %and3A_482 = arith.andi %add3A_479, %and3A_481 : vector<16xi32>
        %gather3A_483 = tpu.vector_load_idx %arg11[%add3A_79, %and3A_482] : memref<160x64xf32, #tpu.memory_space<vmem>>[vector<16xi32>, vector<16xi32>], vector<16xf32>,
        %gather3A_484 = tpu.vector_load_idx %arg12[%add3A_79, %and3A_482] : memref<160x64xf32, #tpu.memory_space<vmem>>[vector<16xi32>, vector<16xi32>], vector<16xf32>,
        %get3A_485 = arith.constant 448 : index
        %get3A_486 = tpu.vector_load %arg14[%get3A_485] {strides = array<i32>} : memref<1024xf32, #tpu.memory_space<vmem>>, vector<16xf32>,
        %sub3A_487 = arith.subf %gather3A_483, %gather3A_484 : vector<16xf32>
        %abs3A_488 = math.absf %sub3A_487 : vector<16xf32>
        %mul3A_489 = arith.mulf %get3A_486, %abs3A_488 : vector<16xf32>
        %add3A_490 = arith.addf %add3A_434, %mul3A_489 : vector<16xf32>
        %add3A_491 = arith.constant 29 : i32
        %add3A_492 = vector.broadcast %add3A_491 : i32 to vector<16xi32>
        %add3A_493 = arith.addi %iota3A, %add3A_492 : vector<16xi32>
        %and3A_494 = arith.constant 63 : i32
        %and3A_495 = vector.broadcast %and3A_494 : i32 to vector<16xi32>
        %and3A_496 = arith.andi %add3A_493, %and3A_495 : vector<16xi32>
        %gather3A_497 = tpu.vector_load_idx %arg11[%add3A_79, %and3A_496] : memref<160x64xf32, #tpu.memory_space<vmem>>[vector<16xi32>, vector<16xi32>], vector<16xf32>,
        %gather3A_498 = tpu.vector_load_idx %arg12[%add3A_79, %and3A_496] : memref<160x64xf32, #tpu.memory_space<vmem>>[vector<16xi32>, vector<16xi32>], vector<16xf32>,
        %get3A_499 = arith.constant 464 : index
        %get3A_500 = tpu.vector_load %arg14[%get3A_499] {strides = array<i32>} : memref<1024xf32, #tpu.memory_space<vmem>>, vector<16xf32>,
        %sub3A_501 = arith.subf %gather3A_497, %gather3A_498 : vector<16xf32>
        %abs3A_502 = math.absf %sub3A_501 : vector<16xf32>
        %mul3A_503 = arith.mulf %get3A_500, %abs3A_502 : vector<16xf32>
        %add3A_504 = arith.addf %add3A_448, %mul3A_503 : vector<16xf32>
        %add3A_505 = arith.constant 30 : i32
        %add3A_506 = vector.broadcast %add3A_505 : i32 to vector<16xi32>
        %add3A_507 = arith.addi %iota3A, %add3A_506 : vector<16xi32>
        %and3A_508 = arith.constant 63 : i32
        %and3A_509 = vector.broadcast %and3A_508 : i32 to vector<16xi32>
        %and3A_510 = arith.andi %add3A_507, %and3A_509 : vector<16xi32>
        %gather3A_511 = tpu.vector_load_idx %arg11[%add3A_79, %and3A_510] : memref<160x64xf32, #tpu.memory_space<vmem>>[vector<16xi32>, vector<16xi32>], vector<16xf32>,
        %gather3A_512 = tpu.vector_load_idx %arg12[%add3A_79, %and3A_510] : memref<160x64xf32, #tpu.memory_space<vmem>>[vector<16xi32>, vector<16xi32>], vector<16xf32>,
        %get3A_513 = arith.constant 480 : index
        %get3A_514 = tpu.vector_load %arg14[%get3A_513] {strides = array<i32>} : memref<1024xf32, #tpu.memory_space<vmem>>, vector<16xf32>,
        %sub3A_515 = arith.subf %gather3A_511, %gather3A_512 : vector<16xf32>
        %abs3A_516 = math.absf %sub3A_515 : vector<16xf32>
        %mul3A_517 = arith.mulf %get3A_514, %abs3A_516 : vector<16xf32>
        %add3A_518 = arith.addf %add3A_462, %mul3A_517 : vector<16xf32>
        %add3A_519 = arith.constant 31 : i32
        %add3A_520 = vector.broadcast %add3A_519 : i32 to vector<16xi32>
        %add3A_521 = arith.addi %iota3A, %add3A_520 : vector<16xi32>
        %and3A_522 = arith.constant 63 : i32
        %and3A_523 = vector.broadcast %and3A_522 : i32 to vector<16xi32>
        %and3A_524 = arith.andi %add3A_521, %and3A_523 : vector<16xi32>
        %gather3A_525 = tpu.vector_load_idx %arg11[%add3A_79, %and3A_524] : memref<160x64xf32, #tpu.memory_space<vmem>>[vector<16xi32>, vector<16xi32>], vector<16xf32>,
        %gather3A_526 = tpu.vector_load_idx %arg12[%add3A_79, %and3A_524] : memref<160x64xf32, #tpu.memory_space<vmem>>[vector<16xi32>, vector<16xi32>], vector<16xf32>,
        %get3A_527 = arith.constant 496 : index
        %get3A_528 = tpu.vector_load %arg14[%get3A_527] {strides = array<i32>} : memref<1024xf32, #tpu.memory_space<vmem>>, vector<16xf32>,
        %sub3A_529 = arith.subf %gather3A_525, %gather3A_526 : vector<16xf32>
        %abs3A_530 = math.absf %sub3A_529 : vector<16xf32>
        %mul3A_531 = arith.mulf %get3A_528, %abs3A_530 : vector<16xf32>
        %add3A_532 = arith.addf %add3A_476, %mul3A_531 : vector<16xf32>
        %add3A_533 = arith.constant 32 : i32
        %add3A_534 = vector.broadcast %add3A_533 : i32 to vector<16xi32>
        %add3A_535 = arith.addi %iota3A, %add3A_534 : vector<16xi32>
        %and3A_536 = arith.constant 63 : i32
        %and3A_537 = vector.broadcast %and3A_536 : i32 to vector<16xi32>
        %and3A_538 = arith.andi %add3A_535, %and3A_537 : vector<16xi32>
        %gather3A_539 = tpu.vector_load_idx %arg11[%add3A_79, %and3A_538] : memref<160x64xf32, #tpu.memory_space<vmem>>[vector<16xi32>, vector<16xi32>], vector<16xf32>,
        %gather3A_540 = tpu.vector_load_idx %arg12[%add3A_79, %and3A_538] : memref<160x64xf32, #tpu.memory_space<vmem>>[vector<16xi32>, vector<16xi32>], vector<16xf32>,
        %get3A_541 = arith.constant 512 : index
        %get3A_542 = tpu.vector_load %arg14[%get3A_541] {strides = array<i32>} : memref<1024xf32, #tpu.memory_space<vmem>>, vector<16xf32>,
        %sub3A_543 = arith.subf %gather3A_539, %gather3A_540 : vector<16xf32>
        %abs3A_544 = math.absf %sub3A_543 : vector<16xf32>
        %mul3A_545 = arith.mulf %get3A_542, %abs3A_544 : vector<16xf32>
        %add3A_546 = arith.addf %add3A_490, %mul3A_545 : vector<16xf32>
        %add3A_547 = arith.constant 33 : i32
        %add3A_548 = vector.broadcast %add3A_547 : i32 to vector<16xi32>
        %add3A_549 = arith.addi %iota3A, %add3A_548 : vector<16xi32>
        %and3A_550 = arith.constant 63 : i32
        %and3A_551 = vector.broadcast %and3A_550 : i32 to vector<16xi32>
        %and3A_552 = arith.andi %add3A_549, %and3A_551 : vector<16xi32>
        %gather3A_553 = tpu.vector_load_idx %arg11[%add3A_79, %and3A_552] : memref<160x64xf32, #tpu.memory_space<vmem>>[vector<16xi32>, vector<16xi32>], vector<16xf32>,
        %gather3A_554 = tpu.vector_load_idx %arg12[%add3A_79, %and3A_552] : memref<160x64xf32, #tpu.memory_space<vmem>>[vector<16xi32>, vector<16xi32>], vector<16xf32>,
        %get3A_555 = arith.constant 528 : index
        %get3A_556 = tpu.vector_load %arg14[%get3A_555] {strides = array<i32>} : memref<1024xf32, #tpu.memory_space<vmem>>, vector<16xf32>,
        %sub3A_557 = arith.subf %gather3A_553, %gather3A_554 : vector<16xf32>
        %abs3A_558 = math.absf %sub3A_557 : vector<16xf32>
        %mul3A_559 = arith.mulf %get3A_556, %abs3A_558 : vector<16xf32>
        %add3A_560 = arith.addf %add3A_504, %mul3A_559 : vector<16xf32>
        %add3A_561 = arith.constant 34 : i32
        %add3A_562 = vector.broadcast %add3A_561 : i32 to vector<16xi32>
        %add3A_563 = arith.addi %iota3A, %add3A_562 : vector<16xi32>
        %and3A_564 = arith.constant 63 : i32
        %and3A_565 = vector.broadcast %and3A_564 : i32 to vector<16xi32>
        %and3A_566 = arith.andi %add3A_563, %and3A_565 : vector<16xi32>
        %gather3A_567 = tpu.vector_load_idx %arg11[%add3A_79, %and3A_566] : memref<160x64xf32, #tpu.memory_space<vmem>>[vector<16xi32>, vector<16xi32>], vector<16xf32>,
        %gather3A_568 = tpu.vector_load_idx %arg12[%add3A_79, %and3A_566] : memref<160x64xf32, #tpu.memory_space<vmem>>[vector<16xi32>, vector<16xi32>], vector<16xf32>,
        %get3A_569 = arith.constant 544 : index
        %get3A_570 = tpu.vector_load %arg14[%get3A_569] {strides = array<i32>} : memref<1024xf32, #tpu.memory_space<vmem>>, vector<16xf32>,
        %sub3A_571 = arith.subf %gather3A_567, %gather3A_568 : vector<16xf32>
        %abs3A_572 = math.absf %sub3A_571 : vector<16xf32>
        %mul3A_573 = arith.mulf %get3A_570, %abs3A_572 : vector<16xf32>
        %add3A_574 = arith.addf %add3A_518, %mul3A_573 : vector<16xf32>
        %add3A_575 = arith.constant 35 : i32
        %add3A_576 = vector.broadcast %add3A_575 : i32 to vector<16xi32>
        %add3A_577 = arith.addi %iota3A, %add3A_576 : vector<16xi32>
        %and3A_578 = arith.constant 63 : i32
        %and3A_579 = vector.broadcast %and3A_578 : i32 to vector<16xi32>
        %and3A_580 = arith.andi %add3A_577, %and3A_579 : vector<16xi32>
        %gather3A_581 = tpu.vector_load_idx %arg11[%add3A_79, %and3A_580] : memref<160x64xf32, #tpu.memory_space<vmem>>[vector<16xi32>, vector<16xi32>], vector<16xf32>,
        %gather3A_582 = tpu.vector_load_idx %arg12[%add3A_79, %and3A_580] : memref<160x64xf32, #tpu.memory_space<vmem>>[vector<16xi32>, vector<16xi32>], vector<16xf32>,
        %get3A_583 = arith.constant 560 : index
        %get3A_584 = tpu.vector_load %arg14[%get3A_583] {strides = array<i32>} : memref<1024xf32, #tpu.memory_space<vmem>>, vector<16xf32>,
        %sub3A_585 = arith.subf %gather3A_581, %gather3A_582 : vector<16xf32>
        %abs3A_586 = math.absf %sub3A_585 : vector<16xf32>
        %mul3A_587 = arith.mulf %get3A_584, %abs3A_586 : vector<16xf32>
        %add3A_588 = arith.addf %add3A_532, %mul3A_587 : vector<16xf32>
        %add3A_589 = arith.constant 36 : i32
        %add3A_590 = vector.broadcast %add3A_589 : i32 to vector<16xi32>
        %add3A_591 = arith.addi %iota3A, %add3A_590 : vector<16xi32>
        %and3A_592 = arith.constant 63 : i32
        %and3A_593 = vector.broadcast %and3A_592 : i32 to vector<16xi32>
        %and3A_594 = arith.andi %add3A_591, %and3A_593 : vector<16xi32>
        %gather3A_595 = tpu.vector_load_idx %arg11[%add3A_79, %and3A_594] : memref<160x64xf32, #tpu.memory_space<vmem>>[vector<16xi32>, vector<16xi32>], vector<16xf32>,
        %gather3A_596 = tpu.vector_load_idx %arg12[%add3A_79, %and3A_594] : memref<160x64xf32, #tpu.memory_space<vmem>>[vector<16xi32>, vector<16xi32>], vector<16xf32>,
        %get3A_597 = arith.constant 576 : index
        %get3A_598 = tpu.vector_load %arg14[%get3A_597] {strides = array<i32>} : memref<1024xf32, #tpu.memory_space<vmem>>, vector<16xf32>,
        %sub3A_599 = arith.subf %gather3A_595, %gather3A_596 : vector<16xf32>
        %abs3A_600 = math.absf %sub3A_599 : vector<16xf32>
        %mul3A_601 = arith.mulf %get3A_598, %abs3A_600 : vector<16xf32>
        %add3A_602 = arith.addf %add3A_546, %mul3A_601 : vector<16xf32>
        %add3A_603 = arith.constant 37 : i32
        %add3A_604 = vector.broadcast %add3A_603 : i32 to vector<16xi32>
        %add3A_605 = arith.addi %iota3A, %add3A_604 : vector<16xi32>
        %and3A_606 = arith.constant 63 : i32
        %and3A_607 = vector.broadcast %and3A_606 : i32 to vector<16xi32>
        %and3A_608 = arith.andi %add3A_605, %and3A_607 : vector<16xi32>
        %gather3A_609 = tpu.vector_load_idx %arg11[%add3A_79, %and3A_608] : memref<160x64xf32, #tpu.memory_space<vmem>>[vector<16xi32>, vector<16xi32>], vector<16xf32>,
        %gather3A_610 = tpu.vector_load_idx %arg12[%add3A_79, %and3A_608] : memref<160x64xf32, #tpu.memory_space<vmem>>[vector<16xi32>, vector<16xi32>], vector<16xf32>,
        %get3A_611 = arith.constant 592 : index
        %get3A_612 = tpu.vector_load %arg14[%get3A_611] {strides = array<i32>} : memref<1024xf32, #tpu.memory_space<vmem>>, vector<16xf32>,
        %sub3A_613 = arith.subf %gather3A_609, %gather3A_610 : vector<16xf32>
        %abs3A_614 = math.absf %sub3A_613 : vector<16xf32>
        %mul3A_615 = arith.mulf %get3A_612, %abs3A_614 : vector<16xf32>
        %add3A_616 = arith.addf %add3A_560, %mul3A_615 : vector<16xf32>
        %add3A_617 = arith.constant 38 : i32
        %add3A_618 = vector.broadcast %add3A_617 : i32 to vector<16xi32>
        %add3A_619 = arith.addi %iota3A, %add3A_618 : vector<16xi32>
        %and3A_620 = arith.constant 63 : i32
        %and3A_621 = vector.broadcast %and3A_620 : i32 to vector<16xi32>
        %and3A_622 = arith.andi %add3A_619, %and3A_621 : vector<16xi32>
        %gather3A_623 = tpu.vector_load_idx %arg11[%add3A_79, %and3A_622] : memref<160x64xf32, #tpu.memory_space<vmem>>[vector<16xi32>, vector<16xi32>], vector<16xf32>,
        %gather3A_624 = tpu.vector_load_idx %arg12[%add3A_79, %and3A_622] : memref<160x64xf32, #tpu.memory_space<vmem>>[vector<16xi32>, vector<16xi32>], vector<16xf32>,
        %get3A_625 = arith.constant 608 : index
        %get3A_626 = tpu.vector_load %arg14[%get3A_625] {strides = array<i32>} : memref<1024xf32, #tpu.memory_space<vmem>>, vector<16xf32>,
        %sub3A_627 = arith.subf %gather3A_623, %gather3A_624 : vector<16xf32>
        %abs3A_628 = math.absf %sub3A_627 : vector<16xf32>
        %mul3A_629 = arith.mulf %get3A_626, %abs3A_628 : vector<16xf32>
        %add3A_630 = arith.addf %add3A_574, %mul3A_629 : vector<16xf32>
        %add3A_631 = arith.constant 39 : i32
        %add3A_632 = vector.broadcast %add3A_631 : i32 to vector<16xi32>
        %add3A_633 = arith.addi %iota3A, %add3A_632 : vector<16xi32>
        %and3A_634 = arith.constant 63 : i32
        %and3A_635 = vector.broadcast %and3A_634 : i32 to vector<16xi32>
        %and3A_636 = arith.andi %add3A_633, %and3A_635 : vector<16xi32>
        %gather3A_637 = tpu.vector_load_idx %arg11[%add3A_79, %and3A_636] : memref<160x64xf32, #tpu.memory_space<vmem>>[vector<16xi32>, vector<16xi32>], vector<16xf32>,
        %gather3A_638 = tpu.vector_load_idx %arg12[%add3A_79, %and3A_636] : memref<160x64xf32, #tpu.memory_space<vmem>>[vector<16xi32>, vector<16xi32>], vector<16xf32>,
        %get3A_639 = arith.constant 624 : index
        %get3A_640 = tpu.vector_load %arg14[%get3A_639] {strides = array<i32>} : memref<1024xf32, #tpu.memory_space<vmem>>, vector<16xf32>,
        %sub3A_641 = arith.subf %gather3A_637, %gather3A_638 : vector<16xf32>
        %abs3A_642 = math.absf %sub3A_641 : vector<16xf32>
        %mul3A_643 = arith.mulf %get3A_640, %abs3A_642 : vector<16xf32>
        %add3A_644 = arith.addf %add3A_588, %mul3A_643 : vector<16xf32>
        %add3A_645 = arith.constant 40 : i32
        %add3A_646 = vector.broadcast %add3A_645 : i32 to vector<16xi32>
        %add3A_647 = arith.addi %iota3A, %add3A_646 : vector<16xi32>
        %and3A_648 = arith.constant 63 : i32
        %and3A_649 = vector.broadcast %and3A_648 : i32 to vector<16xi32>
        %and3A_650 = arith.andi %add3A_647, %and3A_649 : vector<16xi32>
        %gather3A_651 = tpu.vector_load_idx %arg11[%add3A_79, %and3A_650] : memref<160x64xf32, #tpu.memory_space<vmem>>[vector<16xi32>, vector<16xi32>], vector<16xf32>,
        %gather3A_652 = tpu.vector_load_idx %arg12[%add3A_79, %and3A_650] : memref<160x64xf32, #tpu.memory_space<vmem>>[vector<16xi32>, vector<16xi32>], vector<16xf32>,
        %get3A_653 = arith.constant 640 : index
        %get3A_654 = tpu.vector_load %arg14[%get3A_653] {strides = array<i32>} : memref<1024xf32, #tpu.memory_space<vmem>>, vector<16xf32>,
        %sub3A_655 = arith.subf %gather3A_651, %gather3A_652 : vector<16xf32>
        %abs3A_656 = math.absf %sub3A_655 : vector<16xf32>
        %mul3A_657 = arith.mulf %get3A_654, %abs3A_656 : vector<16xf32>
        %add3A_658 = arith.addf %add3A_602, %mul3A_657 : vector<16xf32>
        %add3A_659 = arith.constant 41 : i32
        %add3A_660 = vector.broadcast %add3A_659 : i32 to vector<16xi32>
        %add3A_661 = arith.addi %iota3A, %add3A_660 : vector<16xi32>
        %and3A_662 = arith.constant 63 : i32
        %and3A_663 = vector.broadcast %and3A_662 : i32 to vector<16xi32>
        %and3A_664 = arith.andi %add3A_661, %and3A_663 : vector<16xi32>
        %gather3A_665 = tpu.vector_load_idx %arg11[%add3A_79, %and3A_664] : memref<160x64xf32, #tpu.memory_space<vmem>>[vector<16xi32>, vector<16xi32>], vector<16xf32>,
        %gather3A_666 = tpu.vector_load_idx %arg12[%add3A_79, %and3A_664] : memref<160x64xf32, #tpu.memory_space<vmem>>[vector<16xi32>, vector<16xi32>], vector<16xf32>,
        %get3A_667 = arith.constant 656 : index
        %get3A_668 = tpu.vector_load %arg14[%get3A_667] {strides = array<i32>} : memref<1024xf32, #tpu.memory_space<vmem>>, vector<16xf32>,
        %sub3A_669 = arith.subf %gather3A_665, %gather3A_666 : vector<16xf32>
        %abs3A_670 = math.absf %sub3A_669 : vector<16xf32>
        %mul3A_671 = arith.mulf %get3A_668, %abs3A_670 : vector<16xf32>
        %add3A_672 = arith.addf %add3A_616, %mul3A_671 : vector<16xf32>
        %add3A_673 = arith.constant 42 : i32
        %add3A_674 = vector.broadcast %add3A_673 : i32 to vector<16xi32>
        %add3A_675 = arith.addi %iota3A, %add3A_674 : vector<16xi32>
        %and3A_676 = arith.constant 63 : i32
        %and3A_677 = vector.broadcast %and3A_676 : i32 to vector<16xi32>
        %and3A_678 = arith.andi %add3A_675, %and3A_677 : vector<16xi32>
        %gather3A_679 = tpu.vector_load_idx %arg11[%add3A_79, %and3A_678] : memref<160x64xf32, #tpu.memory_space<vmem>>[vector<16xi32>, vector<16xi32>], vector<16xf32>,
        %gather3A_680 = tpu.vector_load_idx %arg12[%add3A_79, %and3A_678] : memref<160x64xf32, #tpu.memory_space<vmem>>[vector<16xi32>, vector<16xi32>], vector<16xf32>,
        %get3A_681 = arith.constant 672 : index
        %get3A_682 = tpu.vector_load %arg14[%get3A_681] {strides = array<i32>} : memref<1024xf32, #tpu.memory_space<vmem>>, vector<16xf32>,
        %sub3A_683 = arith.subf %gather3A_679, %gather3A_680 : vector<16xf32>
        %abs3A_684 = math.absf %sub3A_683 : vector<16xf32>
        %mul3A_685 = arith.mulf %get3A_682, %abs3A_684 : vector<16xf32>
        %add3A_686 = arith.addf %add3A_630, %mul3A_685 : vector<16xf32>
        %add3A_687 = arith.constant 43 : i32
        %add3A_688 = vector.broadcast %add3A_687 : i32 to vector<16xi32>
        %add3A_689 = arith.addi %iota3A, %add3A_688 : vector<16xi32>
        %and3A_690 = arith.constant 63 : i32
        %and3A_691 = vector.broadcast %and3A_690 : i32 to vector<16xi32>
        %and3A_692 = arith.andi %add3A_689, %and3A_691 : vector<16xi32>
        %gather3A_693 = tpu.vector_load_idx %arg11[%add3A_79, %and3A_692] : memref<160x64xf32, #tpu.memory_space<vmem>>[vector<16xi32>, vector<16xi32>], vector<16xf32>,
        %gather3A_694 = tpu.vector_load_idx %arg12[%add3A_79, %and3A_692] : memref<160x64xf32, #tpu.memory_space<vmem>>[vector<16xi32>, vector<16xi32>], vector<16xf32>,
        %get3A_695 = arith.constant 688 : index
        %get3A_696 = tpu.vector_load %arg14[%get3A_695] {strides = array<i32>} : memref<1024xf32, #tpu.memory_space<vmem>>, vector<16xf32>,
        %sub3A_697 = arith.subf %gather3A_693, %gather3A_694 : vector<16xf32>
        %abs3A_698 = math.absf %sub3A_697 : vector<16xf32>
        %mul3A_699 = arith.mulf %get3A_696, %abs3A_698 : vector<16xf32>
        %add3A_700 = arith.addf %add3A_644, %mul3A_699 : vector<16xf32>
        %add3A_701 = arith.constant 44 : i32
        %add3A_702 = vector.broadcast %add3A_701 : i32 to vector<16xi32>
        %add3A_703 = arith.addi %iota3A, %add3A_702 : vector<16xi32>
        %and3A_704 = arith.constant 63 : i32
        %and3A_705 = vector.broadcast %and3A_704 : i32 to vector<16xi32>
        %and3A_706 = arith.andi %add3A_703, %and3A_705 : vector<16xi32>
        %gather3A_707 = tpu.vector_load_idx %arg11[%add3A_79, %and3A_706] : memref<160x64xf32, #tpu.memory_space<vmem>>[vector<16xi32>, vector<16xi32>], vector<16xf32>,
        %gather3A_708 = tpu.vector_load_idx %arg12[%add3A_79, %and3A_706] : memref<160x64xf32, #tpu.memory_space<vmem>>[vector<16xi32>, vector<16xi32>], vector<16xf32>,
        %get3A_709 = arith.constant 704 : index
        %get3A_710 = tpu.vector_load %arg14[%get3A_709] {strides = array<i32>} : memref<1024xf32, #tpu.memory_space<vmem>>, vector<16xf32>,
        %sub3A_711 = arith.subf %gather3A_707, %gather3A_708 : vector<16xf32>
        %abs3A_712 = math.absf %sub3A_711 : vector<16xf32>
        %mul3A_713 = arith.mulf %get3A_710, %abs3A_712 : vector<16xf32>
        %add3A_714 = arith.addf %add3A_658, %mul3A_713 : vector<16xf32>
        %add3A_715 = arith.constant 45 : i32
        %add3A_716 = vector.broadcast %add3A_715 : i32 to vector<16xi32>
        %add3A_717 = arith.addi %iota3A, %add3A_716 : vector<16xi32>
        %and3A_718 = arith.constant 63 : i32
        %and3A_719 = vector.broadcast %and3A_718 : i32 to vector<16xi32>
        %and3A_720 = arith.andi %add3A_717, %and3A_719 : vector<16xi32>
        %gather3A_721 = tpu.vector_load_idx %arg11[%add3A_79, %and3A_720] : memref<160x64xf32, #tpu.memory_space<vmem>>[vector<16xi32>, vector<16xi32>], vector<16xf32>,
        %gather3A_722 = tpu.vector_load_idx %arg12[%add3A_79, %and3A_720] : memref<160x64xf32, #tpu.memory_space<vmem>>[vector<16xi32>, vector<16xi32>], vector<16xf32>,
        %get3A_723 = arith.constant 720 : index
        %get3A_724 = tpu.vector_load %arg14[%get3A_723] {strides = array<i32>} : memref<1024xf32, #tpu.memory_space<vmem>>, vector<16xf32>,
        %sub3A_725 = arith.subf %gather3A_721, %gather3A_722 : vector<16xf32>
        %abs3A_726 = math.absf %sub3A_725 : vector<16xf32>
        %mul3A_727 = arith.mulf %get3A_724, %abs3A_726 : vector<16xf32>
        %add3A_728 = arith.addf %add3A_672, %mul3A_727 : vector<16xf32>
        %add3A_729 = arith.constant 46 : i32
        %add3A_730 = vector.broadcast %add3A_729 : i32 to vector<16xi32>
        %add3A_731 = arith.addi %iota3A, %add3A_730 : vector<16xi32>
        %and3A_732 = arith.constant 63 : i32
        %and3A_733 = vector.broadcast %and3A_732 : i32 to vector<16xi32>
        %and3A_734 = arith.andi %add3A_731, %and3A_733 : vector<16xi32>
        %gather3A_735 = tpu.vector_load_idx %arg11[%add3A_79, %and3A_734] : memref<160x64xf32, #tpu.memory_space<vmem>>[vector<16xi32>, vector<16xi32>], vector<16xf32>,
        %gather3A_736 = tpu.vector_load_idx %arg12[%add3A_79, %and3A_734] : memref<160x64xf32, #tpu.memory_space<vmem>>[vector<16xi32>, vector<16xi32>], vector<16xf32>,
        %get3A_737 = arith.constant 736 : index
        %get3A_738 = tpu.vector_load %arg14[%get3A_737] {strides = array<i32>} : memref<1024xf32, #tpu.memory_space<vmem>>, vector<16xf32>,
        %sub3A_739 = arith.subf %gather3A_735, %gather3A_736 : vector<16xf32>
        %abs3A_740 = math.absf %sub3A_739 : vector<16xf32>
        %mul3A_741 = arith.mulf %get3A_738, %abs3A_740 : vector<16xf32>
        %add3A_742 = arith.addf %add3A_686, %mul3A_741 : vector<16xf32>
        %add3A_743 = arith.constant 47 : i32
        %add3A_744 = vector.broadcast %add3A_743 : i32 to vector<16xi32>
        %add3A_745 = arith.addi %iota3A, %add3A_744 : vector<16xi32>
        %and3A_746 = arith.constant 63 : i32
        %and3A_747 = vector.broadcast %and3A_746 : i32 to vector<16xi32>
        %and3A_748 = arith.andi %add3A_745, %and3A_747 : vector<16xi32>
        %gather3A_749 = tpu.vector_load_idx %arg11[%add3A_79, %and3A_748] : memref<160x64xf32, #tpu.memory_space<vmem>>[vector<16xi32>, vector<16xi32>], vector<16xf32>,
        %gather3A_750 = tpu.vector_load_idx %arg12[%add3A_79, %and3A_748] : memref<160x64xf32, #tpu.memory_space<vmem>>[vector<16xi32>, vector<16xi32>], vector<16xf32>,
        %get3A_751 = arith.constant 752 : index
        %get3A_752 = tpu.vector_load %arg14[%get3A_751] {strides = array<i32>} : memref<1024xf32, #tpu.memory_space<vmem>>, vector<16xf32>,
        %sub3A_753 = arith.subf %gather3A_749, %gather3A_750 : vector<16xf32>
        %abs3A_754 = math.absf %sub3A_753 : vector<16xf32>
        %mul3A_755 = arith.mulf %get3A_752, %abs3A_754 : vector<16xf32>
        %add3A_756 = arith.addf %add3A_700, %mul3A_755 : vector<16xf32>
        %add3A_757 = arith.constant 48 : i32
        %add3A_758 = vector.broadcast %add3A_757 : i32 to vector<16xi32>
        %add3A_759 = arith.addi %iota3A, %add3A_758 : vector<16xi32>
        %and3A_760 = arith.constant 63 : i32
        %and3A_761 = vector.broadcast %and3A_760 : i32 to vector<16xi32>
        %and3A_762 = arith.andi %add3A_759, %and3A_761 : vector<16xi32>
        %gather3A_763 = tpu.vector_load_idx %arg11[%add3A_79, %and3A_762] : memref<160x64xf32, #tpu.memory_space<vmem>>[vector<16xi32>, vector<16xi32>], vector<16xf32>,
        %gather3A_764 = tpu.vector_load_idx %arg12[%add3A_79, %and3A_762] : memref<160x64xf32, #tpu.memory_space<vmem>>[vector<16xi32>, vector<16xi32>], vector<16xf32>,
        %get3A_765 = arith.constant 768 : index
        %get3A_766 = tpu.vector_load %arg14[%get3A_765] {strides = array<i32>} : memref<1024xf32, #tpu.memory_space<vmem>>, vector<16xf32>,
        %sub3A_767 = arith.subf %gather3A_763, %gather3A_764 : vector<16xf32>
        %abs3A_768 = math.absf %sub3A_767 : vector<16xf32>
        %mul3A_769 = arith.mulf %get3A_766, %abs3A_768 : vector<16xf32>
        %add3A_770 = arith.addf %add3A_714, %mul3A_769 : vector<16xf32>
        %add3A_771 = arith.constant 49 : i32
        %add3A_772 = vector.broadcast %add3A_771 : i32 to vector<16xi32>
        %add3A_773 = arith.addi %iota3A, %add3A_772 : vector<16xi32>
        %and3A_774 = arith.constant 63 : i32
        %and3A_775 = vector.broadcast %and3A_774 : i32 to vector<16xi32>
        %and3A_776 = arith.andi %add3A_773, %and3A_775 : vector<16xi32>
        %gather3A_777 = tpu.vector_load_idx %arg11[%add3A_79, %and3A_776] : memref<160x64xf32, #tpu.memory_space<vmem>>[vector<16xi32>, vector<16xi32>], vector<16xf32>,
        %gather3A_778 = tpu.vector_load_idx %arg12[%add3A_79, %and3A_776] : memref<160x64xf32, #tpu.memory_space<vmem>>[vector<16xi32>, vector<16xi32>], vector<16xf32>,
        %get3A_779 = arith.constant 784 : index
        %get3A_780 = tpu.vector_load %arg14[%get3A_779] {strides = array<i32>} : memref<1024xf32, #tpu.memory_space<vmem>>, vector<16xf32>,
        %sub3A_781 = arith.subf %gather3A_777, %gather3A_778 : vector<16xf32>
        %abs3A_782 = math.absf %sub3A_781 : vector<16xf32>
        %mul3A_783 = arith.mulf %get3A_780, %abs3A_782 : vector<16xf32>
        %add3A_784 = arith.addf %add3A_728, %mul3A_783 : vector<16xf32>
        %add3A_785 = arith.constant 50 : i32
        %add3A_786 = vector.broadcast %add3A_785 : i32 to vector<16xi32>
        %add3A_787 = arith.addi %iota3A, %add3A_786 : vector<16xi32>
        %and3A_788 = arith.constant 63 : i32
        %and3A_789 = vector.broadcast %and3A_788 : i32 to vector<16xi32>
        %and3A_790 = arith.andi %add3A_787, %and3A_789 : vector<16xi32>
        %gather3A_791 = tpu.vector_load_idx %arg11[%add3A_79, %and3A_790] : memref<160x64xf32, #tpu.memory_space<vmem>>[vector<16xi32>, vector<16xi32>], vector<16xf32>,
        %gather3A_792 = tpu.vector_load_idx %arg12[%add3A_79, %and3A_790] : memref<160x64xf32, #tpu.memory_space<vmem>>[vector<16xi32>, vector<16xi32>], vector<16xf32>,
        %get3A_793 = arith.constant 800 : index
        %get3A_794 = tpu.vector_load %arg14[%get3A_793] {strides = array<i32>} : memref<1024xf32, #tpu.memory_space<vmem>>, vector<16xf32>,
        %sub3A_795 = arith.subf %gather3A_791, %gather3A_792 : vector<16xf32>
        %abs3A_796 = math.absf %sub3A_795 : vector<16xf32>
        %mul3A_797 = arith.mulf %get3A_794, %abs3A_796 : vector<16xf32>
        %add3A_798 = arith.addf %add3A_742, %mul3A_797 : vector<16xf32>
        %add3A_799 = arith.constant 51 : i32
        %add3A_800 = vector.broadcast %add3A_799 : i32 to vector<16xi32>
        %add3A_801 = arith.addi %iota3A, %add3A_800 : vector<16xi32>
        %and3A_802 = arith.constant 63 : i32
        %and3A_803 = vector.broadcast %and3A_802 : i32 to vector<16xi32>
        %and3A_804 = arith.andi %add3A_801, %and3A_803 : vector<16xi32>
        %gather3A_805 = tpu.vector_load_idx %arg11[%add3A_79, %and3A_804] : memref<160x64xf32, #tpu.memory_space<vmem>>[vector<16xi32>, vector<16xi32>], vector<16xf32>,
        %gather3A_806 = tpu.vector_load_idx %arg12[%add3A_79, %and3A_804] : memref<160x64xf32, #tpu.memory_space<vmem>>[vector<16xi32>, vector<16xi32>], vector<16xf32>,
        %get3A_807 = arith.constant 816 : index
        %get3A_808 = tpu.vector_load %arg14[%get3A_807] {strides = array<i32>} : memref<1024xf32, #tpu.memory_space<vmem>>, vector<16xf32>,
        %sub3A_809 = arith.subf %gather3A_805, %gather3A_806 : vector<16xf32>
        %abs3A_810 = math.absf %sub3A_809 : vector<16xf32>
        %mul3A_811 = arith.mulf %get3A_808, %abs3A_810 : vector<16xf32>
        %add3A_812 = arith.addf %add3A_756, %mul3A_811 : vector<16xf32>
        %add3A_813 = arith.constant 52 : i32
        %add3A_814 = vector.broadcast %add3A_813 : i32 to vector<16xi32>
        %add3A_815 = arith.addi %iota3A, %add3A_814 : vector<16xi32>
        %and3A_816 = arith.constant 63 : i32
        %and3A_817 = vector.broadcast %and3A_816 : i32 to vector<16xi32>
        %and3A_818 = arith.andi %add3A_815, %and3A_817 : vector<16xi32>
        %gather3A_819 = tpu.vector_load_idx %arg11[%add3A_79, %and3A_818] : memref<160x64xf32, #tpu.memory_space<vmem>>[vector<16xi32>, vector<16xi32>], vector<16xf32>,
        %gather3A_820 = tpu.vector_load_idx %arg12[%add3A_79, %and3A_818] : memref<160x64xf32, #tpu.memory_space<vmem>>[vector<16xi32>, vector<16xi32>], vector<16xf32>,
        %get3A_821 = arith.constant 832 : index
        %get3A_822 = tpu.vector_load %arg14[%get3A_821] {strides = array<i32>} : memref<1024xf32, #tpu.memory_space<vmem>>, vector<16xf32>,
        %sub3A_823 = arith.subf %gather3A_819, %gather3A_820 : vector<16xf32>
        %abs3A_824 = math.absf %sub3A_823 : vector<16xf32>
        %mul3A_825 = arith.mulf %get3A_822, %abs3A_824 : vector<16xf32>
        %add3A_826 = arith.addf %add3A_770, %mul3A_825 : vector<16xf32>
        %add3A_827 = arith.constant 53 : i32
        %add3A_828 = vector.broadcast %add3A_827 : i32 to vector<16xi32>
        %add3A_829 = arith.addi %iota3A, %add3A_828 : vector<16xi32>
        %and3A_830 = arith.constant 63 : i32
        %and3A_831 = vector.broadcast %and3A_830 : i32 to vector<16xi32>
        %and3A_832 = arith.andi %add3A_829, %and3A_831 : vector<16xi32>
        %gather3A_833 = tpu.vector_load_idx %arg11[%add3A_79, %and3A_832] : memref<160x64xf32, #tpu.memory_space<vmem>>[vector<16xi32>, vector<16xi32>], vector<16xf32>,
        %gather3A_834 = tpu.vector_load_idx %arg12[%add3A_79, %and3A_832] : memref<160x64xf32, #tpu.memory_space<vmem>>[vector<16xi32>, vector<16xi32>], vector<16xf32>,
        %get3A_835 = arith.constant 848 : index
        %get3A_836 = tpu.vector_load %arg14[%get3A_835] {strides = array<i32>} : memref<1024xf32, #tpu.memory_space<vmem>>, vector<16xf32>,
        %sub3A_837 = arith.subf %gather3A_833, %gather3A_834 : vector<16xf32>
        %abs3A_838 = math.absf %sub3A_837 : vector<16xf32>
        %mul3A_839 = arith.mulf %get3A_836, %abs3A_838 : vector<16xf32>
        %add3A_840 = arith.addf %add3A_784, %mul3A_839 : vector<16xf32>
        %add3A_841 = arith.constant 54 : i32
        %add3A_842 = vector.broadcast %add3A_841 : i32 to vector<16xi32>
        %add3A_843 = arith.addi %iota3A, %add3A_842 : vector<16xi32>
        %and3A_844 = arith.constant 63 : i32
        %and3A_845 = vector.broadcast %and3A_844 : i32 to vector<16xi32>
        %and3A_846 = arith.andi %add3A_843, %and3A_845 : vector<16xi32>
        %gather3A_847 = tpu.vector_load_idx %arg11[%add3A_79, %and3A_846] : memref<160x64xf32, #tpu.memory_space<vmem>>[vector<16xi32>, vector<16xi32>], vector<16xf32>,
        %gather3A_848 = tpu.vector_load_idx %arg12[%add3A_79, %and3A_846] : memref<160x64xf32, #tpu.memory_space<vmem>>[vector<16xi32>, vector<16xi32>], vector<16xf32>,
        %get3A_849 = arith.constant 864 : index
        %get3A_850 = tpu.vector_load %arg14[%get3A_849] {strides = array<i32>} : memref<1024xf32, #tpu.memory_space<vmem>>, vector<16xf32>,
        %sub3A_851 = arith.subf %gather3A_847, %gather3A_848 : vector<16xf32>
        %abs3A_852 = math.absf %sub3A_851 : vector<16xf32>
        %mul3A_853 = arith.mulf %get3A_850, %abs3A_852 : vector<16xf32>
        %add3A_854 = arith.addf %add3A_798, %mul3A_853 : vector<16xf32>
        %add3A_855 = arith.constant 55 : i32
        %add3A_856 = vector.broadcast %add3A_855 : i32 to vector<16xi32>
        %add3A_857 = arith.addi %iota3A, %add3A_856 : vector<16xi32>
        %and3A_858 = arith.constant 63 : i32
        %and3A_859 = vector.broadcast %and3A_858 : i32 to vector<16xi32>
        %and3A_860 = arith.andi %add3A_857, %and3A_859 : vector<16xi32>
        %gather3A_861 = tpu.vector_load_idx %arg11[%add3A_79, %and3A_860] : memref<160x64xf32, #tpu.memory_space<vmem>>[vector<16xi32>, vector<16xi32>], vector<16xf32>,
        %gather3A_862 = tpu.vector_load_idx %arg12[%add3A_79, %and3A_860] : memref<160x64xf32, #tpu.memory_space<vmem>>[vector<16xi32>, vector<16xi32>], vector<16xf32>,
        %get3A_863 = arith.constant 880 : index
        %get3A_864 = tpu.vector_load %arg14[%get3A_863] {strides = array<i32>} : memref<1024xf32, #tpu.memory_space<vmem>>, vector<16xf32>,
        %sub3A_865 = arith.subf %gather3A_861, %gather3A_862 : vector<16xf32>
        %abs3A_866 = math.absf %sub3A_865 : vector<16xf32>
        %mul3A_867 = arith.mulf %get3A_864, %abs3A_866 : vector<16xf32>
        %add3A_868 = arith.addf %add3A_812, %mul3A_867 : vector<16xf32>
        %add3A_869 = arith.constant 56 : i32
        %add3A_870 = vector.broadcast %add3A_869 : i32 to vector<16xi32>
        %add3A_871 = arith.addi %iota3A, %add3A_870 : vector<16xi32>
        %and3A_872 = arith.constant 63 : i32
        %and3A_873 = vector.broadcast %and3A_872 : i32 to vector<16xi32>
        %and3A_874 = arith.andi %add3A_871, %and3A_873 : vector<16xi32>
        %gather3A_875 = tpu.vector_load_idx %arg11[%add3A_79, %and3A_874] : memref<160x64xf32, #tpu.memory_space<vmem>>[vector<16xi32>, vector<16xi32>], vector<16xf32>,
        %gather3A_876 = tpu.vector_load_idx %arg12[%add3A_79, %and3A_874] : memref<160x64xf32, #tpu.memory_space<vmem>>[vector<16xi32>, vector<16xi32>], vector<16xf32>,
        %get3A_877 = arith.constant 896 : index
        %get3A_878 = tpu.vector_load %arg14[%get3A_877] {strides = array<i32>} : memref<1024xf32, #tpu.memory_space<vmem>>, vector<16xf32>,
        %sub3A_879 = arith.subf %gather3A_875, %gather3A_876 : vector<16xf32>
        %abs3A_880 = math.absf %sub3A_879 : vector<16xf32>
        %mul3A_881 = arith.mulf %get3A_878, %abs3A_880 : vector<16xf32>
        %add3A_882 = arith.addf %add3A_826, %mul3A_881 : vector<16xf32>
        %add3A_883 = arith.constant 57 : i32
        %add3A_884 = vector.broadcast %add3A_883 : i32 to vector<16xi32>
        %add3A_885 = arith.addi %iota3A, %add3A_884 : vector<16xi32>
        %and3A_886 = arith.constant 63 : i32
        %and3A_887 = vector.broadcast %and3A_886 : i32 to vector<16xi32>
        %and3A_888 = arith.andi %add3A_885, %and3A_887 : vector<16xi32>
        %gather3A_889 = tpu.vector_load_idx %arg11[%add3A_79, %and3A_888] : memref<160x64xf32, #tpu.memory_space<vmem>>[vector<16xi32>, vector<16xi32>], vector<16xf32>,
        %gather3A_890 = tpu.vector_load_idx %arg12[%add3A_79, %and3A_888] : memref<160x64xf32, #tpu.memory_space<vmem>>[vector<16xi32>, vector<16xi32>], vector<16xf32>,
        %get3A_891 = arith.constant 912 : index
        %get3A_892 = tpu.vector_load %arg14[%get3A_891] {strides = array<i32>} : memref<1024xf32, #tpu.memory_space<vmem>>, vector<16xf32>,
        %sub3A_893 = arith.subf %gather3A_889, %gather3A_890 : vector<16xf32>
        %abs3A_894 = math.absf %sub3A_893 : vector<16xf32>
        %mul3A_895 = arith.mulf %get3A_892, %abs3A_894 : vector<16xf32>
        %add3A_896 = arith.addf %add3A_840, %mul3A_895 : vector<16xf32>
        %add3A_897 = arith.constant 58 : i32
        %add3A_898 = vector.broadcast %add3A_897 : i32 to vector<16xi32>
        %add3A_899 = arith.addi %iota3A, %add3A_898 : vector<16xi32>
        %and3A_900 = arith.constant 63 : i32
        %and3A_901 = vector.broadcast %and3A_900 : i32 to vector<16xi32>
        %and3A_902 = arith.andi %add3A_899, %and3A_901 : vector<16xi32>
        %gather3A_903 = tpu.vector_load_idx %arg11[%add3A_79, %and3A_902] : memref<160x64xf32, #tpu.memory_space<vmem>>[vector<16xi32>, vector<16xi32>], vector<16xf32>,
        %gather3A_904 = tpu.vector_load_idx %arg12[%add3A_79, %and3A_902] : memref<160x64xf32, #tpu.memory_space<vmem>>[vector<16xi32>, vector<16xi32>], vector<16xf32>,
        %get3A_905 = arith.constant 928 : index
        %get3A_906 = tpu.vector_load %arg14[%get3A_905] {strides = array<i32>} : memref<1024xf32, #tpu.memory_space<vmem>>, vector<16xf32>,
        %sub3A_907 = arith.subf %gather3A_903, %gather3A_904 : vector<16xf32>
        %abs3A_908 = math.absf %sub3A_907 : vector<16xf32>
        %mul3A_909 = arith.mulf %get3A_906, %abs3A_908 : vector<16xf32>
        %add3A_910 = arith.addf %add3A_854, %mul3A_909 : vector<16xf32>
        %add3A_911 = arith.constant 59 : i32
        %add3A_912 = vector.broadcast %add3A_911 : i32 to vector<16xi32>
        %add3A_913 = arith.addi %iota3A, %add3A_912 : vector<16xi32>
        %and3A_914 = arith.constant 63 : i32
        %and3A_915 = vector.broadcast %and3A_914 : i32 to vector<16xi32>
        %and3A_916 = arith.andi %add3A_913, %and3A_915 : vector<16xi32>
        %gather3A_917 = tpu.vector_load_idx %arg11[%add3A_79, %and3A_916] : memref<160x64xf32, #tpu.memory_space<vmem>>[vector<16xi32>, vector<16xi32>], vector<16xf32>,
        %gather3A_918 = tpu.vector_load_idx %arg12[%add3A_79, %and3A_916] : memref<160x64xf32, #tpu.memory_space<vmem>>[vector<16xi32>, vector<16xi32>], vector<16xf32>,
        %get3A_919 = arith.constant 944 : index
        %get3A_920 = tpu.vector_load %arg14[%get3A_919] {strides = array<i32>} : memref<1024xf32, #tpu.memory_space<vmem>>, vector<16xf32>,
        %sub3A_921 = arith.subf %gather3A_917, %gather3A_918 : vector<16xf32>
        %abs3A_922 = math.absf %sub3A_921 : vector<16xf32>
        %mul3A_923 = arith.mulf %get3A_920, %abs3A_922 : vector<16xf32>
        %add3A_924 = arith.addf %add3A_868, %mul3A_923 : vector<16xf32>
        %add3A_925 = arith.constant 60 : i32
        %add3A_926 = vector.broadcast %add3A_925 : i32 to vector<16xi32>
        %add3A_927 = arith.addi %iota3A, %add3A_926 : vector<16xi32>
        %and3A_928 = arith.constant 63 : i32
        %and3A_929 = vector.broadcast %and3A_928 : i32 to vector<16xi32>
        %and3A_930 = arith.andi %add3A_927, %and3A_929 : vector<16xi32>
        %gather3A_931 = tpu.vector_load_idx %arg11[%add3A_79, %and3A_930] : memref<160x64xf32, #tpu.memory_space<vmem>>[vector<16xi32>, vector<16xi32>], vector<16xf32>,
        %gather3A_932 = tpu.vector_load_idx %arg12[%add3A_79, %and3A_930] : memref<160x64xf32, #tpu.memory_space<vmem>>[vector<16xi32>, vector<16xi32>], vector<16xf32>,
        %get3A_933 = arith.constant 960 : index
        %get3A_934 = tpu.vector_load %arg14[%get3A_933] {strides = array<i32>} : memref<1024xf32, #tpu.memory_space<vmem>>, vector<16xf32>,
        %sub3A_935 = arith.subf %gather3A_931, %gather3A_932 : vector<16xf32>
        %abs3A_936 = math.absf %sub3A_935 : vector<16xf32>
        %mul3A_937 = arith.mulf %get3A_934, %abs3A_936 : vector<16xf32>
        %add3A_938 = arith.addf %add3A_882, %mul3A_937 : vector<16xf32>
        %add3A_939 = arith.constant 61 : i32
        %add3A_940 = vector.broadcast %add3A_939 : i32 to vector<16xi32>
        %add3A_941 = arith.addi %iota3A, %add3A_940 : vector<16xi32>
        %and3A_942 = arith.constant 63 : i32
        %and3A_943 = vector.broadcast %and3A_942 : i32 to vector<16xi32>
        %and3A_944 = arith.andi %add3A_941, %and3A_943 : vector<16xi32>
        %gather3A_945 = tpu.vector_load_idx %arg11[%add3A_79, %and3A_944] : memref<160x64xf32, #tpu.memory_space<vmem>>[vector<16xi32>, vector<16xi32>], vector<16xf32>,
        %gather3A_946 = tpu.vector_load_idx %arg12[%add3A_79, %and3A_944] : memref<160x64xf32, #tpu.memory_space<vmem>>[vector<16xi32>, vector<16xi32>], vector<16xf32>,
        %get3A_947 = arith.constant 976 : index
        %get3A_948 = tpu.vector_load %arg14[%get3A_947] {strides = array<i32>} : memref<1024xf32, #tpu.memory_space<vmem>>, vector<16xf32>,
        %sub3A_949 = arith.subf %gather3A_945, %gather3A_946 : vector<16xf32>
        %abs3A_950 = math.absf %sub3A_949 : vector<16xf32>
        %mul3A_951 = arith.mulf %get3A_948, %abs3A_950 : vector<16xf32>
        %add3A_952 = arith.addf %add3A_896, %mul3A_951 : vector<16xf32>
        %add3A_953 = arith.constant 62 : i32
        %add3A_954 = vector.broadcast %add3A_953 : i32 to vector<16xi32>
        %add3A_955 = arith.addi %iota3A, %add3A_954 : vector<16xi32>
        %and3A_956 = arith.constant 63 : i32
        %and3A_957 = vector.broadcast %and3A_956 : i32 to vector<16xi32>
        %and3A_958 = arith.andi %add3A_955, %and3A_957 : vector<16xi32>
        %gather3A_959 = tpu.vector_load_idx %arg11[%add3A_79, %and3A_958] : memref<160x64xf32, #tpu.memory_space<vmem>>[vector<16xi32>, vector<16xi32>], vector<16xf32>,
        %gather3A_960 = tpu.vector_load_idx %arg12[%add3A_79, %and3A_958] : memref<160x64xf32, #tpu.memory_space<vmem>>[vector<16xi32>, vector<16xi32>], vector<16xf32>,
        %get3A_961 = arith.constant 992 : index
        %get3A_962 = tpu.vector_load %arg14[%get3A_961] {strides = array<i32>} : memref<1024xf32, #tpu.memory_space<vmem>>, vector<16xf32>,
        %sub3A_963 = arith.subf %gather3A_959, %gather3A_960 : vector<16xf32>
        %abs3A_964 = math.absf %sub3A_963 : vector<16xf32>
        %mul3A_965 = arith.mulf %get3A_962, %abs3A_964 : vector<16xf32>
        %add3A_966 = arith.addf %add3A_910, %mul3A_965 : vector<16xf32>
        %add3A_967 = arith.constant 63 : i32
        %add3A_968 = vector.broadcast %add3A_967 : i32 to vector<16xi32>
        %add3A_969 = arith.addi %iota3A, %add3A_968 : vector<16xi32>
        %and3A_970 = arith.constant 63 : i32
        %and3A_971 = vector.broadcast %and3A_970 : i32 to vector<16xi32>
        %and3A_972 = arith.andi %add3A_969, %and3A_971 : vector<16xi32>
        %gather3A_973 = tpu.vector_load_idx %arg11[%add3A_79, %and3A_972] : memref<160x64xf32, #tpu.memory_space<vmem>>[vector<16xi32>, vector<16xi32>], vector<16xf32>,
        %gather3A_974 = tpu.vector_load_idx %arg12[%add3A_79, %and3A_972] : memref<160x64xf32, #tpu.memory_space<vmem>>[vector<16xi32>, vector<16xi32>], vector<16xf32>,
        %get3A_975 = arith.constant 1008 : index
        %get3A_976 = tpu.vector_load %arg14[%get3A_975] {strides = array<i32>} : memref<1024xf32, #tpu.memory_space<vmem>>, vector<16xf32>,
        %sub3A_977 = arith.subf %gather3A_973, %gather3A_974 : vector<16xf32>
        %abs3A_978 = math.absf %sub3A_977 : vector<16xf32>
        %mul3A_979 = arith.mulf %get3A_976, %abs3A_978 : vector<16xf32>
        %add3A_980 = arith.addf %add3A_924, %mul3A_979 : vector<16xf32>
        %add3A_981 = arith.addf %add3A_938, %add3A_952 : vector<16xf32>
        %add3A_982 = arith.addf %add3A_966, %add3A_980 : vector<16xf32>
        %add3A_983 = arith.addf %add3A_981, %add3A_982 : vector<16xf32>
        %max3A = arith.constant 0.000000e+00 : f32
        %max3A_984 = vector.broadcast %max3A : f32 to vector<16xf32>
        %max3A_985 = arith.maximumf %add3A_983, %max3A_984 : vector<16xf32>
        %exp3A = math.exp %max3A_985 : vector<16xf32>
        %gather3A_986 = tpu.vector_load_idx %arg10[%add3A_63, %add3A_77] : memref<125x80xi32, #tpu.memory_space<vmem>>[vector<16xi32>, vector<16xi32>], vector<16xi32>,
        tpu.vector_store_idx %arg8[%gather3A_986], %exp3A {add = true} : memref<10240xf32, #tpu.memory_space<vmem>>[vector<16xi32>], vector<16xf32>,
        %mul3A_987 = arith.constant 80 : i32
        %mul3A_988 = arith.muli %add3A_36, %mul3A_987 : i32
        %mul3A_989 = arith.constant 16 : i32
        %mul3A_990 = arith.muli %add3A_73, %mul3A_989 : i32
        %add3A_991 = arith.addi %mul3A_988, %mul3A_990 : i32
        %swap3A = arith.index_cast %add3A_991 : i32 to index
        %swap3A_992 = tpu.vector_load %arg13[%swap3A] {strides = array<i32>} : memref<10000xf32, #tpu.memory_space<vmem>>, vector<16xf32>,
        tpu.vector_store %arg13[%swap3A], %exp3A {strides = array<i32>} : memref<10000xf32, #tpu.memory_space<vmem>>, vector<16xf32>,
      }
      %scan3A_68 = arith.constant 5 : i32
    }
    %scan3A_29 = arith.constant 125 : i32
    %mul3A_30 = arith.constant 10000 : i32
    %mul3A_31 = arith.muli %add3A, %mul3A_30 : i32
    "tpu.region"() ({
      %run_scoped3A = tpu.sem_alloc : memref<!tpu.dma_semaphore, #tpu.memory_space<semaphore_mem>>
      %dma_start3A_32 = tpu.memref_slice %arg6[%mul3A_31] : memref<320000xf32, #tpu.memory_space<hbm>> -> memref<10000xf32, #tpu.memory_space<hbm>>
      %dma_start3A_33 = tpu.memref_slice %arg6[%mul3A_31] : memref<320000xf32, #tpu.memory_space<hbm>> -> memref<10000xf32, #tpu.memory_space<hbm>>
      tpu.enqueue_dma source(%arg13 : memref<10000xf32, #tpu.memory_space<vmem>>) target(%dma_start3A_33 : memref<10000xf32, #tpu.memory_space<hbm>>) target_semaphore(%run_scoped3A : memref<!tpu.dma_semaphore, #tpu.memory_space<semaphore_mem>>)
      %dma_wait3A = tpu.memref_slice %arg6[%mul3A_31] : memref<320000xf32, #tpu.memory_space<hbm>> -> memref<10000xf32, #tpu.memory_space<hbm>>
      %dma_wait3A_34 = tpu.memref_slice %arg6[%mul3A_31] : memref<320000xf32, #tpu.memory_space<hbm>> -> memref<10000xf32, #tpu.memory_space<hbm>>
      tpu.wait_dma2 semaphore(%run_scoped3A : memref<!tpu.dma_semaphore, #tpu.memory_space<semaphore_mem>>) src(%arg13 : memref<10000xf32, #tpu.memory_space<vmem>>) dst(%dma_wait3A_34 : memref<10000xf32, #tpu.memory_space<hbm>>)
      tpu.yield
    }) : () -> ()
    "tpu.region"() ({
      %run_scoped3A = tpu.sem_alloc : memref<!tpu.dma_semaphore, #tpu.memory_space<semaphore_mem>>
      %dma_start3A_32 = arith.constant 0 : i32
      %dma_start3A_33 = tpu.memref_slice %arg7[%add3A, %dma_start3A_32] : memref<32x10240xf32, #tpu.memory_space<hbm>> -> memref<1x10240xf32, #tpu.memory_space<hbm>>
      %dma_start3A_34 = tpu.memref_squeeze %dma_start3A_33 : memref<1x10240xf32, #tpu.memory_space<hbm>> -> memref<10240xf32, #tpu.memory_space<hbm>>
      %dma_start3A_35 = arith.constant 0 : i32
      %dma_start3A_36 = tpu.memref_slice %arg7[%add3A, %dma_start3A_35] : memref<32x10240xf32, #tpu.memory_space<hbm>> -> memref<1x10240xf32, #tpu.memory_space<hbm>>
      %dma_start3A_37 = tpu.memref_squeeze %dma_start3A_36 : memref<1x10240xf32, #tpu.memory_space<hbm>> -> memref<10240xf32, #tpu.memory_space<hbm>>
      tpu.enqueue_dma source(%arg8 : memref<10240xf32, #tpu.memory_space<vmem>>) target(%dma_start3A_37 : memref<10240xf32, #tpu.memory_space<hbm>>) target_semaphore(%run_scoped3A : memref<!tpu.dma_semaphore, #tpu.memory_space<semaphore_mem>>)
      %dma_wait3A = arith.constant 0 : i32
      %dma_wait3A_38 = tpu.memref_slice %arg7[%add3A, %dma_wait3A] : memref<32x10240xf32, #tpu.memory_space<hbm>> -> memref<1x10240xf32, #tpu.memory_space<hbm>>
      %dma_wait3A_39 = tpu.memref_squeeze %dma_wait3A_38 : memref<1x10240xf32, #tpu.memory_space<hbm>> -> memref<10240xf32, #tpu.memory_space<hbm>>
      %dma_wait3A_40 = arith.constant 0 : i32
      %dma_wait3A_41 = tpu.memref_slice %arg7[%add3A, %dma_wait3A_40] : memref<32x10240xf32, #tpu.memory_space<hbm>> -> memref<1x10240xf32, #tpu.memory_space<hbm>>
      %dma_wait3A_42 = tpu.memref_squeeze %dma_wait3A_41 : memref<1x10240xf32, #tpu.memory_space<hbm>> -> memref<10240xf32, #tpu.memory_space<hbm>>
      tpu.wait_dma2 semaphore(%run_scoped3A : memref<!tpu.dma_semaphore, #tpu.memory_space<semaphore_mem>>) src(%arg8 : memref<10240xf32, #tpu.memory_space<vmem>>) dst(%dma_wait3A_42 : memref<10240xf32, #tpu.memory_space<hbm>>)
      tpu.yield
    }) : () -> ()
    return
  }
}

#map = affine_map<(d0, d1) -> (0)>
#map1 = affine_map<(d0, d1) -> (0, 0, 0)>
#map2 = affine_map<(d0, d1) -> (0, 0)>
module attributes {stable_mosaic.version = 14 : i64} {
  func.func @_kc(%arg0: i32, %arg1: i32, %arg2: memref<320000xf32, #tpu.memory_space<hbm>>, %arg3: memref<32x125x80xi32, #tpu.memory_space<hbm>>, %arg4: memref<32x125x80xi32, #tpu.memory_space<hbm>>, %arg5: memref<10000x64xf32, #tpu.memory_space<hbm>>, %arg6: memref<640x64xf32, #tpu.memory_space<hbm>>, %arg7: memref<2x10240x64xf32, #tpu.memory_space<hbm>>, %arg8: memref<125x80xi32, #tpu.memory_space<vmem>>, %arg9: memref<125x80xi32, #tpu.memory_space<vmem>>, %arg10: memref<10000xf32, #tpu.memory_space<vmem>>, %arg11: memref<160x64xf32, #tpu.memory_space<vmem>>, %arg12: memref<10240x64xf32, #tpu.memory_space<vmem_shared>>, %arg13: memref<!tpu.dma_semaphore, #tpu.memory_space<semaphore_mem>>, %arg14: memref<!tpu.dma_semaphore, #tpu.memory_space<semaphore_mem>>) attributes {dimension_semantics = [#tpu.dimension_semantics<core_parallel>, #tpu.dimension_semantics<subcore_parallel>], iteration_bounds = array<i64: 2, 16>, scalar_prefetch = 0 : i64, scratch_operands = 7 : i64, tpu.core_type = #tpu.core_type<sc_vector_subcore>, window_params = [{transform_indices = #map}, {transform_indices = #map1}, {transform_indices = #map1}, {transform_indices = #map2}, {transform_indices = #map2}, {transform_indices = #map1}]} {
    %mul3A = arith.constant 16 : i32
    %mul3A_0 = arith.muli %arg0, %mul3A : i32
    %add3A = arith.addi %mul3A_0, %arg1 : i32
    %iota3A = tpu.iota {dimensions = array<i32: 0>} : vector<16xi32>
    "tpu.region"() ({
      %run_scoped3A = tpu.sem_alloc : memref<!tpu.dma_semaphore, #tpu.memory_space<semaphore_mem>>
      %dma_start3A_32 = arith.constant 0 : i32
      %dma_start3A_33 = arith.constant 0 : i32
      %dma_start3A_34 = tpu.memref_slice %arg3[%add3A, %dma_start3A_32, %dma_start3A_33] : memref<32x125x80xi32, #tpu.memory_space<hbm>> -> memref<1x125x80xi32, #tpu.memory_space<hbm>>
      %dma_start3A_35 = tpu.memref_squeeze %dma_start3A_34 : memref<1x125x80xi32, #tpu.memory_space<hbm>> -> memref<125x80xi32, #tpu.memory_space<hbm>>
      %dma_start3A_36 = arith.constant 0 : i32
      %dma_start3A_37 = arith.constant 0 : i32
      %dma_start3A_38 = tpu.memref_slice %arg3[%add3A, %dma_start3A_36, %dma_start3A_37] : memref<32x125x80xi32, #tpu.memory_space<hbm>> -> memref<1x125x80xi32, #tpu.memory_space<hbm>>
      %dma_start3A_39 = tpu.memref_squeeze %dma_start3A_38 : memref<1x125x80xi32, #tpu.memory_space<hbm>> -> memref<125x80xi32, #tpu.memory_space<hbm>>
      tpu.enqueue_dma source(%dma_start3A_39 : memref<125x80xi32, #tpu.memory_space<hbm>>) target(%arg8 : memref<125x80xi32, #tpu.memory_space<vmem>>) target_semaphore(%run_scoped3A : memref<!tpu.dma_semaphore, #tpu.memory_space<semaphore_mem>>)
      %dma_wait3A_40 = arith.constant 0 : i32
      %dma_wait3A_41 = arith.constant 0 : i32
      %dma_wait3A_42 = tpu.memref_slice %arg3[%add3A, %dma_wait3A_40, %dma_wait3A_41] : memref<32x125x80xi32, #tpu.memory_space<hbm>> -> memref<1x125x80xi32, #tpu.memory_space<hbm>>
      %dma_wait3A_43 = tpu.memref_squeeze %dma_wait3A_42 : memref<1x125x80xi32, #tpu.memory_space<hbm>> -> memref<125x80xi32, #tpu.memory_space<hbm>>
      %dma_wait3A_44 = arith.constant 0 : i32
      %dma_wait3A_45 = arith.constant 0 : i32
      %dma_wait3A_46 = tpu.memref_slice %arg3[%add3A, %dma_wait3A_44, %dma_wait3A_45] : memref<32x125x80xi32, #tpu.memory_space<hbm>> -> memref<1x125x80xi32, #tpu.memory_space<hbm>>
      %dma_wait3A_47 = tpu.memref_squeeze %dma_wait3A_46 : memref<1x125x80xi32, #tpu.memory_space<hbm>> -> memref<125x80xi32, #tpu.memory_space<hbm>>
      tpu.wait_dma2 semaphore(%run_scoped3A : memref<!tpu.dma_semaphore, #tpu.memory_space<semaphore_mem>>) src(%dma_wait3A_47 : memref<125x80xi32, #tpu.memory_space<hbm>>) dst(%arg8 : memref<125x80xi32, #tpu.memory_space<vmem>>)
      tpu.yield
    }) : () -> ()
    "tpu.region"() ({
      %run_scoped3A = tpu.sem_alloc : memref<!tpu.dma_semaphore, #tpu.memory_space<semaphore_mem>>
      %dma_start3A_32 = arith.constant 0 : i32
      %dma_start3A_33 = arith.constant 0 : i32
      %dma_start3A_34 = tpu.memref_slice %arg4[%add3A, %dma_start3A_32, %dma_start3A_33] : memref<32x125x80xi32, #tpu.memory_space<hbm>> -> memref<1x125x80xi32, #tpu.memory_space<hbm>>
      %dma_start3A_35 = tpu.memref_squeeze %dma_start3A_34 : memref<1x125x80xi32, #tpu.memory_space<hbm>> -> memref<125x80xi32, #tpu.memory_space<hbm>>
      %dma_start3A_36 = arith.constant 0 : i32
      %dma_start3A_37 = arith.constant 0 : i32
      %dma_start3A_38 = tpu.memref_slice %arg4[%add3A, %dma_start3A_36, %dma_start3A_37] : memref<32x125x80xi32, #tpu.memory_space<hbm>> -> memref<1x125x80xi32, #tpu.memory_space<hbm>>
      %dma_start3A_39 = tpu.memref_squeeze %dma_start3A_38 : memref<1x125x80xi32, #tpu.memory_space<hbm>> -> memref<125x80xi32, #tpu.memory_space<hbm>>
      tpu.enqueue_dma source(%dma_start3A_39 : memref<125x80xi32, #tpu.memory_space<hbm>>) target(%arg9 : memref<125x80xi32, #tpu.memory_space<vmem>>) target_semaphore(%run_scoped3A : memref<!tpu.dma_semaphore, #tpu.memory_space<semaphore_mem>>)
      %dma_wait3A_40 = arith.constant 0 : i32
      %dma_wait3A_41 = arith.constant 0 : i32
      %dma_wait3A_42 = tpu.memref_slice %arg4[%add3A, %dma_wait3A_40, %dma_wait3A_41] : memref<32x125x80xi32, #tpu.memory_space<hbm>> -> memref<1x125x80xi32, #tpu.memory_space<hbm>>
      %dma_wait3A_43 = tpu.memref_squeeze %dma_wait3A_42 : memref<1x125x80xi32, #tpu.memory_space<hbm>> -> memref<125x80xi32, #tpu.memory_space<hbm>>
      %dma_wait3A_44 = arith.constant 0 : i32
      %dma_wait3A_45 = arith.constant 0 : i32
      %dma_wait3A_46 = tpu.memref_slice %arg4[%add3A, %dma_wait3A_44, %dma_wait3A_45] : memref<32x125x80xi32, #tpu.memory_space<hbm>> -> memref<1x125x80xi32, #tpu.memory_space<hbm>>
      %dma_wait3A_47 = tpu.memref_squeeze %dma_wait3A_46 : memref<1x125x80xi32, #tpu.memory_space<hbm>> -> memref<125x80xi32, #tpu.memory_space<hbm>>
      tpu.wait_dma2 semaphore(%run_scoped3A : memref<!tpu.dma_semaphore, #tpu.memory_space<semaphore_mem>>) src(%dma_wait3A_47 : memref<125x80xi32, #tpu.memory_space<hbm>>) dst(%arg9 : memref<125x80xi32, #tpu.memory_space<vmem>>)
      tpu.yield
    }) : () -> ()
    %mul3A_1 = arith.constant 10000 : i32
    %mul3A_2 = arith.muli %add3A, %mul3A_1 : i32
    "tpu.region"() ({
      %run_scoped3A = tpu.sem_alloc : memref<!tpu.dma_semaphore, #tpu.memory_space<semaphore_mem>>
      %dma_start3A_32 = tpu.memref_slice %arg2[%mul3A_2] : memref<320000xf32, #tpu.memory_space<hbm>> -> memref<10000xf32, #tpu.memory_space<hbm>>
      %dma_start3A_33 = tpu.memref_slice %arg2[%mul3A_2] : memref<320000xf32, #tpu.memory_space<hbm>> -> memref<10000xf32, #tpu.memory_space<hbm>>
      tpu.enqueue_dma source(%dma_start3A_33 : memref<10000xf32, #tpu.memory_space<hbm>>) target(%arg10 : memref<10000xf32, #tpu.memory_space<vmem>>) target_semaphore(%run_scoped3A : memref<!tpu.dma_semaphore, #tpu.memory_space<semaphore_mem>>)
      %dma_wait3A_34 = tpu.memref_slice %arg2[%mul3A_2] : memref<320000xf32, #tpu.memory_space<hbm>> -> memref<10000xf32, #tpu.memory_space<hbm>>
      %dma_wait3A_35 = tpu.memref_slice %arg2[%mul3A_2] : memref<320000xf32, #tpu.memory_space<hbm>> -> memref<10000xf32, #tpu.memory_space<hbm>>
      tpu.wait_dma2 semaphore(%run_scoped3A : memref<!tpu.dma_semaphore, #tpu.memory_space<semaphore_mem>>) src(%dma_wait3A_35 : memref<10000xf32, #tpu.memory_space<hbm>>) dst(%arg10 : memref<10000xf32, #tpu.memory_space<vmem>>)
      tpu.yield
    }) : () -> ()
    %mul3A_3 = arith.constant 640 : i32
    %mul3A_4 = arith.muli %arg1, %mul3A_3 : i32
    "tpu.region"() ({
      %run_scoped3A = tpu.sem_alloc : memref<!tpu.dma_semaphore, #tpu.memory_space<semaphore_mem>>
      %dma_start3A_32 = arith.constant 0 : i32
      %dma_start3A_33 = tpu.memref_slice %arg12[%mul3A_4, %dma_start3A_32] : memref<10240x64xf32, #tpu.memory_space<vmem_shared>> -> memref<640x64xf32, #tpu.memory_space<vmem_shared>>
      tpu.enqueue_dma source(%arg6 : memref<640x64xf32, #tpu.memory_space<hbm>>) target(%dma_start3A_33 : memref<640x64xf32, #tpu.memory_space<vmem_shared>>) target_semaphore(%run_scoped3A : memref<!tpu.dma_semaphore, #tpu.memory_space<semaphore_mem>>)
      %dma_wait3A_34 = arith.constant 0 : i32
      %dma_wait3A_35 = tpu.memref_slice %arg12[%mul3A_4, %dma_wait3A_34] : memref<10240x64xf32, #tpu.memory_space<vmem_shared>> -> memref<640x64xf32, #tpu.memory_space<vmem_shared>>
      tpu.wait_dma2 semaphore(%run_scoped3A : memref<!tpu.dma_semaphore, #tpu.memory_space<semaphore_mem>>) src(%arg6 : memref<640x64xf32, #tpu.memory_space<hbm>>) dst(%dma_wait3A_35 : memref<640x64xf32, #tpu.memory_space<vmem_shared>>)
      tpu.yield
    }) : () -> ()
    %barrier3A = arith.constant 0 : index
    tpu.barrier barrier_id(%barrier3A)
    %dma_start3A = arith.constant 0 : i32
    %dma_start3A_5 = arith.constant 0 : i32
    %dma_start3A_6 = arith.constant 0 : i32
    %dma_start3A_7 = tpu.memref_slice %arg11[%dma_start3A_5, %dma_start3A_6] : memref<160x64xf32, #tpu.memory_space<vmem>> -> memref<80x64xf32, #tpu.memory_space<vmem>>
    %dma_start3A_8 = arith.constant 0 : i32
    %dma_start3A_9 = tpu.memref_slice %arg8[%dma_start3A, %dma_start3A_8] : memref<125x80xi32, #tpu.memory_space<vmem>> -> memref<1x80xi32, #tpu.memory_space<vmem>>
    %dma_start3A_10 = tpu.memref_squeeze %dma_start3A_9 : memref<1x80xi32, #tpu.memory_space<vmem>> -> memref<80xi32, #tpu.memory_space<vmem>>
    %dma_start3A_11 = arith.constant 0 : i32
    %dma_start3A_12 = arith.constant 0 : i32
    %dma_start3A_13 = tpu.memref_slice %arg5[%dma_start3A_11, %dma_start3A_12] : memref<10000x64xf32, #tpu.memory_space<hbm>> -> memref<10000x64xf32, #tpu.memory_space<hbm>>
    tpu.enqueue_indirect_dma source(%dma_start3A_13 : memref<10000x64xf32, #tpu.memory_space<hbm>>) target(%dma_start3A_7 : memref<80x64xf32, #tpu.memory_space<vmem>>) offsets(%dma_start3A_10 : memref<80xi32, #tpu.memory_space<vmem>>) semaphore(%arg13 : memref<!tpu.dma_semaphore, #tpu.memory_space<semaphore_mem>>)
    %scan3A = arith.constant 0 : i32
    %scan3A_14 = arith.constant 125 : i32
    %scan3A_15 = arith.addi %scan3A, %scan3A_14 : i32
    %scan3A_16 = arith.constant 1 : i32
    scf.for %scan3A_32 = %scan3A to %scan3A_15 step %scan3A_16  : i32 {
      %mul3A_33 = arith.constant 1 : i32
      %mul3A_34 = arith.muli %scan3A_32, %mul3A_33 : i32
      %add3A_35 = arith.constant 0 : i32
      %add3A_36 = arith.addi %add3A_35, %mul3A_34 : i32
      %and3A = arith.constant 1 : i32
      %and3A_37 = arith.andi %add3A_36, %and3A : i32
      %mul3A_38 = arith.constant 80 : i32
      %mul3A_39 = arith.muli %and3A_37, %mul3A_38 : i32
      %sub3A = arith.constant 80 : i32
      %sub3A_40 = arith.subi %sub3A, %mul3A_39 : i32
      %ge3A = arith.constant 1 : i32
      %ge3A_41 = arith.cmpi sge, %add3A_36, %ge3A : i32
      %convert_element_type3A = arith.extui %ge3A_41 : i1 to i32
      %cond3A = arith.constant 0 : i32
      %cond3A_42 = arith.cmpi ne, %convert_element_type3A, %cond3A : i32
      scf.if %cond3A_42 {
        %sub3A_70 = arith.constant 1 : i32
        %sub3A_71 = arith.subi %add3A_36, %sub3A_70 : i32
        %dma_wait3A_72 = arith.constant 0 : i32
        %dma_wait3A_73 = tpu.memref_slice %arg11[%sub3A_40, %dma_wait3A_72] : memref<160x64xf32, #tpu.memory_space<vmem>> -> memref<80x64xf32, #tpu.memory_space<vmem>>
        %dma_wait3A_74 = arith.constant 0 : i32
        %dma_wait3A_75 = tpu.memref_slice %arg9[%sub3A_71, %dma_wait3A_74] : memref<125x80xi32, #tpu.memory_space<vmem>> -> memref<1x80xi32, #tpu.memory_space<vmem>>
        %dma_wait3A_76 = tpu.memref_squeeze %dma_wait3A_75 : memref<1x80xi32, #tpu.memory_space<vmem>> -> memref<80xi32, #tpu.memory_space<vmem>>
        %dma_wait3A_77 = arith.constant 0 : i32
        %dma_wait3A_78 = arith.constant 0 : i32
        %dma_wait3A_79 = tpu.memref_slice %arg12[%dma_wait3A_77, %dma_wait3A_78] : memref<10240x64xf32, #tpu.memory_space<vmem_shared>> -> memref<10240x64xf32, #tpu.memory_space<vmem_shared>>
        tpu.wait_indirect_dma semaphore(%arg14 : memref<!tpu.dma_semaphore, #tpu.memory_space<semaphore_mem>>) src(%dma_wait3A_73 : memref<80x64xf32, #tpu.memory_space<vmem>>) dst(%dma_wait3A_79 : memref<10240x64xf32, #tpu.memory_space<vmem_shared>>)
      } else {
      }
      %add3A_43 = arith.constant 1 : i32
      %add3A_44 = arith.addi %add3A_36, %add3A_43 : i32
      %lt3A = arith.constant 125 : i32
      %lt3A_45 = arith.cmpi slt, %add3A_44, %lt3A : i32
      %convert_element_type3A_46 = arith.extui %lt3A_45 : i1 to i32
      %cond3A_47 = arith.constant 0 : i32
      %cond3A_48 = arith.cmpi ne, %convert_element_type3A_46, %cond3A_47 : i32
      scf.if %cond3A_48 {
        %add3A_70 = arith.constant 1 : i32
        %add3A_71 = arith.addi %add3A_36, %add3A_70 : i32
        %dma_start3A_72 = arith.constant 0 : i32
        %dma_start3A_73 = tpu.memref_slice %arg11[%sub3A_40, %dma_start3A_72] : memref<160x64xf32, #tpu.memory_space<vmem>> -> memref<80x64xf32, #tpu.memory_space<vmem>>
        %dma_start3A_74 = arith.constant 0 : i32
        %dma_start3A_75 = tpu.memref_slice %arg8[%add3A_71, %dma_start3A_74] : memref<125x80xi32, #tpu.memory_space<vmem>> -> memref<1x80xi32, #tpu.memory_space<vmem>>
        %dma_start3A_76 = tpu.memref_squeeze %dma_start3A_75 : memref<1x80xi32, #tpu.memory_space<vmem>> -> memref<80xi32, #tpu.memory_space<vmem>>
        %dma_start3A_77 = arith.constant 0 : i32
        %dma_start3A_78 = arith.constant 0 : i32
        %dma_start3A_79 = tpu.memref_slice %arg5[%dma_start3A_77, %dma_start3A_78] : memref<10000x64xf32, #tpu.memory_space<hbm>> -> memref<10000x64xf32, #tpu.memory_space<hbm>>
        tpu.enqueue_indirect_dma source(%dma_start3A_79 : memref<10000x64xf32, #tpu.memory_space<hbm>>) target(%dma_start3A_73 : memref<80x64xf32, #tpu.memory_space<vmem>>) offsets(%dma_start3A_76 : memref<80xi32, #tpu.memory_space<vmem>>) semaphore(%arg13 : memref<!tpu.dma_semaphore, #tpu.memory_space<semaphore_mem>>)
      } else {
      }
      %dma_wait3A_49 = arith.constant 0 : i32
      %dma_wait3A_50 = tpu.memref_slice %arg11[%mul3A_39, %dma_wait3A_49] : memref<160x64xf32, #tpu.memory_space<vmem>> -> memref<80x64xf32, #tpu.memory_space<vmem>>
      %dma_wait3A_51 = arith.constant 0 : i32
      %dma_wait3A_52 = tpu.memref_slice %arg8[%add3A_36, %dma_wait3A_51] : memref<125x80xi32, #tpu.memory_space<vmem>> -> memref<1x80xi32, #tpu.memory_space<vmem>>
      %dma_wait3A_53 = tpu.memref_squeeze %dma_wait3A_52 : memref<1x80xi32, #tpu.memory_space<vmem>> -> memref<80xi32, #tpu.memory_space<vmem>>
      %dma_wait3A_54 = arith.constant 0 : i32
      %dma_wait3A_55 = arith.constant 0 : i32
      %dma_wait3A_56 = tpu.memref_slice %arg5[%dma_wait3A_54, %dma_wait3A_55] : memref<10000x64xf32, #tpu.memory_space<hbm>> -> memref<10000x64xf32, #tpu.memory_space<hbm>>
      tpu.wait_indirect_dma semaphore(%arg13 : memref<!tpu.dma_semaphore, #tpu.memory_space<semaphore_mem>>) src(%dma_wait3A_56 : memref<10000x64xf32, #tpu.memory_space<hbm>>) dst(%dma_wait3A_50 : memref<80x64xf32, #tpu.memory_space<vmem>>)
      %scan3A_57 = arith.constant 0 : i32
      %scan3A_58 = arith.constant 5 : i32
      %scan3A_59 = arith.addi %scan3A_57, %scan3A_58 : i32
      %scan3A_60 = arith.constant 1 : i32
      scf.for %scan3A_70 = %scan3A_57 to %scan3A_59 step %scan3A_60  : i32 {
        %mul3A_71 = arith.constant 1 : i32
        %mul3A_72 = arith.muli %scan3A_70, %mul3A_71 : i32
        %add3A_73 = arith.constant 0 : i32
        %add3A_74 = arith.addi %add3A_73, %mul3A_72 : i32
        %mul3A_75 = arith.constant 80 : i32
        %mul3A_76 = arith.muli %add3A_36, %mul3A_75 : i32
        %mul3A_77 = arith.constant 16 : i32
        %mul3A_78 = arith.muli %add3A_74, %mul3A_77 : i32
        %add3A_79 = arith.addi %mul3A_76, %mul3A_78 : i32
        %get3A = arith.index_cast %add3A_79 : i32 to index
        %get3A_80 = tpu.vector_load %arg10[%get3A] {strides = array<i32>} : memref<10000xf32, #tpu.memory_space<vmem>>, vector<16xf32>,
        %mul3A_81 = arith.constant 16 : i32
        %mul3A_82 = arith.muli %add3A_74, %mul3A_81 : i32
        %add3A_83 = arith.addi %mul3A_39, %mul3A_82 : i32
        %add3A_84 = vector.broadcast %add3A_83 : i32 to vector<16xi32>
        %add3A_85 = arith.addi %add3A_84, %iota3A : vector<16xi32>
        %add3A_86 = arith.constant 0 : i32
        %add3A_87 = vector.broadcast %add3A_86 : i32 to vector<16xi32>
        %add3A_88 = arith.addi %iota3A, %add3A_87 : vector<16xi32>
        %and3A_89 = arith.constant 63 : i32
        %and3A_90 = vector.broadcast %and3A_89 : i32 to vector<16xi32>
        %and3A_91 = arith.andi %add3A_88, %and3A_90 : vector<16xi32>
        %gather3A = tpu.vector_load_idx %arg11[%add3A_85, %and3A_91] : memref<160x64xf32, #tpu.memory_space<vmem>>[vector<16xi32>, vector<16xi32>], vector<16xf32>,
        %mul3A_92 = arith.mulf %gather3A, %get3A_80 : vector<16xf32>
        tpu.vector_store_idx %arg11[%add3A_85, %and3A_91], %mul3A_92 : memref<160x64xf32, #tpu.memory_space<vmem>>[vector<16xi32>, vector<16xi32>], vector<16xf32>,
        %add3A_93 = arith.constant 1 : i32
        %add3A_94 = vector.broadcast %add3A_93 : i32 to vector<16xi32>
        %add3A_95 = arith.addi %iota3A, %add3A_94 : vector<16xi32>
        %and3A_96 = arith.constant 63 : i32
        %and3A_97 = vector.broadcast %and3A_96 : i32 to vector<16xi32>
        %and3A_98 = arith.andi %add3A_95, %and3A_97 : vector<16xi32>
        %gather3A_99 = tpu.vector_load_idx %arg11[%add3A_85, %and3A_98] : memref<160x64xf32, #tpu.memory_space<vmem>>[vector<16xi32>, vector<16xi32>], vector<16xf32>,
        %mul3A_100 = arith.mulf %gather3A_99, %get3A_80 : vector<16xf32>
        tpu.vector_store_idx %arg11[%add3A_85, %and3A_98], %mul3A_100 : memref<160x64xf32, #tpu.memory_space<vmem>>[vector<16xi32>, vector<16xi32>], vector<16xf32>,
        %add3A_101 = arith.constant 2 : i32
        %add3A_102 = vector.broadcast %add3A_101 : i32 to vector<16xi32>
        %add3A_103 = arith.addi %iota3A, %add3A_102 : vector<16xi32>
        %and3A_104 = arith.constant 63 : i32
        %and3A_105 = vector.broadcast %and3A_104 : i32 to vector<16xi32>
        %and3A_106 = arith.andi %add3A_103, %and3A_105 : vector<16xi32>
        %gather3A_107 = tpu.vector_load_idx %arg11[%add3A_85, %and3A_106] : memref<160x64xf32, #tpu.memory_space<vmem>>[vector<16xi32>, vector<16xi32>], vector<16xf32>,
        %mul3A_108 = arith.mulf %gather3A_107, %get3A_80 : vector<16xf32>
        tpu.vector_store_idx %arg11[%add3A_85, %and3A_106], %mul3A_108 : memref<160x64xf32, #tpu.memory_space<vmem>>[vector<16xi32>, vector<16xi32>], vector<16xf32>,
        %add3A_109 = arith.constant 3 : i32
        %add3A_110 = vector.broadcast %add3A_109 : i32 to vector<16xi32>
        %add3A_111 = arith.addi %iota3A, %add3A_110 : vector<16xi32>
        %and3A_112 = arith.constant 63 : i32
        %and3A_113 = vector.broadcast %and3A_112 : i32 to vector<16xi32>
        %and3A_114 = arith.andi %add3A_111, %and3A_113 : vector<16xi32>
        %gather3A_115 = tpu.vector_load_idx %arg11[%add3A_85, %and3A_114] : memref<160x64xf32, #tpu.memory_space<vmem>>[vector<16xi32>, vector<16xi32>], vector<16xf32>,
        %mul3A_116 = arith.mulf %gather3A_115, %get3A_80 : vector<16xf32>
        tpu.vector_store_idx %arg11[%add3A_85, %and3A_114], %mul3A_116 : memref<160x64xf32, #tpu.memory_space<vmem>>[vector<16xi32>, vector<16xi32>], vector<16xf32>,
        %add3A_117 = arith.constant 4 : i32
        %add3A_118 = vector.broadcast %add3A_117 : i32 to vector<16xi32>
        %add3A_119 = arith.addi %iota3A, %add3A_118 : vector<16xi32>
        %and3A_120 = arith.constant 63 : i32
        %and3A_121 = vector.broadcast %and3A_120 : i32 to vector<16xi32>
        %and3A_122 = arith.andi %add3A_119, %and3A_121 : vector<16xi32>
        %gather3A_123 = tpu.vector_load_idx %arg11[%add3A_85, %and3A_122] : memref<160x64xf32, #tpu.memory_space<vmem>>[vector<16xi32>, vector<16xi32>], vector<16xf32>,
        %mul3A_124 = arith.mulf %gather3A_123, %get3A_80 : vector<16xf32>
        tpu.vector_store_idx %arg11[%add3A_85, %and3A_122], %mul3A_124 : memref<160x64xf32, #tpu.memory_space<vmem>>[vector<16xi32>, vector<16xi32>], vector<16xf32>,
        %add3A_125 = arith.constant 5 : i32
        %add3A_126 = vector.broadcast %add3A_125 : i32 to vector<16xi32>
        %add3A_127 = arith.addi %iota3A, %add3A_126 : vector<16xi32>
        %and3A_128 = arith.constant 63 : i32
        %and3A_129 = vector.broadcast %and3A_128 : i32 to vector<16xi32>
        %and3A_130 = arith.andi %add3A_127, %and3A_129 : vector<16xi32>
        %gather3A_131 = tpu.vector_load_idx %arg11[%add3A_85, %and3A_130] : memref<160x64xf32, #tpu.memory_space<vmem>>[vector<16xi32>, vector<16xi32>], vector<16xf32>,
        %mul3A_132 = arith.mulf %gather3A_131, %get3A_80 : vector<16xf32>
        tpu.vector_store_idx %arg11[%add3A_85, %and3A_130], %mul3A_132 : memref<160x64xf32, #tpu.memory_space<vmem>>[vector<16xi32>, vector<16xi32>], vector<16xf32>,
        %add3A_133 = arith.constant 6 : i32
        %add3A_134 = vector.broadcast %add3A_133 : i32 to vector<16xi32>
        %add3A_135 = arith.addi %iota3A, %add3A_134 : vector<16xi32>
        %and3A_136 = arith.constant 63 : i32
        %and3A_137 = vector.broadcast %and3A_136 : i32 to vector<16xi32>
        %and3A_138 = arith.andi %add3A_135, %and3A_137 : vector<16xi32>
        %gather3A_139 = tpu.vector_load_idx %arg11[%add3A_85, %and3A_138] : memref<160x64xf32, #tpu.memory_space<vmem>>[vector<16xi32>, vector<16xi32>], vector<16xf32>,
        %mul3A_140 = arith.mulf %gather3A_139, %get3A_80 : vector<16xf32>
        tpu.vector_store_idx %arg11[%add3A_85, %and3A_138], %mul3A_140 : memref<160x64xf32, #tpu.memory_space<vmem>>[vector<16xi32>, vector<16xi32>], vector<16xf32>,
        %add3A_141 = arith.constant 7 : i32
        %add3A_142 = vector.broadcast %add3A_141 : i32 to vector<16xi32>
        %add3A_143 = arith.addi %iota3A, %add3A_142 : vector<16xi32>
        %and3A_144 = arith.constant 63 : i32
        %and3A_145 = vector.broadcast %and3A_144 : i32 to vector<16xi32>
        %and3A_146 = arith.andi %add3A_143, %and3A_145 : vector<16xi32>
        %gather3A_147 = tpu.vector_load_idx %arg11[%add3A_85, %and3A_146] : memref<160x64xf32, #tpu.memory_space<vmem>>[vector<16xi32>, vector<16xi32>], vector<16xf32>,
        %mul3A_148 = arith.mulf %gather3A_147, %get3A_80 : vector<16xf32>
        tpu.vector_store_idx %arg11[%add3A_85, %and3A_146], %mul3A_148 : memref<160x64xf32, #tpu.memory_space<vmem>>[vector<16xi32>, vector<16xi32>], vector<16xf32>,
        %add3A_149 = arith.constant 8 : i32
        %add3A_150 = vector.broadcast %add3A_149 : i32 to vector<16xi32>
        %add3A_151 = arith.addi %iota3A, %add3A_150 : vector<16xi32>
        %and3A_152 = arith.constant 63 : i32
        %and3A_153 = vector.broadcast %and3A_152 : i32 to vector<16xi32>
        %and3A_154 = arith.andi %add3A_151, %and3A_153 : vector<16xi32>
        %gather3A_155 = tpu.vector_load_idx %arg11[%add3A_85, %and3A_154] : memref<160x64xf32, #tpu.memory_space<vmem>>[vector<16xi32>, vector<16xi32>], vector<16xf32>,
        %mul3A_156 = arith.mulf %gather3A_155, %get3A_80 : vector<16xf32>
        tpu.vector_store_idx %arg11[%add3A_85, %and3A_154], %mul3A_156 : memref<160x64xf32, #tpu.memory_space<vmem>>[vector<16xi32>, vector<16xi32>], vector<16xf32>,
        %add3A_157 = arith.constant 9 : i32
        %add3A_158 = vector.broadcast %add3A_157 : i32 to vector<16xi32>
        %add3A_159 = arith.addi %iota3A, %add3A_158 : vector<16xi32>
        %and3A_160 = arith.constant 63 : i32
        %and3A_161 = vector.broadcast %and3A_160 : i32 to vector<16xi32>
        %and3A_162 = arith.andi %add3A_159, %and3A_161 : vector<16xi32>
        %gather3A_163 = tpu.vector_load_idx %arg11[%add3A_85, %and3A_162] : memref<160x64xf32, #tpu.memory_space<vmem>>[vector<16xi32>, vector<16xi32>], vector<16xf32>,
        %mul3A_164 = arith.mulf %gather3A_163, %get3A_80 : vector<16xf32>
        tpu.vector_store_idx %arg11[%add3A_85, %and3A_162], %mul3A_164 : memref<160x64xf32, #tpu.memory_space<vmem>>[vector<16xi32>, vector<16xi32>], vector<16xf32>,
        %add3A_165 = arith.constant 10 : i32
        %add3A_166 = vector.broadcast %add3A_165 : i32 to vector<16xi32>
        %add3A_167 = arith.addi %iota3A, %add3A_166 : vector<16xi32>
        %and3A_168 = arith.constant 63 : i32
        %and3A_169 = vector.broadcast %and3A_168 : i32 to vector<16xi32>
        %and3A_170 = arith.andi %add3A_167, %and3A_169 : vector<16xi32>
        %gather3A_171 = tpu.vector_load_idx %arg11[%add3A_85, %and3A_170] : memref<160x64xf32, #tpu.memory_space<vmem>>[vector<16xi32>, vector<16xi32>], vector<16xf32>,
        %mul3A_172 = arith.mulf %gather3A_171, %get3A_80 : vector<16xf32>
        tpu.vector_store_idx %arg11[%add3A_85, %and3A_170], %mul3A_172 : memref<160x64xf32, #tpu.memory_space<vmem>>[vector<16xi32>, vector<16xi32>], vector<16xf32>,
        %add3A_173 = arith.constant 11 : i32
        %add3A_174 = vector.broadcast %add3A_173 : i32 to vector<16xi32>
        %add3A_175 = arith.addi %iota3A, %add3A_174 : vector<16xi32>
        %and3A_176 = arith.constant 63 : i32
        %and3A_177 = vector.broadcast %and3A_176 : i32 to vector<16xi32>
        %and3A_178 = arith.andi %add3A_175, %and3A_177 : vector<16xi32>
        %gather3A_179 = tpu.vector_load_idx %arg11[%add3A_85, %and3A_178] : memref<160x64xf32, #tpu.memory_space<vmem>>[vector<16xi32>, vector<16xi32>], vector<16xf32>,
        %mul3A_180 = arith.mulf %gather3A_179, %get3A_80 : vector<16xf32>
        tpu.vector_store_idx %arg11[%add3A_85, %and3A_178], %mul3A_180 : memref<160x64xf32, #tpu.memory_space<vmem>>[vector<16xi32>, vector<16xi32>], vector<16xf32>,
        %add3A_181 = arith.constant 12 : i32
        %add3A_182 = vector.broadcast %add3A_181 : i32 to vector<16xi32>
        %add3A_183 = arith.addi %iota3A, %add3A_182 : vector<16xi32>
        %and3A_184 = arith.constant 63 : i32
        %and3A_185 = vector.broadcast %and3A_184 : i32 to vector<16xi32>
        %and3A_186 = arith.andi %add3A_183, %and3A_185 : vector<16xi32>
        %gather3A_187 = tpu.vector_load_idx %arg11[%add3A_85, %and3A_186] : memref<160x64xf32, #tpu.memory_space<vmem>>[vector<16xi32>, vector<16xi32>], vector<16xf32>,
        %mul3A_188 = arith.mulf %gather3A_187, %get3A_80 : vector<16xf32>
        tpu.vector_store_idx %arg11[%add3A_85, %and3A_186], %mul3A_188 : memref<160x64xf32, #tpu.memory_space<vmem>>[vector<16xi32>, vector<16xi32>], vector<16xf32>,
        %add3A_189 = arith.constant 13 : i32
        %add3A_190 = vector.broadcast %add3A_189 : i32 to vector<16xi32>
        %add3A_191 = arith.addi %iota3A, %add3A_190 : vector<16xi32>
        %and3A_192 = arith.constant 63 : i32
        %and3A_193 = vector.broadcast %and3A_192 : i32 to vector<16xi32>
        %and3A_194 = arith.andi %add3A_191, %and3A_193 : vector<16xi32>
        %gather3A_195 = tpu.vector_load_idx %arg11[%add3A_85, %and3A_194] : memref<160x64xf32, #tpu.memory_space<vmem>>[vector<16xi32>, vector<16xi32>], vector<16xf32>,
        %mul3A_196 = arith.mulf %gather3A_195, %get3A_80 : vector<16xf32>
        tpu.vector_store_idx %arg11[%add3A_85, %and3A_194], %mul3A_196 : memref<160x64xf32, #tpu.memory_space<vmem>>[vector<16xi32>, vector<16xi32>], vector<16xf32>,
        %add3A_197 = arith.constant 14 : i32
        %add3A_198 = vector.broadcast %add3A_197 : i32 to vector<16xi32>
        %add3A_199 = arith.addi %iota3A, %add3A_198 : vector<16xi32>
        %and3A_200 = arith.constant 63 : i32
        %and3A_201 = vector.broadcast %and3A_200 : i32 to vector<16xi32>
        %and3A_202 = arith.andi %add3A_199, %and3A_201 : vector<16xi32>
        %gather3A_203 = tpu.vector_load_idx %arg11[%add3A_85, %and3A_202] : memref<160x64xf32, #tpu.memory_space<vmem>>[vector<16xi32>, vector<16xi32>], vector<16xf32>,
        %mul3A_204 = arith.mulf %gather3A_203, %get3A_80 : vector<16xf32>
        tpu.vector_store_idx %arg11[%add3A_85, %and3A_202], %mul3A_204 : memref<160x64xf32, #tpu.memory_space<vmem>>[vector<16xi32>, vector<16xi32>], vector<16xf32>,
        %add3A_205 = arith.constant 15 : i32
        %add3A_206 = vector.broadcast %add3A_205 : i32 to vector<16xi32>
        %add3A_207 = arith.addi %iota3A, %add3A_206 : vector<16xi32>
        %and3A_208 = arith.constant 63 : i32
        %and3A_209 = vector.broadcast %and3A_208 : i32 to vector<16xi32>
        %and3A_210 = arith.andi %add3A_207, %and3A_209 : vector<16xi32>
        %gather3A_211 = tpu.vector_load_idx %arg11[%add3A_85, %and3A_210] : memref<160x64xf32, #tpu.memory_space<vmem>>[vector<16xi32>, vector<16xi32>], vector<16xf32>,
        %mul3A_212 = arith.mulf %gather3A_211, %get3A_80 : vector<16xf32>
        tpu.vector_store_idx %arg11[%add3A_85, %and3A_210], %mul3A_212 : memref<160x64xf32, #tpu.memory_space<vmem>>[vector<16xi32>, vector<16xi32>], vector<16xf32>,
        %add3A_213 = arith.constant 16 : i32
        %add3A_214 = vector.broadcast %add3A_213 : i32 to vector<16xi32>
        %add3A_215 = arith.addi %iota3A, %add3A_214 : vector<16xi32>
        %and3A_216 = arith.constant 63 : i32
        %and3A_217 = vector.broadcast %and3A_216 : i32 to vector<16xi32>
        %and3A_218 = arith.andi %add3A_215, %and3A_217 : vector<16xi32>
        %gather3A_219 = tpu.vector_load_idx %arg11[%add3A_85, %and3A_218] : memref<160x64xf32, #tpu.memory_space<vmem>>[vector<16xi32>, vector<16xi32>], vector<16xf32>,
        %mul3A_220 = arith.mulf %gather3A_219, %get3A_80 : vector<16xf32>
        tpu.vector_store_idx %arg11[%add3A_85, %and3A_218], %mul3A_220 : memref<160x64xf32, #tpu.memory_space<vmem>>[vector<16xi32>, vector<16xi32>], vector<16xf32>,
        %add3A_221 = arith.constant 17 : i32
        %add3A_222 = vector.broadcast %add3A_221 : i32 to vector<16xi32>
        %add3A_223 = arith.addi %iota3A, %add3A_222 : vector<16xi32>
        %and3A_224 = arith.constant 63 : i32
        %and3A_225 = vector.broadcast %and3A_224 : i32 to vector<16xi32>
        %and3A_226 = arith.andi %add3A_223, %and3A_225 : vector<16xi32>
        %gather3A_227 = tpu.vector_load_idx %arg11[%add3A_85, %and3A_226] : memref<160x64xf32, #tpu.memory_space<vmem>>[vector<16xi32>, vector<16xi32>], vector<16xf32>,
        %mul3A_228 = arith.mulf %gather3A_227, %get3A_80 : vector<16xf32>
        tpu.vector_store_idx %arg11[%add3A_85, %and3A_226], %mul3A_228 : memref<160x64xf32, #tpu.memory_space<vmem>>[vector<16xi32>, vector<16xi32>], vector<16xf32>,
        %add3A_229 = arith.constant 18 : i32
        %add3A_230 = vector.broadcast %add3A_229 : i32 to vector<16xi32>
        %add3A_231 = arith.addi %iota3A, %add3A_230 : vector<16xi32>
        %and3A_232 = arith.constant 63 : i32
        %and3A_233 = vector.broadcast %and3A_232 : i32 to vector<16xi32>
        %and3A_234 = arith.andi %add3A_231, %and3A_233 : vector<16xi32>
        %gather3A_235 = tpu.vector_load_idx %arg11[%add3A_85, %and3A_234] : memref<160x64xf32, #tpu.memory_space<vmem>>[vector<16xi32>, vector<16xi32>], vector<16xf32>,
        %mul3A_236 = arith.mulf %gather3A_235, %get3A_80 : vector<16xf32>
        tpu.vector_store_idx %arg11[%add3A_85, %and3A_234], %mul3A_236 : memref<160x64xf32, #tpu.memory_space<vmem>>[vector<16xi32>, vector<16xi32>], vector<16xf32>,
        %add3A_237 = arith.constant 19 : i32
        %add3A_238 = vector.broadcast %add3A_237 : i32 to vector<16xi32>
        %add3A_239 = arith.addi %iota3A, %add3A_238 : vector<16xi32>
        %and3A_240 = arith.constant 63 : i32
        %and3A_241 = vector.broadcast %and3A_240 : i32 to vector<16xi32>
        %and3A_242 = arith.andi %add3A_239, %and3A_241 : vector<16xi32>
        %gather3A_243 = tpu.vector_load_idx %arg11[%add3A_85, %and3A_242] : memref<160x64xf32, #tpu.memory_space<vmem>>[vector<16xi32>, vector<16xi32>], vector<16xf32>,
        %mul3A_244 = arith.mulf %gather3A_243, %get3A_80 : vector<16xf32>
        tpu.vector_store_idx %arg11[%add3A_85, %and3A_242], %mul3A_244 : memref<160x64xf32, #tpu.memory_space<vmem>>[vector<16xi32>, vector<16xi32>], vector<16xf32>,
        %add3A_245 = arith.constant 20 : i32
        %add3A_246 = vector.broadcast %add3A_245 : i32 to vector<16xi32>
        %add3A_247 = arith.addi %iota3A, %add3A_246 : vector<16xi32>
        %and3A_248 = arith.constant 63 : i32
        %and3A_249 = vector.broadcast %and3A_248 : i32 to vector<16xi32>
        %and3A_250 = arith.andi %add3A_247, %and3A_249 : vector<16xi32>
        %gather3A_251 = tpu.vector_load_idx %arg11[%add3A_85, %and3A_250] : memref<160x64xf32, #tpu.memory_space<vmem>>[vector<16xi32>, vector<16xi32>], vector<16xf32>,
        %mul3A_252 = arith.mulf %gather3A_251, %get3A_80 : vector<16xf32>
        tpu.vector_store_idx %arg11[%add3A_85, %and3A_250], %mul3A_252 : memref<160x64xf32, #tpu.memory_space<vmem>>[vector<16xi32>, vector<16xi32>], vector<16xf32>,
        %add3A_253 = arith.constant 21 : i32
        %add3A_254 = vector.broadcast %add3A_253 : i32 to vector<16xi32>
        %add3A_255 = arith.addi %iota3A, %add3A_254 : vector<16xi32>
        %and3A_256 = arith.constant 63 : i32
        %and3A_257 = vector.broadcast %and3A_256 : i32 to vector<16xi32>
        %and3A_258 = arith.andi %add3A_255, %and3A_257 : vector<16xi32>
        %gather3A_259 = tpu.vector_load_idx %arg11[%add3A_85, %and3A_258] : memref<160x64xf32, #tpu.memory_space<vmem>>[vector<16xi32>, vector<16xi32>], vector<16xf32>,
        %mul3A_260 = arith.mulf %gather3A_259, %get3A_80 : vector<16xf32>
        tpu.vector_store_idx %arg11[%add3A_85, %and3A_258], %mul3A_260 : memref<160x64xf32, #tpu.memory_space<vmem>>[vector<16xi32>, vector<16xi32>], vector<16xf32>,
        %add3A_261 = arith.constant 22 : i32
        %add3A_262 = vector.broadcast %add3A_261 : i32 to vector<16xi32>
        %add3A_263 = arith.addi %iota3A, %add3A_262 : vector<16xi32>
        %and3A_264 = arith.constant 63 : i32
        %and3A_265 = vector.broadcast %and3A_264 : i32 to vector<16xi32>
        %and3A_266 = arith.andi %add3A_263, %and3A_265 : vector<16xi32>
        %gather3A_267 = tpu.vector_load_idx %arg11[%add3A_85, %and3A_266] : memref<160x64xf32, #tpu.memory_space<vmem>>[vector<16xi32>, vector<16xi32>], vector<16xf32>,
        %mul3A_268 = arith.mulf %gather3A_267, %get3A_80 : vector<16xf32>
        tpu.vector_store_idx %arg11[%add3A_85, %and3A_266], %mul3A_268 : memref<160x64xf32, #tpu.memory_space<vmem>>[vector<16xi32>, vector<16xi32>], vector<16xf32>,
        %add3A_269 = arith.constant 23 : i32
        %add3A_270 = vector.broadcast %add3A_269 : i32 to vector<16xi32>
        %add3A_271 = arith.addi %iota3A, %add3A_270 : vector<16xi32>
        %and3A_272 = arith.constant 63 : i32
        %and3A_273 = vector.broadcast %and3A_272 : i32 to vector<16xi32>
        %and3A_274 = arith.andi %add3A_271, %and3A_273 : vector<16xi32>
        %gather3A_275 = tpu.vector_load_idx %arg11[%add3A_85, %and3A_274] : memref<160x64xf32, #tpu.memory_space<vmem>>[vector<16xi32>, vector<16xi32>], vector<16xf32>,
        %mul3A_276 = arith.mulf %gather3A_275, %get3A_80 : vector<16xf32>
        tpu.vector_store_idx %arg11[%add3A_85, %and3A_274], %mul3A_276 : memref<160x64xf32, #tpu.memory_space<vmem>>[vector<16xi32>, vector<16xi32>], vector<16xf32>,
        %add3A_277 = arith.constant 24 : i32
        %add3A_278 = vector.broadcast %add3A_277 : i32 to vector<16xi32>
        %add3A_279 = arith.addi %iota3A, %add3A_278 : vector<16xi32>
        %and3A_280 = arith.constant 63 : i32
        %and3A_281 = vector.broadcast %and3A_280 : i32 to vector<16xi32>
        %and3A_282 = arith.andi %add3A_279, %and3A_281 : vector<16xi32>
        %gather3A_283 = tpu.vector_load_idx %arg11[%add3A_85, %and3A_282] : memref<160x64xf32, #tpu.memory_space<vmem>>[vector<16xi32>, vector<16xi32>], vector<16xf32>,
        %mul3A_284 = arith.mulf %gather3A_283, %get3A_80 : vector<16xf32>
        tpu.vector_store_idx %arg11[%add3A_85, %and3A_282], %mul3A_284 : memref<160x64xf32, #tpu.memory_space<vmem>>[vector<16xi32>, vector<16xi32>], vector<16xf32>,
        %add3A_285 = arith.constant 25 : i32
        %add3A_286 = vector.broadcast %add3A_285 : i32 to vector<16xi32>
        %add3A_287 = arith.addi %iota3A, %add3A_286 : vector<16xi32>
        %and3A_288 = arith.constant 63 : i32
        %and3A_289 = vector.broadcast %and3A_288 : i32 to vector<16xi32>
        %and3A_290 = arith.andi %add3A_287, %and3A_289 : vector<16xi32>
        %gather3A_291 = tpu.vector_load_idx %arg11[%add3A_85, %and3A_290] : memref<160x64xf32, #tpu.memory_space<vmem>>[vector<16xi32>, vector<16xi32>], vector<16xf32>,
        %mul3A_292 = arith.mulf %gather3A_291, %get3A_80 : vector<16xf32>
        tpu.vector_store_idx %arg11[%add3A_85, %and3A_290], %mul3A_292 : memref<160x64xf32, #tpu.memory_space<vmem>>[vector<16xi32>, vector<16xi32>], vector<16xf32>,
        %add3A_293 = arith.constant 26 : i32
        %add3A_294 = vector.broadcast %add3A_293 : i32 to vector<16xi32>
        %add3A_295 = arith.addi %iota3A, %add3A_294 : vector<16xi32>
        %and3A_296 = arith.constant 63 : i32
        %and3A_297 = vector.broadcast %and3A_296 : i32 to vector<16xi32>
        %and3A_298 = arith.andi %add3A_295, %and3A_297 : vector<16xi32>
        %gather3A_299 = tpu.vector_load_idx %arg11[%add3A_85, %and3A_298] : memref<160x64xf32, #tpu.memory_space<vmem>>[vector<16xi32>, vector<16xi32>], vector<16xf32>,
        %mul3A_300 = arith.mulf %gather3A_299, %get3A_80 : vector<16xf32>
        tpu.vector_store_idx %arg11[%add3A_85, %and3A_298], %mul3A_300 : memref<160x64xf32, #tpu.memory_space<vmem>>[vector<16xi32>, vector<16xi32>], vector<16xf32>,
        %add3A_301 = arith.constant 27 : i32
        %add3A_302 = vector.broadcast %add3A_301 : i32 to vector<16xi32>
        %add3A_303 = arith.addi %iota3A, %add3A_302 : vector<16xi32>
        %and3A_304 = arith.constant 63 : i32
        %and3A_305 = vector.broadcast %and3A_304 : i32 to vector<16xi32>
        %and3A_306 = arith.andi %add3A_303, %and3A_305 : vector<16xi32>
        %gather3A_307 = tpu.vector_load_idx %arg11[%add3A_85, %and3A_306] : memref<160x64xf32, #tpu.memory_space<vmem>>[vector<16xi32>, vector<16xi32>], vector<16xf32>,
        %mul3A_308 = arith.mulf %gather3A_307, %get3A_80 : vector<16xf32>
        tpu.vector_store_idx %arg11[%add3A_85, %and3A_306], %mul3A_308 : memref<160x64xf32, #tpu.memory_space<vmem>>[vector<16xi32>, vector<16xi32>], vector<16xf32>,
        %add3A_309 = arith.constant 28 : i32
        %add3A_310 = vector.broadcast %add3A_309 : i32 to vector<16xi32>
        %add3A_311 = arith.addi %iota3A, %add3A_310 : vector<16xi32>
        %and3A_312 = arith.constant 63 : i32
        %and3A_313 = vector.broadcast %and3A_312 : i32 to vector<16xi32>
        %and3A_314 = arith.andi %add3A_311, %and3A_313 : vector<16xi32>
        %gather3A_315 = tpu.vector_load_idx %arg11[%add3A_85, %and3A_314] : memref<160x64xf32, #tpu.memory_space<vmem>>[vector<16xi32>, vector<16xi32>], vector<16xf32>,
        %mul3A_316 = arith.mulf %gather3A_315, %get3A_80 : vector<16xf32>
        tpu.vector_store_idx %arg11[%add3A_85, %and3A_314], %mul3A_316 : memref<160x64xf32, #tpu.memory_space<vmem>>[vector<16xi32>, vector<16xi32>], vector<16xf32>,
        %add3A_317 = arith.constant 29 : i32
        %add3A_318 = vector.broadcast %add3A_317 : i32 to vector<16xi32>
        %add3A_319 = arith.addi %iota3A, %add3A_318 : vector<16xi32>
        %and3A_320 = arith.constant 63 : i32
        %and3A_321 = vector.broadcast %and3A_320 : i32 to vector<16xi32>
        %and3A_322 = arith.andi %add3A_319, %and3A_321 : vector<16xi32>
        %gather3A_323 = tpu.vector_load_idx %arg11[%add3A_85, %and3A_322] : memref<160x64xf32, #tpu.memory_space<vmem>>[vector<16xi32>, vector<16xi32>], vector<16xf32>,
        %mul3A_324 = arith.mulf %gather3A_323, %get3A_80 : vector<16xf32>
        tpu.vector_store_idx %arg11[%add3A_85, %and3A_322], %mul3A_324 : memref<160x64xf32, #tpu.memory_space<vmem>>[vector<16xi32>, vector<16xi32>], vector<16xf32>,
        %add3A_325 = arith.constant 30 : i32
        %add3A_326 = vector.broadcast %add3A_325 : i32 to vector<16xi32>
        %add3A_327 = arith.addi %iota3A, %add3A_326 : vector<16xi32>
        %and3A_328 = arith.constant 63 : i32
        %and3A_329 = vector.broadcast %and3A_328 : i32 to vector<16xi32>
        %and3A_330 = arith.andi %add3A_327, %and3A_329 : vector<16xi32>
        %gather3A_331 = tpu.vector_load_idx %arg11[%add3A_85, %and3A_330] : memref<160x64xf32, #tpu.memory_space<vmem>>[vector<16xi32>, vector<16xi32>], vector<16xf32>,
        %mul3A_332 = arith.mulf %gather3A_331, %get3A_80 : vector<16xf32>
        tpu.vector_store_idx %arg11[%add3A_85, %and3A_330], %mul3A_332 : memref<160x64xf32, #tpu.memory_space<vmem>>[vector<16xi32>, vector<16xi32>], vector<16xf32>,
        %add3A_333 = arith.constant 31 : i32
        %add3A_334 = vector.broadcast %add3A_333 : i32 to vector<16xi32>
        %add3A_335 = arith.addi %iota3A, %add3A_334 : vector<16xi32>
        %and3A_336 = arith.constant 63 : i32
        %and3A_337 = vector.broadcast %and3A_336 : i32 to vector<16xi32>
        %and3A_338 = arith.andi %add3A_335, %and3A_337 : vector<16xi32>
        %gather3A_339 = tpu.vector_load_idx %arg11[%add3A_85, %and3A_338] : memref<160x64xf32, #tpu.memory_space<vmem>>[vector<16xi32>, vector<16xi32>], vector<16xf32>,
        %mul3A_340 = arith.mulf %gather3A_339, %get3A_80 : vector<16xf32>
        tpu.vector_store_idx %arg11[%add3A_85, %and3A_338], %mul3A_340 : memref<160x64xf32, #tpu.memory_space<vmem>>[vector<16xi32>, vector<16xi32>], vector<16xf32>,
        %add3A_341 = arith.constant 32 : i32
        %add3A_342 = vector.broadcast %add3A_341 : i32 to vector<16xi32>
        %add3A_343 = arith.addi %iota3A, %add3A_342 : vector<16xi32>
        %and3A_344 = arith.constant 63 : i32
        %and3A_345 = vector.broadcast %and3A_344 : i32 to vector<16xi32>
        %and3A_346 = arith.andi %add3A_343, %and3A_345 : vector<16xi32>
        %gather3A_347 = tpu.vector_load_idx %arg11[%add3A_85, %and3A_346] : memref<160x64xf32, #tpu.memory_space<vmem>>[vector<16xi32>, vector<16xi32>], vector<16xf32>,
        %mul3A_348 = arith.mulf %gather3A_347, %get3A_80 : vector<16xf32>
        tpu.vector_store_idx %arg11[%add3A_85, %and3A_346], %mul3A_348 : memref<160x64xf32, #tpu.memory_space<vmem>>[vector<16xi32>, vector<16xi32>], vector<16xf32>,
        %add3A_349 = arith.constant 33 : i32
        %add3A_350 = vector.broadcast %add3A_349 : i32 to vector<16xi32>
        %add3A_351 = arith.addi %iota3A, %add3A_350 : vector<16xi32>
        %and3A_352 = arith.constant 63 : i32
        %and3A_353 = vector.broadcast %and3A_352 : i32 to vector<16xi32>
        %and3A_354 = arith.andi %add3A_351, %and3A_353 : vector<16xi32>
        %gather3A_355 = tpu.vector_load_idx %arg11[%add3A_85, %and3A_354] : memref<160x64xf32, #tpu.memory_space<vmem>>[vector<16xi32>, vector<16xi32>], vector<16xf32>,
        %mul3A_356 = arith.mulf %gather3A_355, %get3A_80 : vector<16xf32>
        tpu.vector_store_idx %arg11[%add3A_85, %and3A_354], %mul3A_356 : memref<160x64xf32, #tpu.memory_space<vmem>>[vector<16xi32>, vector<16xi32>], vector<16xf32>,
        %add3A_357 = arith.constant 34 : i32
        %add3A_358 = vector.broadcast %add3A_357 : i32 to vector<16xi32>
        %add3A_359 = arith.addi %iota3A, %add3A_358 : vector<16xi32>
        %and3A_360 = arith.constant 63 : i32
        %and3A_361 = vector.broadcast %and3A_360 : i32 to vector<16xi32>
        %and3A_362 = arith.andi %add3A_359, %and3A_361 : vector<16xi32>
        %gather3A_363 = tpu.vector_load_idx %arg11[%add3A_85, %and3A_362] : memref<160x64xf32, #tpu.memory_space<vmem>>[vector<16xi32>, vector<16xi32>], vector<16xf32>,
        %mul3A_364 = arith.mulf %gather3A_363, %get3A_80 : vector<16xf32>
        tpu.vector_store_idx %arg11[%add3A_85, %and3A_362], %mul3A_364 : memref<160x64xf32, #tpu.memory_space<vmem>>[vector<16xi32>, vector<16xi32>], vector<16xf32>,
        %add3A_365 = arith.constant 35 : i32
        %add3A_366 = vector.broadcast %add3A_365 : i32 to vector<16xi32>
        %add3A_367 = arith.addi %iota3A, %add3A_366 : vector<16xi32>
        %and3A_368 = arith.constant 63 : i32
        %and3A_369 = vector.broadcast %and3A_368 : i32 to vector<16xi32>
        %and3A_370 = arith.andi %add3A_367, %and3A_369 : vector<16xi32>
        %gather3A_371 = tpu.vector_load_idx %arg11[%add3A_85, %and3A_370] : memref<160x64xf32, #tpu.memory_space<vmem>>[vector<16xi32>, vector<16xi32>], vector<16xf32>,
        %mul3A_372 = arith.mulf %gather3A_371, %get3A_80 : vector<16xf32>
        tpu.vector_store_idx %arg11[%add3A_85, %and3A_370], %mul3A_372 : memref<160x64xf32, #tpu.memory_space<vmem>>[vector<16xi32>, vector<16xi32>], vector<16xf32>,
        %add3A_373 = arith.constant 36 : i32
        %add3A_374 = vector.broadcast %add3A_373 : i32 to vector<16xi32>
        %add3A_375 = arith.addi %iota3A, %add3A_374 : vector<16xi32>
        %and3A_376 = arith.constant 63 : i32
        %and3A_377 = vector.broadcast %and3A_376 : i32 to vector<16xi32>
        %and3A_378 = arith.andi %add3A_375, %and3A_377 : vector<16xi32>
        %gather3A_379 = tpu.vector_load_idx %arg11[%add3A_85, %and3A_378] : memref<160x64xf32, #tpu.memory_space<vmem>>[vector<16xi32>, vector<16xi32>], vector<16xf32>,
        %mul3A_380 = arith.mulf %gather3A_379, %get3A_80 : vector<16xf32>
        tpu.vector_store_idx %arg11[%add3A_85, %and3A_378], %mul3A_380 : memref<160x64xf32, #tpu.memory_space<vmem>>[vector<16xi32>, vector<16xi32>], vector<16xf32>,
        %add3A_381 = arith.constant 37 : i32
        %add3A_382 = vector.broadcast %add3A_381 : i32 to vector<16xi32>
        %add3A_383 = arith.addi %iota3A, %add3A_382 : vector<16xi32>
        %and3A_384 = arith.constant 63 : i32
        %and3A_385 = vector.broadcast %and3A_384 : i32 to vector<16xi32>
        %and3A_386 = arith.andi %add3A_383, %and3A_385 : vector<16xi32>
        %gather3A_387 = tpu.vector_load_idx %arg11[%add3A_85, %and3A_386] : memref<160x64xf32, #tpu.memory_space<vmem>>[vector<16xi32>, vector<16xi32>], vector<16xf32>,
        %mul3A_388 = arith.mulf %gather3A_387, %get3A_80 : vector<16xf32>
        tpu.vector_store_idx %arg11[%add3A_85, %and3A_386], %mul3A_388 : memref<160x64xf32, #tpu.memory_space<vmem>>[vector<16xi32>, vector<16xi32>], vector<16xf32>,
        %add3A_389 = arith.constant 38 : i32
        %add3A_390 = vector.broadcast %add3A_389 : i32 to vector<16xi32>
        %add3A_391 = arith.addi %iota3A, %add3A_390 : vector<16xi32>
        %and3A_392 = arith.constant 63 : i32
        %and3A_393 = vector.broadcast %and3A_392 : i32 to vector<16xi32>
        %and3A_394 = arith.andi %add3A_391, %and3A_393 : vector<16xi32>
        %gather3A_395 = tpu.vector_load_idx %arg11[%add3A_85, %and3A_394] : memref<160x64xf32, #tpu.memory_space<vmem>>[vector<16xi32>, vector<16xi32>], vector<16xf32>,
        %mul3A_396 = arith.mulf %gather3A_395, %get3A_80 : vector<16xf32>
        tpu.vector_store_idx %arg11[%add3A_85, %and3A_394], %mul3A_396 : memref<160x64xf32, #tpu.memory_space<vmem>>[vector<16xi32>, vector<16xi32>], vector<16xf32>,
        %add3A_397 = arith.constant 39 : i32
        %add3A_398 = vector.broadcast %add3A_397 : i32 to vector<16xi32>
        %add3A_399 = arith.addi %iota3A, %add3A_398 : vector<16xi32>
        %and3A_400 = arith.constant 63 : i32
        %and3A_401 = vector.broadcast %and3A_400 : i32 to vector<16xi32>
        %and3A_402 = arith.andi %add3A_399, %and3A_401 : vector<16xi32>
        %gather3A_403 = tpu.vector_load_idx %arg11[%add3A_85, %and3A_402] : memref<160x64xf32, #tpu.memory_space<vmem>>[vector<16xi32>, vector<16xi32>], vector<16xf32>,
        %mul3A_404 = arith.mulf %gather3A_403, %get3A_80 : vector<16xf32>
        tpu.vector_store_idx %arg11[%add3A_85, %and3A_402], %mul3A_404 : memref<160x64xf32, #tpu.memory_space<vmem>>[vector<16xi32>, vector<16xi32>], vector<16xf32>,
        %add3A_405 = arith.constant 40 : i32
        %add3A_406 = vector.broadcast %add3A_405 : i32 to vector<16xi32>
        %add3A_407 = arith.addi %iota3A, %add3A_406 : vector<16xi32>
        %and3A_408 = arith.constant 63 : i32
        %and3A_409 = vector.broadcast %and3A_408 : i32 to vector<16xi32>
        %and3A_410 = arith.andi %add3A_407, %and3A_409 : vector<16xi32>
        %gather3A_411 = tpu.vector_load_idx %arg11[%add3A_85, %and3A_410] : memref<160x64xf32, #tpu.memory_space<vmem>>[vector<16xi32>, vector<16xi32>], vector<16xf32>,
        %mul3A_412 = arith.mulf %gather3A_411, %get3A_80 : vector<16xf32>
        tpu.vector_store_idx %arg11[%add3A_85, %and3A_410], %mul3A_412 : memref<160x64xf32, #tpu.memory_space<vmem>>[vector<16xi32>, vector<16xi32>], vector<16xf32>,
        %add3A_413 = arith.constant 41 : i32
        %add3A_414 = vector.broadcast %add3A_413 : i32 to vector<16xi32>
        %add3A_415 = arith.addi %iota3A, %add3A_414 : vector<16xi32>
        %and3A_416 = arith.constant 63 : i32
        %and3A_417 = vector.broadcast %and3A_416 : i32 to vector<16xi32>
        %and3A_418 = arith.andi %add3A_415, %and3A_417 : vector<16xi32>
        %gather3A_419 = tpu.vector_load_idx %arg11[%add3A_85, %and3A_418] : memref<160x64xf32, #tpu.memory_space<vmem>>[vector<16xi32>, vector<16xi32>], vector<16xf32>,
        %mul3A_420 = arith.mulf %gather3A_419, %get3A_80 : vector<16xf32>
        tpu.vector_store_idx %arg11[%add3A_85, %and3A_418], %mul3A_420 : memref<160x64xf32, #tpu.memory_space<vmem>>[vector<16xi32>, vector<16xi32>], vector<16xf32>,
        %add3A_421 = arith.constant 42 : i32
        %add3A_422 = vector.broadcast %add3A_421 : i32 to vector<16xi32>
        %add3A_423 = arith.addi %iota3A, %add3A_422 : vector<16xi32>
        %and3A_424 = arith.constant 63 : i32
        %and3A_425 = vector.broadcast %and3A_424 : i32 to vector<16xi32>
        %and3A_426 = arith.andi %add3A_423, %and3A_425 : vector<16xi32>
        %gather3A_427 = tpu.vector_load_idx %arg11[%add3A_85, %and3A_426] : memref<160x64xf32, #tpu.memory_space<vmem>>[vector<16xi32>, vector<16xi32>], vector<16xf32>,
        %mul3A_428 = arith.mulf %gather3A_427, %get3A_80 : vector<16xf32>
        tpu.vector_store_idx %arg11[%add3A_85, %and3A_426], %mul3A_428 : memref<160x64xf32, #tpu.memory_space<vmem>>[vector<16xi32>, vector<16xi32>], vector<16xf32>,
        %add3A_429 = arith.constant 43 : i32
        %add3A_430 = vector.broadcast %add3A_429 : i32 to vector<16xi32>
        %add3A_431 = arith.addi %iota3A, %add3A_430 : vector<16xi32>
        %and3A_432 = arith.constant 63 : i32
        %and3A_433 = vector.broadcast %and3A_432 : i32 to vector<16xi32>
        %and3A_434 = arith.andi %add3A_431, %and3A_433 : vector<16xi32>
        %gather3A_435 = tpu.vector_load_idx %arg11[%add3A_85, %and3A_434] : memref<160x64xf32, #tpu.memory_space<vmem>>[vector<16xi32>, vector<16xi32>], vector<16xf32>,
        %mul3A_436 = arith.mulf %gather3A_435, %get3A_80 : vector<16xf32>
        tpu.vector_store_idx %arg11[%add3A_85, %and3A_434], %mul3A_436 : memref<160x64xf32, #tpu.memory_space<vmem>>[vector<16xi32>, vector<16xi32>], vector<16xf32>,
        %add3A_437 = arith.constant 44 : i32
        %add3A_438 = vector.broadcast %add3A_437 : i32 to vector<16xi32>
        %add3A_439 = arith.addi %iota3A, %add3A_438 : vector<16xi32>
        %and3A_440 = arith.constant 63 : i32
        %and3A_441 = vector.broadcast %and3A_440 : i32 to vector<16xi32>
        %and3A_442 = arith.andi %add3A_439, %and3A_441 : vector<16xi32>
        %gather3A_443 = tpu.vector_load_idx %arg11[%add3A_85, %and3A_442] : memref<160x64xf32, #tpu.memory_space<vmem>>[vector<16xi32>, vector<16xi32>], vector<16xf32>,
        %mul3A_444 = arith.mulf %gather3A_443, %get3A_80 : vector<16xf32>
        tpu.vector_store_idx %arg11[%add3A_85, %and3A_442], %mul3A_444 : memref<160x64xf32, #tpu.memory_space<vmem>>[vector<16xi32>, vector<16xi32>], vector<16xf32>,
        %add3A_445 = arith.constant 45 : i32
        %add3A_446 = vector.broadcast %add3A_445 : i32 to vector<16xi32>
        %add3A_447 = arith.addi %iota3A, %add3A_446 : vector<16xi32>
        %and3A_448 = arith.constant 63 : i32
        %and3A_449 = vector.broadcast %and3A_448 : i32 to vector<16xi32>
        %and3A_450 = arith.andi %add3A_447, %and3A_449 : vector<16xi32>
        %gather3A_451 = tpu.vector_load_idx %arg11[%add3A_85, %and3A_450] : memref<160x64xf32, #tpu.memory_space<vmem>>[vector<16xi32>, vector<16xi32>], vector<16xf32>,
        %mul3A_452 = arith.mulf %gather3A_451, %get3A_80 : vector<16xf32>
        tpu.vector_store_idx %arg11[%add3A_85, %and3A_450], %mul3A_452 : memref<160x64xf32, #tpu.memory_space<vmem>>[vector<16xi32>, vector<16xi32>], vector<16xf32>,
        %add3A_453 = arith.constant 46 : i32
        %add3A_454 = vector.broadcast %add3A_453 : i32 to vector<16xi32>
        %add3A_455 = arith.addi %iota3A, %add3A_454 : vector<16xi32>
        %and3A_456 = arith.constant 63 : i32
        %and3A_457 = vector.broadcast %and3A_456 : i32 to vector<16xi32>
        %and3A_458 = arith.andi %add3A_455, %and3A_457 : vector<16xi32>
        %gather3A_459 = tpu.vector_load_idx %arg11[%add3A_85, %and3A_458] : memref<160x64xf32, #tpu.memory_space<vmem>>[vector<16xi32>, vector<16xi32>], vector<16xf32>,
        %mul3A_460 = arith.mulf %gather3A_459, %get3A_80 : vector<16xf32>
        tpu.vector_store_idx %arg11[%add3A_85, %and3A_458], %mul3A_460 : memref<160x64xf32, #tpu.memory_space<vmem>>[vector<16xi32>, vector<16xi32>], vector<16xf32>,
        %add3A_461 = arith.constant 47 : i32
        %add3A_462 = vector.broadcast %add3A_461 : i32 to vector<16xi32>
        %add3A_463 = arith.addi %iota3A, %add3A_462 : vector<16xi32>
        %and3A_464 = arith.constant 63 : i32
        %and3A_465 = vector.broadcast %and3A_464 : i32 to vector<16xi32>
        %and3A_466 = arith.andi %add3A_463, %and3A_465 : vector<16xi32>
        %gather3A_467 = tpu.vector_load_idx %arg11[%add3A_85, %and3A_466] : memref<160x64xf32, #tpu.memory_space<vmem>>[vector<16xi32>, vector<16xi32>], vector<16xf32>,
        %mul3A_468 = arith.mulf %gather3A_467, %get3A_80 : vector<16xf32>
        tpu.vector_store_idx %arg11[%add3A_85, %and3A_466], %mul3A_468 : memref<160x64xf32, #tpu.memory_space<vmem>>[vector<16xi32>, vector<16xi32>], vector<16xf32>,
        %add3A_469 = arith.constant 48 : i32
        %add3A_470 = vector.broadcast %add3A_469 : i32 to vector<16xi32>
        %add3A_471 = arith.addi %iota3A, %add3A_470 : vector<16xi32>
        %and3A_472 = arith.constant 63 : i32
        %and3A_473 = vector.broadcast %and3A_472 : i32 to vector<16xi32>
        %and3A_474 = arith.andi %add3A_471, %and3A_473 : vector<16xi32>
        %gather3A_475 = tpu.vector_load_idx %arg11[%add3A_85, %and3A_474] : memref<160x64xf32, #tpu.memory_space<vmem>>[vector<16xi32>, vector<16xi32>], vector<16xf32>,
        %mul3A_476 = arith.mulf %gather3A_475, %get3A_80 : vector<16xf32>
        tpu.vector_store_idx %arg11[%add3A_85, %and3A_474], %mul3A_476 : memref<160x64xf32, #tpu.memory_space<vmem>>[vector<16xi32>, vector<16xi32>], vector<16xf32>,
        %add3A_477 = arith.constant 49 : i32
        %add3A_478 = vector.broadcast %add3A_477 : i32 to vector<16xi32>
        %add3A_479 = arith.addi %iota3A, %add3A_478 : vector<16xi32>
        %and3A_480 = arith.constant 63 : i32
        %and3A_481 = vector.broadcast %and3A_480 : i32 to vector<16xi32>
        %and3A_482 = arith.andi %add3A_479, %and3A_481 : vector<16xi32>
        %gather3A_483 = tpu.vector_load_idx %arg11[%add3A_85, %and3A_482] : memref<160x64xf32, #tpu.memory_space<vmem>>[vector<16xi32>, vector<16xi32>], vector<16xf32>,
        %mul3A_484 = arith.mulf %gather3A_483, %get3A_80 : vector<16xf32>
        tpu.vector_store_idx %arg11[%add3A_85, %and3A_482], %mul3A_484 : memref<160x64xf32, #tpu.memory_space<vmem>>[vector<16xi32>, vector<16xi32>], vector<16xf32>,
        %add3A_485 = arith.constant 50 : i32
        %add3A_486 = vector.broadcast %add3A_485 : i32 to vector<16xi32>
        %add3A_487 = arith.addi %iota3A, %add3A_486 : vector<16xi32>
        %and3A_488 = arith.constant 63 : i32
        %and3A_489 = vector.broadcast %and3A_488 : i32 to vector<16xi32>
        %and3A_490 = arith.andi %add3A_487, %and3A_489 : vector<16xi32>
        %gather3A_491 = tpu.vector_load_idx %arg11[%add3A_85, %and3A_490] : memref<160x64xf32, #tpu.memory_space<vmem>>[vector<16xi32>, vector<16xi32>], vector<16xf32>,
        %mul3A_492 = arith.mulf %gather3A_491, %get3A_80 : vector<16xf32>
        tpu.vector_store_idx %arg11[%add3A_85, %and3A_490], %mul3A_492 : memref<160x64xf32, #tpu.memory_space<vmem>>[vector<16xi32>, vector<16xi32>], vector<16xf32>,
        %add3A_493 = arith.constant 51 : i32
        %add3A_494 = vector.broadcast %add3A_493 : i32 to vector<16xi32>
        %add3A_495 = arith.addi %iota3A, %add3A_494 : vector<16xi32>
        %and3A_496 = arith.constant 63 : i32
        %and3A_497 = vector.broadcast %and3A_496 : i32 to vector<16xi32>
        %and3A_498 = arith.andi %add3A_495, %and3A_497 : vector<16xi32>
        %gather3A_499 = tpu.vector_load_idx %arg11[%add3A_85, %and3A_498] : memref<160x64xf32, #tpu.memory_space<vmem>>[vector<16xi32>, vector<16xi32>], vector<16xf32>,
        %mul3A_500 = arith.mulf %gather3A_499, %get3A_80 : vector<16xf32>
        tpu.vector_store_idx %arg11[%add3A_85, %and3A_498], %mul3A_500 : memref<160x64xf32, #tpu.memory_space<vmem>>[vector<16xi32>, vector<16xi32>], vector<16xf32>,
        %add3A_501 = arith.constant 52 : i32
        %add3A_502 = vector.broadcast %add3A_501 : i32 to vector<16xi32>
        %add3A_503 = arith.addi %iota3A, %add3A_502 : vector<16xi32>
        %and3A_504 = arith.constant 63 : i32
        %and3A_505 = vector.broadcast %and3A_504 : i32 to vector<16xi32>
        %and3A_506 = arith.andi %add3A_503, %and3A_505 : vector<16xi32>
        %gather3A_507 = tpu.vector_load_idx %arg11[%add3A_85, %and3A_506] : memref<160x64xf32, #tpu.memory_space<vmem>>[vector<16xi32>, vector<16xi32>], vector<16xf32>,
        %mul3A_508 = arith.mulf %gather3A_507, %get3A_80 : vector<16xf32>
        tpu.vector_store_idx %arg11[%add3A_85, %and3A_506], %mul3A_508 : memref<160x64xf32, #tpu.memory_space<vmem>>[vector<16xi32>, vector<16xi32>], vector<16xf32>,
        %add3A_509 = arith.constant 53 : i32
        %add3A_510 = vector.broadcast %add3A_509 : i32 to vector<16xi32>
        %add3A_511 = arith.addi %iota3A, %add3A_510 : vector<16xi32>
        %and3A_512 = arith.constant 63 : i32
        %and3A_513 = vector.broadcast %and3A_512 : i32 to vector<16xi32>
        %and3A_514 = arith.andi %add3A_511, %and3A_513 : vector<16xi32>
        %gather3A_515 = tpu.vector_load_idx %arg11[%add3A_85, %and3A_514] : memref<160x64xf32, #tpu.memory_space<vmem>>[vector<16xi32>, vector<16xi32>], vector<16xf32>,
        %mul3A_516 = arith.mulf %gather3A_515, %get3A_80 : vector<16xf32>
        tpu.vector_store_idx %arg11[%add3A_85, %and3A_514], %mul3A_516 : memref<160x64xf32, #tpu.memory_space<vmem>>[vector<16xi32>, vector<16xi32>], vector<16xf32>,
        %add3A_517 = arith.constant 54 : i32
        %add3A_518 = vector.broadcast %add3A_517 : i32 to vector<16xi32>
        %add3A_519 = arith.addi %iota3A, %add3A_518 : vector<16xi32>
        %and3A_520 = arith.constant 63 : i32
        %and3A_521 = vector.broadcast %and3A_520 : i32 to vector<16xi32>
        %and3A_522 = arith.andi %add3A_519, %and3A_521 : vector<16xi32>
        %gather3A_523 = tpu.vector_load_idx %arg11[%add3A_85, %and3A_522] : memref<160x64xf32, #tpu.memory_space<vmem>>[vector<16xi32>, vector<16xi32>], vector<16xf32>,
        %mul3A_524 = arith.mulf %gather3A_523, %get3A_80 : vector<16xf32>
        tpu.vector_store_idx %arg11[%add3A_85, %and3A_522], %mul3A_524 : memref<160x64xf32, #tpu.memory_space<vmem>>[vector<16xi32>, vector<16xi32>], vector<16xf32>,
        %add3A_525 = arith.constant 55 : i32
        %add3A_526 = vector.broadcast %add3A_525 : i32 to vector<16xi32>
        %add3A_527 = arith.addi %iota3A, %add3A_526 : vector<16xi32>
        %and3A_528 = arith.constant 63 : i32
        %and3A_529 = vector.broadcast %and3A_528 : i32 to vector<16xi32>
        %and3A_530 = arith.andi %add3A_527, %and3A_529 : vector<16xi32>
        %gather3A_531 = tpu.vector_load_idx %arg11[%add3A_85, %and3A_530] : memref<160x64xf32, #tpu.memory_space<vmem>>[vector<16xi32>, vector<16xi32>], vector<16xf32>,
        %mul3A_532 = arith.mulf %gather3A_531, %get3A_80 : vector<16xf32>
        tpu.vector_store_idx %arg11[%add3A_85, %and3A_530], %mul3A_532 : memref<160x64xf32, #tpu.memory_space<vmem>>[vector<16xi32>, vector<16xi32>], vector<16xf32>,
        %add3A_533 = arith.constant 56 : i32
        %add3A_534 = vector.broadcast %add3A_533 : i32 to vector<16xi32>
        %add3A_535 = arith.addi %iota3A, %add3A_534 : vector<16xi32>
        %and3A_536 = arith.constant 63 : i32
        %and3A_537 = vector.broadcast %and3A_536 : i32 to vector<16xi32>
        %and3A_538 = arith.andi %add3A_535, %and3A_537 : vector<16xi32>
        %gather3A_539 = tpu.vector_load_idx %arg11[%add3A_85, %and3A_538] : memref<160x64xf32, #tpu.memory_space<vmem>>[vector<16xi32>, vector<16xi32>], vector<16xf32>,
        %mul3A_540 = arith.mulf %gather3A_539, %get3A_80 : vector<16xf32>
        tpu.vector_store_idx %arg11[%add3A_85, %and3A_538], %mul3A_540 : memref<160x64xf32, #tpu.memory_space<vmem>>[vector<16xi32>, vector<16xi32>], vector<16xf32>,
        %add3A_541 = arith.constant 57 : i32
        %add3A_542 = vector.broadcast %add3A_541 : i32 to vector<16xi32>
        %add3A_543 = arith.addi %iota3A, %add3A_542 : vector<16xi32>
        %and3A_544 = arith.constant 63 : i32
        %and3A_545 = vector.broadcast %and3A_544 : i32 to vector<16xi32>
        %and3A_546 = arith.andi %add3A_543, %and3A_545 : vector<16xi32>
        %gather3A_547 = tpu.vector_load_idx %arg11[%add3A_85, %and3A_546] : memref<160x64xf32, #tpu.memory_space<vmem>>[vector<16xi32>, vector<16xi32>], vector<16xf32>,
        %mul3A_548 = arith.mulf %gather3A_547, %get3A_80 : vector<16xf32>
        tpu.vector_store_idx %arg11[%add3A_85, %and3A_546], %mul3A_548 : memref<160x64xf32, #tpu.memory_space<vmem>>[vector<16xi32>, vector<16xi32>], vector<16xf32>,
        %add3A_549 = arith.constant 58 : i32
        %add3A_550 = vector.broadcast %add3A_549 : i32 to vector<16xi32>
        %add3A_551 = arith.addi %iota3A, %add3A_550 : vector<16xi32>
        %and3A_552 = arith.constant 63 : i32
        %and3A_553 = vector.broadcast %and3A_552 : i32 to vector<16xi32>
        %and3A_554 = arith.andi %add3A_551, %and3A_553 : vector<16xi32>
        %gather3A_555 = tpu.vector_load_idx %arg11[%add3A_85, %and3A_554] : memref<160x64xf32, #tpu.memory_space<vmem>>[vector<16xi32>, vector<16xi32>], vector<16xf32>,
        %mul3A_556 = arith.mulf %gather3A_555, %get3A_80 : vector<16xf32>
        tpu.vector_store_idx %arg11[%add3A_85, %and3A_554], %mul3A_556 : memref<160x64xf32, #tpu.memory_space<vmem>>[vector<16xi32>, vector<16xi32>], vector<16xf32>,
        %add3A_557 = arith.constant 59 : i32
        %add3A_558 = vector.broadcast %add3A_557 : i32 to vector<16xi32>
        %add3A_559 = arith.addi %iota3A, %add3A_558 : vector<16xi32>
        %and3A_560 = arith.constant 63 : i32
        %and3A_561 = vector.broadcast %and3A_560 : i32 to vector<16xi32>
        %and3A_562 = arith.andi %add3A_559, %and3A_561 : vector<16xi32>
        %gather3A_563 = tpu.vector_load_idx %arg11[%add3A_85, %and3A_562] : memref<160x64xf32, #tpu.memory_space<vmem>>[vector<16xi32>, vector<16xi32>], vector<16xf32>,
        %mul3A_564 = arith.mulf %gather3A_563, %get3A_80 : vector<16xf32>
        tpu.vector_store_idx %arg11[%add3A_85, %and3A_562], %mul3A_564 : memref<160x64xf32, #tpu.memory_space<vmem>>[vector<16xi32>, vector<16xi32>], vector<16xf32>,
        %add3A_565 = arith.constant 60 : i32
        %add3A_566 = vector.broadcast %add3A_565 : i32 to vector<16xi32>
        %add3A_567 = arith.addi %iota3A, %add3A_566 : vector<16xi32>
        %and3A_568 = arith.constant 63 : i32
        %and3A_569 = vector.broadcast %and3A_568 : i32 to vector<16xi32>
        %and3A_570 = arith.andi %add3A_567, %and3A_569 : vector<16xi32>
        %gather3A_571 = tpu.vector_load_idx %arg11[%add3A_85, %and3A_570] : memref<160x64xf32, #tpu.memory_space<vmem>>[vector<16xi32>, vector<16xi32>], vector<16xf32>,
        %mul3A_572 = arith.mulf %gather3A_571, %get3A_80 : vector<16xf32>
        tpu.vector_store_idx %arg11[%add3A_85, %and3A_570], %mul3A_572 : memref<160x64xf32, #tpu.memory_space<vmem>>[vector<16xi32>, vector<16xi32>], vector<16xf32>,
        %add3A_573 = arith.constant 61 : i32
        %add3A_574 = vector.broadcast %add3A_573 : i32 to vector<16xi32>
        %add3A_575 = arith.addi %iota3A, %add3A_574 : vector<16xi32>
        %and3A_576 = arith.constant 63 : i32
        %and3A_577 = vector.broadcast %and3A_576 : i32 to vector<16xi32>
        %and3A_578 = arith.andi %add3A_575, %and3A_577 : vector<16xi32>
        %gather3A_579 = tpu.vector_load_idx %arg11[%add3A_85, %and3A_578] : memref<160x64xf32, #tpu.memory_space<vmem>>[vector<16xi32>, vector<16xi32>], vector<16xf32>,
        %mul3A_580 = arith.mulf %gather3A_579, %get3A_80 : vector<16xf32>
        tpu.vector_store_idx %arg11[%add3A_85, %and3A_578], %mul3A_580 : memref<160x64xf32, #tpu.memory_space<vmem>>[vector<16xi32>, vector<16xi32>], vector<16xf32>,
        %add3A_581 = arith.constant 62 : i32
        %add3A_582 = vector.broadcast %add3A_581 : i32 to vector<16xi32>
        %add3A_583 = arith.addi %iota3A, %add3A_582 : vector<16xi32>
        %and3A_584 = arith.constant 63 : i32
        %and3A_585 = vector.broadcast %and3A_584 : i32 to vector<16xi32>
        %and3A_586 = arith.andi %add3A_583, %and3A_585 : vector<16xi32>
        %gather3A_587 = tpu.vector_load_idx %arg11[%add3A_85, %and3A_586] : memref<160x64xf32, #tpu.memory_space<vmem>>[vector<16xi32>, vector<16xi32>], vector<16xf32>,
        %mul3A_588 = arith.mulf %gather3A_587, %get3A_80 : vector<16xf32>
        tpu.vector_store_idx %arg11[%add3A_85, %and3A_586], %mul3A_588 : memref<160x64xf32, #tpu.memory_space<vmem>>[vector<16xi32>, vector<16xi32>], vector<16xf32>,
        %add3A_589 = arith.constant 63 : i32
        %add3A_590 = vector.broadcast %add3A_589 : i32 to vector<16xi32>
        %add3A_591 = arith.addi %iota3A, %add3A_590 : vector<16xi32>
        %and3A_592 = arith.constant 63 : i32
        %and3A_593 = vector.broadcast %and3A_592 : i32 to vector<16xi32>
        %and3A_594 = arith.andi %add3A_591, %and3A_593 : vector<16xi32>
        %gather3A_595 = tpu.vector_load_idx %arg11[%add3A_85, %and3A_594] : memref<160x64xf32, #tpu.memory_space<vmem>>[vector<16xi32>, vector<16xi32>], vector<16xf32>,
        %mul3A_596 = arith.mulf %gather3A_595, %get3A_80 : vector<16xf32>
        tpu.vector_store_idx %arg11[%add3A_85, %and3A_594], %mul3A_596 : memref<160x64xf32, #tpu.memory_space<vmem>>[vector<16xi32>, vector<16xi32>], vector<16xf32>,
      }
      %scan3A_61 = arith.constant 5 : i32
      %dma_start3A_62 = arith.constant 0 : i32
      %dma_start3A_63 = tpu.memref_slice %arg11[%mul3A_39, %dma_start3A_62] : memref<160x64xf32, #tpu.memory_space<vmem>> -> memref<80x64xf32, #tpu.memory_space<vmem>>
      %dma_start3A_64 = arith.constant 0 : i32
      %dma_start3A_65 = tpu.memref_slice %arg9[%add3A_36, %dma_start3A_64] : memref<125x80xi32, #tpu.memory_space<vmem>> -> memref<1x80xi32, #tpu.memory_space<vmem>>
      %dma_start3A_66 = tpu.memref_squeeze %dma_start3A_65 : memref<1x80xi32, #tpu.memory_space<vmem>> -> memref<80xi32, #tpu.memory_space<vmem>>
      %dma_start3A_67 = arith.constant 0 : i32
      %dma_start3A_68 = arith.constant 0 : i32
      %dma_start3A_69 = tpu.memref_slice %arg12[%dma_start3A_67, %dma_start3A_68] : memref<10240x64xf32, #tpu.memory_space<vmem_shared>> -> memref<10240x64xf32, #tpu.memory_space<vmem_shared>>
      tpu.enqueue_indirect_dma source(%dma_start3A_63 : memref<80x64xf32, #tpu.memory_space<vmem>>) target(%dma_start3A_69 : memref<10240x64xf32, #tpu.memory_space<vmem_shared>>) offsets(%dma_start3A_66 : memref<80xi32, #tpu.memory_space<vmem>>) semaphore(%arg14 : memref<!tpu.dma_semaphore, #tpu.memory_space<semaphore_mem>>) {add = true}
    }
    %scan3A_17 = arith.constant 125 : i32
    %dma_wait3A = arith.constant 124 : i32
    %dma_wait3A_18 = arith.constant 0 : i32
    %dma_wait3A_19 = arith.constant 0 : i32
    %dma_wait3A_20 = tpu.memref_slice %arg11[%dma_wait3A_18, %dma_wait3A_19] : memref<160x64xf32, #tpu.memory_space<vmem>> -> memref<80x64xf32, #tpu.memory_space<vmem>>
    %dma_wait3A_21 = arith.constant 0 : i32
    %dma_wait3A_22 = tpu.memref_slice %arg9[%dma_wait3A, %dma_wait3A_21] : memref<125x80xi32, #tpu.memory_space<vmem>> -> memref<1x80xi32, #tpu.memory_space<vmem>>
    %dma_wait3A_23 = tpu.memref_squeeze %dma_wait3A_22 : memref<1x80xi32, #tpu.memory_space<vmem>> -> memref<80xi32, #tpu.memory_space<vmem>>
    %dma_wait3A_24 = arith.constant 0 : i32
    %dma_wait3A_25 = arith.constant 0 : i32
    %dma_wait3A_26 = tpu.memref_slice %arg12[%dma_wait3A_24, %dma_wait3A_25] : memref<10240x64xf32, #tpu.memory_space<vmem_shared>> -> memref<10240x64xf32, #tpu.memory_space<vmem_shared>>
    tpu.wait_indirect_dma semaphore(%arg14 : memref<!tpu.dma_semaphore, #tpu.memory_space<semaphore_mem>>) src(%dma_wait3A_20 : memref<80x64xf32, #tpu.memory_space<vmem>>) dst(%dma_wait3A_26 : memref<10240x64xf32, #tpu.memory_space<vmem_shared>>)
    %barrier3A_27 = arith.constant 0 : index
    tpu.barrier barrier_id(%barrier3A_27)
    %mul3A_28 = arith.constant 640 : i32
    %mul3A_29 = arith.muli %arg1, %mul3A_28 : i32
    %mul3A_30 = arith.constant 640 : i32
    %mul3A_31 = arith.muli %arg1, %mul3A_30 : i32
    "tpu.region"() ({
      %run_scoped3A = tpu.sem_alloc : memref<!tpu.dma_semaphore, #tpu.memory_space<semaphore_mem>>
      %dma_start3A_32 = arith.constant 0 : i32
      %dma_start3A_33 = tpu.memref_slice %arg7[%arg0, %mul3A_31, %dma_start3A_32] : memref<2x10240x64xf32, #tpu.memory_space<hbm>> -> memref<1x640x64xf32, #tpu.memory_space<hbm>>
      %dma_start3A_34 = tpu.memref_squeeze %dma_start3A_33 : memref<1x640x64xf32, #tpu.memory_space<hbm>> -> memref<640x64xf32, #tpu.memory_space<hbm>>
      %dma_start3A_35 = arith.constant 0 : i32
      %dma_start3A_36 = tpu.memref_slice %arg12[%mul3A_29, %dma_start3A_35] : memref<10240x64xf32, #tpu.memory_space<vmem_shared>> -> memref<640x64xf32, #tpu.memory_space<vmem_shared>>
      tpu.enqueue_dma source(%dma_start3A_36 : memref<640x64xf32, #tpu.memory_space<vmem_shared>>) target(%dma_start3A_34 : memref<640x64xf32, #tpu.memory_space<hbm>>) target_semaphore(%run_scoped3A : memref<!tpu.dma_semaphore, #tpu.memory_space<semaphore_mem>>)
      %dma_wait3A_37 = arith.constant 0 : i32
      %dma_wait3A_38 = tpu.memref_slice %arg7[%arg0, %mul3A_31, %dma_wait3A_37] : memref<2x10240x64xf32, #tpu.memory_space<hbm>> -> memref<1x640x64xf32, #tpu.memory_space<hbm>>
      %dma_wait3A_39 = tpu.memref_squeeze %dma_wait3A_38 : memref<1x640x64xf32, #tpu.memory_space<hbm>> -> memref<640x64xf32, #tpu.memory_space<hbm>>
      %dma_wait3A_40 = arith.constant 0 : i32
      %dma_wait3A_41 = tpu.memref_slice %arg12[%mul3A_29, %dma_wait3A_40] : memref<10240x64xf32, #tpu.memory_space<vmem_shared>> -> memref<640x64xf32, #tpu.memory_space<vmem_shared>>
      tpu.wait_dma2 semaphore(%run_scoped3A : memref<!tpu.dma_semaphore, #tpu.memory_space<semaphore_mem>>) src(%dma_wait3A_41 : memref<640x64xf32, #tpu.memory_space<vmem_shared>>) dst(%dma_wait3A_39 : memref<640x64xf32, #tpu.memory_space<hbm>>)
      tpu.yield
    }) : () -> ()
    return
  }
}

module attributes {stable_mosaic.version = 14 : i64} {
  func.func @_m1_body(%arg0: i32, %arg1: memref<1000x128xf32, #tpu.memory_space<vmem>>, %arg2: memref<128x64xf32, #tpu.memory_space<vmem>>, %arg3: memref<128x64xf32, #tpu.memory_space<vmem>>, %arg4: memref<1000x64xf32, #tpu.memory_space<vmem>>, %arg5: memref<1000x64xf32, #tpu.memory_space<vmem>>) attributes {dimension_semantics = [#tpu.dimension_semantics<arbitrary>], iteration_bounds = array<i64: 10>, scalar_prefetch = 0 : i64, scratch_operands = 0 : i64, tpu.core_type = #tpu.core_type<tc>, window_params = [{transform_indices = @transform_0, window_bounds = array<i64: 1000, 128>}, {pipeline_mode = #tpu.pipeline_mode<synchronous>, transform_indices = @transform_1, window_bounds = array<i64: 128, 64>}, {pipeline_mode = #tpu.pipeline_mode<synchronous>, transform_indices = @transform_2, window_bounds = array<i64: 128, 64>}, {transform_indices = @transform_3, window_bounds = array<i64: 1000, 64>}, {transform_indices = @transform_4, window_bounds = array<i64: 1000, 64>}]} {
    %get3A = arith.constant 0 : index
    %get3A_0 = arith.constant 0 : index
    %get3A_1 = vector.load %arg1[%get3A, %get3A_0] : memref<1000x128xf32, #tpu.memory_space<vmem>>, vector<1000x128xf32>
    %get3A_2 = arith.constant 0 : index
    %get3A_3 = arith.constant 0 : index
    %get3A_4 = vector.load %arg2[%get3A_2, %get3A_3] : memref<128x64xf32, #tpu.memory_space<vmem>>, vector<128x64xf32>
    %dot_general3A = arith.constant dense<0.000000e+00> : vector<1000x64xf32>
    %dot_general3A_5 = tpu.matmul %get3A_1, %get3A_4, %dot_general3A {dimension_numbers = #tpu.dot_dimension_numbers<[1], [0], [0], [1], [0, 0, 1, 1], [], []>, transpose_lhs_hint = false} : vector<1000x128xf32>, vector<128x64xf32>, vector<1000x64xf32> -> vector<1000x64xf32>
    %swap3A = arith.constant 0 : index
    %swap3A_6 = arith.constant 0 : index
    %swap3A_7 = vector.load %arg4[%swap3A, %swap3A_6] : memref<1000x64xf32, #tpu.memory_space<vmem>>, vector<1000x64xf32>
    tpu.vector_store %arg4[%swap3A, %swap3A_6], %dot_general3A_5 {strides = array<i32>} : memref<1000x64xf32, #tpu.memory_space<vmem>>, vector<1000x64xf32>,
    %get3A_8 = arith.constant 0 : index
    %get3A_9 = arith.constant 0 : index
    %get3A_10 = vector.load %arg3[%get3A_8, %get3A_9] : memref<128x64xf32, #tpu.memory_space<vmem>>, vector<128x64xf32>
    %dot_general3A_11 = arith.constant dense<0.000000e+00> : vector<1000x64xf32>
    %dot_general3A_12 = tpu.matmul %get3A_1, %get3A_10, %dot_general3A_11 {dimension_numbers = #tpu.dot_dimension_numbers<[1], [0], [0], [1], [0, 0, 1, 1], [], []>, transpose_lhs_hint = false} : vector<1000x128xf32>, vector<128x64xf32>, vector<1000x64xf32> -> vector<1000x64xf32>
    %swap3A_13 = arith.constant 0 : index
    %swap3A_14 = arith.constant 0 : index
    %swap3A_15 = vector.load %arg5[%swap3A_13, %swap3A_14] : memref<1000x64xf32, #tpu.memory_space<vmem>>, vector<1000x64xf32>
    tpu.vector_store %arg5[%swap3A_13, %swap3A_14], %dot_general3A_12 {strides = array<i32>} : memref<1000x64xf32, #tpu.memory_space<vmem>>, vector<1000x64xf32>,
    return
  }
  func.func @transform_0(%arg0: i32) -> (i32, i32) {
    %c0_i32 = arith.constant 0 : i32
    %c0_i32_0 = arith.constant 0 : i32
    return %arg0, %c0_i32 : i32, i32
  }
  func.func @transform_1(%arg0: i32) -> (i32, i32) {
    %c0_i32 = arith.constant 0 : i32
    %c0_i32_0 = arith.constant 0 : i32
    %c0_i32_1 = arith.constant 0 : i32
    return %c0_i32, %c0_i32_0 : i32, i32
  }
  func.func @transform_2(%arg0: i32) -> (i32, i32) {
    %c0_i32 = arith.constant 0 : i32
    %c0_i32_0 = arith.constant 0 : i32
    %c0_i32_1 = arith.constant 0 : i32
    return %c0_i32, %c0_i32_0 : i32, i32
  }
  func.func @transform_3(%arg0: i32) -> (i32, i32) {
    %c0_i32 = arith.constant 0 : i32
    %c0_i32_0 = arith.constant 0 : i32
    return %arg0, %c0_i32 : i32, i32
  }
  func.func @transform_4(%arg0: i32) -> (i32, i32) {
    %c0_i32 = arith.constant 0 : i32
    %c0_i32_0 = arith.constant 0 : i32
    return %arg0, %c0_i32 : i32, i32
  }
}

module attributes {stable_mosaic.version = 14 : i64} {
  func.func @_ms_body(%arg0: i32, %arg1: memref<32x10240xf32, #tpu.memory_space<vmem>>, %arg2: memref<1x10240xf32, #tpu.memory_space<vmem>>, %arg3: memref<1x10240xf32, #tpu.memory_space<vmem>>) attributes {dimension_semantics = [#tpu.dimension_semantics<arbitrary>], iteration_bounds = array<i64: 1>, scalar_prefetch = 0 : i64, scratch_operands = 0 : i64, tpu.core_type = #tpu.core_type<tc>, window_params = [{pipeline_mode = #tpu.pipeline_mode<synchronous>, transform_indices = @transform_0, window_bounds = array<i64: 32, 10240>}, {pipeline_mode = #tpu.pipeline_mode<synchronous>, transform_indices = @transform_1, window_bounds = array<i64: 1, 10240>}, {pipeline_mode = #tpu.pipeline_mode<synchronous>, transform_indices = @transform_2, window_bounds = array<i64: 1, 10240>}]} {
    %get3A = arith.constant 0 : index
    %get3A_0 = arith.constant 0 : index
    %get3A_1 = vector.load %arg1[%get3A, %get3A_0] : memref<32x10240xf32, #tpu.memory_space<vmem>>, vector<32x10240xf32>
    %reduce_sum3A = arith.constant dense<0.000000e+00> : vector<10240xf32>
    %reduce_sum3A_2 = vector.multi_reduction <add>, %get3A_1, %reduce_sum3A [0] : vector<32x10240xf32> to vector<10240xf32>
    %reshape3A = vector.shape_cast %reduce_sum3A_2 : vector<10240xf32> to vector<1x10240xf32>
    %gt3A = arith.constant 0.000000e+00 : f32
    %gt3A_3 = vector.broadcast %gt3A : f32 to vector<1x10240xf32>
    %gt3A_4 = arith.cmpf ogt, %reshape3A, %gt3A_3 : vector<1x10240xf32>
    %div3A = arith.constant 1.000000e+00 : f32
    %div3A_5 = vector.broadcast %div3A : f32 to vector<1x10240xf32>
    %div3A_6 = arith.divf %div3A_5, %reshape3A : vector<1x10240xf32>
    %jit3A = arith.constant 0.000000e+00 : f32
    %broadcast_in_dim3A = vector.broadcast %jit3A : f32 to vector<1x10240xf32>
    %select_n3A = arith.select %gt3A_4, %div3A_6, %broadcast_in_dim3A : vector<1x10240xi1>, vector<1x10240xf32>
    %swap3A = arith.constant 0 : index
    %swap3A_7 = arith.constant 0 : index
    %swap3A_8 = vector.load %arg2[%swap3A, %swap3A_7] : memref<1x10240xf32, #tpu.memory_space<vmem>>, vector<1x10240xf32>
    tpu.vector_store %arg2[%swap3A, %swap3A_7], %select_n3A {strides = array<i32>} : memref<1x10240xf32, #tpu.memory_space<vmem>>, vector<1x10240xf32>,
    %jit3A_9 = arith.constant 1.000000e+00 : f32
    %jit3A_10 = arith.constant 0.000000e+00 : f32
    %broadcast_in_dim3A_11 = vector.broadcast %jit3A_9 : f32 to vector<1x10240xf32>
    %broadcast_in_dim3A_12 = vector.broadcast %jit3A_10 : f32 to vector<1x10240xf32>
    %select_n3A_13 = arith.select %gt3A_4, %broadcast_in_dim3A_11, %broadcast_in_dim3A_12 : vector<1x10240xi1>, vector<1x10240xf32>
    %swap3A_14 = arith.constant 0 : index
    %swap3A_15 = arith.constant 0 : index
    %swap3A_16 = vector.load %arg3[%swap3A_14, %swap3A_15] : memref<1x10240xf32, #tpu.memory_space<vmem>>, vector<1x10240xf32>
    tpu.vector_store %arg3[%swap3A_14, %swap3A_15], %select_n3A_13 {strides = array<i32>} : memref<1x10240xf32, #tpu.memory_space<vmem>>, vector<1x10240xf32>,
    return
  }
  func.func @transform_0(%arg0: i32) -> (i32, i32) {
    %c0_i32 = arith.constant 0 : i32
    %c0_i32_0 = arith.constant 0 : i32
    %c0_i32_1 = arith.constant 0 : i32
    return %c0_i32, %c0_i32_0 : i32, i32
  }
  func.func @transform_1(%arg0: i32) -> (i32, i32) {
    %c0_i32 = arith.constant 0 : i32
    %c0_i32_0 = arith.constant 0 : i32
    %c0_i32_1 = arith.constant 0 : i32
    return %c0_i32, %c0_i32_0 : i32, i32
  }
  func.func @transform_2(%arg0: i32) -> (i32, i32) {
    %c0_i32 = arith.constant 0 : i32
    %c0_i32_0 = arith.constant 0 : i32
    %c0_i32_1 = arith.constant 0 : i32
    return %c0_i32, %c0_i32_0 : i32, i32
  }
}

module attributes {stable_mosaic.version = 14 : i64} {
  func.func @_m2_body(%arg0: i32, %arg1: memref<2x1000x64xf32, #tpu.memory_space<vmem>>, %arg2: memref<1x64xf32, #tpu.memory_space<vmem>>, %arg3: memref<64x64xf32, #tpu.memory_space<vmem>>, %arg4: memref<1000x64xf32, #tpu.memory_space<vmem>>) attributes {dimension_semantics = [#tpu.dimension_semantics<arbitrary>], iteration_bounds = array<i64: 10>, scalar_prefetch = 0 : i64, scratch_operands = 0 : i64, tpu.core_type = #tpu.core_type<tc>, window_params = [{transform_indices = @transform_0, window_bounds = array<i64: 2, 1000, 64>}, {pipeline_mode = #tpu.pipeline_mode<synchronous>, transform_indices = @transform_1, window_bounds = array<i64: 1, 64>}, {pipeline_mode = #tpu.pipeline_mode<synchronous>, transform_indices = @transform_2, window_bounds = array<i64: 64, 64>}, {transform_indices = @transform_3, window_bounds = array<i64: 1000, 64>}]} {
    %get3A = arith.constant 0 : index
    %get3A_0 = arith.constant 0 : index
    %get3A_1 = arith.constant 0 : index
    %get3A_2 = vector.load %arg1[%get3A, %get3A_0, %get3A_1] : memref<2x1000x64xf32, #tpu.memory_space<vmem>>, vector<1x1000x64xf32>
    %get3A_3 = vector.shape_cast %get3A_2 : vector<1x1000x64xf32> to vector<1000x64xf32>
    %get3A_4 = arith.constant 1 : index
    %get3A_5 = arith.constant 0 : index
    %get3A_6 = arith.constant 0 : index
    %get3A_7 = vector.load %arg1[%get3A_4, %get3A_5, %get3A_6] : memref<2x1000x64xf32, #tpu.memory_space<vmem>>, vector<1x1000x64xf32>
    %get3A_8 = vector.shape_cast %get3A_7 : vector<1x1000x64xf32> to vector<1000x64xf32>
    %add3A = arith.addf %get3A_3, %get3A_8 : vector<1000x64xf32>
    %get3A_9 = arith.constant 0 : index
    %get3A_10 = arith.constant 0 : index
    %get3A_11 = vector.load %arg2[%get3A_9, %get3A_10] : memref<1x64xf32, #tpu.memory_space<vmem>>, vector<1x64xf32>
    %add3A_12 = vector.broadcast %get3A_11 : vector<1x64xf32> to vector<1000x64xf32>
    %add3A_13 = arith.addf %add3A, %add3A_12 : vector<1000x64xf32>
    %max3A = arith.constant 0.000000e+00 : f32
    %max3A_14 = vector.broadcast %max3A : f32 to vector<1000x64xf32>
    %max3A_15 = arith.maximumf %add3A_13, %max3A_14 : vector<1000x64xf32>
    %get3A_16 = arith.constant 0 : index
    %get3A_17 = arith.constant 0 : index
    %get3A_18 = vector.load %arg3[%get3A_16, %get3A_17] : memref<64x64xf32, #tpu.memory_space<vmem>>, vector<64x64xf32>
    %dot_general3A = arith.constant dense<0.000000e+00> : vector<1000x64xf32>
    %dot_general3A_19 = tpu.matmul %max3A_15, %get3A_18, %dot_general3A {dimension_numbers = #tpu.dot_dimension_numbers<[1], [0], [0], [1], [0, 0, 1, 1], [], []>, transpose_lhs_hint = false} : vector<1000x64xf32>, vector<64x64xf32>, vector<1000x64xf32> -> vector<1000x64xf32>
    %swap3A = arith.constant 0 : index
    %swap3A_20 = arith.constant 0 : index
    %swap3A_21 = vector.load %arg4[%swap3A, %swap3A_20] : memref<1000x64xf32, #tpu.memory_space<vmem>>, vector<1000x64xf32>
    tpu.vector_store %arg4[%swap3A, %swap3A_20], %dot_general3A_19 {strides = array<i32>} : memref<1000x64xf32, #tpu.memory_space<vmem>>, vector<1000x64xf32>,
    return
  }
  func.func @transform_0(%arg0: i32) -> (i32, i32, i32) {
    %c0_i32 = arith.constant 0 : i32
    %c0_i32_0 = arith.constant 0 : i32
    %c0_i32_1 = arith.constant 0 : i32
    return %c0_i32, %arg0, %c0_i32_0 : i32, i32, i32
  }
  func.func @transform_1(%arg0: i32) -> (i32, i32) {
    %c0_i32 = arith.constant 0 : i32
    %c0_i32_0 = arith.constant 0 : i32
    %c0_i32_1 = arith.constant 0 : i32
    return %c0_i32, %c0_i32_0 : i32, i32
  }
  func.func @transform_2(%arg0: i32) -> (i32, i32) {
    %c0_i32 = arith.constant 0 : i32
    %c0_i32_0 = arith.constant 0 : i32
    %c0_i32_1 = arith.constant 0 : i32
    return %c0_i32, %c0_i32_0 : i32, i32
  }
  func.func @transform_3(%arg0: i32) -> (i32, i32) {
    %c0_i32 = arith.constant 0 : i32
    %c0_i32_0 = arith.constant 0 : i32
    return %arg0, %c0_i32 : i32, i32
  }
}

module attributes {stable_mosaic.version = 14 : i64} {
  func.func @_m3_body(%arg0: i32, %arg1: memref<2x1000x64xf32, #tpu.memory_space<vmem>>, %arg2: memref<1x40xf32, #tpu.memory_space<vmem>>, %arg3: memref<1000x40xf32, #tpu.memory_space<vmem>>) attributes {dimension_semantics = [#tpu.dimension_semantics<arbitrary>], iteration_bounds = array<i64: 10>, scalar_prefetch = 0 : i64, scratch_operands = 0 : i64, tpu.core_type = #tpu.core_type<tc>, window_params = [{transform_indices = @transform_0, window_bounds = array<i64: 2, 1000, 64>}, {pipeline_mode = #tpu.pipeline_mode<synchronous>, transform_indices = @transform_1, window_bounds = array<i64: 1, 40>}, {transform_indices = @transform_2, window_bounds = array<i64: 1000, 40>}]} {
    %get3A = arith.constant 0 : index
    %get3A_0 = arith.constant 0 : index
    %get3A_1 = arith.constant 0 : index
    %get3A_2 = vector.load %arg1[%get3A, %get3A_0, %get3A_1] : memref<2x1000x64xf32, #tpu.memory_space<vmem>>, vector<1x1000x40xf32>
    %get3A_3 = vector.shape_cast %get3A_2 : vector<1x1000x40xf32> to vector<1000x40xf32>
    %get3A_4 = arith.constant 1 : index
    %get3A_5 = arith.constant 0 : index
    %get3A_6 = arith.constant 0 : index
    %get3A_7 = vector.load %arg1[%get3A_4, %get3A_5, %get3A_6] : memref<2x1000x64xf32, #tpu.memory_space<vmem>>, vector<1x1000x40xf32>
    %get3A_8 = vector.shape_cast %get3A_7 : vector<1x1000x40xf32> to vector<1000x40xf32>
    %add3A = arith.addf %get3A_3, %get3A_8 : vector<1000x40xf32>
    %get3A_9 = arith.constant 0 : index
    %get3A_10 = arith.constant 0 : index
    %get3A_11 = vector.load %arg2[%get3A_9, %get3A_10] : memref<1x40xf32, #tpu.memory_space<vmem>>, vector<1x40xf32>
    %add3A_12 = vector.broadcast %get3A_11 : vector<1x40xf32> to vector<1000x40xf32>
    %add3A_13 = arith.addf %add3A, %add3A_12 : vector<1000x40xf32>
    %swap3A = arith.constant 0 : index
    %swap3A_14 = arith.constant 0 : index
    %swap3A_15 = vector.load %arg3[%swap3A, %swap3A_14] : memref<1000x40xf32, #tpu.memory_space<vmem>>, vector<1000x40xf32>
    tpu.vector_store %arg3[%swap3A, %swap3A_14], %add3A_13 {strides = array<i32>} : memref<1000x40xf32, #tpu.memory_space<vmem>>, vector<1000x40xf32>,
    return
  }
  func.func @transform_0(%arg0: i32) -> (i32, i32, i32) {
    %c0_i32 = arith.constant 0 : i32
    %c0_i32_0 = arith.constant 0 : i32
    %c0_i32_1 = arith.constant 0 : i32
    return %c0_i32, %arg0, %c0_i32_0 : i32, i32, i32
  }
  func.func @transform_1(%arg0: i32) -> (i32, i32) {
    %c0_i32 = arith.constant 0 : i32
    %c0_i32_0 = arith.constant 0 : i32
    %c0_i32_1 = arith.constant 0 : i32
    return %c0_i32, %c0_i32_0 : i32, i32
  }
  func.func @transform_2(%arg0: i32) -> (i32, i32) {
    %c0_i32 = arith.constant 0 : i32
    %c0_i32_0 = arith.constant 0 : i32
    return %arg0, %c0_i32 : i32, i32
  }
}

</mosaic_0001>

<sc_bundles>
// kernel: kernel.12.cloned.1.call-start
scs
__scs_entry_jumppad:
0x0: {  	(pc) =	sbr.rel $0x88, $3  }
0x1: {  	(tag) =	ssettag $0x0;
	lr =	simm.s32 $0x1  }
0x2: {  	[smem:$0x3F99] =	sst lr;
	_ =	strace $0xD0000000  }
0x3: {  	_ = 	snop  }
0x4: {  	_ = 	snop  }
0x5: {  	_ = 	snop  }
0x6: {  	_ = 	snop  }
0x7: {  	_ = 	snop  }
__scs_overlays_trampoline_lowered:
0x8: {  	[smem:$0x3FA8] =	sst s0  }
0x9: {  	[smem:$0x3FA9] =	sst s1  }
0xa: {  	[smem:$0x3FAA] =	sst s2  }
0xb: {  	[smem:$0x3FAB] =	sst s3  }
0xc: {  	[smem:$0x3FAC] =	sst s4  }
0xd: {  	[smem:$0x3FAD] =	sst s5  }
0xe: {  	[smem:$0x3FAE] =	sst s6  }
0xf: {  	[smem:$0x3FAF] =	sst s7  }
0x10: {  	[smem:$0x3FB0] =	sst s8  }
0x11: {  	[smem:$0x3FB1] =	sst s9;
	s0 =	simm.s32 @!p0 $0x0  }
0x12: {  	s1 =	sld [smem:$0x3F97];
	s0 =	simm.s32 @p0 $0x1  }
0x13: {  	[smem:$0x3FB2] =	sst s0;
	s0 =	simm.s32 @!p1 $0x0  }
0x14: {  	s2 =	sld [smem:$0x3F96];
	s0 =	simm.s32 @p1 $0x1  }
0x15: {  	[smem:$0x3FB3] =	sst s0;
	s0 =	simm.s32 @!p2 $0x0  }
0x16: {  	s3 =	sld [smem:$0x3FDB];
	s0 =	simm.s32 @p2 $0x1  }
0x17: {  	s4 =	simm.s32 $0x1BF5;
	[smem:$0x3FB5] =	sst s0  }
0x18: {  	s0 =	sld [smem:$0x3F98];
	_ =	swait.ge [sflag:s4], $0x0  }
0x19: {  	s7 =	sld [smem:$0x3F99]  }
0x1a: {  	s8 =	sadd.s32 $0xFFFFE003, lr  }
0x1b: {  	s9 =	sadd.s32 $0xFFFFFEF7, lr;
	s5 =	simm.s32 $0xFFFFFFFF;
	p2 =	slt.u32 s8, $0xFFFFF086  }
0x1c: {  	p1 =	slt.u32 s9, $0xF7A;
	s5 =	simm.s32 @!p2 $0x0  }
0x1d: {  	s5 =	simm.s32 @p1 $0x1;
	p0 =	seq.s32 s7, s2  }
0x1e: {  	s7 =	smul.u32 @!p0 $0xF7A, s2;
	p2 =	seq.s32 @!p0 s5, $0x0  }
0x1f: {  	s9 =	smul.u32 $0xF7A, s1;
	s8 =	simm.s32 @!p0 $0x1BF5;
	p2 =	por !p2, p0  }
0x20: {  	[sflag:s8] =	ssyncset.s32 @!p0 $0xFFFFF086;
	s6 =	sadd.s32 @!p0 s3, s7;
	s7 =	simm.s32 @!p0 $0x108  }
0x21: {  	s3 =	sadd.s32 s3, s9;
	s6 =	sadd.s32 @!p0 $0x88, s6;
	s7 =	simm.s32 @p2 $0x1082  }
0x22: {  	[simem:s7], [sflag:s8] =	dma.local @!p0 [hbm:s6], $0xF7A  }
0x23: {  	s9 =	sor.u32 $0xD0000000, s2;
	s6 =	simm.s32 $0x108;
	_ =	swait.ge @!p0 [sflag:s8], $0x0  }
0x24: {  	s3 =	sadd.s32 $0x88, s3;
	s6 =	simm.s32 @!p1 $0x1082;
	[sflag:s4] =	ssyncset.s32 $0xFFFFF086  }
0x25: {  	[simem:s6], [sflag:s4] =	dma.local [hbm:s3], $0xF7A  }
0x26: {  	[smem:$0x3F99] =	sst s1;
	(tag) =	ssettag s2;
	_ =	strace s9  }
0x27: {  	s1 =	sld [smem:$0x3FA9]  }
0x28: {  	s2 =	sld [smem:$0x3FAA]  }
0x29: {  	s4 =	sld [smem:$0x3FAC]  }
0x2a: {  	p0 =	seq.s32 s5, $0x0;
	s5 =	sld [smem:$0x3FAD]  }
0x2b: {  	s6 =	sld [smem:$0x3FAE]  }
0x2c: {  	s7 =	sld [smem:$0x3FAF]  }
0x2d: {  	s3 =	simm.s32 $0x108;
	s8 =	sld [smem:$0x3FB0]  }
0x2e: {  	s3 =	simm.s32 @!p0 $0x1082;
	s9 =	sld [smem:$0x3FB1]  }
0x2f: {  	lr =	sadd.s32 s0, s3;
	s0 =	sld [smem:$0x3FA8]  }
0x30: {  	s3 =	sld [smem:$0x3FAB]  }
0x31: {  	[smem:$0x3FB4] =	sst s10  }
0x32: {  	s10 =	sld [smem:$0x3FB2];
	_ =	sdelay $0x3  }
0x33: {  	p0 =	seq.s32 s10, $0x1;
	s10 =	sld [smem:$0x3FB4];
	_ =	sdelay $0x3  }
0x34: {  	[smem:$0x3FB4] =	sst s10  }
0x35: {  	s10 =	sld [smem:$0x3FB3];
	_ =	sdelay $0x3  }
0x36: {  	p1 =	seq.s32 s10, $0x1;
	s10 =	sld [smem:$0x3FB4];
	_ =	sdelay $0x3  }
0x37: {  	[smem:$0x3FB4] =	sst s10  }
0x38: {  	s10 =	sld [smem:$0x3FB5]  }
0x39: {  	_ = 	snop;
	(pc) =	sbr.ind lr, $3  }
0x3a: {  	_ = 	snop  }
0x3b: {  	_ = 	snop  }
0x3c: {  	p2 =	seq.s32 s10, $0x1;
	s10 =	sld [smem:$0x3FB4]  }
0x3d: {  	_ =	shalt  }
0x3e: {  	_ =	shalt  }
0x3f: {  	_ =	shalt  }
0x40: {  	_ =	shalt  }
0x41: {  	_ =	shalt  }
0x42: {  	_ =	shalt  }
0x43: {  	_ =	shalt  }
0x44: {  	_ =	shalt  }
0x45: {  	_ =	shalt  }
0x46: {  	_ =	shalt  }
0x47: {  	_ =	shalt  }
0x48: {  	_ =	shalt  }
0x49: {  	_ =	shalt  }
0x4a: {  	_ =	shalt  }
0x4b: {  	_ =	shalt  }
0x4c: {  	_ =	shalt  }
0x4d: {  	_ =	shalt  }
0x4e: {  	_ =	shalt  }
0x4f: {  	_ =	shalt  }
0x50: {  	_ =	shalt  }
0x51: {  	_ =	shalt  }
0x52: {  	_ =	shalt  }
0x53: {  	_ =	shalt  }
0x54: {  	_ =	shalt  }
0x55: {  	_ =	shalt  }
0x56: {  	_ =	shalt  }
0x57: {  	_ =	shalt  }
0x58: {  	_ =	shalt  }
0x59: {  	_ =	shalt  }
0x5a: {  	_ =	shalt  }
0x5b: {  	_ =	shalt  }
0x5c: {  	_ =	shalt  }
0x5d: {  	_ =	shalt  }
0x5e: {  	_ =	shalt  }
0x5f: {  	_ =	shalt  }
0x60: {  	_ =	shalt  }
0x61: {  	_ =	shalt  }
0x62: {  	_ =	shalt  }
0x63: {  	_ =	shalt  }
0x64: {  	_ =	shalt  }
0x65: {  	_ =	shalt  }
0x66: {  	_ =	shalt  }
0x67: {  	_ =	shalt  }
0x68: {  	_ =	shalt  }
0x69: {  	_ =	shalt  }
0x6a: {  	_ =	shalt  }
0x6b: {  	_ =	shalt  }
0x6c: {  	_ =	shalt  }
0x6d: {  	_ =	shalt  }
0x6e: {  	_ =	shalt  }
0x6f: {  	_ =	shalt  }
0x70: {  	_ =	shalt  }
0x71: {  	_ =	shalt  }
0x72: {  	_ =	shalt  }
0x73: {  	_ =	shalt  }
0x74: {  	_ =	shalt  }
0x75: {  	_ =	shalt  }
0x76: {  	_ =	shalt  }
0x77: {  	_ =	shalt  }
0x78: {  	_ =	shalt  }
0x79: {  	_ =	shalt  }
0x7a: {  	_ =	shalt  }
0x7b: {  	_ =	shalt  }
0x7c: {  	_ =	shalt  }
0x7d: {  	_ =	shalt  }
0x7e: {  	_ =	shalt  }
0x7f: {  	_ =	shalt  }
0x80: {  	_ =	shalt  }
0x81: {  	_ =	shalt  }
0x82: {  	_ =	shalt  }
0x83: {  	_ =	shalt  }
0x84: {  	_ =	shalt  }
0x85: {  	_ =	shalt  }
0x86: {  	_ =	shalt  }
0x87: {  	_ =	shalt  }
.Lfunc_end0:
.L_simem_size_0:
called_computation.1_lowered:
.L_overlay_start_0:
0x88: {  	s2 =	sld [smem:$0x3FD9]  }
0x89: {  	s3 =	sld [smem:$0x3FFE];
	_ =	sdelay $0x1  }
0x8a: {  	s1 =	srdreg.scid  }
0x8b: {  	s0 =	sand.u32 $0x1, s1  }
0x8c: {  	s14 =	sshll.u32 s0, $0xA;
	s2 =	sadd.s32 s3, s2  }
0x8d: {  	s2 =	sadd.s32 s2, s14  }
0x8e: {  	[smem:$0x3FC0] =	sst s2  }
0x8f: {  	_ = 	snop  }
0x90: {  	s2 =	sld [smem:$0x3FD0];
	_ =	sdelay $0x2  }
0x91: {  	s15 =	simm.s32 $0xA;
	s4 =	simm.s32 $0x10  }
0x92: {  	[smem:s4], [sflag:s15] =	dma.local [hbm:s2], $0x1  }
0x93: {  	_ =	swait.eq [sflag:s15], $0x1  }
0x94: {  	s16 =	sld [smem:$0x10];
	[sflag:s15] =	ssyncset.done $0x0  }
0x95: {  	s17 =	sld [smem:$0x11];
	[sflag:s15] =	ssyncadd.s32 $0xFFFFFFFF  }
0x96: {  	s18 =	sld [smem:$0x12];
	(tm) =	ssettm $0x1  }
0x97: {  	s5 =	sld [smem:$0x3FFB];
	_ =	sdelay $0x3  }
0x98: {  	_ =	strace s5  }
0x99: {  	s5 =	sld [smem:$0x3FFC];
	_ =	sdelay $0x3  }
0x9a: {  	_ =	strace s5  }
0x9b: {  	s5 =	sld [smem:$0x3FFD];
	_ =	sdelay $0x3  }
0x9c: {  	_ =	strace s5  }
0x9d: {  	_ =	strace $0x8FFFFFFF  }
0x9e: {  	s19 =	sld [smem:$0x3FDB];
	_ =	sdelay $0x1  }
0x9f: {  	s6 =	simm.s32 $_scs_section_size  }
0xa0: {  	s7 =	simm.s32 $_size__tile_overlayer_lowered;
	s8 =	simm.s32 $_tile_overlayer_lowered  }
0xa1: {  	s22 =	simm.s32 $0x1BFF;
	s21 =	sshll.u32 s8, $0x1;
	s5 =	sadd.s32 s6, s19  }
0xa2: {  	s9 =	simm.s32 $0x0;
	s20 =	sshll.u32 s7, $0x1;
	s7 =	sadd.s32 s21, s5  }
0xa3: {  	[timem:s9], [sflag:s22] =	dma.local [hbm:s7], s20  }
0xa4: {  	_ =	swait.ge [sflag:s22], s20  }
0xa5: {  	s6 =	ssub.s32 $0x0, s20;
	[sflag:s22] =	ssyncset.done $0x0  }
0xa6: {  	[sflag:s22] =	ssyncadd.s32 s6;
	_ =	sdelay $0x1  }
0xa7: {  	s23 =	simm.s32 $0x1B8B  }
0xa8: {  	_ =	swait.ge [sflag:s23], $0x1  }
0xa9: {  	[sflag:s23] =	ssyncset.done $0x0  }
0xaa: {  	s25 =	simm.s32 $0x1B8E;
	s24 =	sld [smem:$0x3FFE];
	[sflag:s23] =	ssyncadd.s32 $0xFFFFFFFF  }
0xab: {  	s26 =	simm.s32 $execute0_lowered;
	[smem:$0x3FD2] =	sst s25  }
0xac: {  	s7 =	sshll.u32 s26, $0x1;
	_ =	strace $0x80000049;
	[dreg:$0x1] =	wrdreg $0xFFFFFFFF  }
0xad: {  	s28 =	simm.s32 $_size_execute0_lowered;
	s5 =	sadd.s32 s5, s7;
	[dreg:$0x0] =	wrdreg $0x0  }
0xae: {  	s7 =	sshll.u32 s28, $0x1;
	[dreg:$0x2] =	wrdreg s5  }
0xaf: {  	[dreg:$0x3] =	wrdreg s7  }
0xb0: {  	[dreg:$0x4] =	wrdreg $0xC0  }
0xb1: {  	_ =	task [dreg:s9], $0x5FFFF  }
0xb2: {  	[dreg:$0x1] =	wrdreg $0xFFFFFFFF  }
0xb3: {  	[dreg:$0x0] =	wrdreg $0x60  }
0xb4: {  	[dreg:$0x2] =	wrdreg s16  }
0xb5: {  	[dreg:$0x3] =	wrdreg s24  }
0xb6: {  	[dreg:$0x4] =	wrdreg s17  }
0xb7: {  	[dreg:$0x5] =	wrdreg s18  }
0xb8: {  	[dreg:$0x6] =	wrdreg $0x13B500  }
0xb9: {  	[dreg:$0x7] =	wrdreg $0x9  }
0xba: {  	_ =	task.clear_ibuf [dreg:s9], $0x8FFFF;
	_ =	strace $0x90000049  }
0xbb: {  	s29 =	simm.s32 $0x9;
	_ =	strace $0x8000004B  }
0xbc: {  	_ =	swait.ge [sflag:s29], $0x1  }
0xbd: {  	[sflag:s29] =	ssyncadd.s32 $0xFFFFFFFF  }
0xbe: {  	_ =	strace $0x9000004B  }
0xbf: {  	_ =	sfence  }
0xc0: {  	s30 =	sld [smem:$0x0];
	_ =	sdelay $0x2  }
0xc1: {  	s31 =	sshll.u32 s1, $0xD;
	s1 =	sshrl.u32 s1, $0x2  }
0xc2: {  	s3 =	sand.u32 $0x4000, s31;
	s1 =	sadd.s32 s1, s30  }
0xc3: {  	s0 =	sor.u32 s3, s0;
	s1 =	sshll.u32 s1, $0x11  }
0xc4: {  	s0 =	sor.u32 s1, s0  }
0xc5: {  	s0 =	sadd.s32 $0x8F2B, s0  }
0xc6: {  	[sflag:s0] =	ssyncadd.remote.s32 $0x1  }
0xc7: {  	_ =	sfence.sel $0xFFFF  }
0xc8: {  	[dreg:$0x0] =	wrdreg $0xFFFFFFFF;
	(pc) =	sbr.abs _section_cstart, $3  }
0xc9: {  	[dreg:$0x1] =	wrdreg $0xFFFFFFFF  }
0xca: {  	_ =	task.clear_ibuf [dreg:s9], $0x2FFFF;
	_ =	strace $0x9FFFFFFF  }
0xcb: {  	(tm) =	ssettm $0x7FFFFFFF  }
tec
execute0_lowered:
.L_overlay_start_1:
0x0: {  	(tag) =	ssettag $0x1  }
0x1: {  	v0 =	vimm.s32 $0x34333231;
	v4 =	vimm.s32 $0x38373635;
	v5 =	vimm.s32 $0x3F3E3D  }
0x2: {  	v0 =	vunpack.c.0.s8.s32 v0;
	v6 =	vunpack.c.0.s8.s32 v4;
	v4 =	vimm.s32 $0x3C3B3A39  }
0x3: {  	vm0 =	vcmask $0x1F10;
	v7 =	vunpack.c.0.s8.s32 v4;
	v4 =	vunpack.c.0.s8.s32 v5  }
0x4: {  	v5 =	vimm.s32 $0x35343332;
	[tilespmem:$0x1FDF0] =	vst v6;
	v0 =	vsel vm0, v6, v0;
	v6 =	vimm.s32 $0x39383736  }
0x5: {  	v5 =	vunpack.c.0.s8.s32 v5;
	[tilespmem:$0x1FE00] =	vst v7;
	v7 =	vsel vm0, v4, v7;
	v6 =	vunpack.c.0.s8.s32 v6  }
0x6: {  	v61 =	vcombine.low v0, v7;
	v0 =	vimm.s32 $0x3D3C3B3A  }
0x7: {  	v62 =	vsel vm0, v6, v5;
	v5 =	vimm.s32 $0x1003F3E;
	v44 =	vunpack.c.0.s8.s32 v0  }
0x8: {  	v0 =	vimm.s32 $0x36353433;
	v63 =	vunpack.c.0.s8.s32 v5;
	v5 =	vimm.s32 $0x3A393837  }
0x9: {  	[tilespmem:$0x1FE10] =	vst v6;
	v6 =	vimm.s32 $0x3020100;
	v0 =	vunpack.c.0.s8.s32 v0;
	v9 =	vunpack.c.0.s8.s32 v5  }
0xa: {  	v8 =	vimm.s32 $0x3B3A3938;
	v5 =	vunpack.c.0.s8.s32 v6;
	v6 =	vimm.s32 $0x3F3E3D3C  }
0xb: {  	v13 =	vunpack.c.0.s8.s32 v6;
	v6 =	vimm.s32 $0x37363534;
	v0 =	vsel vm0, v9, v0  }
0xc: {  	v15 =	vunpack.c.0.s8.s32 v8;
	[tilespmem:$0x1FE30] =	vst v0;
	v0 =	vunpack.c.0.s8.s32 v6;
	_ =	sdelay $0x1  }
0xd: {  	v20 =	vlaneseq.u32;
	v5 =	vsel vm0, v5, v13;
	v0 =	vsel vm0, v15, v0  }
0xe: {  	v16 =	vimm.s32 $0x201003F;
	v17 =	vimm.s32 $0x4030201;
	v0 =	vcombine.low v0, v5  }
0xf: {  	v10 =	vimm.s32 $0x87654321;
	v11 =	vimm.s32 $0x32107654;
	v57 =	vimm.s32 $0x43218765  }
0x10: {  	v58 =	vimm.s32 $0x6050403;
	vm1 =	vcmask $0x2F10;
	[tilespmem:$0x1FE50] =	vst v0;
	v0 =	vunpack.c.l.s4.s8 v11  }
0x11: {  	v59 =	vimm.s32 $0xB0A0908;
	v10 =	vunpack.c.l.s4.s8 v10;
	[tilespmem:$0x1FE20] =	vst v9;
	v9 =	vunpack.c.0.s8.s32 v17  }
0x12: {  	v12 =	vimm.s32 $0x54329876;
	vm2 =	vcmask $0x3F30;
	v0 =	vunpack.c.0.s8.s32 v0  }
0x13: {  	v56 =	vunpack.c.0.s8.s32 v10;
	v5 =	vsel vm0, v9, v4;
	v9 =	vunpack.c.l.s4.s8 v57  }
0x14: {  	v1 =	vor.u32 $0x10, v20;
	v11 =	vunpack.c.0.s8.s32 v59;
	v0 =	vand.u32 $0xF, v0  }
0x15: {  	v8 =	vand.u32 $0xF, v56;
	v9 =	vunpack.c.0.s8.s32 v9;
	v0 =	vsel vm1, v0, v13  }
0x16: {  	s0 =	srdreg.scid;
	v12 =	vunpack.c.l.s4.s8 v12;
	v7 =	vcombine.low v7, v8;
	v0 =	vsel vm2, v11, v0  }
0x17: {  	v2 =	vor.u32 $0x20, v20;
	v3 =	vor.u32 $0x30, v20;
	s0 =	sand.u32 $0x1, s0;
	[tilespmem:$0x1FE90] =	vst v0;
	v0 =	vand.u32 $0xF, v9  }
0x18: {  	s1 =	rddreg [dreg:$0x1];
	s20 =	stileid.u32;
	s3 =	sshll.u32 s0, $0x4;
	[tilespmem:$0x1FE80] =	vst v7;
	v0 =	vsel vm1, v0, v4;
	v4 =	vunpack.c.0.s8.s32 v12;
	v12 =	vimm.s32 $0xC0B0A09  }
0x19: {  	s2 =	rddreg [dreg:$0x2];
	s4 =	sor.u32 s20, s3;
	v7 =	vimm.s32 $0x6543A987;
	[tilespmem:$0x1FE70] =	vst v13;
	v13 =	vimm.s32 $0xD0C0B0A;
	v8 =	vunpack.c.0.s8.s32 v12  }
0x1a: {  	s12 =	rddreg [dreg:$0x3];
	[tilespmem:$0x1FE40] =	vst v15;
	s13 =	smul.u32 $0x4E2, s4;
	s4 =	simm.s32 $0x0;
	v7 =	vunpack.c.l.s4.s8 v7;
	v9 =	vunpack.c.0.s8.s32 v13;
	v4 =	vand.u32 $0xF, v4  }
0x1b: {  	v21 =	vor.u32 $0x40, v20;
	[smem:$0x7FF] =	sst s4;
	[tilespmem:$0x1FE60] =	vst v5;
	v4 =	vsel vm1, v4, v63;
	v0 =	vsel vm2, v8, v0  }
0x1c: {  	s3 =	rddreg [dreg:$0x4];
	v7 =	vunpack.c.0.s8.s32 v7;
	v5 =	vimm.s32 $0x5040302;
	_ =	strace $0x8000004A;
	[tilespmem:$0x1FEA0] =	vst v0;
	v0 =	vsel vm2, v9, v4  }
0x1d: {  	v14 =	vunpack.c.0.s8.s32 v16;
	v5 =	vunpack.c.0.s8.s32 v5;
	[tilespmem:$0x1FEB0] =	vst v0;
	v0 =	vimm.s32 $0xE0D0C0B  }
0x1e: {  	v22 =	vmul.u32 $0x40, v20;
	v7 =	vand.u32 $0xF, v7;
	v0 =	vunpack.c.0.s8.s32 v0  }
0x1f: {  	v7 =	vsel vm1, v7, v14;
	v5 =	vsel vm0, v5, v63;
	v4 =	vimm.s32 $0xA9876543  }
0x20: {  	v23 =	vadd.s32 $0x1, v20;
	[tilespmem:$0x1FED0] =	vst v5;
	v4 =	vunpack.c.l.s4.s8 v4;
	v0 =	vsel vm2, v0, v7  }
0x21: {  	v17 =	vunpack.c.0.s8.s32 v58;
	v15 =	vimm.s32 $0x98765432;
	[tilespmem:$0x1FEC0] =	vst v0;
	v0 =	vimm.s32 $0x76543210  }
0x22: {  	v16 =	vunpack.c.l.s4.s8 v15;
	[tilespmem:$0x1FEE0] =	vst v14;
	v4 =	vunpack.c.0.s8.s32 v4;
	v0 =	vunpack.c.l.s4.s8 v0  }
0x23: {  	v24 =	vadd.s32 $0x2, v20;
	v25 =	vadd.s32 $0x3, v20;
	v5 =	vsel vm0, v17, v14;
	[tilespmem:$0x1FFE0] =	vst v21  }
0x24: {  	[tilespmem:$0x1FEF0] =	vst v5;
	v7 =	vunpack.c.0.s8.s32 v16;
	v15 =	vand.u32 $0xF, v4;
	v0 =	vunpack.c.0.s8.s32 v0  }
0x25: {  	v26 =	vadd.s32 $0x4, v20;
	v27 =	vadd.s32 $0x5, v20;
	v28 =	vadd.s32 $0x6, v20;
	[tilespmem:$0x1FFF0] =	vst v15  }
0x26: {  	v29 =	vadd.s32 $0x7, v20;
	v30 =	vadd.s32 $0x8, v20;
	[tilespmem:$0x1FF00] =	vst v0;
	v0 =	vand.u32 $0xF, v7  }
0x27: {  	v31 =	vadd.s32 $0x9, v20;
	v32 =	vadd.s32 $0xA, v20;
	[tilespmem:$0x1FF10] =	vst v0;
	v0 =	vadd.s32 $0x24, v20  }
0x28: {  	s16 =	simm.s32 $0x2800;
	v33 =	vadd.s32 $0xB, v20;
	v34 =	vadd.s32 $0xC, v20;
	[tilespmem:$0x1FF20] =	vst v0;
	v0 =	vadd.s32 $0x25, v20  }
0x29: {  	s15 =	simm.s32 $0x3;
	s17 =	simm.s32 $0x5000;
	s18 =	simm.s32 $0x7710;
	v35 =	vadd.s32 $0xD, v20;
	v36 =	vadd.s32 $0xE, v20;
	[tilespmem:$0x1FF30] =	vst v0;
	v0 =	vadd.s32 $0x26, v20  }
0x2a: {  	s22 =	simm.s32 $0x50;
	s23 =	simm.s32 $0x11350;
	s24 =	simm.s32 $0x1;
	v37 =	vadd.s32 $0xF, v20;
	v38 =	vadd.s32 $0x11, v20;
	[tilespmem:$0x1FF40] =	vst v0;
	v0 =	vadd.s32 $0x27, v20  }
0x2b: {  	s25 =	simm.s32 $0x2;
	s26 =	simm.s32 $0xC530;
	v39 =	vadd.s32 $0x12, v20;
	v40 =	vadd.s32 $0x13, v20;
	s11 =	smul.u32 $0xA000, s20;
	[tilespmem:$0x1FF50] =	vst v0;
	v0 =	vadd.s32 $0x28, v20  }
0x2c: {  	s28 =	simm.s32 $0xEC40;
	s29 =	simm.s32 $0x0;
	v41 =	vadd.s32 $0x14, v20;
	v42 =	vadd.s32 $0x15, v20;
	s6 =	smul.u32 $0xA0000, s0;
	[tilespmem:$0x1FF60] =	vst v0;
	v0 =	vadd.s32 $0x29, v20  }
0x2d: {  	v43 =	vadd.s32 $0x16, v20;
	v45 =	vadd.s32 $0x17, v20;
	s5 =	sadd.s32 $0x33000, s1;
	s31 =	sshll.u32 s20, $0x6;
	s0 =	ssub.s32 $0x2, s0;
	[tilespmem:$0x1FF70] =	vst v0;
	v0 =	vadd.s32 $0x2A, v20  }
0x2e: {  	v46 =	vadd.s32 $0x18, v20;
	v47 =	vadd.s32 $0x19, v20;
	s30 =	sshrl.u32 s0, $0x1;
	s20 =	sor.u32 $0x1C03, s31;
	s7 =	sadd.s32 s11, s6;
	[tilespmem:$0x1FF80] =	vst v0;
	v0 =	vadd.s32 $0x2B, v20  }
0x2f: {  	v48 =	vadd.s32 $0x1A, v20;
	v49 =	vadd.s32 $0x1B, v20;
	s6 =	sadd.s32 $0x1F600, s1;
	s0 =	ssub.s32 s0, s30;
	s19 =	sadd.s32 s11, s3;
	[tilespmem:$0x1FF90] =	vst v0;
	v0 =	vadd.s32 $0x2C, v20  }
0x30: {  	v50 =	vadd.s32 $0x1C, v20;
	v51 =	vadd.s32 $0x1D, v20;
	s8 =	sshrl.u32 s7, $0x3;
	s7 =	sadd.s32 $0x33600, s1;
	s14 =	smax.u32 s0, $0x1;
	[tilespmem:$0x1FFA0] =	vst v0;
	v0 =	vadd.s32 $0x2D, v20  }
0x31: {  	v52 =	vadd.s32 $0x1E, v20;
	v53 =	vadd.s32 $0x1F, v20;
	s21 =	sshrl.u32 s19, $0x3;
	s10 =	sadd.s32 s13, s1;
	s1 =	sadd.s32 s8, s1;
	[tilespmem:$0x1FFB0] =	vst v0;
	v0 =	vadd.s32 $0x2E, v20  }
0x32: {  	v54 =	vadd.s32 $0x21, v20;
	s11 =	sadd.s32 s2, s13;
	s12 =	sadd.s32 s12, s13;
	s8 =	sadd.s32 $0xBA00, s10;
	v6 =	vimm.s32 $0x3E3D3C3B;
	[tilespmem:$0x1FFC0] =	vst v0;
	v0 =	vadd.s32 $0x2F, v20  }
0x33: {  	v55 =	vadd.s32 $0x22, v20;
	v60 =	vadd.s32 $0x23, v20;
	s9 =	sadd.s32 $0x1C00, s10;
	s10 =	sadd.s32 $0x15800, s10;
	s13 =	sadd.s32 $0x34A00, s1;
	v58 =	vunpack.c.0.s8.s32 v6;
	v4 =	vmovc v1;
	[tilespmem:$0x1FFD0] =	vst v0  }
.LBB2_1:
0x34: {  	s0 =	rddreg [dreg:$0x0]  }
0x35: {  	[tilespmem:s4], [sflag:$0x3] =	stream.linear.gather [hbm4b:s0+s4], $0x2800, $0x38;
	[tilespmem:$0x1DB50] =	vst v63  }
0x36: {  	_ =	swait.ge [sflag:s15], $0x2800  }
0x37: {  	[sflag:s15] =	ssyncset.done $0x0  }
0x38: {  	[sflag:s15] =	ssyncadd.s32 $0xFFFFD800  }
0x39: {  	[tilespmem:s16], [sflag:$0x3] =	stream.linear.gather [hbm4b:s5+s4], $0x2800, $0x38;
	[tilespmem:$0x1DB50] =	vst v63  }
0x3a: {  	_ =	swait.ge [sflag:s15], $0x2800  }
0x3b: {  	[sflag:s15] =	ssyncset.done $0x0  }
0x3c: {  	[sflag:s15] =	ssyncadd.s32 $0xFFFFD800  }
0x3d: {  	[tilespmem:s17], [sflag:$0x3] =	stream.linear.gather [hbm4b:s8+s4], $0x2710, $0x38;
	[tilespmem:$0x1DB50] =	vst v63  }
0x3e: {  	_ =	swait.ge [sflag:s15], $0x2710  }
0x3f: {  	[sflag:s15] =	ssyncset.done $0x0  }
0x40: {  	[sflag:s15] =	ssyncadd.s32 $0xFFFFD8F0  }
0x41: {  	[tilespmem:s18], [sflag:$0x3] =	stream.linear.gather [hbm4b:s9+s4], $0x2710, $0x38;
	[tilespmem:$0x1DB50] =	vst v63  }
0x42: {  	_ =	swait.ge [sflag:s15], $0x2710  }
0x43: {  	[sflag:s15] =	ssyncset.done $0x0  }
0x44: {  	v15 =	vmov s4;
	s19 =	simm.s32 $0x9E20;
	[sflag:s15] =	ssyncadd.s32 $0xFFFFD8F0  }
0x45: {  	v15 =	vmul.u32 $0x50, v15;
	[tilespmem:s19], [sflag:$0x3] =	stream.linear.gather [hbm4b:s10+s4], $0x2710, $0x38;
	[tilespmem:$0x1DB50] =	vst v63  }
0x46: {  	_ =	swait.ge [sflag:s15], $0x2710  }
0x47: {  	v0 =	vbroadcast v15, $0x0;
	[sflag:s15] =	ssyncset.done $0x0  }
0x48: {  	[sflag:s15] =	ssyncadd.s32 $0xFFFFD8F0  }
0x49: {  	v16 =	vor.u32 v20, v0;
	[spmem:s21], [sflag:s20] =	dma.local [hbm:s7], $0x1400  }
0x4a: {  	_ =	swait.ge [sflag:s15], $0x1400  }
0x4b: {  	[sflag:s15] =	ssyncset.done $0x0  }
0x4c: {  	[sflag:s15] =	ssyncadd.s32 $0xFFFFEC00  }
0x4d: {  	[bflag:$0x0] =	sbarrier.arrive $0xFFFF  }
0x4e: {  	v17 =	vld.idx.msk [tilespmem:v16+s18+$0x0], $0xffff;
	_ =	sdelay $0x1  }
0x4f: {  	v1 =	vld.idx.msk [tilespmem:v16+s17+$0x0], $0xffff;
	_ =	sdelay $0x3  }
0x50: {  	s2 =	simm.s32 $0x9E40  }
0x51: {  	v16 =	vld [tilespmem:s2+$0xFFFFFFE0]  }
0x52: {  	v17 =	vld.idx.msk [tilespmem:v17+s4+$0x0], $0xffff;
	_ =	sdelay $0x1  }
0x53: {  	v1 =	vld.idx.msk [tilespmem:v1+s16+$0x0], $0xffff;
	_ =	sdelay $0x2  }
0x54: {  	v16 =	vmul.f32 v17, v16;
	v17 =	vadd.s32 v4, v0;
	_ =	sdelay $0x1  }
0x55: {  	s1 =	simm.s32 $0xC550;
	v1 =	vmul.f32 v1, v16  }
0x56: {  	s0 =	simm.s32 $0xEC60;
	[tilespmem:s1+$0xFFFFFFE0] =	vst v16  }
0x57: {  	[tilespmem:s0+$0xFFFFFFE0] =	vst v1  }
0x58: {  	v16 =	vld.idx.msk [tilespmem:v17+s18+$0x0], $0xffff;
	_ =	sdelay $0x2  }
0x59: {  	v17 =	vld.idx.msk [tilespmem:v17+s17+$0x0], $0xffff;
	_ =	sdelay $0x4  }
0x5a: {  	v1 =	vld.idx.msk [tilespmem:v16+s4+$0x0], $0xffff  }
0x5b: {  	v16 =	vld [tilespmem:s2+$0xFFFFFFF0];
	_ =	sdelay $0x1  }
0x5c: {  	v17 =	vld.idx.msk [tilespmem:v17+s16+$0x0], $0xffff;
	_ =	sdelay $0x2  }
0x5d: {  	v15 =	vadd.s32 v2, v0;
	v16 =	vmul.f32 v1, v16;
	_ =	sdelay $0x1  }
0x5e: {  	v17 =	vmul.f32 v17, v16  }
0x5f: {  	[tilespmem:s1+$0xFFFFFFF0] =	vst v16  }
0x60: {  	[tilespmem:s0+$0xFFFFFFF0] =	vst v17  }
0x61: {  	v16 =	vld.idx.msk [tilespmem:v15+s18+$0x0], $0xffff;
	_ =	sdelay $0x1  }
0x62: {  	v15 =	vld.idx.msk [tilespmem:v15+s17+$0x0], $0xffff;
	_ =	sdelay $0x4  }
0x63: {  	v17 =	vld [tilespmem:s2+$0x0]  }
0x64: {  	v16 =	vld.idx.msk [tilespmem:v16+s4+$0x0], $0xffff;
	_ =	sdelay $0x1  }
0x65: {  	v15 =	vld.idx.msk [tilespmem:v15+s16+$0x0], $0xffff;
	_ =	sdelay $0x2  }
0x66: {  	v16 =	vmul.f32 v16, v17;
	v17 =	vadd.s32 v3, v0;
	_ =	sdelay $0x1  }
0x67: {  	v15 =	vmul.f32 v15, v16  }
0x68: {  	[tilespmem:s1+$0x0] =	vst v16  }
0x69: {  	[tilespmem:s0+$0x0] =	vst v15  }
0x6a: {  	v15 =	vld.idx.msk [tilespmem:v17+s18+$0x0], $0xffff;
	_ =	sdelay $0x1  }
0x6b: {  	v16 =	vld.idx.msk [tilespmem:v17+s17+$0x0], $0xffff;
	_ =	sdelay $0x4  }
0x6c: {  	v17 =	vld [tilespmem:s2+$0x10]  }
0x6d: {  	v15 =	vld.idx.msk [tilespmem:v15+s4+$0x0], $0xffff;
	_ =	sdelay $0x1  }
0x6e: {  	v16 =	vld.idx.msk [tilespmem:v16+s16+$0x0], $0xffff;
	_ =	sdelay $0x2  }
0x6f: {  	v15 =	vmul.f32 v15, v17;
	v17 =	vadd.s32 v21, v0;
	_ =	sdelay $0x1  }
0x70: {  	v16 =	vmul.f32 v16, v15  }
0x71: {  	[tilespmem:s1+$0x10] =	vst v15  }
0x72: {  	[tilespmem:s0+$0x10] =	vst v16  }
0x73: {  	v15 =	vld.idx.msk [tilespmem:v17+s18+$0x0], $0xffff;
	_ =	sdelay $0x1  }
0x74: {  	v16 =	vld.idx.msk [tilespmem:v17+s17+$0x0], $0xffff;
	_ =	sdelay $0x4  }
0x75: {  	s31 =	simm.s32 $0x1;
	v0 =	vld [tilespmem:s2+$0x20]  }
0x76: {  	v17 =	vld.idx.msk [tilespmem:v15+s4+$0x0], $0xffff;
	v15 =	vmov s31  }
0x77: {  	v15 =	vmul.u32 $0x50, v15  }
0x78: {  	v1 =	vld.idx.msk [tilespmem:v16+s16+$0x0], $0xffff  }
0x79: {  	v15 =	vbroadcast v15, $0x0;
	_ =	sdelay $0x1  }
0x7a: {  	v0 =	vmul.f32 v17, v0;
	v16 =	vor.u32 v20, v15;
	_ =	sdelay $0x1  }
0x7b: {  	s30 =	simm.s32 $0x2;
	s2 =	simm.s32 $0x9E90;
	v17 =	vmul.f32 v1, v0;
	[tilespmem:s1+$0x20] =	vst v0  }
.LBB2_2:
0x7c: {  	s1 =	sadd.s32 $0x50, s1  }
0x7d: {  	[tilespmem:s0+$0x20] =	vst v17;
	s0 =	sadd.s32 $0x50, s0;
	s31 =	smov.u32 s30;
	s19 =	sadd.s32 $0x1, s30  }
0x7e: {  	p0 =	sne.s32 s30, $0x7C;
	v17 =	vld.idx.msk [tilespmem:v16+s18+$0x0], $0xffff;
	_ =	sdelay $0x1  }
0x7f: {  	v16 =	vld.idx.msk [tilespmem:v16+s17+$0x0], $0xffff;
	_ =	sdelay $0x5  }
0x80: {  	v17 =	vld.idx.msk [tilespmem:v17+s4+$0x0], $0xffff  }
0x81: {  	v18 =	vld [tilespmem:s2+$0xFFFFFFE0]  }
0x82: {  	v16 =	vld.idx.msk [tilespmem:v16+s16+$0x0], $0xffff;
	_ =	sdelay $0x3  }
0x83: {  	v17 =	vmul.f32 v17, v18;
	v18 =	vadd.s32 v4, v15;
	_ =	sdelay $0x1  }
0x84: {  	v16 =	vmul.f32 v16, v17  }
0x85: {  	[tilespmem:s1+$0xFFFFFFE0] =	vst v17  }
0x86: {  	[tilespmem:s0+$0xFFFFFFE0] =	vst v16  }
0x87: {  	v16 =	vld.idx.msk [tilespmem:v18+s18+$0x0], $0xffff;
	_ =	sdelay $0x1  }
0x88: {  	v17 =	vld.idx.msk [tilespmem:v18+s17+$0x0], $0xffff;
	_ =	sdelay $0x5  }
0x89: {  	v16 =	vld.idx.msk [tilespmem:v16+s4+$0x0], $0xffff  }
0x8a: {  	v18 =	vld [tilespmem:s2+$0xFFFFFFF0]  }
0x8b: {  	v17 =	vld.idx.msk [tilespmem:v17+s16+$0x0], $0xffff;
	_ =	sdelay $0x3  }
0x8c: {  	v16 =	vmul.f32 v16, v18;
	v18 =	vadd.s32 v2, v15;
	_ =	sdelay $0x1  }
0x8d: {  	v17 =	vmul.f32 v17, v16  }
0x8e: {  	[tilespmem:s1+$0xFFFFFFF0] =	vst v16  }
0x8f: {  	[tilespmem:s0+$0xFFFFFFF0] =	vst v17  }
0x90: {  	v16 =	vld.idx.msk [tilespmem:v18+s18+$0x0], $0xffff;
	_ =	sdelay $0x1  }
0x91: {  	v17 =	vld.idx.msk [tilespmem:v18+s17+$0x0], $0xffff;
	_ =	sdelay $0x5  }
0x92: {  	v16 =	vld.idx.msk [tilespmem:v16+s4+$0x0], $0xffff  }
0x93: {  	v18 =	vld [tilespmem:s2+$0x0]  }
0x94: {  	v17 =	vld.idx.msk [tilespmem:v17+s16+$0x0], $0xffff;
	_ =	sdelay $0x3  }
0x95: {  	v16 =	vmul.f32 v16, v18;
	v18 =	vadd.s32 v3, v15;
	_ =	sdelay $0x1  }
0x96: {  	v17 =	vmul.f32 v17, v16;
	[tilespmem:s1+$0x0] =	vst v16;
	_ =	sdelay $0x1  }
0x97: {  	[tilespmem:s0+$0x0] =	vst v17  }
0x98: {  	v16 =	vld.idx.msk [tilespmem:v18+s18+$0x0], $0xffff  }
0x99: {  	v17 =	vld.idx.msk [tilespmem:v18+s17+$0x0], $0xffff  }
0x9a: {  	v18 =	vld [tilespmem:s2+$0x10];
	_ =	sdelay $0x5  }
0x9b: {  	v16 =	vld.idx.msk [tilespmem:v16+s4+$0x0], $0xffff  }
0x9c: {  	v17 =	vld.idx.msk [tilespmem:v17+s16+$0x0], $0xffff;
	_ =	sdelay $0x4  }
0x9d: {  	v15 =	vadd.s32 v21, v15;
	v16 =	vmul.f32 v16, v18;
	_ =	sdelay $0x1  }
0x9e: {  	v17 =	vmul.f32 v17, v16;
	[tilespmem:s1+$0x10] =	vst v16;
	_ =	sdelay $0x1  }
0x9f: {  	[tilespmem:s0+$0x10] =	vst v17  }
0xa0: {  	v16 =	vld.idx.msk [tilespmem:v15+s18+$0x0], $0xffff  }
0xa1: {  	v15 =	vld.idx.msk [tilespmem:v15+s17+$0x0], $0xffff  }
0xa2: {  	v17 =	vld [tilespmem:s2+$0x20];
	_ =	sdelay $0x5  }
0xa3: {  	v18 =	vld.idx.msk [tilespmem:v16+s4+$0x0], $0xffff  }
0xa4: {  	v16 =	vmov s31;
	v19 =	vld.idx.msk [tilespmem:v15+s16+$0x0], $0xffff  }
0xa5: {  	v15 =	vmul.u32 $0x50, v16;
	_ =	sdelay $0x1  }
0xa6: {  	v15 =	vbroadcast v15, $0x0  }
.Ltmp0:
0xa7: {  	(pc) =	sbr.rel @p0 .LBB2_2-.Ltmp0, $3  }
0xa8: {  	v16 =	vor.u32 v20, v15;
	v18 =	vmul.f32 v18, v17;
	_ =	sdelay $0x1  }
0xa9: {  	v17 =	vmul.f32 v19, v18;
	[tilespmem:s1+$0x20] =	vst v18  }
0xaa: {  	s30 =	smov.u32 s19;
	s2 =	sadd.s32 $0x50, s2  }
0xab: {  	_ =	sdelay $0x2  }
0xac: {  	[tilespmem:s0+$0x20] =	vst v17  }
0xad: {  	v17 =	vld.idx.msk [tilespmem:v16+s18+$0x0], $0xffff;
	_ =	sdelay $0x1  }
0xae: {  	v57 =	vld.idx.msk [tilespmem:v16+s17+$0x0], $0xffff;
	_ =	sdelay $0x4  }
0xaf: {  	v18 =	vld [tilespmem:s2+$0xFFFFFFE0]  }
0xb0: {  	v17 =	vld.idx.msk [tilespmem:v17+s4+$0x0], $0xffff;
	_ =	sdelay $0x1  }
0xb1: {  	v16 =	vld.idx.msk [tilespmem:v57+s16+$0x0], $0xffff;
	_ =	sdelay $0x2  }
0xb2: {  	v17 =	vmul.f32 v17, v18;
	v18 =	vadd.s32 v4, v15;
	_ =	sdelay $0x1  }
0xb3: {  	s1 =	sadd.s32 $0x50, s1;
	v16 =	vmul.f32 v16, v17  }
0xb4: {  	s31 =	sadd.s32 $0x50, s0;
	[tilespmem:s1+$0xFFFFFFE0] =	vst v17  }
0xb5: {  	[tilespmem:s31+$0xFFFFFFE0] =	vst v16  }
0xb6: {  	v16 =	vld.idx.msk [tilespmem:v18+s18+$0x0], $0xffff;
	_ =	sdelay $0x1  }
0xb7: {  	v17 =	vld.idx.msk [tilespmem:v18+s17+$0x0], $0xffff;
	_ =	sdelay $0x4  }
0xb8: {  	v18 =	vld [tilespmem:s2+$0xFFFFFFF0]  }
0xb9: {  	v16 =	vld.idx.msk [tilespmem:v16+s4+$0x0], $0xffff;
	_ =	sdelay $0x1  }
0xba: {  	v17 =	vld.idx.msk [tilespmem:v17+s16+$0x0], $0xffff;
	_ =	sdelay $0x2  }
0xbb: {  	v16 =	vmul.f32 v16, v18;
	v18 =	vadd.s32 v2, v15;
	_ =	sdelay $0x1  }
0xbc: {  	v17 =	vmul.f32 v17, v16  }
0xbd: {  	[tilespmem:s1+$0xFFFFFFF0] =	vst v16  }
0xbe: {  	[tilespmem:s31+$0xFFFFFFF0] =	vst v17  }
0xbf: {  	v16 =	vld.idx.msk [tilespmem:v18+s18+$0x0], $0xffff;
	_ =	sdelay $0x1  }
0xc0: {  	v17 =	vld.idx.msk [tilespmem:v18+s17+$0x0], $0xffff;
	_ =	sdelay $0x4  }
0xc1: {  	v18 =	vld [tilespmem:s2+$0x0]  }
0xc2: {  	v16 =	vld.idx.msk [tilespmem:v16+s4+$0x0], $0xffff;
	_ =	sdelay $0x1  }
0xc3: {  	v17 =	vld.idx.msk [tilespmem:v17+s16+$0x0], $0xffff;
	_ =	sdelay $0x2  }
0xc4: {  	v16 =	vmul.f32 v16, v18;
	v18 =	vadd.s32 v3, v15;
	_ =	sdelay $0x1  }
0xc5: {  	v17 =	vmul.f32 v17, v16  }
0xc6: {  	[tilespmem:s1+$0x0] =	vst v16  }
0xc7: {  	[tilespmem:s31+$0x0] =	vst v17  }
0xc8: {  	v16 =	vld.idx.msk [tilespmem:v18+s18+$0x0], $0xffff;
	_ =	sdelay $0x1  }
0xc9: {  	v17 =	vld.idx.msk [tilespmem:v18+s17+$0x0], $0xffff;
	_ =	sdelay $0x4  }
0xca: {  	v18 =	vld [tilespmem:s2+$0x10]  }
0xcb: {  	v16 =	vld.idx.msk [tilespmem:v16+s4+$0x0], $0xffff;
	_ =	sdelay $0x1  }
0xcc: {  	v17 =	vld.idx.msk [tilespmem:v17+s16+$0x0], $0xffff;
	_ =	sdelay $0x2  }
0xcd: {  	v59 =	vadd.s32 v21, v15;
	v16 =	vmul.f32 v16, v18;
	_ =	sdelay $0x1  }
0xce: {  	v17 =	vmul.f32 v17, v16  }
0xcf: {  	[tilespmem:s1+$0x10] =	vst v16  }
0xd0: {  	[tilespmem:s31+$0x10] =	vst v17  }
0xd1: {  	v16 =	vld.idx.msk [tilespmem:v59+s18+$0x0], $0xffff;
	_ =	sdelay $0x1  }
0xd2: {  	v15 =	vld.idx.msk [tilespmem:v59+s17+$0x0], $0xffff;
	_ =	sdelay $0x4  }
0xd3: {  	v17 =	vld [tilespmem:s2+$0x20]  }
0xd4: {  	v16 =	vld.idx.msk [tilespmem:v16+s4+$0x0], $0xffff;
	_ =	sdelay $0x1  }
0xd5: {  	v15 =	vld.idx.msk [tilespmem:v15+s16+$0x0], $0xffff;
	_ =	sdelay $0x2  }
0xd6: {  	v16 =	vmul.f32 v16, v17;
	_ =	sdelay $0x1  }
0xd7: {  	v15 =	vmul.f32 v15, v16  }
0xd8: {  	[tilespmem:s1+$0x20] =	vst v16  }
0xd9: {  	s1 =	simm.s32 $0x0;
	[tilespmem:s31+$0x20] =	vst v15  }
0xda: {  	[tilespmem:s23], [sflag:$0x1] =	stream.indirect.gather [hbm4b:s6+s22], $0x40, s17, s22, $0xb8;
	[tilespmem:$0x1DB50] =	vst v63  }
.LBB2_4:
0xdb: {  	p0 =	seq.s32 s1, $0x0  }
0xdc: {  	p2 =	seq.s32 @!p0 s1, $0x7C  }
0xdd: {  	p2 =	por p0, !p2  }
.Ltmp1:
0xde: {  	_ = 	snop;
	(pc) =	sbr.rel @!p2 .LBB2_6-.Ltmp1, $4  }
0xdf: {  	s2 =	simm.s32 @!p0 $0x2  }
0xe0: {  	s0 =	sand.u32 $0x1, s1;
	_ =	swait.ge @!p0 [sflag:s2], $0x1400  }
0xe1: {  	p1 =	seq.s32 s0, $0x1;
	s0 =	simm.s32 $0x50;
	[sflag:s2] =	ssyncset.done @!p0 $0x0  }
0xe2: {  	s31 =	simm.s32 @!p0 $0x7D;
	s0 =	simm.s32 @!p1 $0x0;
	[sflag:s2] =	ssyncadd.s32 @!p0 $0xFFFFEC00  }
0xe3: {  	s31 =	sadd.s32 @!p0 $0x1, s1  }
0xe4: {  	s31 =	simm.s32 @p0 $0x1  }
0xe5: {  	s2 =	smul.u32 $0x140, s31;
	_ =	sdelay $0x1  }
0xe6: {  	s19 =	sshll.u32 s0, $0x6;
	s2 =	sshra.s32 s2, $0x2  }
0xe7: {  	s19 =	ssub.s32 $0x12750, s19;
	s2 =	sadd.s32 $0x5000, s2  }
0xe8: {  	[tilespmem:s19], [sflag:$0x1] =	stream.indirect.gather [hbm4b:s6+s22], $0x40, s2, s22, $0xb8;
	[tilespmem:$0x1DB50] =	vst v63  }
.LBB2_6:
0xe9: {  	_ =	swait.ge [sflag:s24], $0x1400  }
0xea: {  	v9 =	vld [tilespmem:$0x1FE50]  }
0xeb: {  	v10 =	vld [tilespmem:$0x1FE60]  }
0xec: {  	v11 =	vld [tilespmem:$0x1FE80]  }
0xed: {  	v12 =	vld [tilespmem:$0x1FE90]  }
0xee: {  	v13 =	vld [tilespmem:$0x1FEA0]  }
0xef: {  	v14 =	vld [tilespmem:$0x1FEB0]  }
0xf0: {  	v1 =	vld [tilespmem:$0x1FEC0]  }
0xf1: {  	v56 =	vld [tilespmem:$0x1FED0]  }
0xf2: {  	s1 =	smul.u32 $0x140, s1;
	v57 =	vld [tilespmem:$0x1FEF0]  }
0xf3: {  	v59 =	vld [tilespmem:$0x1FF00]  }
0xf4: {  	v5 =	vld [tilespmem:$0x1FFB0];
	s2 =	sshra.s32 s1, $0x2  }
0xf5: {  	v6 =	vld [tilespmem:$0x1FFC0];
	s19 =	sadd.s32 $0xEC40, s2  }
0xf6: {  	[sflag:s24] =	ssyncset.done $0x0;
	v7 =	vld [tilespmem:$0x1FFD0];
	v0 =	vmov s19  }
0xf7: {  	s30 =	smov.u32 s0;
	[sflag:s24] =	ssyncadd.s32 $0xFFFFEC00;
	s1 =	simm.s32 $0x0;
	[tilespmem:$0x1FDE0] =	vst v0;
	v0 =	vld [tilespmem:$0x1FF10]  }
.LBB2_7:
0xf8: {  	v8 =	vld [tilespmem:$0x1FDE0]  }
0xf9: {  	v16 =	vmov s30  }
0xfa: {  	v16 =	vshll.u32 v16, $0x6  }
0xfb: {  	v17 =	vor.u32 v22, v16  }
0xfc: {  	v18 =	vor.u32 v20, v17;
	_ =	sdelay $0x2  }
0xfd: {  	s19 =	sshra.s32 s1, $0x2  }
0xfe: {  	v16 =	vld.idx.msk [tilespmem:v8+s19+$0x0 ss:$0x1], $0xffff  }
0xff: {  	v19 =	vld.idx.msk [tilespmem:v18+s23+$0x0], $0xffff;
	_ =	sdelay $0x2  }
0x100: {  	v20 =	vor.u32 v23, v17;
	_ =	sdelay $0x1  }
0x101: {  	v19 =	vmul.f32 v19, v16;
	_ =	sdelay $0x1  }
0x102: {  	[tilespmem:v18+s23+$0x0] =	vst.idx.msk $0xffff, v19  }
0x103: {  	v18 =	vld.idx.msk [tilespmem:v20+s23+$0x0], $0xffff;
	_ =	sdelay $0x2  }
0x104: {  	v19 =	vor.u32 v24, v17;
	_ =	sdelay $0x1  }
0x105: {  	v18 =	vmul.f32 v18, v16;
	_ =	sdelay $0x1  }
0x106: {  	[tilespmem:v20+s23+$0x0] =	vst.idx.msk $0xffff, v18  }
0x107: {  	v18 =	vld.idx.msk [tilespmem:v19+s23+$0x0], $0xffff;
	_ =	sdelay $0x2  }
0x108: {  	v20 =	vor.u32 v25, v17;
	_ =	sdelay $0x1  }
0x109: {  	v18 =	vmul.f32 v18, v16;
	_ =	sdelay $0x1  }
0x10a: {  	[tilespmem:v19+s23+$0x0] =	vst.idx.msk $0xffff, v18  }
0x10b: {  	v18 =	vld.idx.msk [tilespmem:v20+s23+$0x0], $0xffff;
	_ =	sdelay $0x2  }
0x10c: {  	v19 =	vor.u32 v26, v17;
	_ =	sdelay $0x1  }
0x10d: {  	v18 =	vmul.f32 v18, v16;
	_ =	sdelay $0x1  }
0x10e: {  	[tilespmem:v20+s23+$0x0] =	vst.idx.msk $0xffff, v18  }
0x10f: {  	v18 =	vld.idx.msk [tilespmem:v19+s23+$0x0], $0xffff;
	_ =	sdelay $0x2  }
0x110: {  	v20 =	vor.u32 v27, v17;
	_ =	sdelay $0x1  }
0x111: {  	v18 =	vmul.f32 v18, v16;
	_ =	sdelay $0x1  }
0x112: {  	[tilespmem:v19+s23+$0x0] =	vst.idx.msk $0xffff, v18  }
0x113: {  	v18 =	vld.idx.msk [tilespmem:v20+s23+$0x0], $0xffff;
	_ =	sdelay $0x2  }
0x114: {  	v19 =	vor.u32 v28, v17;
	_ =	sdelay $0x1  }
0x115: {  	v18 =	vmul.f32 v18, v16;
	_ =	sdelay $0x1  }
0x116: {  	[tilespmem:v20+s23+$0x0] =	vst.idx.msk $0xffff, v18  }
0x117: {  	v18 =	vld.idx.msk [tilespmem:v19+s23+$0x0], $0xffff;
	_ =	sdelay $0x2  }
0x118: {  	v20 =	vor.u32 v29, v17;
	_ =	sdelay $0x1  }
0x119: {  	v18 =	vmul.f32 v18, v16;
	_ =	sdelay $0x1  }
0x11a: {  	[tilespmem:v19+s23+$0x0] =	vst.idx.msk $0xffff, v18  }
0x11b: {  	v18 =	vld.idx.msk [tilespmem:v20+s23+$0x0], $0xffff;
	_ =	sdelay $0x2  }
0x11c: {  	v19 =	vor.u32 v30, v17;
	_ =	sdelay $0x1  }
0x11d: {  	v18 =	vmul.f32 v18, v16;
	_ =	sdelay $0x1  }
0x11e: {  	[tilespmem:v20+s23+$0x0] =	vst.idx.msk $0xffff, v18  }
0x11f: {  	v18 =	vld.idx.msk [tilespmem:v19+s23+$0x0], $0xffff;
	_ =	sdelay $0x2  }
0x120: {  	v20 =	vor.u32 v31, v17;
	_ =	sdelay $0x1  }
0x121: {  	v18 =	vmul.f32 v18, v16;
	_ =	sdelay $0x1  }
0x122: {  	[tilespmem:v19+s23+$0x0] =	vst.idx.msk $0xffff, v18  }
0x123: {  	v18 =	vld.idx.msk [tilespmem:v20+s23+$0x0], $0xffff;
	_ =	sdelay $0x2  }
0x124: {  	v19 =	vor.u32 v32, v17;
	_ =	sdelay $0x1  }
0x125: {  	v18 =	vmul.f32 v18, v16;
	_ =	sdelay $0x1  }
0x126: {  	[tilespmem:v20+s23+$0x0] =	vst.idx.msk $0xffff, v18  }
0x127: {  	v18 =	vld.idx.msk [tilespmem:v19+s23+$0x0], $0xffff;
	_ =	sdelay $0x2  }
0x128: {  	v20 =	vor.u32 v33, v17;
	_ =	sdelay $0x1  }
0x129: {  	v18 =	vmul.f32 v18, v16;
	_ =	sdelay $0x1  }
0x12a: {  	[tilespmem:v19+s23+$0x0] =	vst.idx.msk $0xffff, v18  }
0x12b: {  	v18 =	vld.idx.msk [tilespmem:v20+s23+$0x0], $0xffff;
	_ =	sdelay $0x2  }
0x12c: {  	v19 =	vor.u32 v34, v17;
	_ =	sdelay $0x1  }
0x12d: {  	v18 =	vmul.f32 v18, v16;
	_ =	sdelay $0x1  }
0x12e: {  	[tilespmem:v20+s23+$0x0] =	vst.idx.msk $0xffff, v18  }
0x12f: {  	v18 =	vld.idx.msk [tilespmem:v19+s23+$0x0], $0xffff;
	_ =	sdelay $0x2  }
0x130: {  	v20 =	vor.u32 v35, v17;
	_ =	sdelay $0x1  }
0x131: {  	v18 =	vmul.f32 v18, v16;
	_ =	sdelay $0x1  }
0x132: {  	[tilespmem:v19+s23+$0x0] =	vst.idx.msk $0xffff, v18  }
0x133: {  	v18 =	vld.idx.msk [tilespmem:v20+s23+$0x0], $0xffff;
	_ =	sdelay $0x2  }
0x134: {  	v19 =	vor.u32 v36, v17;
	_ =	sdelay $0x1  }
0x135: {  	v18 =	vmul.f32 v18, v16;
	_ =	sdelay $0x1  }
0x136: {  	[tilespmem:v20+s23+$0x0] =	vst.idx.msk $0xffff, v18  }
0x137: {  	v18 =	vld.idx.msk [tilespmem:v19+s23+$0x0], $0xffff;
	_ =	sdelay $0x2  }
0x138: {  	v20 =	vor.u32 v37, v17;
	_ =	sdelay $0x1  }
0x139: {  	v18 =	vmul.f32 v18, v16;
	_ =	sdelay $0x1  }
0x13a: {  	[tilespmem:v19+s23+$0x0] =	vst.idx.msk $0xffff, v18  }
0x13b: {  	v18 =	vld.idx.msk [tilespmem:v20+s23+$0x0], $0xffff;
	_ =	sdelay $0x2  }
0x13c: {  	v19 =	vor.u32 v4, v17;
	_ =	sdelay $0x1  }
0x13d: {  	v18 =	vmul.f32 v18, v16;
	_ =	sdelay $0x1  }
0x13e: {  	[tilespmem:v20+s23+$0x0] =	vst.idx.msk $0xffff, v18  }
0x13f: {  	v18 =	vld.idx.msk [tilespmem:v19+s23+$0x0], $0xffff;
	_ =	sdelay $0x2  }
0x140: {  	v20 =	vor.u32 v38, v17;
	_ =	sdelay $0x1  }
0x141: {  	v18 =	vmul.f32 v18, v16;
	_ =	sdelay $0x1  }
0x142: {  	[tilespmem:v19+s23+$0x0] =	vst.idx.msk $0xffff, v18  }
0x143: {  	v18 =	vld.idx.msk [tilespmem:v20+s23+$0x0], $0xffff;
	_ =	sdelay $0x2  }
0x144: {  	v19 =	vor.u32 v39, v17;
	_ =	sdelay $0x1  }
0x145: {  	v18 =	vmul.f32 v18, v16;
	_ =	sdelay $0x1  }
0x146: {  	[tilespmem:v20+s23+$0x0] =	vst.idx.msk $0xffff, v18  }
0x147: {  	v18 =	vld.idx.msk [tilespmem:v19+s23+$0x0], $0xffff;
	_ =	sdelay $0x2  }
0x148: {  	v20 =	vor.u32 v40, v17;
	_ =	sdelay $0x1  }
0x149: {  	v18 =	vmul.f32 v18, v16;
	_ =	sdelay $0x1  }
0x14a: {  	[tilespmem:v19+s23+$0x0] =	vst.idx.msk $0xffff, v18  }
0x14b: {  	v18 =	vld.idx.msk [tilespmem:v20+s23+$0x0], $0xffff;
	_ =	sdelay $0x2  }
0x14c: {  	v19 =	vor.u32 v41, v17;
	_ =	sdelay $0x1  }
0x14d: {  	v18 =	vmul.f32 v18, v16;
	_ =	sdelay $0x1  }
0x14e: {  	[tilespmem:v20+s23+$0x0] =	vst.idx.msk $0xffff, v18  }
0x14f: {  	v18 =	vld.idx.msk [tilespmem:v19+s23+$0x0], $0xffff;
	_ =	sdelay $0x2  }
0x150: {  	v20 =	vor.u32 v42, v17;
	_ =	sdelay $0x1  }
0x151: {  	v18 =	vmul.f32 v18, v16;
	_ =	sdelay $0x1  }
0x152: {  	[tilespmem:v19+s23+$0x0] =	vst.idx.msk $0xffff, v18  }
0x153: {  	v18 =	vld.idx.msk [tilespmem:v20+s23+$0x0], $0xffff;
	_ =	sdelay $0x2  }
0x154: {  	v19 =	vor.u32 v43, v17;
	_ =	sdelay $0x1  }
0x155: {  	v18 =	vmul.f32 v18, v16;
	_ =	sdelay $0x1  }
0x156: {  	[tilespmem:v20+s23+$0x0] =	vst.idx.msk $0xffff, v18  }
0x157: {  	v18 =	vld.idx.msk [tilespmem:v19+s23+$0x0], $0xffff;
	_ =	sdelay $0x2  }
0x158: {  	v20 =	vor.u32 v45, v17;
	_ =	sdelay $0x1  }
0x159: {  	v18 =	vmul.f32 v18, v16;
	_ =	sdelay $0x1  }
0x15a: {  	[tilespmem:v19+s23+$0x0] =	vst.idx.msk $0xffff, v18  }
0x15b: {  	v18 =	vld.idx.msk [tilespmem:v20+s23+$0x0], $0xffff;
	_ =	sdelay $0x2  }
0x15c: {  	v19 =	vor.u32 v46, v17;
	_ =	sdelay $0x1  }
0x15d: {  	v18 =	vmul.f32 v18, v16;
	_ =	sdelay $0x1  }
0x15e: {  	[tilespmem:v20+s23+$0x0] =	vst.idx.msk $0xffff, v18  }
0x15f: {  	v18 =	vld.idx.msk [tilespmem:v19+s23+$0x0], $0xffff;
	_ =	sdelay $0x2  }
0x160: {  	v20 =	vor.u32 v47, v17;
	_ =	sdelay $0x1  }
0x161: {  	v18 =	vmul.f32 v18, v16;
	_ =	sdelay $0x1  }
0x162: {  	[tilespmem:v19+s23+$0x0] =	vst.idx.msk $0xffff, v18  }
0x163: {  	v18 =	vld.idx.msk [tilespmem:v20+s23+$0x0], $0xffff;
	_ =	sdelay $0x2  }
0x164: {  	v19 =	vor.u32 v48, v17;
	_ =	sdelay $0x1  }
0x165: {  	v18 =	vmul.f32 v18, v16;
	_ =	sdelay $0x1  }
0x166: {  	[tilespmem:v20+s23+$0x0] =	vst.idx.msk $0xffff, v18  }
0x167: {  	v18 =	vld.idx.msk [tilespmem:v19+s23+$0x0], $0xffff;
	_ =	sdelay $0x2  }
0x168: {  	v20 =	vor.u32 v49, v17;
	_ =	sdelay $0x1  }
0x169: {  	v18 =	vmul.f32 v18, v16;
	_ =	sdelay $0x1  }
0x16a: {  	[tilespmem:v19+s23+$0x0] =	vst.idx.msk $0xffff, v18  }
0x16b: {  	v18 =	vld.idx.msk [tilespmem:v20+s23+$0x0], $0xffff;
	_ =	sdelay $0x2  }
0x16c: {  	v19 =	vor.u32 v50, v17;
	_ =	sdelay $0x1  }
0x16d: {  	v18 =	vmul.f32 v18, v16;
	_ =	sdelay $0x1  }
0x16e: {  	[tilespmem:v20+s23+$0x0] =	vst.idx.msk $0xffff, v18  }
0x16f: {  	v18 =	vld.idx.msk [tilespmem:v19+s23+$0x0], $0xffff;
	_ =	sdelay $0x2  }
0x170: {  	v20 =	vor.u32 v51, v17;
	_ =	sdelay $0x1  }
0x171: {  	v18 =	vmul.f32 v18, v16;
	_ =	sdelay $0x1  }
0x172: {  	[tilespmem:v19+s23+$0x0] =	vst.idx.msk $0xffff, v18  }
0x173: {  	v18 =	vld.idx.msk [tilespmem:v20+s23+$0x0], $0xffff;
	_ =	sdelay $0x2  }
0x174: {  	v19 =	vor.u32 v52, v17;
	_ =	sdelay $0x1  }
0x175: {  	v18 =	vmul.f32 v18, v16;
	_ =	sdelay $0x1  }
0x176: {  	[tilespmem:v20+s23+$0x0] =	vst.idx.msk $0xffff, v18  }
0x177: {  	v18 =	vld.idx.msk [tilespmem:v19+s23+$0x0], $0xffff;
	_ =	sdelay $0x2  }
0x178: {  	v20 =	vor.u32 v53, v17;
	_ =	sdelay $0x1  }
0x179: {  	v18 =	vmul.f32 v18, v16;
	_ =	sdelay $0x1  }
0x17a: {  	[tilespmem:v19+s23+$0x0] =	vst.idx.msk $0xffff, v18  }
0x17b: {  	v18 =	vld.idx.msk [tilespmem:v20+s23+$0x0], $0xffff;
	_ =	sdelay $0x2  }
0x17c: {  	v19 =	vor.u32 v2, v17;
	_ =	sdelay $0x1  }
0x17d: {  	v18 =	vmul.f32 v18, v16;
	_ =	sdelay $0x1  }
0x17e: {  	[tilespmem:v20+s23+$0x0] =	vst.idx.msk $0xffff, v18  }
0x17f: {  	v18 =	vld.idx.msk [tilespmem:v19+s23+$0x0], $0xffff;
	_ =	sdelay $0x2  }
0x180: {  	v20 =	vor.u32 v54, v17;
	_ =	sdelay $0x1  }
0x181: {  	v18 =	vmul.f32 v18, v16;
	_ =	sdelay $0x1  }
0x182: {  	[tilespmem:v19+s23+$0x0] =	vst.idx.msk $0xffff, v18  }
0x183: {  	v18 =	vld.idx.msk [tilespmem:v20+s23+$0x0], $0xffff;
	_ =	sdelay $0x2  }
0x184: {  	v19 =	vor.u32 v55, v17;
	_ =	sdelay $0x1  }
0x185: {  	v18 =	vmul.f32 v18, v16;
	_ =	sdelay $0x1  }
0x186: {  	[tilespmem:v20+s23+$0x0] =	vst.idx.msk $0xffff, v18  }
0x187: {  	v18 =	vld.idx.msk [tilespmem:v19+s23+$0x0], $0xffff;
	_ =	sdelay $0x2  }
0x188: {  	v20 =	vor.u32 v60, v17;
	_ =	sdelay $0x1  }
0x189: {  	v18 =	vmul.f32 v18, v16  }
0x18a: {  	v8 =	vld [tilespmem:$0x1FF20]  }
0x18b: {  	[tilespmem:v19+s23+$0x0] =	vst.idx.msk $0xffff, v18  }
0x18c: {  	v18 =	vld.idx.msk [tilespmem:v20+s23+$0x0], $0xffff;
	_ =	sdelay $0x2  }
0x18d: {  	v19 =	vor.u32 v8, v17;
	_ =	sdelay $0x1  }
0x18e: {  	v18 =	vmul.f32 v18, v16  }
0x18f: {  	v8 =	vld [tilespmem:$0x1FF30]  }
0x190: {  	[tilespmem:v20+s23+$0x0] =	vst.idx.msk $0xffff, v18  }
0x191: {  	v18 =	vld.idx.msk [tilespmem:v19+s23+$0x0], $0xffff;
	_ =	sdelay $0x2  }
0x192: {  	v20 =	vor.u32 v8, v17;
	_ =	sdelay $0x1  }
0x193: {  	v18 =	vmul.f32 v18, v16  }
0x194: {  	v8 =	vld [tilespmem:$0x1FF40]  }
0x195: {  	[tilespmem:v19+s23+$0x0] =	vst.idx.msk $0xffff, v18  }
0x196: {  	v18 =	vld.idx.msk [tilespmem:v20+s23+$0x0], $0xffff;
	_ =	sdelay $0x2  }
0x197: {  	v19 =	vor.u32 v8, v17;
	_ =	sdelay $0x1  }
0x198: {  	v18 =	vmul.f32 v18, v16  }
0x199: {  	v8 =	vld [tilespmem:$0x1FF50]  }
0x19a: {  	[tilespmem:v20+s23+$0x0] =	vst.idx.msk $0xffff, v18  }
0x19b: {  	v18 =	vld.idx.msk [tilespmem:v19+s23+$0x0], $0xffff;
	_ =	sdelay $0x2  }
0x19c: {  	v20 =	vor.u32 v8, v17;
	_ =	sdelay $0x1  }
0x19d: {  	v18 =	vmul.f32 v18, v16  }
0x19e: {  	v8 =	vld [tilespmem:$0x1FF60]  }
0x19f: {  	[tilespmem:v19+s23+$0x0] =	vst.idx.msk $0xffff, v18  }
0x1a0: {  	v18 =	vld.idx.msk [tilespmem:v20+s23+$0x0], $0xffff;
	_ =	sdelay $0x2  }
0x1a1: {  	v19 =	vor.u32 v8, v17;
	_ =	sdelay $0x1  }
0x1a2: {  	v18 =	vmul.f32 v18, v16  }
0x1a3: {  	v8 =	vld [tilespmem:$0x1FF70]  }
0x1a4: {  	[tilespmem:v20+s23+$0x0] =	vst.idx.msk $0xffff, v18  }
0x1a5: {  	v18 =	vld.idx.msk [tilespmem:v19+s23+$0x0], $0xffff;
	_ =	sdelay $0x2  }
0x1a6: {  	v20 =	vor.u32 v8, v17;
	_ =	sdelay $0x1  }
0x1a7: {  	v18 =	vmul.f32 v18, v16  }
0x1a8: {  	v8 =	vld [tilespmem:$0x1FF80]  }
0x1a9: {  	[tilespmem:v19+s23+$0x0] =	vst.idx.msk $0xffff, v18  }
0x1aa: {  	v18 =	vld.idx.msk [tilespmem:v20+s23+$0x0], $0xffff;
	_ =	sdelay $0x2  }
0x1ab: {  	v19 =	vor.u32 v8, v17;
	_ =	sdelay $0x1  }
0x1ac: {  	v18 =	vmul.f32 v18, v16  }
0x1ad: {  	v8 =	vld [tilespmem:$0x1FF90]  }
0x1ae: {  	[tilespmem:v20+s23+$0x0] =	vst.idx.msk $0xffff, v18  }
0x1af: {  	v18 =	vld.idx.msk [tilespmem:v19+s23+$0x0], $0xffff;
	_ =	sdelay $0x2  }
0x1b0: {  	v20 =	vor.u32 v8, v17;
	_ =	sdelay $0x1  }
0x1b1: {  	v18 =	vmul.f32 v18, v16  }
0x1b2: {  	v8 =	vld [tilespmem:$0x1FFA0]  }
0x1b3: {  	[tilespmem:v19+s23+$0x0] =	vst.idx.msk $0xffff, v18  }
0x1b4: {  	v18 =	vld.idx.msk [tilespmem:v20+s23+$0x0], $0xffff;
	_ =	sdelay $0x2  }
0x1b5: {  	v19 =	vor.u32 v8, v17;
	_ =	sdelay $0x1  }
0x1b6: {  	v18 =	vmul.f32 v18, v16;
	_ =	sdelay $0x1  }
0x1b7: {  	[tilespmem:v20+s23+$0x0] =	vst.idx.msk $0xffff, v18  }
0x1b8: {  	v18 =	vld.idx.msk [tilespmem:v19+s23+$0x0], $0xffff;
	_ =	sdelay $0x2  }
0x1b9: {  	v20 =	vor.u32 v5, v17;
	_ =	sdelay $0x1  }
0x1ba: {  	v18 =	vmul.f32 v18, v16;
	_ =	sdelay $0x1  }
0x1bb: {  	[tilespmem:v19+s23+$0x0] =	vst.idx.msk $0xffff, v18  }
0x1bc: {  	v18 =	vld.idx.msk [tilespmem:v20+s23+$0x0], $0xffff;
	_ =	sdelay $0x2  }
0x1bd: {  	v19 =	vor.u32 v6, v17;
	_ =	sdelay $0x1  }
0x1be: {  	v18 =	vmul.f32 v18, v16;
	_ =	sdelay $0x1  }
0x1bf: {  	[tilespmem:v20+s23+$0x0] =	vst.idx.msk $0xffff, v18  }
0x1c0: {  	v18 =	vld.idx.msk [tilespmem:v19+s23+$0x0], $0xffff;
	_ =	sdelay $0x2  }
0x1c1: {  	v20 =	vor.u32 v7, v17;
	_ =	sdelay $0x1  }
0x1c2: {  	v18 =	vmul.f32 v18, v16;
	_ =	sdelay $0x1  }
0x1c3: {  	[tilespmem:v19+s23+$0x0] =	vst.idx.msk $0xffff, v18  }
0x1c4: {  	v18 =	vld.idx.msk [tilespmem:v20+s23+$0x0], $0xffff;
	_ =	sdelay $0x2  }
0x1c5: {  	v19 =	vor.u32 v3, v17;
	_ =	sdelay $0x1  }
0x1c6: {  	v18 =	vmul.f32 v18, v16;
	_ =	sdelay $0x1  }
0x1c7: {  	[tilespmem:v20+s23+$0x0] =	vst.idx.msk $0xffff, v18  }
0x1c8: {  	v18 =	vld.idx.msk [tilespmem:v19+s23+$0x0], $0xffff;
	_ =	sdelay $0x4  }
0x1c9: {  	v18 =	vmul.f32 v18, v16  }
0x1ca: {  	v20 =	vor.u32 v61, v17  }
0x1cb: {  	v15 =	vmov v3;
	v3 =	vmov v2;
	[tilespmem:v19+s23+$0x0] =	vst.idx.msk $0xffff, v18;
	v19 =	vsel vm0, v63, v44  }
0x1cc: {  	v2 =	vmovc v4;
	v4 =	vmovc v63;
	v63 =	vmov v62;
	v21 =	vcombine.low v62, v19;
	v62 =	vmov v61  }
0x1cd: {  	v61 =	vmovc v60;
	v60 =	vmovc v55;
	v55 =	vmov v54;
	v54 =	vmov v53;
	v53 =	vmov v52  }
0x1ce: {  	v52 =	vmovc v51;
	v51 =	vmovc v50;
	v50 =	vmov v49;
	v49 =	vmov v48;
	v48 =	vmov v47  }
0x1cf: {  	v18 =	vld.idx.msk [tilespmem:v20+s23+$0x0], $0xffff;
	v47 =	vmovc v46;
	v46 =	vmovc v45;
	v45 =	vmov v43;
	v43 =	vmov v42;
	v42 =	vmov v41  }
0x1d0: {  	v41 =	vmovc v40;
	v40 =	vmovc v39;
	v39 =	vmov v38;
	v38 =	vmov v37;
	v37 =	vmov v36  }
0x1d1: {  	v36 =	vmovc v35;
	v35 =	vmovc v34;
	v34 =	vmov v33;
	v33 =	vmov v32;
	v32 =	vmov v31  }
0x1d2: {  	v8 =	vld [tilespmem:$0x1FEE0];
	v31 =	vmovc v30;
	v30 =	vmovc v29;
	v29 =	vmov v28;
	v28 =	vmov v27;
	v21 =	vor.u32 v21, v17  }
0x1d3: {  	v27 =	vmovc v26;
	v26 =	vmovc v25;
	v25 =	vmov v24;
	v24 =	vmov v23;
	v23 =	vmov v22;
	v22 =	vld [tilespmem:$0x1FE30]  }
0x1d4: {  	v18 =	vmul.f32 v18, v16;
	_ =	sdelay $0x1  }
0x1d5: {  	[tilespmem:v20+s23+$0x0] =	vst.idx.msk $0xffff, v18  }
0x1d6: {  	v20 =	vsel vm0, v8, v58;
	v18 =	vld.idx.msk [tilespmem:v21+s23+$0x0], $0xffff  }
0x1d7: {  	v22 =	vcombine.low v22, v20;
	_ =	sdelay $0x1  }
0x1d8: {  	v22 =	vor.u32 v22, v17;
	_ =	sdelay $0x1  }
0x1d9: {  	v18 =	vmul.f32 v18, v16;
	_ =	sdelay $0x1  }
0x1da: {  	[tilespmem:v21+s23+$0x0] =	vst.idx.msk $0xffff, v18  }
0x1db: {  	v18 =	vld.idx.msk [tilespmem:v22+s23+$0x0], $0xffff;
	_ =	sdelay $0x4  }
0x1dc: {  	v18 =	vmul.f32 v18, v16  }
0x1dd: {  	v8 =	vld [tilespmem:$0x1FDF0]  }
0x1de: {  	v21 =	vor.u32 v9, v17;
	[tilespmem:v22+s23+$0x0] =	vst.idx.msk $0xffff, v18;
	v22 =	vld [tilespmem:$0x1FE00];
	_ =	sdelay $0x4  }
0x1df: {  	v18 =	vld.idx.msk [tilespmem:v21+s23+$0x0], $0xffff;
	v22 =	vsel vm0, v22, v8  }
0x1e0: {  	v22 =	vcombine.low v22, v10;
	_ =	sdelay $0x1  }
0x1e1: {  	v8 =	vld [tilespmem:$0x1FE10];
	v22 =	vor.u32 v22, v17;
	_ =	sdelay $0x1  }
0x1e2: {  	v18 =	vmul.f32 v18, v16;
	_ =	sdelay $0x1  }
0x1e3: {  	[tilespmem:v21+s23+$0x0] =	vst.idx.msk $0xffff, v18  }
0x1e4: {  	v21 =	vsel vm0, v44, v8;
	v18 =	vld.idx.msk [tilespmem:v22+s23+$0x0], $0xffff  }
0x1e5: {  	v21 =	vcombine.low v21, v56;
	_ =	sdelay $0x1  }
0x1e6: {  	v21 =	vor.u32 v21, v17;
	_ =	sdelay $0x1  }
0x1e7: {  	v18 =	vmul.f32 v18, v16;
	_ =	sdelay $0x1  }
0x1e8: {  	v8 =	vld [tilespmem:$0x1FE20];
	[tilespmem:v22+s23+$0x0] =	vst.idx.msk $0xffff, v18  }
0x1e9: {  	v18 =	vld.idx.msk [tilespmem:v21+s23+$0x0], $0xffff;
	_ =	sdelay $0x3  }
0x1ea: {  	v22 =	vsel vm0, v58, v8  }
0x1eb: {  	v22 =	vcombine.low v22, v57;
	v18 =	vmul.f32 v18, v16  }
0x1ec: {  	v8 =	vld [tilespmem:$0x1FE40]  }
0x1ed: {  	v22 =	vor.u32 v22, v17;
	[tilespmem:v21+s23+$0x0] =	vst.idx.msk $0xffff, v18;
	v21 =	vld [tilespmem:$0x1FE70];
	_ =	sdelay $0x4  }
0x1ee: {  	v18 =	vld.idx.msk [tilespmem:v22+s23+$0x0], $0xffff;
	v21 =	vsel vm0, v21, v8  }
0x1ef: {  	v21 =	vcombine.low v21, v59;
	_ =	sdelay $0x1  }
0x1f0: {  	v21 =	vor.u32 v21, v17;
	_ =	sdelay $0x1  }
0x1f1: {  	v18 =	vmul.f32 v18, v16;
	_ =	sdelay $0x1  }
0x1f2: {  	[tilespmem:v22+s23+$0x0] =	vst.idx.msk $0xffff, v18  }
0x1f3: {  	v18 =	vld.idx.msk [tilespmem:v21+s23+$0x0], $0xffff;
	_ =	sdelay $0x2  }
0x1f4: {  	v22 =	vor.u32 v11, v17;
	_ =	sdelay $0x1  }
0x1f5: {  	v18 =	vmul.f32 v18, v16;
	_ =	sdelay $0x1  }
0x1f6: {  	[tilespmem:v21+s23+$0x0] =	vst.idx.msk $0xffff, v18  }
0x1f7: {  	v18 =	vld.idx.msk [tilespmem:v22+s23+$0x0], $0xffff;
	_ =	sdelay $0x3  }
0x1f8: {  	v19 =	vcombine.low v19, v0  }
0x1f9: {  	v18 =	vmul.f32 v18, v16  }
0x1fa: {  	v19 =	vor.u32 v19, v17  }
0x1fb: {  	[tilespmem:v22+s23+$0x0] =	vst.idx.msk $0xffff, v18;
	v22 =	vmovc v23;
	v23 =	vmovc v24;
	v24 =	vmov v25;
	v25 =	vmov v26;
	v26 =	vmov v27  }
0x1fc: {  	v27 =	vmovc v28;
	v28 =	vmovc v29;
	v29 =	vmov v30;
	v30 =	vmov v31;
	v31 =	vmov v32  }
0x1fd: {  	v32 =	vmovc v33;
	v33 =	vmovc v34;
	v34 =	vmov v35;
	v35 =	vmov v36;
	v36 =	vmov v37  }
0x1fe: {  	v37 =	vmovc v38;
	v38 =	vmovc v39;
	v39 =	vmov v40;
	v40 =	vmov v41;
	v41 =	vmov v42  }
0x1ff: {  	v42 =	vmovc v43;
	v43 =	vmovc v45;
	v45 =	vmov v46;
	v46 =	vmov v47;
	v47 =	vmov v48  }
0x200: {  	v48 =	vmovc v49;
	v49 =	vmovc v50;
	v50 =	vmov v51;
	v51 =	vmov v52;
	v52 =	vmov v53  }
0x201: {  	v53 =	vmovc v54;
	v54 =	vmovc v55;
	v55 =	vmov v60;
	v60 =	vmov v61;
	v61 =	vmov v62  }
0x202: {  	v62 =	vmovc v63;
	v63 =	vmovc v4;
	v4 =	vmov v2;
	v2 =	vmov v3;
	v3 =	vmov v15;
	v15 =	vld [tilespmem:$0x1FFF0];
	_ =	sdelay $0x3  }
0x203: {  	v18 =	vld.idx.msk [tilespmem:v19+s23+$0x0], $0xffff  }
0x204: {  	v20 =	vcombine.low v20, v15;
	_ =	sdelay $0x1  }
0x205: {  	v20 =	vor.u32 v20, v17;
	_ =	sdelay $0x1  }
0x206: {  	v18 =	vmul.f32 v18, v16;
	_ =	sdelay $0x1  }
0x207: {  	[tilespmem:v19+s23+$0x0] =	vst.idx.msk $0xffff, v18  }
0x208: {  	v18 =	vld.idx.msk [tilespmem:v20+s23+$0x0], $0xffff;
	_ =	sdelay $0x2  }
0x209: {  	v19 =	vor.u32 v12, v17;
	_ =	sdelay $0x1  }
0x20a: {  	v18 =	vmul.f32 v18, v16;
	_ =	sdelay $0x1  }
0x20b: {  	[tilespmem:v20+s23+$0x0] =	vst.idx.msk $0xffff, v18  }
0x20c: {  	v18 =	vld.idx.msk [tilespmem:v19+s23+$0x0], $0xffff;
	_ =	sdelay $0x2  }
0x20d: {  	v20 =	vor.u32 v13, v17;
	_ =	sdelay $0x1  }
0x20e: {  	v18 =	vmul.f32 v18, v16;
	_ =	sdelay $0x1  }
0x20f: {  	[tilespmem:v19+s23+$0x0] =	vst.idx.msk $0xffff, v18  }
0x210: {  	v18 =	vld.idx.msk [tilespmem:v20+s23+$0x0], $0xffff;
	_ =	sdelay $0x2  }
0x211: {  	v19 =	vor.u32 v14, v17;
	_ =	sdelay $0x1  }
0x212: {  	v18 =	vmul.f32 v18, v16;
	_ =	sdelay $0x1  }
0x213: {  	[tilespmem:v20+s23+$0x0] =	vst.idx.msk $0xffff, v18  }
0x214: {  	v18 =	vld.idx.msk [tilespmem:v19+s23+$0x0], $0xffff;
	_ =	sdelay $0x2  }
0x215: {  	v17 =	vor.u32 v1, v17;
	_ =	sdelay $0x1  }
0x216: {  	v18 =	vmul.f32 v18, v16;
	_ =	sdelay $0x1  }
0x217: {  	[tilespmem:v19+s23+$0x0] =	vst.idx.msk $0xffff, v18  }
0x218: {  	v18 =	vld.idx.msk [tilespmem:v17+s23+$0x0], $0xffff;
	_ =	sdelay $0x1  }
0x219: {  	p0 =	sne.s32 s1, $0x100  }
.Ltmp2:
0x21a: {  	_ = 	snop;
	(pc) =	sbr.rel @p0 .LBB2_7-.Ltmp2, $3  }
0x21b: {  	_ = 	snop  }
0x21c: {  	v16 =	vmul.f32 v18, v16;
	_ =	sdelay $0x1  }
0x21d: {  	s30 =	sadd.s32 $0x10, s30;
	s1 =	sadd.s32 $0x40, s1;
	v20 =	vlaneseq.u32;
	[tilespmem:v17+s23+$0x0] =	vst.idx.msk $0xffff, v16  }
0x21e: {  	p0 =	slt.u32 s31, $0x7D  }
.Ltmp3:
0x21f: {  	_ = 	snop;
	(pc) =	sbr.rel @p0 .LBB2_4-.Ltmp3, $4  }
0x220: {  	s0 =	sshll.u32 s0, $0x6  }
0x221: {  	s1 =	sadd.s32 $0x7710, s2;
	s0 =	sadd.s32 $0x11350, s0  }
0x222: {  	[spmem:s3] =	stream.indirect.scatter.add.f32 [tilespmem:s0], [sflag:$0x2], $0x40, s1, s22, $0xb8;
	[tilespmem:$0x1DB50] =	vst v63  }
0x223: {  	s1 =	smov.u32 s31  }
0x224: {  	_ =	swait.ge [sflag:s25], $0x1400  }
0x225: {  	[sflag:s25] =	ssyncset.done $0x0  }
0x226: {  	[sflag:s25] =	ssyncadd.s32 $0xFFFFEC00  }
0x227: {  	[hbm4b:s11+s4] =	stream.linear.scatter [tilespmem:s26], [sflag:$0x3], $0x2710, $0x38;
	[tilespmem:$0x1DB50] =	vst v63  }
0x228: {  	_ =	swait.ge [sflag:s15], $0x2710  }
0x229: {  	[sflag:s15] =	ssyncset.done $0x0  }
0x22a: {  	[sflag:s15] =	ssyncadd.s32 $0xFFFFD8F0  }
0x22b: {  	[hbm4b:s12+s4] =	stream.linear.scatter [tilespmem:s28], [sflag:$0x3], $0x2710, $0x38;
	[tilespmem:$0x1DB50] =	vst v63  }
0x22c: {  	_ =	swait.ge [sflag:s15], $0x2710  }
0x22d: {  	s29 =	sadd.s32 $0x1, s29;
	[sflag:s15] =	ssyncset.done $0x0  }
0x22e: {  	p0 =	sne.s32 s29, s14;
	[sflag:s15] =	ssyncadd.s32 $0xFFFFD8F0  }
.Ltmp4:
0x22f: {  	[bflag:$0x0] =	sbarrier.arrive $0xFFFF;
	(pc) =	sbr.rel @p0 .LBB2_1-.Ltmp4, $4  }
0x230: {  	[hbm:s13], [sflag:s20] =	dma.local [spmem:s21], $0x1400  }
0x231: {  	_ =	swait.ge [sflag:s15], $0x1400  }
0x232: {  	[sflag:s15] =	ssyncset.done $0x0  }
0x233: {  	v21 =	vld [tilespmem:$0x1FFE0];
	[sflag:s15] =	ssyncadd.s32 $0xFFFFEC00  }
0x234: {  	_ =	sfence.sel $0x180000  }
0x235: {  	[bflag:$0x0] =	sbarrier.arrive $0xFFFF  }
0x236: {  	_ =	strace $0x9000004A  }
0x237: {  	s0 =	stileid.u32;
	[bflag:$0x2] =	sbarrier.arrive $0xFFFF  }
0x238: {  	p0 =	sne.s32 s0, $0x0;
	s0 =	rddreg [dreg:$0x5]  }
0x239: {  	s0 =	sadd.s32 @!p0 $0x100000, s0  }
0x23a: {  	[sflag:s0] =	ssyncadd.tile.s32 @!p0 $0x1;
	_ =	shalt  }
.Lfunc_end2:
_tile_overlayer_lowered:
.L_overlay_start_2:
0x23b: {  	(tag) =	ssettag $0x2  }
0x23c: {  	s0 =	rddreg [dreg:$0x0];
	s2 =	stileid.u32  }
0x23d: {  	s1 =	rddreg [dreg:$0x1];
	p0 =	sne.s32 s2, $0x0  }
0x23e: {  	s3 =	rddreg [dreg:$0x2];
	[bflag:$0x3] =	sbarrier.arrive $0xFFFF;
	s2 =	simm.s32 @!p0 $0x1C03  }
0x23f: {  	[timem:s3], [sflag:s2] =	dma.local @!p0 [hbm:s0], s1  }
0x240: {  	s0 =	simm.s32 @!p0 $0x3  }
0x241: {  	_ =	swait.ge @!p0 [sflag:s0], s1  }
0x242: {  	s1 =	ssub.s32 @!p0 $0x0, s1;
	[sflag:s0] =	ssyncset.done @!p0 $0x0  }
0x243: {  	[sflag:s0] =	ssyncadd.s32 @!p0 s1  }
0x244: {  	[bflag:$0x3] =	sbarrier.arrive $0xFFFF  }
0x245: {  	_ =	shalt  }

// kernel: kernel.15.cloned.1.call-start
scs
__scs_entry_jumppad:
0x0: {  	(pc) =	sbr.rel $0x88, $3  }
0x1: {  	(tag) =	ssettag $0x0;
	lr =	simm.s32 $0x1  }
0x2: {  	[smem:$0x3F99] =	sst lr;
	_ =	strace $0xD0000000  }
0x3: {  	_ = 	snop  }
0x4: {  	_ = 	snop  }
0x5: {  	_ = 	snop  }
0x6: {  	_ = 	snop  }
0x7: {  	_ = 	snop  }
__scs_overlays_trampoline_lowered:
0x8: {  	[smem:$0x3FA8] =	sst s0  }
0x9: {  	[smem:$0x3FA9] =	sst s1  }
0xa: {  	[smem:$0x3FAA] =	sst s2  }
0xb: {  	[smem:$0x3FAB] =	sst s3  }
0xc: {  	[smem:$0x3FAC] =	sst s4  }
0xd: {  	[smem:$0x3FAD] =	sst s5  }
0xe: {  	[smem:$0x3FAE] =	sst s6  }
0xf: {  	[smem:$0x3FAF] =	sst s7  }
0x10: {  	[smem:$0x3FB0] =	sst s8  }
0x11: {  	[smem:$0x3FB1] =	sst s9;
	s0 =	simm.s32 @!p0 $0x0  }
0x12: {  	s1 =	sld [smem:$0x3F97];
	s0 =	simm.s32 @p0 $0x1  }
0x13: {  	[smem:$0x3FB2] =	sst s0;
	s0 =	simm.s32 @!p1 $0x0  }
0x14: {  	s2 =	sld [smem:$0x3F96];
	s0 =	simm.s32 @p1 $0x1  }
0x15: {  	[smem:$0x3FB3] =	sst s0;
	s0 =	simm.s32 @!p2 $0x0  }
0x16: {  	s3 =	sld [smem:$0x3FDB];
	s0 =	simm.s32 @p2 $0x1  }
0x17: {  	s4 =	simm.s32 $0x1BF5;
	[smem:$0x3FB5] =	sst s0  }
0x18: {  	s0 =	sld [smem:$0x3F98];
	_ =	swait.ge [sflag:s4], $0x0  }
0x19: {  	s7 =	sld [smem:$0x3F99]  }
0x1a: {  	s8 =	sadd.s32 $0xFFFFE003, lr  }
0x1b: {  	s9 =	sadd.s32 $0xFFFFFEF7, lr;
	s5 =	simm.s32 $0xFFFFFFFF;
	p2 =	slt.u32 s8, $0xFFFFF086  }
0x1c: {  	p1 =	slt.u32 s9, $0xF7A;
	s5 =	simm.s32 @!p2 $0x0  }
0x1d: {  	s5 =	simm.s32 @p1 $0x1;
	p0 =	seq.s32 s7, s2  }
0x1e: {  	s7 =	smul.u32 @!p0 $0xF7A, s2;
	p2 =	seq.s32 @!p0 s5, $0x0  }
0x1f: {  	s9 =	smul.u32 $0xF7A, s1;
	s8 =	simm.s32 @!p0 $0x1BF5;
	p2 =	por !p2, p0  }
0x20: {  	[sflag:s8] =	ssyncset.s32 @!p0 $0xFFFFF086;
	s6 =	sadd.s32 @!p0 s3, s7;
	s7 =	simm.s32 @!p0 $0x108  }
0x21: {  	s3 =	sadd.s32 s3, s9;
	s6 =	sadd.s32 @!p0 $0x88, s6;
	s7 =	simm.s32 @p2 $0x1082  }
0x22: {  	[simem:s7], [sflag:s8] =	dma.local @!p0 [hbm:s6], $0xF7A  }
0x23: {  	s9 =	sor.u32 $0xD0000000, s2;
	s6 =	simm.s32 $0x108;
	_ =	swait.ge @!p0 [sflag:s8], $0x0  }
0x24: {  	s3 =	sadd.s32 $0x88, s3;
	s6 =	simm.s32 @!p1 $0x1082;
	[sflag:s4] =	ssyncset.s32 $0xFFFFF086  }
0x25: {  	[simem:s6], [sflag:s4] =	dma.local [hbm:s3], $0xF7A  }
0x26: {  	[smem:$0x3F99] =	sst s1;
	(tag) =	ssettag s2;
	_ =	strace s9  }
0x27: {  	s1 =	sld [smem:$0x3FA9]  }
0x28: {  	s2 =	sld [smem:$0x3FAA]  }
0x29: {  	s4 =	sld [smem:$0x3FAC]  }
0x2a: {  	p0 =	seq.s32 s5, $0x0;
	s5 =	sld [smem:$0x3FAD]  }
0x2b: {  	s6 =	sld [smem:$0x3FAE]  }
0x2c: {  	s7 =	sld [smem:$0x3FAF]  }
0x2d: {  	s3 =	simm.s32 $0x108;
	s8 =	sld [smem:$0x3FB0]  }
0x2e: {  	s3 =	simm.s32 @!p0 $0x1082;
	s9 =	sld [smem:$0x3FB1]  }
0x2f: {  	lr =	sadd.s32 s0, s3;
	s0 =	sld [smem:$0x3FA8]  }
0x30: {  	s3 =	sld [smem:$0x3FAB]  }
0x31: {  	[smem:$0x3FB4] =	sst s10  }
0x32: {  	s10 =	sld [smem:$0x3FB2];
	_ =	sdelay $0x3  }
0x33: {  	p0 =	seq.s32 s10, $0x1;
	s10 =	sld [smem:$0x3FB4];
	_ =	sdelay $0x3  }
0x34: {  	[smem:$0x3FB4] =	sst s10  }
0x35: {  	s10 =	sld [smem:$0x3FB3];
	_ =	sdelay $0x3  }
0x36: {  	p1 =	seq.s32 s10, $0x1;
	s10 =	sld [smem:$0x3FB4];
	_ =	sdelay $0x3  }
0x37: {  	[smem:$0x3FB4] =	sst s10  }
0x38: {  	s10 =	sld [smem:$0x3FB5]  }
0x39: {  	_ = 	snop;
	(pc) =	sbr.ind lr, $3  }
0x3a: {  	_ = 	snop  }
0x3b: {  	_ = 	snop  }
0x3c: {  	p2 =	seq.s32 s10, $0x1;
	s10 =	sld [smem:$0x3FB4]  }
0x3d: {  	_ =	shalt  }
0x3e: {  	_ =	shalt  }
0x3f: {  	_ =	shalt  }
0x40: {  	_ =	shalt  }
0x41: {  	_ =	shalt  }
0x42: {  	_ =	shalt  }
0x43: {  	_ =	shalt  }
0x44: {  	_ =	shalt  }
0x45: {  	_ =	shalt  }
0x46: {  	_ =	shalt  }
0x47: {  	_ =	shalt  }
0x48: {  	_ =	shalt  }
0x49: {  	_ =	shalt  }
0x4a: {  	_ =	shalt  }
0x4b: {  	_ =	shalt  }
0x4c: {  	_ =	shalt  }
0x4d: {  	_ =	shalt  }
0x4e: {  	_ =	shalt  }
0x4f: {  	_ =	shalt  }
0x50: {  	_ =	shalt  }
0x51: {  	_ =	shalt  }
0x52: {  	_ =	shalt  }
0x53: {  	_ =	shalt  }
0x54: {  	_ =	shalt  }
0x55: {  	_ =	shalt  }
0x56: {  	_ =	shalt  }
0x57: {  	_ =	shalt  }
0x58: {  	_ =	shalt  }
0x59: {  	_ =	shalt  }
0x5a: {  	_ =	shalt  }
0x5b: {  	_ =	shalt  }
0x5c: {  	_ =	shalt  }
0x5d: {  	_ =	shalt  }
0x5e: {  	_ =	shalt  }
0x5f: {  	_ =	shalt  }
0x60: {  	_ =	shalt  }
0x61: {  	_ =	shalt  }
0x62: {  	_ =	shalt  }
0x63: {  	_ =	shalt  }
0x64: {  	_ =	shalt  }
0x65: {  	_ =	shalt  }
0x66: {  	_ =	shalt  }
0x67: {  	_ =	shalt  }
0x68: {  	_ =	shalt  }
0x69: {  	_ =	shalt  }
0x6a: {  	_ =	shalt  }
0x6b: {  	_ =	shalt  }
0x6c: {  	_ =	shalt  }
0x6d: {  	_ =	shalt  }
0x6e: {  	_ =	shalt  }
0x6f: {  	_ =	shalt  }
0x70: {  	_ =	shalt  }
0x71: {  	_ =	shalt  }
0x72: {  	_ =	shalt  }
0x73: {  	_ =	shalt  }
0x74: {  	_ =	shalt  }
0x75: {  	_ =	shalt  }
0x76: {  	_ =	shalt  }
0x77: {  	_ =	shalt  }
0x78: {  	_ =	shalt  }
0x79: {  	_ =	shalt  }
0x7a: {  	_ =	shalt  }
0x7b: {  	_ =	shalt  }
0x7c: {  	_ =	shalt  }
0x7d: {  	_ =	shalt  }
0x7e: {  	_ =	shalt  }
0x7f: {  	_ =	shalt  }
0x80: {  	_ =	shalt  }
0x81: {  	_ =	shalt  }
0x82: {  	_ =	shalt  }
0x83: {  	_ =	shalt  }
0x84: {  	_ =	shalt  }
0x85: {  	_ =	shalt  }
0x86: {  	_ =	shalt  }
0x87: {  	_ =	shalt  }
.Lfunc_end0:
.L_simem_size_0:
called_computation.2_lowered:
.L_overlay_start_0:
0x88: {  	s2 =	sld [smem:$0x3FD9]  }
0x89: {  	s3 =	sld [smem:$0x3FFE];
	_ =	sdelay $0x1  }
0x8a: {  	s1 =	srdreg.scid  }
0x8b: {  	s0 =	sand.u32 $0x1, s1  }
0x8c: {  	s14 =	sshll.u32 s0, $0xA;
	s2 =	sadd.s32 s3, s2  }
0x8d: {  	s2 =	sadd.s32 s2, s14  }
0x8e: {  	[smem:$0x3FC0] =	sst s2  }
0x8f: {  	_ = 	snop  }
0x90: {  	s2 =	sld [smem:$0x3FD0];
	_ =	sdelay $0x2  }
0x91: {  	s15 =	simm.s32 $0xA;
	s4 =	simm.s32 $0x10  }
0x92: {  	[smem:s4], [sflag:s15] =	dma.local [hbm:s2], $0x1  }
0x93: {  	_ =	swait.eq [sflag:s15], $0x1  }
0x94: {  	[sflag:s15] =	ssyncset.done $0x0  }
0x95: {  	[sflag:s15] =	ssyncadd.s32 $0xFFFFFFFF  }
0x96: {  	s16 =	sld [smem:$0x12];
	(tm) =	ssettm $0x1  }
0x97: {  	s17 =	sld [smem:$0x3FFB];
	_ =	sdelay $0x3  }
0x98: {  	_ =	strace s17  }
0x99: {  	s3 =	sld [smem:$0x3FFC];
	_ =	sdelay $0x3  }
0x9a: {  	_ =	strace s3  }
0x9b: {  	s3 =	sld [smem:$0x3FFD];
	_ =	sdelay $0x3  }
0x9c: {  	_ =	strace s3  }
0x9d: {  	_ =	strace $0x8FFFFFFF  }
0x9e: {  	s18 =	sld [smem:$0x3FDB];
	_ =	sdelay $0x1  }
0x9f: {  	s19 =	simm.s32 $_scs_section_size  }
0xa0: {  	s5 =	simm.s32 $_size__tile_overlayer_lowered;
	s6 =	simm.s32 $_tile_overlayer_lowered  }
0xa1: {  	s22 =	simm.s32 $0x1BFF;
	s21 =	sshll.u32 s6, $0x1;
	s3 =	sadd.s32 s19, s18  }
0xa2: {  	s7 =	simm.s32 $0x0;
	s20 =	sshll.u32 s5, $0x1;
	s5 =	sadd.s32 s21, s3  }
0xa3: {  	[timem:s7], [sflag:s22] =	dma.local [hbm:s5], s20  }
0xa4: {  	_ =	swait.ge [sflag:s22], s20  }
0xa5: {  	s4 =	ssub.s32 $0x0, s20;
	[sflag:s22] =	ssyncset.done $0x0  }
0xa6: {  	[sflag:s22] =	ssyncadd.s32 s4;
	_ =	sdelay $0x1  }
0xa7: {  	s23 =	simm.s32 $0x1B8B  }
0xa8: {  	_ =	swait.ge [sflag:s23], $0x1  }
0xa9: {  	[sflag:s23] =	ssyncset.done $0x0  }
0xaa: {  	s25 =	simm.s32 $0x1B8E;
	s24 =	sld [smem:$0x3FFE];
	[sflag:s23] =	ssyncadd.s32 $0xFFFFFFFF  }
0xab: {  	s26 =	simm.s32 $execute0_lowered;
	[smem:$0x3FD2] =	sst s25  }
0xac: {  	s5 =	sshll.u32 s26, $0x1;
	_ =	strace $0x8000004C;
	[dreg:$0x1] =	wrdreg $0xFFFFFFFF  }
0xad: {  	s28 =	simm.s32 $_size_execute0_lowered;
	s3 =	sadd.s32 s3, s5;
	[dreg:$0x0] =	wrdreg $0x0  }
0xae: {  	s5 =	sshll.u32 s28, $0x1;
	[dreg:$0x2] =	wrdreg s3  }
0xaf: {  	[dreg:$0x3] =	wrdreg s5  }
0xb0: {  	[dreg:$0x4] =	wrdreg $0xC0  }
0xb1: {  	_ =	task [dreg:s7], $0x5FFFF  }
0xb2: {  	[dreg:$0x1] =	wrdreg $0xFFFFFFFF  }
0xb3: {  	[dreg:$0x0] =	wrdreg $0x60  }
0xb4: {  	[dreg:$0x2] =	wrdreg s16  }
0xb5: {  	[dreg:$0x3] =	wrdreg s24  }
0xb6: {  	[dreg:$0x4] =	wrdreg $0x9D300  }
0xb7: {  	[dreg:$0x5] =	wrdreg $0x9  }
0xb8: {  	_ =	task.clear_ibuf [dreg:s7], $0x6FFFF;
	_ =	strace $0x9000004C  }
0xb9: {  	s29 =	simm.s32 $0x9;
	_ =	strace $0x8000004E  }
0xba: {  	_ =	swait.ge [sflag:s29], $0x1  }
0xbb: {  	[sflag:s29] =	ssyncadd.s32 $0xFFFFFFFF  }
0xbc: {  	_ =	strace $0x9000004E  }
0xbd: {  	_ =	sfence  }
0xbe: {  	s30 =	sld [smem:$0x0];
	_ =	sdelay $0x2  }
0xbf: {  	s31 =	sshll.u32 s1, $0xD;
	s1 =	sshrl.u32 s1, $0x2  }
0xc0: {  	s3 =	sand.u32 $0x4000, s31;
	s1 =	sadd.s32 s1, s30  }
0xc1: {  	s0 =	sor.u32 s3, s0;
	s1 =	sshll.u32 s1, $0x11  }
0xc2: {  	s0 =	sor.u32 s1, s0  }
0xc3: {  	s0 =	sadd.s32 $0x8F2B, s0  }
0xc4: {  	[sflag:s0] =	ssyncadd.remote.s32 $0x1  }
0xc5: {  	_ =	sfence.sel $0xFFFF  }
0xc6: {  	[dreg:$0x0] =	wrdreg $0xFFFFFFFF;
	(pc) =	sbr.abs _section_cstart, $3  }
0xc7: {  	[dreg:$0x1] =	wrdreg $0xFFFFFFFF  }
0xc8: {  	_ =	task.clear_ibuf [dreg:s7], $0x2FFFF;
	_ =	strace $0x9FFFFFFF  }
0xc9: {  	(tm) =	ssettm $0x7FFFFFFF  }
tec
execute0_lowered:
.L_overlay_start_1:
0x0: {  	(tag) =	ssettag $0x1  }
0x1: {  	v11 =	vlaneseq.u32;
	v0 =	vimm.s32 $0x34333231;
	v1 =	vimm.s32 $0x38373635  }
0x2: {  	v2 =	vimm.s32 $0x3C3B3A39;
	v3 =	vimm.s32 $0x3F3E3D;
	vm0 =	vcmask $0x1F10  }
0x3: {  	v6 =	vimm.s32 $0x1003F3E;
	v8 =	vimm.s32 $0x3F3E3D3C;
	v9 =	vimm.s32 $0x37363534  }
0x4: {  	v10 =	vimm.s32 $0x3B3A3938;
	vm1 =	vcmask $0x2F10;
	vm2 =	vcmask $0x3F30  }
0x5: {  	v17 =	vmul.u32 $0x40, v11;
	v18 =	vadd.s32 $0x1, v11;
	v16 =	vadd.s32 $0x2, v11  }
0x6: {  	v19 =	vadd.s32 $0x3, v11;
	v20 =	vadd.s32 $0x4, v11;
	v21 =	vadd.s32 $0x5, v11  }
0x7: {  	v22 =	vadd.s32 $0x6, v11;
	v23 =	vadd.s32 $0x7, v11;
	v24 =	vadd.s32 $0x8, v11  }
0x8: {  	v25 =	vadd.s32 $0x9, v11;
	v26 =	vadd.s32 $0xA, v11;
	v27 =	vadd.s32 $0xB, v11  }
0x9: {  	v28 =	vadd.s32 $0xC, v11;
	v29 =	vadd.s32 $0xD, v11;
	v30 =	vadd.s32 $0xE, v11  }
0xa: {  	v31 =	vadd.s32 $0xF, v11;
	v32 =	vor.u32 $0x10, v11;
	v33 =	vadd.s32 $0x11, v11  }
0xb: {  	v34 =	vadd.s32 $0x12, v11;
	v35 =	vadd.s32 $0x13, v11;
	v36 =	vadd.s32 $0x14, v11  }
0xc: {  	v37 =	vadd.s32 $0x15, v11;
	v38 =	vadd.s32 $0x16, v11;
	v39 =	vadd.s32 $0x17, v11  }
0xd: {  	v40 =	vadd.s32 $0x18, v11;
	v41 =	vadd.s32 $0x19, v11;
	v42 =	vadd.s32 $0x1A, v11  }
0xe: {  	v43 =	vadd.s32 $0x1B, v11;
	v44 =	vadd.s32 $0x1C, v11;
	v45 =	vadd.s32 $0x1D, v11  }
0xf: {  	v0 =	vunpack.c.0.s8.s32 v0;
	v4 =	vunpack.c.0.s8.s32 v1;
	v5 =	vunpack.c.0.s8.s32 v2  }
0x10: {  	v1 =	vunpack.c.0.s8.s32 v3;
	v2 =	vimm.s32 $0x35343332;
	v13 =	vunpack.c.0.s8.s32 v8  }
0x11: {  	v8 =	vunpack.c.0.s8.s32 v9;
	v2 =	vunpack.c.0.s8.s32 v2;
	[tilespmem:$0x1FEE0] =	vst v4;
	v0 =	vsel vm0, v4, v0  }
0x12: {  	[tilespmem:$0x1FEF0] =	vst v5;
	v3 =	vsel vm0, v1, v5;
	v4 =	vimm.s32 $0x39383736;
	v5 =	vimm.s32 $0x3D3C3B3A  }
0x13: {  	v7 =	vunpack.c.0.s8.s32 v4;
	v5 =	vunpack.c.0.s8.s32 v5;
	v4 =	vunpack.c.0.s8.s32 v6  }
0x14: {  	v9 =	vunpack.c.0.s8.s32 v10;
	v59 =	vcombine.low v0, v3;
	v6 =	vimm.s32 $0x3A393837  }
0x15: {  	v0 =	vsel vm0, v7, v2;
	[tilespmem:$0x1FF10] =	vst v5;
	v2 =	vsel vm0, v4, v5;
	v5 =	vimm.s32 $0x36353433  }
0x16: {  	v61 =	vcombine.low v0, v2;
	v0 =	vunpack.c.0.s8.s32 v5;
	v5 =	vimm.s32 $0x3020100  }
0x17: {  	v10 =	vunpack.c.0.s8.s32 v6;
	v6 =	vimm.s32 $0x87654321;
	v5 =	vunpack.c.0.s8.s32 v5  }
0x18: {  	v46 =	vadd.s32 $0x1E, v11;
	[tilespmem:$0x1FF00] =	vst v7;
	v7 =	vimm.s32 $0x201003F;
	v6 =	vunpack.c.l.s4.s8 v6  }
0x19: {  	v62 =	vunpack.c.0.s8.s32 v7;
	v7 =	vsel vm0, v9, v8;
	v5 =	vsel vm0, v5, v13  }
0x1a: {  	[tilespmem:$0x1FF20] =	vst v9;
	v9 =	vimm.s32 $0x98765432;
	v6 =	vunpack.c.0.s8.s32 v6;
	v5 =	vcombine.low v7, v5  }
0x1b: {  	v47 =	vadd.s32 $0x1F, v11;
	v8 =	vimm.s32 $0x5040302;
	v9 =	vunpack.c.l.s4.s8 v9  }
0x1c: {  	v6 =	vand.u32 $0xF, v6;
	v7 =	vimm.s32 $0x32107654;
	[tilespmem:$0x1FF30] =	vst v5;
	v5 =	vimm.s32 $0x4030201  }
0x1d: {  	v3 =	vcombine.low v3, v6;
	v7 =	vunpack.c.l.s4.s8 v7;
	v5 =	vunpack.c.0.s8.s32 v5  }
0x1e: {  	v48 =	vor.u32 $0x20, v11;
	v49 =	vadd.s32 $0x21, v11;
	v8 =	vunpack.c.0.s8.s32 v8  }
0x1f: {  	[tilespmem:$0x1FF60] =	vst v3;
	v3 =	vunpack.c.0.s8.s32 v9;
	v7 =	vunpack.c.0.s8.s32 v7;
	v5 =	vsel vm0, v5, v1  }
0x20: {  	v50 =	vadd.s32 $0x22, v11;
	v6 =	vimm.s32 $0x43218765;
	[tilespmem:$0x1FF40] =	vst v5;
	v5 =	vsel vm0, v8, v4  }
0x21: {  	v3 =	vand.u32 $0xF, v3;
	[tilespmem:$0x1FF50] =	vst v5;
	v5 =	vand.u32 $0xF, v7;
	v7 =	vimm.s32 $0xB0A0908  }
0x22: {  	v6 =	vunpack.c.l.s4.s8 v6;
	v2 =	vcombine.low v2, v3;
	v7 =	vunpack.c.0.s8.s32 v7  }
0x23: {  	v51 =	vadd.s32 $0x23, v11;
	v52 =	vadd.s32 $0x24, v11;
	v5 =	vsel vm1, v5, v13  }
0x24: {  	v6 =	vunpack.c.0.s8.s32 v6;
	v8 =	vimm.s32 $0x54329876;
	[tilespmem:$0x1FF80] =	vst v2;
	v2 =	vsel vm2, v7, v5  }
0x25: {  	s8 =	rddreg [dreg:$0x0];
	v55 =	vadd.s32 $0x25, v11;
	v5 =	vimm.s32 $0xC0B0A09;
	[tilespmem:$0x1FF90] =	vst v2;
	v2 =	vunpack.c.l.s4.s8 v8  }
0x26: {  	s6 =	rddreg [dreg:$0x1];
	v58 =	vadd.s32 $0x26, v11;
	v3 =	vand.u32 $0xF, v6;
	v5 =	vunpack.c.0.s8.s32 v5  }
0x27: {  	s0 =	srdreg.scid;
	s2 =	rddreg [dreg:$0x2];
	s3 =	simm.s32 $0x0;
	v56 =	vadd.s32 $0x27, v11;
	v1 =	vsel vm1, v3, v1;
	v2 =	vunpack.c.0.s8.s32 v2  }
0x28: {  	s13 =	simm.s32 $0x4E20;
	s16 =	simm.s32 $0x50;
	s17 =	simm.s32 $0x7530;
	v57 =	vadd.s32 $0x29, v11;
	v0 =	vsel vm0, v10, v0;
	v1 =	vsel vm2, v5, v1  }
0x29: {  	s18 =	simm.s32 $0x1;
	s5 =	sand.u32 $0x1, s0;
	s0 =	stileid.u32;
	v6 =	vimm.s32 $0x6543A987;
	v3 =	vimm.s32 $0xA9876543;
	[tilespmem:$0x1FFA0] =	vst v1;
	v1 =	vand.u32 $0xF, v2  }
0x2a: {  	s19 =	simm.s32 $0x2;
	s20 =	simm.s32 $0x0;
	s10 =	smul.u32 $0xA000, s0;
	v3 =	vunpack.c.l.s4.s8 v3;
	v1 =	vsel vm1, v1, v4;
	v4 =	vimm.s32 $0xD0C0B0A  }
0x2b: {  	[smem:$0x7FF] =	sst s3;
	s1 =	sshll.u32 s5, $0x4;
	s4 =	smul.u32 $0xA0000, s5;
	v9 =	vor.u32 $0x30, v11;
	v6 =	vunpack.c.l.s4.s8 v6;
	v4 =	vunpack.c.0.s8.s32 v4  }
0x2c: {  	s12 =	ssub.s32 $0x2, s5;
	s5 =	sadd.s32 $0x33600, s6;
	s14 =	sshll.u32 s0, $0x6;
	v3 =	vunpack.c.0.s8.s32 v3;
	v7 =	vimm.s32 $0x6050403;
	v8 =	vadd.s32 $0x2F, v11  }
0x2d: {  	[tilespmem:$0x1FF70] =	vst v13;
	s1 =	sor.u32 s0, s1;
	s31 =	sshrl.u32 s12, $0x1;
	s14 =	sor.u32 $0x1C03, s14;
	v5 =	vimm.s32 $0xE0D0C0B;
	v2 =	vunpack.c.0.s8.s32 v6;
	v1 =	vsel vm2, v4, v1  }
0x2e: {  	s9 =	smul.u32 $0x4E2, s1;
	s1 =	rddreg [dreg:$0x3];
	v5 =	vunpack.c.0.s8.s32 v5;
	_ =	strace $0x8000004D;
	v6 =	vunpack.c.0.s8.s32 v7;
	[tilespmem:$0x1FFB0] =	vst v1;
	v1 =	vimm.s32 $0x76543210  }
0x2f: {  	s11 =	sadd.s32 s10, s4;
	s4 =	sadd.s32 $0x15800, s6;
	s12 =	ssub.s32 s12, s31;
	v7 =	vadd.s32 $0x2E, v11;
	v2 =	vand.u32 $0xF, v2;
	v1 =	vunpack.c.l.s4.s8 v1  }
0x30: {  	s15 =	sadd.s32 s10, s2;
	s11 =	sshrl.u32 s11, $0x3;
	s10 =	smax.u32 s12, $0x1;
	[tilespmem:$0x1FFD0] =	vst v0;
	v0 =	vsel vm0, v6, v62;
	v6 =	vadd.s32 $0x2D, v11;
	v2 =	vsel vm1, v2, v62  }
0x31: {  	s12 =	simm.s32 $0x2710;
	s15 =	sshrl.u32 s15, $0x3;
	s7 =	sadd.s32 s9, s6;
	[tilespmem:$0x1FFE0] =	vst v0;
	v53 =	vsel vm2, v5, v2;
	v2 =	vimm.s32 $0x3E3D3C3B;
	v0 =	vunpack.c.0.s8.s32 v1  }
0x32: {  	s11 =	sadd.s32 s11, s6;
	s8 =	sadd.s32 s8, s9;
	s6 =	sadd.s32 $0xBA00, s7;
	[tilespmem:$0x1FFC0] =	vst v10;
	v4 =	vadd.s32 $0x2B, v11;
	v5 =	vadd.s32 $0x2C, v11;
	v60 =	vunpack.c.0.s8.s32 v2  }
0x33: {  	s7 =	sadd.s32 $0x1C00, s7;
	s9 =	sadd.s32 $0x34A00, s11;
	s11 =	simm.s32 $0x3;
	v2 =	vand.u32 $0xF, v3;
	v3 =	vadd.s32 $0x2A, v11;
	v1 =	vadd.s32 $0x28, v11;
	[tilespmem:$0x1FFF0] =	vst v0  }
.LBB2_1:
0x34: {  	[tilespmem:s3], [sflag:$0x3] =	stream.linear.gather [hbm4b:s6+s3], $0x2710, $0x38;
	[tilespmem:$0x13D30] =	vst v63  }
0x35: {  	_ =	swait.ge [sflag:s11], $0x2710  }
0x36: {  	[sflag:s11] =	ssyncset.done $0x0  }
0x37: {  	[sflag:s11] =	ssyncadd.s32 $0xFFFFD8F0  }
0x38: {  	[tilespmem:s12], [sflag:$0x3] =	stream.linear.gather [hbm4b:s7+s3], $0x2710, $0x38;
	[tilespmem:$0x13D30] =	vst v63  }
0x39: {  	_ =	swait.ge [sflag:s11], $0x2710  }
0x3a: {  	[sflag:s11] =	ssyncset.done $0x0  }
0x3b: {  	[sflag:s11] =	ssyncadd.s32 $0xFFFFD8F0  }
0x3c: {  	[tilespmem:s13], [sflag:$0x3] =	stream.linear.gather [hbm4b:s8+s3], $0x2710, $0x38;
	[tilespmem:$0x13D30] =	vst v63  }
0x3d: {  	_ =	swait.ge [sflag:s11], $0x2710  }
0x3e: {  	[sflag:s11] =	ssyncset.done $0x0  }
0x3f: {  	[sflag:s11] =	ssyncadd.s32 $0xFFFFD8F0  }
0x40: {  	[spmem:s15], [sflag:s14] =	dma.local [hbm:s5], $0x1400  }
0x41: {  	_ =	swait.ge [sflag:s11], $0x1400  }
0x42: {  	[sflag:s11] =	ssyncset.done $0x0  }
0x43: {  	[sflag:s11] =	ssyncadd.s32 $0xFFFFEC00  }
0x44: {  	s23 =	simm.s32 $0x0;
	[bflag:$0x0] =	sbarrier.arrive $0xFFFF  }
0x45: {  	[tilespmem:s17], [sflag:$0x1] =	stream.indirect.gather [hbm4b:s4+s16], $0x40, s3, s16, $0xb8;
	[tilespmem:$0x13D30] =	vst v63  }
.LBB2_2:
0x46: {  	p0 =	seq.s32 s23, $0x0  }
0x47: {  	p2 =	seq.s32 @!p0 s23, $0x7C  }
0x48: {  	p2 =	por p0, !p2  }
.Ltmp0:
0x49: {  	_ = 	snop;
	(pc) =	sbr.rel @!p2 .LBB2_4-.Ltmp0, $4  }
0x4a: {  	s22 =	simm.s32 @!p0 $0x2  }
0x4b: {  	s21 =	sand.u32 $0x1, s23;
	_ =	swait.ge @!p0 [sflag:s22], $0x1400  }
0x4c: {  	p1 =	seq.s32 s21, $0x1;
	s21 =	simm.s32 $0x50;
	[sflag:s22] =	ssyncset.done @!p0 $0x0  }
0x4d: {  	s21 =	simm.s32 @!p1 $0x0;
	[sflag:s22] =	ssyncadd.s32 @!p0 $0xFFFFEC00;
	s22 =	simm.s32 @!p0 $0x7D  }
0x4e: {  	s22 =	sadd.s32 @!p0 $0x1, s23  }
0x4f: {  	s22 =	simm.s32 @p0 $0x1  }
0x50: {  	s24 =	smul.u32 $0x140, s22  }
0x51: {  	s25 =	sshll.u32 s21, $0x6  }
0x52: {  	s25 =	ssub.s32 $0x8930, s25;
	s24 =	sshra.s32 s24, $0x2  }
0x53: {  	[tilespmem:s25], [sflag:$0x1] =	stream.indirect.gather [hbm4b:s4+s16], $0x40, s24, s16, $0xb8;
	[tilespmem:$0x13D30] =	vst v63  }
.LBB2_4:
0x54: {  	s23 =	smul.u32 $0x140, s23;
	_ =	sdelay $0x1  }
0x55: {  	s23 =	sshra.s32 s23, $0x2  }
0x56: {  	_ =	swait.ge [sflag:s18], $0x1400;
	s25 =	sadd.s32 $0x4E20, s23  }
0x57: {  	[sflag:s18] =	ssyncset.done $0x0;
	v63 =	vld [tilespmem:$0x1FFE0];
	v0 =	vmov s25  }
0x58: {  	s24 =	simm.s32 $0x0;
	[sflag:s18] =	ssyncadd.s32 $0xFFFFEC00;
	s25 =	smov.u32 s21;
	[tilespmem:$0x1FED0] =	vst v0;
	v0 =	vld [tilespmem:$0x1FFF0]  }
.LBB2_5:
0x59: {  	v10 =	vld [tilespmem:$0x1FED0]  }
0x5a: {  	v11 =	vmov s25  }
0x5b: {  	v11 =	vshll.u32 v11, $0x6  }
0x5c: {  	v12 =	vor.u32 v17, v11;
	v11 =	vlaneseq.u32  }
0x5d: {  	v13 =	vor.u32 v11, v12;
	_ =	sdelay $0x2  }
0x5e: {  	s26 =	sshra.s32 s24, $0x2  }
0x5f: {  	v11 =	vld.idx.msk [tilespmem:v10+s26+$0x0 ss:$0x1], $0xffff  }
0x60: {  	v14 =	vld.idx.msk [tilespmem:v13+s17+$0x0], $0xffff;
	_ =	sdelay $0x2  }
0x61: {  	v15 =	vor.u32 v18, v12;
	_ =	sdelay $0x1  }
0x62: {  	v14 =	vmul.f32 v14, v11;
	_ =	sdelay $0x1  }
0x63: {  	[tilespmem:v13+s17+$0x0] =	vst.idx.msk $0xffff, v14  }
0x64: {  	v13 =	vld.idx.msk [tilespmem:v15+s17+$0x0], $0xffff;
	_ =	sdelay $0x2  }
0x65: {  	v54 =	vor.u32 v16, v12;
	_ =	sdelay $0x1  }
0x66: {  	v13 =	vmul.f32 v13, v11;
	_ =	sdelay $0x1  }
0x67: {  	[tilespmem:v15+s17+$0x0] =	vst.idx.msk $0xffff, v13  }
0x68: {  	v13 =	vld.idx.msk [tilespmem:v54+s17+$0x0], $0xffff;
	_ =	sdelay $0x2  }
0x69: {  	v15 =	vor.u32 v19, v12;
	_ =	sdelay $0x1  }
0x6a: {  	v13 =	vmul.f32 v13, v11;
	_ =	sdelay $0x1  }
0x6b: {  	[tilespmem:v54+s17+$0x0] =	vst.idx.msk $0xffff, v13  }
0x6c: {  	v13 =	vld.idx.msk [tilespmem:v15+s17+$0x0], $0xffff;
	_ =	sdelay $0x2  }
0x6d: {  	v54 =	vor.u32 v20, v12;
	_ =	sdelay $0x1  }
0x6e: {  	v13 =	vmul.f32 v13, v11;
	_ =	sdelay $0x1  }
0x6f: {  	[tilespmem:v15+s17+$0x0] =	vst.idx.msk $0xffff, v13  }
0x70: {  	v13 =	vld.idx.msk [tilespmem:v54+s17+$0x0], $0xffff;
	_ =	sdelay $0x2  }
0x71: {  	v15 =	vor.u32 v21, v12;
	_ =	sdelay $0x1  }
0x72: {  	v13 =	vmul.f32 v13, v11;
	_ =	sdelay $0x1  }
0x73: {  	[tilespmem:v54+s17+$0x0] =	vst.idx.msk $0xffff, v13  }
0x74: {  	v13 =	vld.idx.msk [tilespmem:v15+s17+$0x0], $0xffff;
	_ =	sdelay $0x2  }
0x75: {  	v54 =	vor.u32 v22, v12;
	_ =	sdelay $0x1  }
0x76: {  	v13 =	vmul.f32 v13, v11;
	_ =	sdelay $0x1  }
0x77: {  	[tilespmem:v15+s17+$0x0] =	vst.idx.msk $0xffff, v13  }
0x78: {  	v13 =	vld.idx.msk [tilespmem:v54+s17+$0x0], $0xffff;
	_ =	sdelay $0x2  }
0x79: {  	v15 =	vor.u32 v23, v12;
	_ =	sdelay $0x1  }
0x7a: {  	v13 =	vmul.f32 v13, v11;
	_ =	sdelay $0x1  }
0x7b: {  	[tilespmem:v54+s17+$0x0] =	vst.idx.msk $0xffff, v13  }
0x7c: {  	v13 =	vld.idx.msk [tilespmem:v15+s17+$0x0], $0xffff;
	_ =	sdelay $0x2  }
0x7d: {  	v54 =	vor.u32 v24, v12;
	_ =	sdelay $0x1  }
0x7e: {  	v13 =	vmul.f32 v13, v11;
	_ =	sdelay $0x1  }
0x7f: {  	[tilespmem:v15+s17+$0x0] =	vst.idx.msk $0xffff, v13  }
0x80: {  	v13 =	vld.idx.msk [tilespmem:v54+s17+$0x0], $0xffff;
	_ =	sdelay $0x2  }
0x81: {  	v15 =	vor.u32 v25, v12;
	_ =	sdelay $0x1  }
0x82: {  	v13 =	vmul.f32 v13, v11;
	_ =	sdelay $0x1  }
0x83: {  	[tilespmem:v54+s17+$0x0] =	vst.idx.msk $0xffff, v13  }
0x84: {  	v13 =	vld.idx.msk [tilespmem:v15+s17+$0x0], $0xffff;
	_ =	sdelay $0x2  }
0x85: {  	v54 =	vor.u32 v26, v12;
	_ =	sdelay $0x1  }
0x86: {  	v13 =	vmul.f32 v13, v11;
	_ =	sdelay $0x1  }
0x87: {  	[tilespmem:v15+s17+$0x0] =	vst.idx.msk $0xffff, v13  }
0x88: {  	v13 =	vld.idx.msk [tilespmem:v54+s17+$0x0], $0xffff;
	_ =	sdelay $0x2  }
0x89: {  	v15 =	vor.u32 v27, v12;
	_ =	sdelay $0x1  }
0x8a: {  	v13 =	vmul.f32 v13, v11;
	_ =	sdelay $0x1  }
0x8b: {  	[tilespmem:v54+s17+$0x0] =	vst.idx.msk $0xffff, v13  }
0x8c: {  	v13 =	vld.idx.msk [tilespmem:v15+s17+$0x0], $0xffff;
	_ =	sdelay $0x2  }
0x8d: {  	v54 =	vor.u32 v28, v12;
	_ =	sdelay $0x1  }
0x8e: {  	v13 =	vmul.f32 v13, v11;
	_ =	sdelay $0x1  }
0x8f: {  	[tilespmem:v15+s17+$0x0] =	vst.idx.msk $0xffff, v13  }
0x90: {  	v13 =	vld.idx.msk [tilespmem:v54+s17+$0x0], $0xffff;
	_ =	sdelay $0x2  }
0x91: {  	v15 =	vor.u32 v29, v12;
	_ =	sdelay $0x1  }
0x92: {  	v13 =	vmul.f32 v13, v11;
	_ =	sdelay $0x1  }
0x93: {  	[tilespmem:v54+s17+$0x0] =	vst.idx.msk $0xffff, v13  }
0x94: {  	v13 =	vld.idx.msk [tilespmem:v15+s17+$0x0], $0xffff;
	_ =	sdelay $0x2  }
0x95: {  	v54 =	vor.u32 v30, v12;
	_ =	sdelay $0x1  }
0x96: {  	v13 =	vmul.f32 v13, v11;
	_ =	sdelay $0x1  }
0x97: {  	[tilespmem:v15+s17+$0x0] =	vst.idx.msk $0xffff, v13  }
0x98: {  	v13 =	vld.idx.msk [tilespmem:v54+s17+$0x0], $0xffff;
	_ =	sdelay $0x2  }
0x99: {  	v15 =	vor.u32 v31, v12;
	_ =	sdelay $0x1  }
0x9a: {  	v13 =	vmul.f32 v13, v11;
	_ =	sdelay $0x1  }
0x9b: {  	[tilespmem:v54+s17+$0x0] =	vst.idx.msk $0xffff, v13  }
0x9c: {  	v13 =	vld.idx.msk [tilespmem:v15+s17+$0x0], $0xffff;
	_ =	sdelay $0x2  }
0x9d: {  	v54 =	vor.u32 v32, v12;
	_ =	sdelay $0x1  }
0x9e: {  	v13 =	vmul.f32 v13, v11;
	_ =	sdelay $0x1  }
0x9f: {  	[tilespmem:v15+s17+$0x0] =	vst.idx.msk $0xffff, v13  }
0xa0: {  	v13 =	vld.idx.msk [tilespmem:v54+s17+$0x0], $0xffff;
	_ =	sdelay $0x2  }
0xa1: {  	v15 =	vor.u32 v33, v12;
	_ =	sdelay $0x1  }
0xa2: {  	v13 =	vmul.f32 v13, v11;
	_ =	sdelay $0x1  }
0xa3: {  	[tilespmem:v54+s17+$0x0] =	vst.idx.msk $0xffff, v13  }
0xa4: {  	v13 =	vld.idx.msk [tilespmem:v15+s17+$0x0], $0xffff;
	_ =	sdelay $0x2  }
0xa5: {  	v54 =	vor.u32 v34, v12;
	_ =	sdelay $0x1  }
0xa6: {  	v13 =	vmul.f32 v13, v11;
	_ =	sdelay $0x1  }
0xa7: {  	[tilespmem:v15+s17+$0x0] =	vst.idx.msk $0xffff, v13  }
0xa8: {  	v13 =	vld.idx.msk [tilespmem:v54+s17+$0x0], $0xffff;
	_ =	sdelay $0x2  }
0xa9: {  	v15 =	vor.u32 v35, v12;
	_ =	sdelay $0x1  }
0xaa: {  	v13 =	vmul.f32 v13, v11;
	_ =	sdelay $0x1  }
0xab: {  	[tilespmem:v54+s17+$0x0] =	vst.idx.msk $0xffff, v13  }
0xac: {  	v13 =	vld.idx.msk [tilespmem:v15+s17+$0x0], $0xffff;
	_ =	sdelay $0x2  }
0xad: {  	v54 =	vor.u32 v36, v12;
	_ =	sdelay $0x1  }
0xae: {  	v13 =	vmul.f32 v13, v11;
	_ =	sdelay $0x1  }
0xaf: {  	[tilespmem:v15+s17+$0x0] =	vst.idx.msk $0xffff, v13  }
0xb0: {  	v13 =	vld.idx.msk [tilespmem:v54+s17+$0x0], $0xffff;
	_ =	sdelay $0x2  }
0xb1: {  	v15 =	vor.u32 v37, v12;
	_ =	sdelay $0x1  }
0xb2: {  	v13 =	vmul.f32 v13, v11;
	_ =	sdelay $0x1  }
0xb3: {  	[tilespmem:v54+s17+$0x0] =	vst.idx.msk $0xffff, v13  }
0xb4: {  	v13 =	vld.idx.msk [tilespmem:v15+s17+$0x0], $0xffff;
	_ =	sdelay $0x2  }
0xb5: {  	v54 =	vor.u32 v38, v12;
	_ =	sdelay $0x1  }
0xb6: {  	v13 =	vmul.f32 v13, v11;
	_ =	sdelay $0x1  }
0xb7: {  	[tilespmem:v15+s17+$0x0] =	vst.idx.msk $0xffff, v13  }
0xb8: {  	v13 =	vld.idx.msk [tilespmem:v54+s17+$0x0], $0xffff;
	_ =	sdelay $0x2  }
0xb9: {  	v15 =	vor.u32 v39, v12;
	_ =	sdelay $0x1  }
0xba: {  	v13 =	vmul.f32 v13, v11;
	_ =	sdelay $0x1  }
0xbb: {  	[tilespmem:v54+s17+$0x0] =	vst.idx.msk $0xffff, v13  }
0xbc: {  	v13 =	vld.idx.msk [tilespmem:v15+s17+$0x0], $0xffff;
	_ =	sdelay $0x2  }
0xbd: {  	v54 =	vor.u32 v40, v12;
	_ =	sdelay $0x1  }
0xbe: {  	v13 =	vmul.f32 v13, v11;
	_ =	sdelay $0x1  }
0xbf: {  	[tilespmem:v15+s17+$0x0] =	vst.idx.msk $0xffff, v13  }
0xc0: {  	v13 =	vld.idx.msk [tilespmem:v54+s17+$0x0], $0xffff;
	_ =	sdelay $0x2  }
0xc1: {  	v15 =	vor.u32 v41, v12;
	_ =	sdelay $0x1  }
0xc2: {  	v13 =	vmul.f32 v13, v11;
	_ =	sdelay $0x1  }
0xc3: {  	[tilespmem:v54+s17+$0x0] =	vst.idx.msk $0xffff, v13  }
0xc4: {  	v13 =	vld.idx.msk [tilespmem:v15+s17+$0x0], $0xffff;
	_ =	sdelay $0x2  }
0xc5: {  	v54 =	vor.u32 v42, v12;
	_ =	sdelay $0x1  }
0xc6: {  	v13 =	vmul.f32 v13, v11;
	_ =	sdelay $0x1  }
0xc7: {  	[tilespmem:v15+s17+$0x0] =	vst.idx.msk $0xffff, v13  }
0xc8: {  	v13 =	vld.idx.msk [tilespmem:v54+s17+$0x0], $0xffff;
	_ =	sdelay $0x2  }
0xc9: {  	v15 =	vor.u32 v43, v12;
	_ =	sdelay $0x1  }
0xca: {  	v13 =	vmul.f32 v13, v11;
	_ =	sdelay $0x1  }
0xcb: {  	[tilespmem:v54+s17+$0x0] =	vst.idx.msk $0xffff, v13  }
0xcc: {  	v13 =	vld.idx.msk [tilespmem:v15+s17+$0x0], $0xffff;
	_ =	sdelay $0x2  }
0xcd: {  	v54 =	vor.u32 v44, v12;
	_ =	sdelay $0x1  }
0xce: {  	v13 =	vmul.f32 v13, v11;
	_ =	sdelay $0x1  }
0xcf: {  	[tilespmem:v15+s17+$0x0] =	vst.idx.msk $0xffff, v13  }
0xd0: {  	v13 =	vld.idx.msk [tilespmem:v54+s17+$0x0], $0xffff;
	_ =	sdelay $0x2  }
0xd1: {  	v15 =	vor.u32 v45, v12;
	_ =	sdelay $0x1  }
0xd2: {  	v13 =	vmul.f32 v13, v11;
	_ =	sdelay $0x1  }
0xd3: {  	[tilespmem:v54+s17+$0x0] =	vst.idx.msk $0xffff, v13  }
0xd4: {  	v13 =	vld.idx.msk [tilespmem:v15+s17+$0x0], $0xffff;
	_ =	sdelay $0x2  }
0xd5: {  	v54 =	vor.u32 v46, v12;
	_ =	sdelay $0x1  }
0xd6: {  	v13 =	vmul.f32 v13, v11;
	_ =	sdelay $0x1  }
0xd7: {  	[tilespmem:v15+s17+$0x0] =	vst.idx.msk $0xffff, v13  }
0xd8: {  	v13 =	vld.idx.msk [tilespmem:v54+s17+$0x0], $0xffff;
	_ =	sdelay $0x2  }
0xd9: {  	v15 =	vor.u32 v47, v12;
	_ =	sdelay $0x1  }
0xda: {  	v13 =	vmul.f32 v13, v11;
	_ =	sdelay $0x1  }
0xdb: {  	[tilespmem:v54+s17+$0x0] =	vst.idx.msk $0xffff, v13  }
0xdc: {  	v13 =	vld.idx.msk [tilespmem:v15+s17+$0x0], $0xffff;
	_ =	sdelay $0x2  }
0xdd: {  	v54 =	vor.u32 v48, v12;
	_ =	sdelay $0x1  }
0xde: {  	v13 =	vmul.f32 v13, v11;
	_ =	sdelay $0x1  }
0xdf: {  	[tilespmem:v15+s17+$0x0] =	vst.idx.msk $0xffff, v13  }
0xe0: {  	v13 =	vld.idx.msk [tilespmem:v54+s17+$0x0], $0xffff;
	_ =	sdelay $0x2  }
0xe1: {  	v15 =	vor.u32 v49, v12;
	_ =	sdelay $0x1  }
0xe2: {  	v13 =	vmul.f32 v13, v11;
	_ =	sdelay $0x1  }
0xe3: {  	[tilespmem:v54+s17+$0x0] =	vst.idx.msk $0xffff, v13  }
0xe4: {  	v13 =	vld.idx.msk [tilespmem:v15+s17+$0x0], $0xffff;
	_ =	sdelay $0x2  }
0xe5: {  	v54 =	vor.u32 v50, v12;
	_ =	sdelay $0x1  }
0xe6: {  	v13 =	vmul.f32 v13, v11;
	_ =	sdelay $0x1  }
0xe7: {  	[tilespmem:v15+s17+$0x0] =	vst.idx.msk $0xffff, v13  }
0xe8: {  	v13 =	vld.idx.msk [tilespmem:v54+s17+$0x0], $0xffff;
	_ =	sdelay $0x2  }
0xe9: {  	v15 =	vor.u32 v51, v12;
	_ =	sdelay $0x1  }
0xea: {  	v13 =	vmul.f32 v13, v11;
	_ =	sdelay $0x1  }
0xeb: {  	[tilespmem:v54+s17+$0x0] =	vst.idx.msk $0xffff, v13  }
0xec: {  	v13 =	vld.idx.msk [tilespmem:v15+s17+$0x0], $0xffff;
	_ =	sdelay $0x2  }
0xed: {  	v54 =	vor.u32 v52, v12;
	_ =	sdelay $0x1  }
0xee: {  	v13 =	vmul.f32 v13, v11;
	_ =	sdelay $0x1  }
0xef: {  	[tilespmem:v15+s17+$0x0] =	vst.idx.msk $0xffff, v13  }
0xf0: {  	v13 =	vld.idx.msk [tilespmem:v54+s17+$0x0], $0xffff;
	_ =	sdelay $0x2  }
0xf1: {  	v15 =	vor.u32 v55, v12;
	_ =	sdelay $0x1  }
0xf2: {  	v13 =	vmul.f32 v13, v11;
	_ =	sdelay $0x1  }
0xf3: {  	[tilespmem:v54+s17+$0x0] =	vst.idx.msk $0xffff, v13  }
0xf4: {  	v13 =	vld.idx.msk [tilespmem:v15+s17+$0x0], $0xffff;
	_ =	sdelay $0x2  }
0xf5: {  	v54 =	vor.u32 v58, v12;
	_ =	sdelay $0x1  }
0xf6: {  	v13 =	vmul.f32 v13, v11;
	_ =	sdelay $0x1  }
0xf7: {  	[tilespmem:v15+s17+$0x0] =	vst.idx.msk $0xffff, v13  }
0xf8: {  	v13 =	vld.idx.msk [tilespmem:v54+s17+$0x0], $0xffff;
	_ =	sdelay $0x2  }
0xf9: {  	v15 =	vor.u32 v56, v12;
	_ =	sdelay $0x1  }
0xfa: {  	v13 =	vmul.f32 v13, v11;
	_ =	sdelay $0x1  }
0xfb: {  	[tilespmem:v54+s17+$0x0] =	vst.idx.msk $0xffff, v13  }
0xfc: {  	v13 =	vld.idx.msk [tilespmem:v15+s17+$0x0], $0xffff;
	_ =	sdelay $0x2  }
0xfd: {  	v54 =	vor.u32 v1, v12;
	_ =	sdelay $0x1  }
0xfe: {  	v13 =	vmul.f32 v13, v11;
	_ =	sdelay $0x1  }
0xff: {  	[tilespmem:v15+s17+$0x0] =	vst.idx.msk $0xffff, v13  }
0x100: {  	v13 =	vld.idx.msk [tilespmem:v54+s17+$0x0], $0xffff;
	_ =	sdelay $0x2  }
0x101: {  	v15 =	vor.u32 v57, v12;
	_ =	sdelay $0x1  }
0x102: {  	v13 =	vmul.f32 v13, v11;
	_ =	sdelay $0x1  }
0x103: {  	[tilespmem:v54+s17+$0x0] =	vst.idx.msk $0xffff, v13  }
0x104: {  	v13 =	vld.idx.msk [tilespmem:v15+s17+$0x0], $0xffff;
	_ =	sdelay $0x2  }
0x105: {  	v54 =	vor.u32 v3, v12;
	_ =	sdelay $0x1  }
0x106: {  	v13 =	vmul.f32 v13, v11;
	_ =	sdelay $0x1  }
0x107: {  	[tilespmem:v15+s17+$0x0] =	vst.idx.msk $0xffff, v13  }
0x108: {  	v13 =	vld.idx.msk [tilespmem:v54+s17+$0x0], $0xffff;
	_ =	sdelay $0x2  }
0x109: {  	v15 =	vor.u32 v4, v12;
	_ =	sdelay $0x1  }
0x10a: {  	v13 =	vmul.f32 v13, v11;
	_ =	sdelay $0x1  }
0x10b: {  	[tilespmem:v54+s17+$0x0] =	vst.idx.msk $0xffff, v13  }
0x10c: {  	v13 =	vld.idx.msk [tilespmem:v15+s17+$0x0], $0xffff;
	_ =	sdelay $0x2  }
0x10d: {  	v54 =	vor.u32 v5, v12;
	_ =	sdelay $0x1  }
0x10e: {  	v13 =	vmul.f32 v13, v11;
	_ =	sdelay $0x1  }
0x10f: {  	[tilespmem:v15+s17+$0x0] =	vst.idx.msk $0xffff, v13  }
0x110: {  	v13 =	vld.idx.msk [tilespmem:v54+s17+$0x0], $0xffff;
	_ =	sdelay $0x2  }
0x111: {  	v15 =	vor.u32 v6, v12;
	_ =	sdelay $0x1  }
0x112: {  	v13 =	vmul.f32 v13, v11;
	_ =	sdelay $0x1  }
0x113: {  	[tilespmem:v54+s17+$0x0] =	vst.idx.msk $0xffff, v13  }
0x114: {  	v13 =	vld.idx.msk [tilespmem:v15+s17+$0x0], $0xffff;
	_ =	sdelay $0x2  }
0x115: {  	v54 =	vor.u32 v7, v12;
	_ =	sdelay $0x1  }
0x116: {  	v13 =	vmul.f32 v13, v11;
	_ =	sdelay $0x1  }
0x117: {  	[tilespmem:v15+s17+$0x0] =	vst.idx.msk $0xffff, v13  }
0x118: {  	v13 =	vld.idx.msk [tilespmem:v54+s17+$0x0], $0xffff;
	_ =	sdelay $0x2  }
0x119: {  	v15 =	vor.u32 v8, v12;
	_ =	sdelay $0x1  }
0x11a: {  	v13 =	vmul.f32 v13, v11;
	_ =	sdelay $0x1  }
0x11b: {  	[tilespmem:v54+s17+$0x0] =	vst.idx.msk $0xffff, v13  }
0x11c: {  	v13 =	vld.idx.msk [tilespmem:v15+s17+$0x0], $0xffff;
	_ =	sdelay $0x2  }
0x11d: {  	v54 =	vor.u32 v9, v12;
	_ =	sdelay $0x1  }
0x11e: {  	v13 =	vmul.f32 v13, v11;
	_ =	sdelay $0x1  }
0x11f: {  	[tilespmem:v15+s17+$0x0] =	vst.idx.msk $0xffff, v13  }
0x120: {  	v13 =	vld.idx.msk [tilespmem:v54+s17+$0x0], $0xffff;
	_ =	sdelay $0x2  }
0x121: {  	v15 =	vor.u32 v59, v12;
	_ =	sdelay $0x1  }
0x122: {  	v13 =	vmul.f32 v13, v11;
	_ =	sdelay $0x1  }
0x123: {  	[tilespmem:v54+s17+$0x0] =	vst.idx.msk $0xffff, v13  }
0x124: {  	v13 =	vld.idx.msk [tilespmem:v15+s17+$0x0], $0xffff;
	_ =	sdelay $0x4  }
0x125: {  	v10 =	vmovc v9;
	v14 =	vor.u32 v61, v12;
	v9 =	vmov v8;
	v13 =	vmul.f32 v13, v11  }
0x126: {  	v8 =	vmovc v7;
	v7 =	vmovc v6;
	v6 =	vmov v5;
	v5 =	vmov v4;
	v4 =	vmov v3  }
0x127: {  	v3 =	vmovc v57;
	v57 =	vmovc v1;
	v1 =	vmov v56;
	v56 =	vmov v2;
	v2 =	vmov v62;
	[tilespmem:v15+s17+$0x0] =	vst.idx.msk $0xffff, v13  }
0x128: {  	v15 =	vsel vm0, v62, v60;
	v62 =	vmovc v61;
	v61 =	vmovc v59;
	v59 =	vmov v58;
	v58 =	vmov v55  }
0x129: {  	v55 =	vmovc v52;
	v52 =	vmovc v51;
	v51 =	vmov v50;
	v50 =	vmov v49;
	v49 =	vmov v48  }
0x12a: {  	v48 =	vmovc v47;
	v47 =	vmovc v46;
	v46 =	vmov v45;
	v45 =	vmov v44;
	v44 =	vmov v43  }
0x12b: {  	v43 =	vmovc v42;
	v42 =	vmovc v41;
	v41 =	vmov v40;
	v40 =	vmov v39;
	v39 =	vmov v38  }
0x12c: {  	v38 =	vmovc v37;
	v37 =	vmovc v36;
	v36 =	vmov v35;
	v35 =	vmov v34;
	v34 =	vmov v33  }
0x12d: {  	v33 =	vmovc v32;
	v32 =	vmovc v31;
	v31 =	vmov v30;
	v30 =	vmov v29;
	v29 =	vmov v28  }
0x12e: {  	v28 =	vmovc v27;
	v27 =	vmovc v26;
	v26 =	vmov v25;
	v25 =	vmov v24;
	v24 =	vmov v23  }
0x12f: {  	v23 =	vmovc v22;
	v22 =	vmovc v21;
	v21 =	vmov v20;
	v20 =	vmov v19;
	v19 =	vmov v16;
	v16 =	vld [tilespmem:$0x1FFD0];
	_ =	sdelay $0x3  }
0x130: {  	v13 =	vld.idx.msk [tilespmem:v14+s17+$0x0], $0xffff  }
0x131: {  	v16 =	vcombine.low v16, v15;
	_ =	sdelay $0x1  }
0x132: {  	v16 =	vor.u32 v16, v12;
	_ =	sdelay $0x1  }
0x133: {  	v13 =	vmul.f32 v13, v11;
	_ =	sdelay $0x1  }
0x134: {  	v54 =	vld [tilespmem:$0x1FF30];
	[tilespmem:v14+s17+$0x0] =	vst.idx.msk $0xffff, v13  }
0x135: {  	v13 =	vld.idx.msk [tilespmem:v16+s17+$0x0], $0xffff;
	_ =	sdelay $0x3  }
0x136: {  	v14 =	vor.u32 v54, v12  }
0x137: {  	v13 =	vmul.f32 v13, v11  }
0x138: {  	v54 =	vld [tilespmem:$0x1FEF0]  }
0x139: {  	[tilespmem:v16+s17+$0x0] =	vst.idx.msk $0xffff, v13;
	v16 =	vld [tilespmem:$0x1FEE0];
	_ =	sdelay $0x1  }
0x13a: {  	v13 =	vld.idx.msk [tilespmem:v14+s17+$0x0], $0xffff;
	_ =	sdelay $0x2  }
0x13b: {  	v16 =	vsel vm0, v54, v16;
	v54 =	vld [tilespmem:$0x1FF40];
	_ =	sdelay $0x1  }
0x13c: {  	v13 =	vmul.f32 v13, v11;
	_ =	sdelay $0x1  }
0x13d: {  	[tilespmem:v14+s17+$0x0] =	vst.idx.msk $0xffff, v13;
	v14 =	vld [tilespmem:$0x1FF10]  }
0x13e: {  	v16 =	vcombine.low v16, v54;
	v54 =	vld [tilespmem:$0x1FF00];
	_ =	sdelay $0x2  }
0x13f: {  	v16 =	vor.u32 v16, v12;
	_ =	sdelay $0x1  }
0x140: {  	v14 =	vsel vm0, v14, v54;
	v54 =	vld [tilespmem:$0x1FF50];
	_ =	sdelay $0x2  }
0x141: {  	v13 =	vld.idx.msk [tilespmem:v16+s17+$0x0], $0xffff;
	_ =	sdelay $0x1  }
0x142: {  	v14 =	vcombine.low v14, v54;
	_ =	sdelay $0x1  }
0x143: {  	v14 =	vor.u32 v14, v12  }
0x144: {  	v13 =	vmul.f32 v13, v11;
	_ =	sdelay $0x1  }
0x145: {  	[tilespmem:v16+s17+$0x0] =	vst.idx.msk $0xffff, v13;
	v16 =	vld [tilespmem:$0x1FFC0];
	_ =	sdelay $0x1  }
0x146: {  	v13 =	vld.idx.msk [tilespmem:v14+s17+$0x0], $0xffff;
	_ =	sdelay $0x2  }
0x147: {  	v16 =	vsel vm0, v60, v16  }
0x148: {  	v16 =	vcombine.low v16, v63  }
0x149: {  	v13 =	vmul.f32 v13, v11  }
0x14a: {  	v54 =	vld [tilespmem:$0x1FF20];
	v16 =	vor.u32 v16, v12  }
0x14b: {  	[tilespmem:v14+s17+$0x0] =	vst.idx.msk $0xffff, v13;
	v14 =	vld [tilespmem:$0x1FF70];
	_ =	sdelay $0x3  }
0x14c: {  	v13 =	vld.idx.msk [tilespmem:v16+s17+$0x0], $0xffff  }
0x14d: {  	v14 =	vsel vm0, v14, v54  }
0x14e: {  	v14 =	vcombine.low v14, v0;
	_ =	sdelay $0x1  }
0x14f: {  	v14 =	vor.u32 v14, v12  }
0x150: {  	v13 =	vmul.f32 v13, v11;
	_ =	sdelay $0x1  }
0x151: {  	[tilespmem:v16+s17+$0x0] =	vst.idx.msk $0xffff, v13;
	v16 =	vld [tilespmem:$0x1FF60];
	_ =	sdelay $0x1  }
0x152: {  	v13 =	vld.idx.msk [tilespmem:v14+s17+$0x0], $0xffff;
	_ =	sdelay $0x2  }
0x153: {  	v16 =	vor.u32 v16, v12;
	_ =	sdelay $0x1  }
0x154: {  	v13 =	vmul.f32 v13, v11;
	_ =	sdelay $0x1  }
0x155: {  	[tilespmem:v14+s17+$0x0] =	vst.idx.msk $0xffff, v13  }
0x156: {  	v13 =	vld.idx.msk [tilespmem:v16+s17+$0x0], $0xffff;
	_ =	sdelay $0x1  }
0x157: {  	v54 =	vld [tilespmem:$0x1FF80];
	_ =	sdelay $0x2  }
0x158: {  	v13 =	vmul.f32 v13, v11;
	_ =	sdelay $0x1  }
0x159: {  	v14 =	vor.u32 v54, v12;
	[tilespmem:v16+s17+$0x0] =	vst.idx.msk $0xffff, v13;
	v16 =	vmov v19  }
0x15a: {  	v19 =	vmovc v20;
	v20 =	vmovc v21;
	v21 =	vmov v22;
	v22 =	vmov v23;
	v23 =	vmov v24  }
0x15b: {  	v24 =	vmovc v25;
	v25 =	vmovc v26;
	v26 =	vmov v27;
	v27 =	vmov v28;
	v28 =	vmov v29  }
0x15c: {  	v29 =	vmovc v30;
	v30 =	vmovc v31;
	v31 =	vmov v32;
	v32 =	vmov v33;
	v33 =	vmov v34  }
0x15d: {  	v34 =	vmovc v35;
	v35 =	vmovc v36;
	v36 =	vmov v37;
	v37 =	vmov v38;
	v38 =	vmov v39  }
0x15e: {  	v39 =	vmovc v40;
	v40 =	vmovc v41;
	v41 =	vmov v42;
	v42 =	vmov v43;
	v43 =	vmov v44  }
0x15f: {  	v44 =	vmovc v45;
	v45 =	vmovc v46;
	v46 =	vmov v47;
	v47 =	vmov v48;
	v48 =	vmov v49  }
0x160: {  	v49 =	vmovc v50;
	v50 =	vmovc v51;
	v51 =	vmov v52;
	v52 =	vmov v55;
	v55 =	vmov v58  }
0x161: {  	v58 =	vmovc v59;
	v59 =	vmovc v61;
	v61 =	vmov v62;
	v62 =	vmov v2;
	v2 =	vmov v56;
	v13 =	vld.idx.msk [tilespmem:v14+s17+$0x0], $0xffff  }
0x162: {  	v15 =	vcombine.low v15, v2;
	_ =	sdelay $0x1  }
0x163: {  	v15 =	vor.u32 v15, v12  }
0x164: {  	v56 =	vmov v1  }
0x165: {  	v1 =	vmovc v57;
	v57 =	vmovc v3;
	v3 =	vmov v4;
	v4 =	vmov v5;
	v13 =	vmul.f32 v13, v11  }
0x166: {  	v5 =	vmovc v6;
	v6 =	vmovc v7;
	v7 =	vmov v8;
	v8 =	vmov v9;
	v9 =	vmov v10;
	v10 =	vld [tilespmem:$0x1FF90]  }
0x167: {  	[tilespmem:v14+s17+$0x0] =	vst.idx.msk $0xffff, v13  }
0x168: {  	v13 =	vld.idx.msk [tilespmem:v15+s17+$0x0], $0xffff;
	_ =	sdelay $0x2  }
0x169: {  	v54 =	vor.u32 v10, v12;
	_ =	sdelay $0x1  }
0x16a: {  	v13 =	vmul.f32 v13, v11  }
0x16b: {  	v10 =	vld [tilespmem:$0x1FFA0]  }
0x16c: {  	[tilespmem:v15+s17+$0x0] =	vst.idx.msk $0xffff, v13  }
0x16d: {  	v13 =	vld.idx.msk [tilespmem:v54+s17+$0x0], $0xffff;
	_ =	sdelay $0x2  }
0x16e: {  	v15 =	vor.u32 v10, v12;
	_ =	sdelay $0x1  }
0x16f: {  	v13 =	vmul.f32 v13, v11  }
0x170: {  	v10 =	vld [tilespmem:$0x1FFB0]  }
0x171: {  	[tilespmem:v54+s17+$0x0] =	vst.idx.msk $0xffff, v13  }
0x172: {  	v13 =	vld.idx.msk [tilespmem:v15+s17+$0x0], $0xffff;
	_ =	sdelay $0x2  }
0x173: {  	v54 =	vor.u32 v10, v12;
	_ =	sdelay $0x1  }
0x174: {  	v13 =	vmul.f32 v13, v11;
	_ =	sdelay $0x1  }
0x175: {  	[tilespmem:v15+s17+$0x0] =	vst.idx.msk $0xffff, v13  }
0x176: {  	v13 =	vld.idx.msk [tilespmem:v54+s17+$0x0], $0xffff;
	_ =	sdelay $0x2  }
0x177: {  	v12 =	vor.u32 v53, v12;
	_ =	sdelay $0x1  }
0x178: {  	v13 =	vmul.f32 v13, v11;
	_ =	sdelay $0x1  }
0x179: {  	[tilespmem:v54+s17+$0x0] =	vst.idx.msk $0xffff, v13  }
0x17a: {  	v13 =	vld.idx.msk [tilespmem:v12+s17+$0x0], $0xffff;
	_ =	sdelay $0x1  }
0x17b: {  	p0 =	sne.s32 s24, $0x100  }
.Ltmp1:
0x17c: {  	_ = 	snop;
	(pc) =	sbr.rel @p0 .LBB2_5-.Ltmp1, $3  }
0x17d: {  	_ = 	snop  }
0x17e: {  	v11 =	vmul.f32 v13, v11;
	_ =	sdelay $0x1  }
0x17f: {  	s25 =	sadd.s32 $0x10, s25;
	s24 =	sadd.s32 $0x40, s24;
	[tilespmem:v12+s17+$0x0] =	vst.idx.msk $0xffff, v11  }
0x180: {  	p0 =	slt.u32 s22, $0x7D  }
.Ltmp2:
0x181: {  	_ = 	snop;
	(pc) =	sbr.rel @p0 .LBB2_2-.Ltmp2, $4  }
0x182: {  	s21 =	sshll.u32 s21, $0x6  }
0x183: {  	s23 =	sadd.s32 $0x2710, s23;
	s21 =	sadd.s32 $0x7530, s21  }
0x184: {  	[spmem:s2] =	stream.indirect.scatter.add.f32 [tilespmem:s21], [sflag:$0x2], $0x40, s23, s16, $0xb8;
	[tilespmem:$0x13D30] =	vst v63  }
0x185: {  	s23 =	smov.u32 s22  }
0x186: {  	_ =	swait.ge [sflag:s19], $0x1400  }
0x187: {  	s20 =	sadd.s32 $0x1, s20;
	[sflag:s19] =	ssyncset.done $0x0  }
0x188: {  	p0 =	sne.s32 s20, s10;
	[sflag:s19] =	ssyncadd.s32 $0xFFFFEC00  }
.Ltmp3:
0x189: {  	[bflag:$0x0] =	sbarrier.arrive $0xFFFF;
	(pc) =	sbr.rel @p0 .LBB2_1-.Ltmp3, $4  }
0x18a: {  	[hbm:s9], [sflag:s14] =	dma.local [spmem:s15], $0x1400  }
0x18b: {  	_ =	swait.ge [sflag:s11], $0x1400  }
0x18c: {  	[sflag:s11] =	ssyncset.done $0x0  }
0x18d: {  	[sflag:s11] =	ssyncadd.s32 $0xFFFFEC00  }
0x18e: {  	_ =	sfence.sel $0x180000  }
0x18f: {  	[bflag:$0x0] =	sbarrier.arrive $0xFFFF  }
0x190: {  	p0 =	sne.s32 s0, $0x0;
	_ =	strace $0x9000004D  }
0x191: {  	s0 =	sadd.s32 @!p0 $0x100000, s1;
	[bflag:$0x2] =	sbarrier.arrive $0xFFFF  }
0x192: {  	[sflag:s0] =	ssyncadd.tile.s32 @!p0 $0x1;
	_ =	shalt  }
.Lfunc_end2:
_tile_overlayer_lowered:
.L_overlay_start_2:
0x193: {  	(tag) =	ssettag $0x2  }
0x194: {  	s0 =	rddreg [dreg:$0x0];
	s2 =	stileid.u32  }
0x195: {  	s1 =	rddreg [dreg:$0x1];
	p0 =	sne.s32 s2, $0x0  }
0x196: {  	s3 =	rddreg [dreg:$0x2];
	[bflag:$0x3] =	sbarrier.arrive $0xFFFF;
	s2 =	simm.s32 @!p0 $0x1C03  }
0x197: {  	[timem:s3], [sflag:s2] =	dma.local @!p0 [hbm:s0], s1  }
0x198: {  	s0 =	simm.s32 @!p0 $0x3  }
0x199: {  	_ =	swait.ge @!p0 [sflag:s0], s1  }
0x19a: {  	s1 =	ssub.s32 @!p0 $0x0, s1;
	[sflag:s0] =	ssyncset.done @!p0 $0x0  }
0x19b: {  	[sflag:s0] =	ssyncadd.s32 @!p0 s1  }
0x19c: {  	[bflag:$0x3] =	sbarrier.arrive $0xFFFF  }
0x19d: {  	_ =	shalt  }

// kernel: kernel.9.cloned.1.call-start
scs
__scs_entry_jumppad:
0x0: {  	(pc) =	sbr.rel $0x88, $3  }
0x1: {  	(tag) =	ssettag $0x0;
	lr =	simm.s32 $0x1  }
0x2: {  	[smem:$0x3F99] =	sst lr;
	_ =	strace $0xD0000000  }
0x3: {  	_ = 	snop  }
0x4: {  	_ = 	snop  }
0x5: {  	_ = 	snop  }
0x6: {  	_ = 	snop  }
0x7: {  	_ = 	snop  }
__scs_overlays_trampoline_lowered:
0x8: {  	[smem:$0x3FA8] =	sst s0  }
0x9: {  	[smem:$0x3FA9] =	sst s1  }
0xa: {  	[smem:$0x3FAA] =	sst s2  }
0xb: {  	[smem:$0x3FAB] =	sst s3  }
0xc: {  	[smem:$0x3FAC] =	sst s4  }
0xd: {  	[smem:$0x3FAD] =	sst s5  }
0xe: {  	[smem:$0x3FAE] =	sst s6  }
0xf: {  	[smem:$0x3FAF] =	sst s7  }
0x10: {  	[smem:$0x3FB0] =	sst s8  }
0x11: {  	[smem:$0x3FB1] =	sst s9;
	s0 =	simm.s32 @!p0 $0x0  }
0x12: {  	s1 =	sld [smem:$0x3F97];
	s0 =	simm.s32 @p0 $0x1  }
0x13: {  	[smem:$0x3FB2] =	sst s0;
	s0 =	simm.s32 @!p1 $0x0  }
0x14: {  	s2 =	sld [smem:$0x3F96];
	s0 =	simm.s32 @p1 $0x1  }
0x15: {  	[smem:$0x3FB3] =	sst s0;
	s0 =	simm.s32 @!p2 $0x0  }
0x16: {  	s3 =	sld [smem:$0x3FDB];
	s0 =	simm.s32 @p2 $0x1  }
0x17: {  	s4 =	simm.s32 $0x1BF5;
	[smem:$0x3FB5] =	sst s0  }
0x18: {  	s0 =	sld [smem:$0x3F98];
	_ =	swait.ge [sflag:s4], $0x0  }
0x19: {  	s7 =	sld [smem:$0x3F99]  }
0x1a: {  	s8 =	sadd.s32 $0xFFFFE003, lr  }
0x1b: {  	s9 =	sadd.s32 $0xFFFFFEF7, lr;
	s5 =	simm.s32 $0xFFFFFFFF;
	p2 =	slt.u32 s8, $0xFFFFF086  }
0x1c: {  	p1 =	slt.u32 s9, $0xF7A;
	s5 =	simm.s32 @!p2 $0x0  }
0x1d: {  	s5 =	simm.s32 @p1 $0x1;
	p0 =	seq.s32 s7, s2  }
0x1e: {  	s7 =	smul.u32 @!p0 $0xF7A, s2;
	p2 =	seq.s32 @!p0 s5, $0x0  }
0x1f: {  	s9 =	smul.u32 $0xF7A, s1;
	s8 =	simm.s32 @!p0 $0x1BF5;
	p2 =	por !p2, p0  }
0x20: {  	[sflag:s8] =	ssyncset.s32 @!p0 $0xFFFFF086;
	s6 =	sadd.s32 @!p0 s3, s7;
	s7 =	simm.s32 @!p0 $0x108  }
0x21: {  	s3 =	sadd.s32 s3, s9;
	s6 =	sadd.s32 @!p0 $0x88, s6;
	s7 =	simm.s32 @p2 $0x1082  }
0x22: {  	[simem:s7], [sflag:s8] =	dma.local @!p0 [hbm:s6], $0xF7A  }
0x23: {  	s9 =	sor.u32 $0xD0000000, s2;
	s6 =	simm.s32 $0x108;
	_ =	swait.ge @!p0 [sflag:s8], $0x0  }
0x24: {  	s3 =	sadd.s32 $0x88, s3;
	s6 =	simm.s32 @!p1 $0x1082;
	[sflag:s4] =	ssyncset.s32 $0xFFFFF086  }
0x25: {  	[simem:s6], [sflag:s4] =	dma.local [hbm:s3], $0xF7A  }
0x26: {  	[smem:$0x3F99] =	sst s1;
	(tag) =	ssettag s2;
	_ =	strace s9  }
0x27: {  	s1 =	sld [smem:$0x3FA9]  }
0x28: {  	s2 =	sld [smem:$0x3FAA]  }
0x29: {  	s4 =	sld [smem:$0x3FAC]  }
0x2a: {  	p0 =	seq.s32 s5, $0x0;
	s5 =	sld [smem:$0x3FAD]  }
0x2b: {  	s6 =	sld [smem:$0x3FAE]  }
0x2c: {  	s7 =	sld [smem:$0x3FAF]  }
0x2d: {  	s3 =	simm.s32 $0x108;
	s8 =	sld [smem:$0x3FB0]  }
0x2e: {  	s3 =	simm.s32 @!p0 $0x1082;
	s9 =	sld [smem:$0x3FB1]  }
0x2f: {  	lr =	sadd.s32 s0, s3;
	s0 =	sld [smem:$0x3FA8]  }
0x30: {  	s3 =	sld [smem:$0x3FAB]  }
0x31: {  	[smem:$0x3FB4] =	sst s10  }
0x32: {  	s10 =	sld [smem:$0x3FB2];
	_ =	sdelay $0x3  }
0x33: {  	p0 =	seq.s32 s10, $0x1;
	s10 =	sld [smem:$0x3FB4];
	_ =	sdelay $0x3  }
0x34: {  	[smem:$0x3FB4] =	sst s10  }
0x35: {  	s10 =	sld [smem:$0x3FB3];
	_ =	sdelay $0x3  }
0x36: {  	p1 =	seq.s32 s10, $0x1;
	s10 =	sld [smem:$0x3FB4];
	_ =	sdelay $0x3  }
0x37: {  	[smem:$0x3FB4] =	sst s10  }
0x38: {  	s10 =	sld [smem:$0x3FB5]  }
0x39: {  	_ = 	snop;
	(pc) =	sbr.ind lr, $3  }
0x3a: {  	_ = 	snop  }
0x3b: {  	_ = 	snop  }
0x3c: {  	p2 =	seq.s32 s10, $0x1;
	s10 =	sld [smem:$0x3FB4]  }
0x3d: {  	_ =	shalt  }
0x3e: {  	_ =	shalt  }
0x3f: {  	_ =	shalt  }
0x40: {  	_ =	shalt  }
0x41: {  	_ =	shalt  }
0x42: {  	_ =	shalt  }
0x43: {  	_ =	shalt  }
0x44: {  	_ =	shalt  }
0x45: {  	_ =	shalt  }
0x46: {  	_ =	shalt  }
0x47: {  	_ =	shalt  }
0x48: {  	_ =	shalt  }
0x49: {  	_ =	shalt  }
0x4a: {  	_ =	shalt  }
0x4b: {  	_ =	shalt  }
0x4c: {  	_ =	shalt  }
0x4d: {  	_ =	shalt  }
0x4e: {  	_ =	shalt  }
0x4f: {  	_ =	shalt  }
0x50: {  	_ =	shalt  }
0x51: {  	_ =	shalt  }
0x52: {  	_ =	shalt  }
0x53: {  	_ =	shalt  }
0x54: {  	_ =	shalt  }
0x55: {  	_ =	shalt  }
0x56: {  	_ =	shalt  }
0x57: {  	_ =	shalt  }
0x58: {  	_ =	shalt  }
0x59: {  	_ =	shalt  }
0x5a: {  	_ =	shalt  }
0x5b: {  	_ =	shalt  }
0x5c: {  	_ =	shalt  }
0x5d: {  	_ =	shalt  }
0x5e: {  	_ =	shalt  }
0x5f: {  	_ =	shalt  }
0x60: {  	_ =	shalt  }
0x61: {  	_ =	shalt  }
0x62: {  	_ =	shalt  }
0x63: {  	_ =	shalt  }
0x64: {  	_ =	shalt  }
0x65: {  	_ =	shalt  }
0x66: {  	_ =	shalt  }
0x67: {  	_ =	shalt  }
0x68: {  	_ =	shalt  }
0x69: {  	_ =	shalt  }
0x6a: {  	_ =	shalt  }
0x6b: {  	_ =	shalt  }
0x6c: {  	_ =	shalt  }
0x6d: {  	_ =	shalt  }
0x6e: {  	_ =	shalt  }
0x6f: {  	_ =	shalt  }
0x70: {  	_ =	shalt  }
0x71: {  	_ =	shalt  }
0x72: {  	_ =	shalt  }
0x73: {  	_ =	shalt  }
0x74: {  	_ =	shalt  }
0x75: {  	_ =	shalt  }
0x76: {  	_ =	shalt  }
0x77: {  	_ =	shalt  }
0x78: {  	_ =	shalt  }
0x79: {  	_ =	shalt  }
0x7a: {  	_ =	shalt  }
0x7b: {  	_ =	shalt  }
0x7c: {  	_ =	shalt  }
0x7d: {  	_ =	shalt  }
0x7e: {  	_ =	shalt  }
0x7f: {  	_ =	shalt  }
0x80: {  	_ =	shalt  }
0x81: {  	_ =	shalt  }
0x82: {  	_ =	shalt  }
0x83: {  	_ =	shalt  }
0x84: {  	_ =	shalt  }
0x85: {  	_ =	shalt  }
0x86: {  	_ =	shalt  }
0x87: {  	_ =	shalt  }
.Lfunc_end0:
.L_simem_size_0:
called_computation_lowered:
.L_overlay_start_0:
0x88: {  	s2 =	sld [smem:$0x3FD9]  }
0x89: {  	s3 =	sld [smem:$0x3FFE];
	_ =	sdelay $0x1  }
0x8a: {  	s1 =	srdreg.scid  }
0x8b: {  	s0 =	sand.u32 $0x1, s1  }
0x8c: {  	s14 =	sshll.u32 s0, $0xA;
	s2 =	sadd.s32 s3, s2  }
0x8d: {  	s2 =	sadd.s32 s2, s14  }
0x8e: {  	[smem:$0x3FC0] =	sst s2  }
0x8f: {  	_ = 	snop  }
0x90: {  	s2 =	sld [smem:$0x3FD0];
	_ =	sdelay $0x2  }
0x91: {  	s15 =	simm.s32 $0xA;
	s4 =	simm.s32 $0x10  }
0x92: {  	[smem:s4], [sflag:s15] =	dma.local [hbm:s2], $0x1  }
0x93: {  	_ =	swait.eq [sflag:s15], $0x1  }
0x94: {  	s16 =	sld [smem:$0x10];
	[sflag:s15] =	ssyncset.done $0x0  }
0x95: {  	s17 =	sld [smem:$0x11];
	[sflag:s15] =	ssyncadd.s32 $0xFFFFFFFF  }
0x96: {  	s18 =	sld [smem:$0x12];
	(tm) =	ssettm $0x1  }
0x97: {  	s5 =	sld [smem:$0x3FFB];
	_ =	sdelay $0x3  }
0x98: {  	_ =	strace s5  }
0x99: {  	s5 =	sld [smem:$0x3FFC];
	_ =	sdelay $0x3  }
0x9a: {  	_ =	strace s5  }
0x9b: {  	s5 =	sld [smem:$0x3FFD];
	_ =	sdelay $0x3  }
0x9c: {  	_ =	strace s5  }
0x9d: {  	_ =	strace $0x8FFFFFFF  }
0x9e: {  	s19 =	sld [smem:$0x3FDB];
	_ =	sdelay $0x1  }
0x9f: {  	s6 =	simm.s32 $_scs_section_size  }
0xa0: {  	s7 =	simm.s32 $_size__tile_overlayer_lowered;
	s8 =	simm.s32 $_tile_overlayer_lowered  }
0xa1: {  	s22 =	simm.s32 $0x1BFF;
	s21 =	sshll.u32 s8, $0x1;
	s5 =	sadd.s32 s6, s19  }
0xa2: {  	s9 =	simm.s32 $0x0;
	s20 =	sshll.u32 s7, $0x1;
	s7 =	sadd.s32 s21, s5  }
0xa3: {  	[timem:s9], [sflag:s22] =	dma.local [hbm:s7], s20  }
0xa4: {  	_ =	swait.ge [sflag:s22], s20  }
0xa5: {  	s6 =	ssub.s32 $0x0, s20;
	[sflag:s22] =	ssyncset.done $0x0  }
0xa6: {  	[sflag:s22] =	ssyncadd.s32 s6;
	_ =	sdelay $0x1  }
0xa7: {  	s23 =	simm.s32 $0x1B8B  }
0xa8: {  	_ =	swait.ge [sflag:s23], $0x1  }
0xa9: {  	[sflag:s23] =	ssyncset.done $0x0  }
0xaa: {  	s25 =	simm.s32 $0x1B8E;
	s24 =	sld [smem:$0x3FFE];
	[sflag:s23] =	ssyncadd.s32 $0xFFFFFFFF  }
0xab: {  	s26 =	simm.s32 $execute0_lowered;
	[smem:$0x3FD2] =	sst s25  }
0xac: {  	s7 =	sshll.u32 s26, $0x1;
	_ =	strace $0x80000046;
	[dreg:$0x1] =	wrdreg $0xFFFFFFFF  }
0xad: {  	s28 =	simm.s32 $_size_execute0_lowered;
	s5 =	sadd.s32 s5, s7;
	[dreg:$0x0] =	wrdreg $0x0  }
0xae: {  	s7 =	sshll.u32 s28, $0x1;
	[dreg:$0x2] =	wrdreg s5  }
0xaf: {  	[dreg:$0x3] =	wrdreg s7  }
0xb0: {  	[dreg:$0x4] =	wrdreg $0xC0  }
0xb1: {  	_ =	task [dreg:s9], $0x5FFFF  }
0xb2: {  	[dreg:$0x1] =	wrdreg $0xFFFFFFFF  }
0xb3: {  	[dreg:$0x0] =	wrdreg $0x60  }
0xb4: {  	[dreg:$0x2] =	wrdreg s16  }
0xb5: {  	[dreg:$0x3] =	wrdreg s24  }
0xb6: {  	[dreg:$0x4] =	wrdreg s17  }
0xb7: {  	[dreg:$0x5] =	wrdreg s18  }
0xb8: {  	[dreg:$0x6] =	wrdreg $0x9  }
0xb9: {  	_ =	task.clear_ibuf [dreg:s9], $0x7FFFF;
	_ =	strace $0x90000046  }
0xba: {  	s29 =	simm.s32 $0x9;
	_ =	strace $0x80000048  }
0xbb: {  	_ =	swait.ge [sflag:s29], $0x1  }
0xbc: {  	[sflag:s29] =	ssyncadd.s32 $0xFFFFFFFF  }
0xbd: {  	_ =	strace $0x90000048  }
0xbe: {  	_ =	sfence  }
0xbf: {  	s30 =	sld [smem:$0x0];
	_ =	sdelay $0x2  }
0xc0: {  	s31 =	sshll.u32 s1, $0xD;
	s1 =	sshrl.u32 s1, $0x2  }
0xc1: {  	s3 =	sand.u32 $0x4000, s31;
	s1 =	sadd.s32 s1, s30  }
0xc2: {  	s0 =	sor.u32 s3, s0;
	s1 =	sshll.u32 s1, $0x11  }
0xc3: {  	s0 =	sor.u32 s1, s0  }
0xc4: {  	s0 =	sadd.s32 $0x8F2B, s0  }
0xc5: {  	[sflag:s0] =	ssyncadd.remote.s32 $0x1  }
0xc6: {  	_ =	sfence.sel $0xFFFF  }
0xc7: {  	[dreg:$0x0] =	wrdreg $0xFFFFFFFF;
	(pc) =	sbr.abs _section_cstart, $3  }
0xc8: {  	[dreg:$0x1] =	wrdreg $0xFFFFFFFF  }
0xc9: {  	_ =	task.clear_ibuf [dreg:s9], $0x2FFFF;
	_ =	strace $0x9FFFFFFF  }
0xca: {  	(tm) =	ssettm $0x7FFFFFFF  }
0xcb: {  	_ =	shalt  }
tec
execute0_lowered:
.L_overlay_start_1:
0x0: {  	(tag) =	ssettag $0x1  }
0x1: {  	v11 =	vlaneseq.u32  }
0x2: {  	v0 =	vand.u32 $0x7, v11  }
0x3: {  	v47 =	vadd.s32 $0x14, v11;
	[tilespmem:$0x1FC70] =	vst v0  }
0x4: {  	v63 =	vimm.s32 $0x34333231;
	v1 =	vimm.s32 $0x38373635;
	v48 =	vadd.s32 $0x15, v11;
	[tilespmem:$0x1FC80] =	vst v47  }
0x5: {  	vm0 =	vcmask $0x1F10;
	v32 =	vimm.s32 $0x3C3B3A39;
	v49 =	vadd.s32 $0x18, v11;
	[tilespmem:$0x1FC90] =	vst v48  }
0x6: {  	v2 =	vimm.s32 $0x3F3E3D;
	v3 =	vimm.s32 $0x35343332;
	v50 =	vadd.s32 $0x19, v11;
	[tilespmem:$0x1FCA0] =	vst v49  }
0x7: {  	v4 =	vimm.s32 $0x3D3C3B3A;
	v5 =	vimm.s32 $0x1003F3E;
	v51 =	vadd.s32 $0x1A, v11;
	[tilespmem:$0x1FCB0] =	vst v50  }
0x8: {  	v6 =	vimm.s32 $0x36353433;
	v7 =	vimm.s32 $0x3A393837;
	v53 =	vadd.s32 $0x1B, v11;
	[tilespmem:$0x1FCC0] =	vst v51  }
0x9: {  	v8 =	vimm.s32 $0x3020100;
	v9 =	vimm.s32 $0x37363534;
	v54 =	vadd.s32 $0x1C, v11;
	[tilespmem:$0x1FCD0] =	vst v53  }
0xa: {  	v10 =	vimm.s32 $0x3B3A3938;
	v36 =	vimm.s32 $0x201003F;
	v55 =	vadd.s32 $0x1D, v11;
	[tilespmem:$0x1FCE0] =	vst v54  }
0xb: {  	v39 =	vimm.s32 $0x87654321;
	v43 =	vimm.s32 $0x4030201;
	v56 =	vadd.s32 $0x1E, v11;
	[tilespmem:$0x1FCF0] =	vst v55  }
0xc: {  	vm1 =	vcmask $0x2F10;
	vm2 =	vcmask $0x3F30;
	v57 =	vadd.s32 $0x1F, v11;
	[tilespmem:$0x1FD00] =	vst v56  }
0xd: {  	v13 =	vadd.s32 $0x1, v11;
	v15 =	vadd.s32 $0x2, v11;
	v58 =	vor.u32 $0x20, v11;
	[tilespmem:$0x1FD10] =	vst v57  }
0xe: {  	v16 =	vadd.s32 $0x3, v11;
	v17 =	vadd.s32 $0x4, v11;
	v59 =	vadd.s32 $0x21, v11;
	[tilespmem:$0x1FD20] =	vst v58  }
0xf: {  	s0 =	rddreg [dreg:$0x0];
	v18 =	vadd.s32 $0x5, v11;
	v19 =	vadd.s32 $0x6, v11;
	v60 =	vadd.s32 $0x22, v11;
	[tilespmem:$0x1FD30] =	vst v59  }
0x10: {  	s5 =	rddreg [dreg:$0x1];
	v20 =	vadd.s32 $0x7, v11;
	v23 =	vadd.s32 $0x8, v11;
	v61 =	vadd.s32 $0x23, v11;
	[tilespmem:$0x1FD40] =	vst v60  }
0x11: {  	s1 =	rddreg [dreg:$0x2];
	v24 =	vadd.s32 $0x9, v11;
	[tilespmem:$0x1FD50] =	vst v61;
	v49 =	vunpack.c.0.s8.s32 v4;
	v4 =	vadd.s32 $0x24, v11  }
0x12: {  	s8 =	rddreg [dreg:$0x3];
	s4 =	simm.s32 $0x0;
	v28 =	vadd.s32 $0xA, v11;
	v30 =	vadd.s32 $0xB, v11;
	[tilespmem:$0x1FD60] =	vst v4;
	v4 =	vadd.s32 $0x25, v11  }
0x13: {  	v31 =	vadd.s32 $0xC, v11;
	v33 =	vadd.s32 $0xD, v11;
	v34 =	vadd.s32 $0xE, v11;
	[smem:$0x7FF] =	sst s4;
	[tilespmem:$0x1FD70] =	vst v4  }
0x14: {  	s3 =	rddreg [dreg:$0x4];
	v38 =	vadd.s32 $0xF, v11;
	v40 =	vor.u32 $0x10, v11;
	v41 =	vadd.s32 $0x11, v11;
	_ =	strace $0x80000047;
	[tilespmem:$0x1FE10] =	vst v13  }
0x15: {  	v42 =	vadd.s32 $0x12, v11;
	v44 =	vadd.s32 $0x13, v11;
	v62 =	vadd.s32 $0x16, v11;
	[tilespmem:$0x1FE20] =	vst v15  }
0x16: {  	v52 =	vadd.s32 $0x17, v11;
	v46 =	vunpack.c.0.s8.s32 v1;
	v1 =	vunpack.c.0.s8.s32 v2;
	[tilespmem:$0x1FE30] =	vst v16  }
0x17: {  	v35 =	vunpack.c.0.s8.s32 v3;
	v3 =	vimm.s32 $0x39383736;
	v6 =	vunpack.c.0.s8.s32 v6;
	[tilespmem:$0x1FE40] =	vst v17  }
0x18: {  	v0 =	vunpack.c.0.s8.s32 v63;
	v47 =	vunpack.c.0.s8.s32 v32;
	v48 =	vunpack.c.0.s8.s32 v3;
	[tilespmem:$0x1FE50] =	vst v18  }
0x19: {  	v3 =	vunpack.c.0.s8.s32 v5;
	v50 =	vunpack.c.0.s8.s32 v7;
	v7 =	vunpack.c.0.s8.s32 v8;
	[tilespmem:$0x1FE60] =	vst v19  }
0x1a: {  	v8 =	vimm.s32 $0x3F3E3D3C;
	v53 =	vunpack.c.0.s8.s32 v10;
	v57 =	vunpack.c.0.s8.s32 v36;
	[tilespmem:$0x1FE70] =	vst v20  }
0x1b: {  	v51 =	vunpack.c.0.s8.s32 v8;
	v8 =	vunpack.c.0.s8.s32 v9;
	v0 =	vsel vm0, v46, v0;
	[tilespmem:$0x1FE80] =	vst v23  }
0x1c: {  	v4 =	vsel vm0, v1, v47;
	v2 =	vsel vm0, v48, v35;
	v5 =	vsel vm0, v3, v49;
	[tilespmem:$0x1FE90] =	vst v24  }
0x1d: {  	v56 =	vsel vm0, v50, v6;
	v35 =	vimm.s32 $0xC0B0A09;
	v54 =	vcombine.low v0, v4;
	[tilespmem:$0x1FEA0] =	vst v28  }
0x1e: {  	v55 =	vcombine.low v2, v5;
	v37 =	vsel vm0, v7, v51;
	v6 =	vsel vm0, v53, v8;
	[tilespmem:$0x1FEB0] =	vst v30  }
0x1f: {  	v0 =	vunpack.c.l.s4.s8 v39;
	v2 =	vunpack.c.0.s8.s32 v43;
	v7 =	vimm.s32 $0x5040302;
	[tilespmem:$0x1FEC0] =	vst v31  }
0x20: {  	[tilespmem:$0x1FED0] =	vst v33;
	v58 =	vcombine.low v6, v37;
	v6 =	vimm.s32 $0x98765432;
	v7 =	vunpack.c.0.s8.s32 v7  }
0x21: {  	v8 =	vimm.s32 $0x32107654;
	[tilespmem:$0x1FEE0] =	vst v34;
	v6 =	vunpack.c.l.s4.s8 v6;
	v0 =	vunpack.c.0.s8.s32 v0  }
0x22: {  	[tilespmem:$0x1FEF0] =	vst v38;
	v37 =	vimm.s32 $0xD0C0B0A;
	v59 =	vsel vm0, v2, v1;
	v60 =	vsel vm0, v7, v3  }
0x23: {  	[tilespmem:$0x1FF00] =	vst v40;
	v7 =	vimm.s32 $0x6050403;
	v45 =	vunpack.c.0.s8.s32 v6;
	v0 =	vand.u32 $0xF, v0  }
0x24: {  	[tilespmem:$0x1FF10] =	vst v41;
	v6 =	vunpack.c.l.s4.s8 v8;
	v8 =	vimm.s32 $0x43218765;
	v43 =	vcombine.low v4, v0  }
0x25: {  	[tilespmem:$0x1FF20] =	vst v42;
	v61 =	vunpack.c.l.s4.s8 v8;
	v4 =	vimm.s32 $0xB0A0908;
	v8 =	vadd.s32 $0x29, v11  }
0x26: {  	[tilespmem:$0x1FF30] =	vst v44;
	v2 =	vand.u32 $0xF, v45;
	v6 =	vunpack.c.0.s8.s32 v6;
	v4 =	vunpack.c.0.s8.s32 v4  }
0x27: {  	[tilespmem:$0x1FF40] =	vst v52;
	v32 =	vcombine.low v5, v2;
	v0 =	vunpack.c.0.s8.s32 v61;
	v5 =	vimm.s32 $0x54329876  }
0x28: {  	[tilespmem:$0x1FF50] =	vst v62;
	v45 =	vimm.s32 $0x76543210;
	v63 =	vand.u32 $0xF, v6;
	v5 =	vunpack.c.l.s4.s8 v5  }
0x29: {  	[tilespmem:$0x1FFF0] =	vst v8;
	v6 =	vadd.s32 $0x27, v11;
	v2 =	vsel vm1, v63, v51;
	v0 =	vand.u32 $0xF, v0  }
0x2a: {  	[tilespmem:$0x1FF60] =	vst v43;
	v36 =	vsel vm2, v4, v2;
	v2 =	vunpack.c.0.s8.s32 v35;
	v4 =	vunpack.c.0.s8.s32 v5  }
0x2b: {  	[tilespmem:$0x1FF70] =	vst v32;
	v5 =	vimm.s32 $0x6543A987;
	v0 =	vsel vm1, v0, v1;
	v1 =	vunpack.c.0.s8.s32 v37  }
0x2c: {  	[tilespmem:$0x1FFD0] =	vst v6;
	v5 =	vunpack.c.l.s4.s8 v5;
	v29 =	vsel vm2, v2, v0;
	v39 =	vand.u32 $0xF, v4  }
0x2d: {  	[tilespmem:$0x1FF80] =	vst v36;
	v4 =	vimm.s32 $0xA9876543;
	v2 =	vunpack.c.l.s4.s8 v45;
	v0 =	vsel vm1, v39, v3  }
0x2e: {  	v63 =	vunpack.c.l.s4.s8 v4;
	v4 =	vunpack.c.0.s8.s32 v7;
	v7 =	vadd.s32 $0x28, v11;
	[tilespmem:$0x1FF90] =	vst v29  }
0x2f: {  	v37 =	vsel vm2, v1, v0;
	v45 =	vunpack.c.0.s8.s32 v2;
	[tilespmem:$0x1FFE0] =	vst v7  }
0x30: {  	v61 =	vimm.s32 $0xE0D0C0B;
	v3 =	vunpack.c.0.s8.s32 v5;
	[tilespmem:$0x1FFA0] =	vst v37  }
0x31: {  	v1 =	vunpack.c.0.s8.s32 v63;
	v63 =	vsel vm0, v4, v57;
	v4 =	vadd.s32 $0x26, v11;
	[tilespmem:$0x1FD80] =	vst v45  }
0x32: {  	s2 =	srdreg.scid;
	v35 =	vimm.s32 $0x3E3D3C3B;
	v0 =	vunpack.c.0.s8.s32 v61;
	v45 =	vadd.s32 $0x2A, v11;
	[tilespmem:$0x1FFC0] =	vst v4  }
0x33: {  	s6 =	sand.u32 $0x1, s2;
	v61 =	vunpack.c.0.s8.s32 v35;
	v3 =	vand.u32 $0xF, v3;
	v35 =	vand.u32 $0xF, v1;
	[tilespmem:$0x1FDA0] =	vst v45  }
0x34: {  	s12 =	simm.s32 $0x2800;
	s2 =	stileid.u32;
	s7 =	sshll.u32 s6, $0x4;
	v3 =	vsel vm1, v3, v57;
	v45 =	vadd.s32 $0x2C, v11;
	[tilespmem:$0x1FD90] =	vst v35  }
0x35: {  	s13 =	simm.s32 $0x4F10;
	s14 =	simm.s32 $0x50;
	s7 =	sor.u32 s2, s7;
	v39 =	vsel vm2, v0, v3;
	[tilespmem:$0x1FDC0] =	vst v45  }
0x36: {  	s15 =	simm.s32 $0x7620;
	s16 =	simm.s32 $0x9E20;
	s9 =	smul.u32 $0x4E2, s7;
	v35 =	vadd.s32 $0x2B, v11;
	[tilespmem:$0x1FFB0] =	vst v39  }
0x37: {  	s17 =	simm.s32 $0x1;
	s6 =	ssub.s32 $0x2, s6;
	s11 =	smul.u32 $0x500, s7;
	v45 =	vadd.s32 $0x2E, v11;
	[tilespmem:$0x1FDB0] =	vst v35  }
0x38: {  	s18 =	simm.s32 $0xC620;
	s19 =	simm.s32 $0x0;
	s10 =	sshrl.u32 s6, $0x1;
	v35 =	vadd.s32 $0x2D, v11;
	[tilespmem:$0x1FDE0] =	vst v45  }
0x39: {  	s10 =	ssub.s32 s6, s10;
	s9 =	sadd.s32 s9, s5;
	s8 =	sadd.s32 s8, s11;
	v45 =	vor.u32 $0x30, v11;
	[tilespmem:$0x1FDD0] =	vst v35  }
0x3a: {  	s11 =	simm.s32 $0x2;
	s5 =	sadd.s32 $0xBA00, s9;
	s6 =	sadd.s32 $0x1C00, s9;
	v35 =	vadd.s32 $0x2F, v11;
	[tilespmem:$0x1FE00] =	vst v45  }
0x3b: {  	v12 =	vimm.f32 $0.0e+00;
	s7 =	sadd.s32 $0x15800, s9;
	s9 =	smax.u32 s10, $0x1;
	s10 =	simm.s32 $0xED30;
	[tilespmem:$0x1FDF0] =	vst v35  }
.LBB2_1:
0x3c: {  	[tilespmem:s10], [sflag:$0x2] =	stream.linear.gather [hbm4b:s1+s4], $0x400, $0x38;
	[tilespmem:$0xF130] =	vst v63  }
0x3d: {  	_ =	swait.ge [sflag:s11], $0x400  }
0x3e: {  	[sflag:s11] =	ssyncset.done $0x0  }
0x3f: {  	[sflag:s11] =	ssyncadd.s32 $0xFFFFFC00  }
0x40: {  	[tilespmem:s12], [sflag:$0x2] =	stream.linear.gather [hbm4b:s5+s4], $0x2710, $0x38;
	[tilespmem:$0xF130] =	vst v63  }
0x41: {  	_ =	swait.ge [sflag:s11], $0x2710  }
0x42: {  	[sflag:s11] =	ssyncset.done $0x0  }
0x43: {  	[sflag:s11] =	ssyncadd.s32 $0xFFFFD8F0  }
0x44: {  	[tilespmem:s13], [sflag:$0x2] =	stream.linear.gather [hbm4b:s6+s4], $0x2710, $0x38;
	[tilespmem:$0xF130] =	vst v63  }
0x45: {  	_ =	swait.ge [sflag:s11], $0x2710  }
0x46: {  	[sflag:s11] =	ssyncset.done $0x0  }
0x47: {  	s20 =	simm.s32 $0x40;
	s21 =	simm.s32 $0x0;
	[sflag:s11] =	ssyncadd.s32 $0xFFFFD8F0  }
.LBB2_2:
0x48: {  	p0 =	sne.s32 s20, $0x9FC0;
	[tilespmem:s21+$0x0] =	vst v12;
	s21 =	smov.u32 s20;
	s20 =	sadd.s32 $0x40, s20  }
.Ltmp0:
0x49: {  	(pc) =	sbr.rel @p0 .LBB2_2-.Ltmp0, $2  }
0x4a: {  	_ =	sdelay $0x2  }
0x4b: {  	s21 =	sshra.s32 s21, $0x2  }
0x4c: {  	[tilespmem:s21+$0x0] =	vst v12  }
0x4d: {  	[tilespmem:s15], [sflag:$0x1] =	stream.indirect.gather [hbm4b:s0+s14], $0x40, s12, s14, $0xb8;
	[tilespmem:$0xF130] =	vst v63  }
0x4e: {  	s21 =	simm.s32 $0x0;
	s20 =	simm.s32 $0xC620  }
0x4f: {  	[tilespmem:s16], [sflag:$0x1] =	stream.indirect.gather [hbm4b:s0+s14], $0x40, s13, s14, $0xb8;
	[tilespmem:$0xF130] =	vst v63  }
.LBB2_5:
0x50: {  	s22 =	smov.u32 s21;
	s31 =	sand.u32 $0x1, s21;
	s23 =	simm.s32 $0x50  }
0x51: {  	p0 =	seq.s32 s31, $0x1;
	s21 =	sadd.s32 $0x1, s22;
	p1 =	seq.s32 s22, $0x7C  }
0x52: {  	s23 =	simm.s32 @!p0 $0x0;
	s24 =	smul.u32 @!p1 $0x50, s21  }
0x53: {  	s25 =	sshll.u32 @!p1 s23, $0x6  }
0x54: {  	s29 =	simm.s32 @!p1 $0x50;
	s26 =	ssub.s32 @!p1 $0x8A20, s25;
	s28 =	sadd.s32 @!p1 $0x2800, s24  }
0x55: {  	[tilespmem:s26], [sflag:$0x1] =	stream.indirect.gather @!p1 [hbm4b:s0+s29], $0x40, s28, s29, $0xb8;
	[tilespmem:$0xF130] =	vst v63  }
0x56: {  	s25 =	ssub.s32 @!p1 $0xB220, s25;
	s24 =	sadd.s32 @!p1 $0x4F10, s24  }
0x57: {  	[tilespmem:s25], [sflag:$0x1] =	stream.indirect.gather @!p1 [hbm4b:s0+s29], $0x40, s24, s29, $0xb8;
	[tilespmem:$0xF130] =	vst v63  }
0x58: {  	_ =	swait.ge [sflag:s17], $0x1400  }
0x59: {  	[sflag:s17] =	ssyncset.done $0x0  }
0x5a: {  	[sflag:s17] =	ssyncadd.s32 $0xFFFFEC00  }
0x5b: {  	_ =	swait.ge [sflag:s17], $0x1400  }
0x5c: {  	v0 =	vmov s22;
	v45 =	vld [tilespmem:$0x1FC70]  }
0x5d: {  	v0 =	vmul.u32 $0x50, v0;
	_ =	sdelay $0x1  }
0x5e: {  	v0 =	vbroadcast v0, $0x0  }
0x5f: {  	v1 =	vmov s23  }
0x60: {  	[sflag:s17] =	ssyncset.done $0x0;
	[tilespmem:$0x1FC50] =	vst v1;
	v0 =	vor.u32 v45, v0  }
0x61: {  	s22 =	smov.u32 s20;
	s23 =	simm.s32 $0x0;
	[sflag:s17] =	ssyncadd.s32 $0xFFFFEC00;
	[tilespmem:$0x1FC60] =	vst v0  }
.LBB2_6:
0x62: {  	v0 =	vld [tilespmem:$0x1FC50];
	_ =	sdelay $0x3  }
0x63: {  	v1 =	vor.u32 s23, v11  }
0x64: {  	v0 =	vadd.s32 v0, v1  }
0x65: {  	v14 =	vshll.u32 v0, $0x6  }
0x66: {  	v37 =	vor.u32 v16, v14;
	_ =	sdelay $0x1  }
0x67: {  	v5 =	vor.u32 v17, v14;
	v17 =	vor.u32 v20, v14;
	v20 =	vor.u32 v24, v14;
	_ =	sdelay $0x2  }
0x68: {  	v10 =	vld.idx.msk [tilespmem:v37+s15+$0x0], $0xffff  }
0x69: {  	v9 =	vld.idx.msk [tilespmem:v37+s16+$0x0], $0xffff  }
0x6a: {  	v24 =	vor.u32 v30, v14;
	v30 =	vor.u32 v34, v14;
	v45 =	vld.idx.msk [tilespmem:v20+s15+$0x0], $0xffff  }
0x6b: {  	v37 =	vld.idx.msk [tilespmem:v20+s16+$0x0], $0xffff;
	v20 =	vor.u32 v31, v14;
	v31 =	vor.u32 v38, v14  }
0x6c: {  	v2 =	vor.u32 v15, v14;
	v15 =	vor.u32 v19, v14;
	v19 =	vor.u32 v23, v14  }
0x6d: {  	v23 =	vor.u32 v28, v14;
	v28 =	vor.u32 v33, v14;
	v33 =	vor.u32 v40, v14;
	_ =	sdelay $0x1  }
0x6e: {  	v34 =	vor.u32 v41, v14;
	v38 =	vld.idx.msk [tilespmem:v30+s15+$0x0], $0xffff  }
0x6f: {  	v40 =	vld.idx.msk [tilespmem:v31+s15+$0x0], $0xffff  }
0x70: {  	v41 =	vld.idx.msk [tilespmem:v31+s16+$0x0], $0xffff  }
0x71: {  	v31 =	vor.u32 v42, v14;
	v42 =	vld.idx.msk [tilespmem:v33+s15+$0x0], $0xffff;
	_ =	sdelay $0x1  }
0x72: {  	[tilespmem:$0x1F920] =	vst v38;
	v38 =	vor.u32 v44, v14;
	v44 =	vld.idx.msk [tilespmem:v34+s15+$0x0], $0xffff  }
0x73: {  	[tilespmem:$0x1F930] =	vst v40;
	v40 =	vld.idx.msk [tilespmem:v34+s16+$0x0], $0xffff  }
0x74: {  	[tilespmem:$0x1F940] =	vst v41;
	v41 =	vld [tilespmem:$0x1FC80]  }
0x75: {  	[tilespmem:$0x1F950] =	vst v42;
	v42 =	vld [tilespmem:$0x1FC90];
	_ =	sdelay $0x3  }
0x76: {  	[tilespmem:$0x1F960] =	vst v44  }
0x77: {  	v44 =	vld.idx.msk [tilespmem:v38+s15+$0x0], $0xffff;
	[tilespmem:$0x1F970] =	vst v40;
	v40 =	vor.u32 v41, v14;
	v41 =	vor.u32 v42, v14;
	_ =	sdelay $0x4  }
0x78: {  	[tilespmem:$0x1F980] =	vst v44;
	v44 =	vld.idx.msk [tilespmem:v41+s15+$0x0], $0xffff;
	_ =	sdelay $0x4  }
0x79: {  	v42 =	vor.u32 v62, v14;
	[tilespmem:$0x1F9A0] =	vst v44;
	v44 =	vld.idx.msk [tilespmem:v41+s16+$0x0], $0xffff;
	_ =	sdelay $0x3  }
0x7a: {  	v62 =	vld.idx.msk [tilespmem:v40+s15+$0x0], $0xffff  }
0x7b: {  	[tilespmem:$0x1F9B0] =	vst v44;
	v44 =	vld.idx.msk [tilespmem:v42+s15+$0x0], $0xffff;
	_ =	sdelay $0x3  }
0x7c: {  	v3 =	vmov v52;
	[tilespmem:$0x1F990] =	vst v62;
	v62 =	vld.idx.msk [tilespmem:v40+s16+$0x0], $0xffff  }
0x7d: {  	v40 =	vor.u32 v3, v14;
	[tilespmem:$0x1F9C0] =	vst v44;
	v44 =	vld.idx.msk [tilespmem:v42+s16+$0x0], $0xffff;
	_ =	sdelay $0x3  }
0x7e: {  	v41 =	vld [tilespmem:$0x1FCA0]  }
0x7f: {  	[tilespmem:$0x1F9D0] =	vst v44;
	v44 =	vld.idx.msk [tilespmem:v40+s15+$0x0], $0xffff;
	_ =	sdelay $0x4  }
0x80: {  	v41 =	vor.u32 v41, v14;
	[tilespmem:$0x1F9E0] =	vst v44;
	v44 =	vld.idx.msk [tilespmem:v40+s16+$0x0], $0xffff;
	_ =	sdelay $0x3  }
0x81: {  	v42 =	vld [tilespmem:$0x1FCB0]  }
0x82: {  	[tilespmem:$0x1F9F0] =	vst v44;
	v44 =	vld.idx.msk [tilespmem:v41+s15+$0x0], $0xffff;
	_ =	sdelay $0x4  }
0x83: {  	v42 =	vor.u32 v42, v14;
	[tilespmem:$0x1FA00] =	vst v44;
	v44 =	vld.idx.msk [tilespmem:v41+s16+$0x0], $0xffff;
	_ =	sdelay $0x3  }
0x84: {  	v40 =	vld [tilespmem:$0x1FCC0]  }
0x85: {  	[tilespmem:$0x1FA10] =	vst v44;
	v44 =	vld.idx.msk [tilespmem:v42+s15+$0x0], $0xffff;
	_ =	sdelay $0x4  }
0x86: {  	v40 =	vor.u32 v40, v14;
	[tilespmem:$0x1FA20] =	vst v44;
	v44 =	vld.idx.msk [tilespmem:v42+s16+$0x0], $0xffff;
	_ =	sdelay $0x3  }
0x87: {  	v42 =	vld [tilespmem:$0x1FCE0]  }
0x88: {  	[tilespmem:$0x1FA30] =	vst v44;
	v44 =	vld.idx.msk [tilespmem:v40+s15+$0x0], $0xffff;
	_ =	sdelay $0x2  }
0x89: {  	v0 =	vor.u32 v11, v14;
	_ =	sdelay $0x1  }
0x8a: {  	v42 =	vor.u32 v42, v14;
	[tilespmem:$0x1FA40] =	vst v44;
	v44 =	vld.idx.msk [tilespmem:v40+s16+$0x0], $0xffff  }
0x8b: {  	v40 =	vld [tilespmem:$0x1FCF0];
	_ =	sdelay $0x1  }
0x8c: {  	v27 =	vld.idx.msk [tilespmem:v0+s15+$0x0], $0xffff  }
0x8d: {  	v26 =	vld.idx.msk [tilespmem:v0+s16+$0x0], $0xffff  }
0x8e: {  	v0 =	vld.idx.msk [tilespmem:v42+s15+$0x0], $0xffff  }
0x8f: {  	v40 =	vor.u32 v40, v14;
	_ =	sdelay $0x3  }
0x90: {  	[tilespmem:$0x1FA70] =	vst v0;
	v0 =	vld [tilespmem:$0x1FD10]  }
0x91: {  	[tilespmem:$0x1FC40] =	vst v1;
	v1 =	vld.idx.msk [tilespmem:v40+s15+$0x0], $0xffff  }
0x92: {  	v40 =	vld.idx.msk [tilespmem:v40+s16+$0x0], $0xffff;
	_ =	sdelay $0x2  }
0x93: {  	v0 =	vor.u32 v0, v14;
	_ =	sdelay $0x1  }
0x94: {  	[tilespmem:$0x1FA90] =	vst v40;
	v40 =	vld [tilespmem:$0x1FD20]  }
0x95: {  	v36 =	vor.u32 v13, v14;
	v13 =	vld.idx.msk [tilespmem:v2+s15+$0x0], $0xffff  }
0x96: {  	v11 =	vld.idx.msk [tilespmem:v2+s16+$0x0], $0xffff  }
0x97: {  	v3 =	vld.idx.msk [tilespmem:v0+s15+$0x0], $0xffff  }
0x98: {  	v0 =	vld.idx.msk [tilespmem:v0+s16+$0x0], $0xffff  }
0x99: {  	v2 =	vld [tilespmem:$0x1FD30];
	[tilespmem:$0x1FA80] =	vst v1;
	v1 =	vor.u32 v40, v14;
	_ =	sdelay $0x3  }
0x9a: {  	[tilespmem:$0x1FAB0] =	vst v0;
	v0 =	vld [tilespmem:$0x1FD40]  }
0x9b: {  	v2 =	vor.u32 v2, v14;
	[tilespmem:$0x1FAA0] =	vst v3;
	v3 =	vld.idx.msk [tilespmem:v1+s15+$0x0], $0xffff  }
0x9c: {  	v1 =	vld.idx.msk [tilespmem:v1+s16+$0x0], $0xffff;
	_ =	sdelay $0x3  }
0x9d: {  	v0 =	vor.u32 v0, v14;
	[tilespmem:$0x1FAC0] =	vst v3;
	v3 =	vld.idx.msk [tilespmem:v2+s15+$0x0], $0xffff  }
0x9e: {  	[tilespmem:$0x1FAD0] =	vst v1;
	v1 =	vld [tilespmem:$0x1FD50]  }
0x9f: {  	v2 =	vld.idx.msk [tilespmem:v2+s16+$0x0], $0xffff;
	_ =	sdelay $0x2  }
0xa0: {  	[tilespmem:$0x1FAE0] =	vst v3;
	v3 =	vld.idx.msk [tilespmem:v0+s15+$0x0], $0xffff  }
0xa1: {  	v0 =	vld.idx.msk [tilespmem:v0+s16+$0x0], $0xffff  }
0xa2: {  	v1 =	vor.u32 v1, v14;
	[tilespmem:$0x1FAF0] =	vst v2;
	v2 =	vld [tilespmem:$0x1FD60];
	_ =	sdelay $0x3  }
0xa3: {  	[tilespmem:$0x1FB10] =	vst v0;
	v0 =	vld [tilespmem:$0x1FD70]  }
0xa4: {  	v2 =	vor.u32 v2, v14;
	[tilespmem:$0x1FB00] =	vst v3;
	v3 =	vld.idx.msk [tilespmem:v1+s15+$0x0], $0xffff;
	_ =	sdelay $0x3  }
0xa5: {  	v1 =	vld.idx.msk [tilespmem:v1+s16+$0x0], $0xffff  }
0xa6: {  	v0 =	vor.u32 v0, v14;
	[tilespmem:$0x1FB20] =	vst v3;
	v3 =	vld.idx.msk [tilespmem:v2+s15+$0x0], $0xffff;
	_ =	sdelay $0x3  }
0xa7: {  	[tilespmem:$0x1FB30] =	vst v1;
	v2 =	vld.idx.msk [tilespmem:v2+s16+$0x0], $0xffff  }
0xa8: {  	v1 =	vor.u32 v4, v14;
	[tilespmem:$0x1FB40] =	vst v3;
	v3 =	vld.idx.msk [tilespmem:v0+s15+$0x0], $0xffff;
	_ =	sdelay $0x3  }
0xa9: {  	[tilespmem:$0x1FB50] =	vst v2;
	v0 =	vld.idx.msk [tilespmem:v0+s16+$0x0], $0xffff  }
0xaa: {  	v2 =	vor.u32 v6, v14;
	[tilespmem:$0x1FB60] =	vst v3;
	v3 =	vld.idx.msk [tilespmem:v1+s15+$0x0], $0xffff;
	_ =	sdelay $0x3  }
0xab: {  	[tilespmem:$0x1FB70] =	vst v0;
	v1 =	vld.idx.msk [tilespmem:v1+s16+$0x0], $0xffff  }
0xac: {  	v0 =	vor.u32 v7, v14;
	[tilespmem:$0x1FB80] =	vst v3;
	v3 =	vld.idx.msk [tilespmem:v2+s15+$0x0], $0xffff  }
0xad: {  	v2 =	vld.idx.msk [tilespmem:v2+s16+$0x0], $0xffff;
	_ =	sdelay $0x2  }
0xae: {  	[tilespmem:$0x1FB90] =	vst v1  }
0xaf: {  	v1 =	vor.u32 v8, v14;
	[tilespmem:$0x1FBA0] =	vst v3;
	v3 =	vld.idx.msk [tilespmem:v0+s15+$0x0], $0xffff  }
0xb0: {  	[tilespmem:$0x1FBB0] =	vst v2;
	v2 =	vld [tilespmem:$0x1FDA0];
	_ =	sdelay $0x1  }
0xb1: {  	v21 =	vld.idx.msk [tilespmem:v36+s15+$0x0], $0xffff  }
0xb2: {  	v0 =	vld.idx.msk [tilespmem:v0+s16+$0x0], $0xffff  }
0xb3: {  	[tilespmem:$0x1FBC0] =	vst v3;
	v3 =	vld.idx.msk [tilespmem:v1+s15+$0x0], $0xffff  }
0xb4: {  	v2 =	vor.u32 v2, v14;
	v1 =	vld.idx.msk [tilespmem:v1+s16+$0x0], $0xffff  }
0xb5: {  	v12 =	vor.u32 v18, v14;
	v16 =	vld.idx.msk [tilespmem:v36+s16+$0x0], $0xffff  }
0xb6: {  	v25 =	vld.idx.msk [tilespmem:v5+s15+$0x0], $0xffff  }
0xb7: {  	v22 =	vld.idx.msk [tilespmem:v5+s16+$0x0], $0xffff  }
0xb8: {  	[tilespmem:$0x1FBD0] =	vst v0;
	v0 =	vld [tilespmem:$0x1FDB0]  }
0xb9: {  	[tilespmem:$0x1FBF0] =	vst v1;
	v1 =	vld.idx.msk [tilespmem:v2+s15+$0x0], $0xffff  }
0xba: {  	v18 =	vld.idx.msk [tilespmem:v12+s15+$0x0], $0xffff  }
0xbb: {  	v12 =	vld.idx.msk [tilespmem:v12+s16+$0x0], $0xffff  }
0xbc: {  	v29 =	vld.idx.msk [tilespmem:v15+s15+$0x0], $0xffff  }
0xbd: {  	v15 =	vld.idx.msk [tilespmem:v15+s16+$0x0], $0xffff  }
0xbe: {  	v0 =	vor.u32 v0, v14;
	[tilespmem:$0x1FC00] =	vst v1;
	v1 =	vld.idx.msk [tilespmem:v2+s16+$0x0], $0xffff  }
0xbf: {  	v32 =	vld.idx.msk [tilespmem:v17+s15+$0x0], $0xffff  }
0xc0: {  	v17 =	vld.idx.msk [tilespmem:v17+s16+$0x0], $0xffff  }
0xc1: {  	v35 =	vld.idx.msk [tilespmem:v19+s15+$0x0], $0xffff  }
0xc2: {  	v19 =	vld.idx.msk [tilespmem:v19+s16+$0x0], $0xffff  }
0xc3: {  	[tilespmem:$0x1FC10] =	vst v1;
	v1 =	vld.idx.msk [tilespmem:v0+s15+$0x0], $0xffff  }
0xc4: {  	v0 =	vld.idx.msk [tilespmem:v0+s16+$0x0], $0xffff  }
0xc5: {  	v36 =	vld.idx.msk [tilespmem:v23+s15+$0x0], $0xffff  }
0xc6: {  	v23 =	vld.idx.msk [tilespmem:v23+s16+$0x0], $0xffff  }
0xc7: {  	v43 =	vld.idx.msk [tilespmem:v24+s15+$0x0], $0xffff  }
0xc8: {  	v5 =	vld [tilespmem:$0xED80]  }
0xc9: {  	[tilespmem:$0x1FC30] =	vst v0;
	v0 =	vld [tilespmem:$0xED30]  }
0xca: {  	v26 =	vsub.f32 v27, v26;
	v2 =	vld [tilespmem:$0xED50]  }
0xcb: {  	v16 =	vsub.f32 v21, v16;
	v11 =	vsub.f32 v13, v11;
	[tilespmem:$0x1FC20] =	vst v1;
	v1 =	vld [tilespmem:$0xED40]  }
0xcc: {  	v9 =	vsub.f32 v10, v9;
	v12 =	vsub.f32 v18, v12;
	v4 =	vld [tilespmem:$0xED70]  }
0xcd: {  	v10 =	vand.u32 $0x7FFFFFFF, v26;
	v16 =	vand.u32 $0x7FFFFFFF, v16;
	v11 =	vand.u32 $0x7FFFFFFF, v11;
	[tilespmem:$0x1FBE0] =	vst v3;
	v3 =	vld [tilespmem:$0xED60]  }
0xce: {  	v12 =	vand.u32 $0x7FFFFFFF, v12;
	v6 =	vld [tilespmem:$0xED90];
	v0 =	vmul.f32 v10, v0;
	v10 =	vsub.f32 v25, v22  }
0xcf: {  	v39 =	vld.idx.msk [tilespmem:v24+s16+$0x0], $0xffff;
	v9 =	vand.u32 $0x7FFFFFFF, v9;
	v5 =	vmul.f32 v12, v5;
	v2 =	vmul.f32 v11, v2  }
0xd0: {  	v7 =	vld [tilespmem:$0xEDA0];
	v11 =	vsub.f32 v29, v15;
	v1 =	vmul.f32 v16, v1;
	v10 =	vand.u32 $0x7FFFFFFF, v10  }
0xd1: {  	v52 =	vld.idx.msk [tilespmem:v28+s15+$0x0], $0xffff;
	v12 =	vsub.f32 v32, v17;
	v0 =	vadd.f32 $0.0e+00, v0;
	v4 =	vmul.f32 v10, v4  }
0xd2: {  	v8 =	vld [tilespmem:$0xEDB0];
	v3 =	vmul.f32 v9, v3;
	v11 =	vand.u32 $0x7FFFFFFF, v11;
	v1 =	vadd.f32 $0.0e+00, v1  }
0xd3: {  	v21 =	vld [tilespmem:$0xEDC0];
	v2 =	vadd.f32 $0.0e+00, v2;
	v0 =	vadd.f32 v4, v0;
	v4 =	vmul.f32 v11, v6  }
0xd4: {  	v13 =	vld [tilespmem:$0xEDD0];
	v1 =	vadd.f32 v5, v1;
	v5 =	vsub.f32 v35, v19;
	v11 =	vand.u32 $0x7FFFFFFF, v12  }
0xd5: {  	v28 =	vld.idx.msk [tilespmem:v28+s16+$0x0], $0xffff;
	v3 =	vadd.f32 $0.0e+00, v3;
	v2 =	vadd.f32 v4, v2;
	v4 =	vmul.f32 v11, v7  }
0xd6: {  	v26 =	vld [tilespmem:$0xEDE0];
	v19 =	vsub.f32 v36, v23;
	v5 =	vand.u32 $0x7FFFFFFF, v5;
	v11 =	vsub.f32 v45, v37  }
0xd7: {  	v30 =	vld.idx.msk [tilespmem:v30+s16+$0x0], $0xffff;
	v3 =	vadd.f32 v4, v3;
	v4 =	vmul.f32 v5, v8  }
0xd8: {  	v18 =	vld [tilespmem:$0xEE00];
	v19 =	vand.u32 $0x7FFFFFFF, v19;
	v5 =	vsub.f32 v43, v39;
	v11 =	vand.u32 $0x7FFFFFFF, v11  }
0xd9: {  	v24 =	vld.idx.msk [tilespmem:v20+s15+$0x0], $0xffff;
	v0 =	vadd.f32 v4, v0;
	v4 =	vmul.f32 v11, v21;
	v11 =	vmul.f32 v19, v13  }
0xda: {  	v20 =	vld.idx.msk [tilespmem:v20+s16+$0x0], $0xffff;
	v19 =	vsub.f32 v52, v28;
	v5 =	vand.u32 $0x7FFFFFFF, v5  }
0xdb: {  	v1 =	vadd.f32 v4, v1;
	v4 =	vmul.f32 v5, v26;
	v2 =	vadd.f32 v11, v2;
	v11 =	vld [tilespmem:$0x1F920]  }
0xdc: {  	v9 =	vld [tilespmem:$0xEE10];
	v19 =	vand.u32 $0x7FFFFFFF, v19  }
0xdd: {  	v3 =	vadd.f32 v4, v3;
	v4 =	vmul.f32 v19, v18;
	v18 =	vld [tilespmem:$0x1F930]  }
0xde: {  	v19 =	vld [tilespmem:$0x1F940]  }
0xdf: {  	v33 =	vld.idx.msk [tilespmem:v33+s16+$0x0], $0xffff  }
0xe0: {  	v17 =	vld [tilespmem:$0xEE40];
	v11 =	vsub.f32 v11, v30  }
0xe1: {  	v15 =	vld [tilespmem:$0xEE20]  }
0xe2: {  	v34 =	vld.idx.msk [tilespmem:v31+s15+$0x0], $0xffff;
	v11 =	vand.u32 $0x7FFFFFFF, v11  }
0xe3: {  	v1 =	vadd.f32 v4, v1;
	v18 =	vsub.f32 v18, v19;
	v4 =	vmul.f32 v11, v9;
	v9 =	vld [tilespmem:$0x1F960]  }
0xe4: {  	v11 =	vld [tilespmem:$0x1F970]  }
0xe5: {  	v38 =	vld.idx.msk [tilespmem:v38+s16+$0x0], $0xffff;
	v18 =	vand.u32 $0x7FFFFFFF, v18  }
0xe6: {  	v2 =	vadd.f32 v4, v2;
	v4 =	vmul.f32 v18, v15;
	v18 =	vld [tilespmem:$0x1F980]  }
0xe7: {  	v31 =	vld.idx.msk [tilespmem:v31+s16+$0x0], $0xffff  }
0xe8: {  	v41 =	vld [tilespmem:$0x1FCD0]  }
0xe9: {  	v12 =	vld [tilespmem:$0xEE60];
	v9 =	vsub.f32 v9, v11  }
0xea: {  	v19 =	vld [tilespmem:$0x1F950]  }
0xeb: {  	v16 =	vld [tilespmem:$0xEDF0];
	v18 =	vsub.f32 v18, v38;
	v9 =	vand.u32 $0x7FFFFFFF, v9  }
0xec: {  	v10 =	vld [tilespmem:$0xEE30];
	v3 =	vadd.f32 v4, v3;
	v4 =	vmul.f32 v9, v17  }
0xed: {  	v6 =	vld [tilespmem:$0xEE50];
	v17 =	vand.u32 $0x7FFFFFFF, v18  }
0xee: {  	v1 =	vadd.f32 v4, v1;
	v4 =	vmul.f32 v17, v12;
	v12 =	vld [tilespmem:$0x1F9A0]  }
0xef: {  	v20 =	vsub.f32 v24, v20;
	v19 =	vsub.f32 v19, v33;
	v17 =	vld [tilespmem:$0x1F9B0]  }
0xf0: {  	v25 =	vsub.f32 v34, v31  }
0xf1: {  	v20 =	vand.u32 $0x7FFFFFFF, v20;
	v19 =	vand.u32 $0x7FFFFFFF, v19  }
0xf2: {  	v5 =	vmul.f32 v20, v16;
	v10 =	vmul.f32 v19, v10;
	v19 =	vand.u32 $0x7FFFFFFF, v25  }
0xf3: {  	v41 =	vor.u32 v41, v14;
	v6 =	vmul.f32 v19, v6;
	v19 =	vld [tilespmem:$0x1F9D0]  }
0xf4: {  	v0 =	vadd.f32 v5, v0;
	v12 =	vsub.f32 v12, v17;
	v17 =	vld [tilespmem:$0x1F9C0]  }
0xf5: {  	v22 =	vld [tilespmem:$0xEE80]  }
0xf6: {  	v0 =	vadd.f32 v10, v0;
	v10 =	vld [tilespmem:$0x1F990]  }
0xf7: {  	v8 =	vld [tilespmem:$0xEE90]  }
0xf8: {  	[tilespmem:$0x1FA50] =	vst v44;
	v44 =	vld.idx.msk [tilespmem:v41+s15+$0x0], $0xffff  }
0xf9: {  	v7 =	vld [tilespmem:$0xEE70];
	v17 =	vsub.f32 v17, v19  }
0xfa: {  	v12 =	vand.u32 $0x7FFFFFFF, v12  }
0xfb: {  	v10 =	vsub.f32 v10, v62;
	v38 =	vmul.f32 v12, v22;
	v22 =	vld [tilespmem:$0x1FA10];
	v17 =	vand.u32 $0x7FFFFFFF, v17  }
0xfc: {  	v8 =	vmul.f32 v17, v8;
	v17 =	vld [tilespmem:$0x1FA00]  }
0xfd: {  	[tilespmem:$0x1FA60] =	vst v44;
	v44 =	vld [tilespmem:$0x1FD00];
	v10 =	vand.u32 $0x7FFFFFFF, v10  }
0xfe: {  	v3 =	vadd.f32 v4, v3;
	v4 =	vmul.f32 v10, v7;
	v7 =	vld [tilespmem:$0x1F9E0]  }
0xff: {  	v10 =	vld [tilespmem:$0x1F9F0]  }
0x100: {  	v29 =	vld [tilespmem:$0x1FA30]  }
0x101: {  	v17 =	vsub.f32 v17, v22;
	v22 =	vld [tilespmem:$0x1FA20]  }
0x102: {  	v23 =	vld [tilespmem:$0xEEA0]  }
0x103: {  	v13 =	vld [tilespmem:$0xEEB0]  }
0x104: {  	v21 =	vld [tilespmem:$0xEEC0];
	v7 =	vsub.f32 v7, v10;
	_ =	sdelay $0x1  }
0x105: {  	v2 =	vadd.f32 v6, v2;
	v7 =	vand.u32 $0x7FFFFFFF, v7;
	v22 =	vsub.f32 v22, v29  }
0x106: {  	v27 =	vld [tilespmem:$0xEFA0];
	v44 =	vor.u32 v44, v14;
	v7 =	vmul.f32 v7, v23  }
0x107: {  	v39 =	vld [tilespmem:$0x1FDD0];
	v2 =	vadd.f32 v8, v2;
	v8 =	vand.u32 $0x7FFFFFFF, v17;
	v17 =	vand.u32 $0x7FFFFFFF, v22  }
0x108: {  	v3 =	vadd.f32 v7, v3;
	v7 =	vmul.f32 v8, v13;
	v8 =	vmul.f32 v17, v21;
	v17 =	vld [tilespmem:$0x1FA40]  }
0x109: {  	v21 =	vld [tilespmem:$0x1FA50]  }
0x10a: {  	v24 =	vld [tilespmem:$0xEF00]  }
0x10b: {  	v42 =	vld.idx.msk [tilespmem:v42+s16+$0x0], $0xffff  }
0x10c: {  	v41 =	vld.idx.msk [tilespmem:v41+s16+$0x0], $0xffff  }
0x10d: {  	v40 =	vld.idx.msk [tilespmem:v44+s15+$0x0], $0xffff  }
0x10e: {  	v23 =	vor.u32 v39, v14;
	v17 =	vsub.f32 v17, v21;
	v21 =	vld [tilespmem:$0x1FA60]  }
0x10f: {  	v44 =	vld.idx.msk [tilespmem:v44+s16+$0x0], $0xffff  }
0x110: {  	v16 =	vld [tilespmem:$0xEED0]  }
0x111: {  	v20 =	vld [tilespmem:$0xEEE0]  }
0x112: {  	v34 =	vld [tilespmem:$0xF020];
	v4 =	vadd.f32 v4, v0;
	v30 =	vadd.f32 v38, v1  }
0x113: {  	v31 =	vld.idx.msk [tilespmem:v23+s15+$0x0], $0xffff;
	v21 =	vsub.f32 v21, v41  }
0x114: {  	v4 =	vadd.f32 v7, v4;
	v7 =	vadd.f32 v8, v30;
	v30 =	vld [tilespmem:$0x1FA70]  }
0x115: {  	v17 =	vand.u32 $0x7FFFFFFF, v17;
	v41 =	vld [tilespmem:$0x1FA90];
	v21 =	vand.u32 $0x7FFFFFFF, v21  }
0x116: {  	v16 =	vmul.f32 v17, v16;
	v17 =	vmul.f32 v21, v20;
	v20 =	vld.idx.msk [tilespmem:v23+s16+$0x0], $0xffff  }
0x117: {  	v23 =	vld [tilespmem:$0x1FA80]  }
0x118: {  	v5 =	vld [tilespmem:$0xEEF0]  }
0x119: {  	v43 =	vld [tilespmem:$0x1FAD0]  }
0x11a: {  	v11 =	vld [tilespmem:$0xEF10];
	v30 =	vsub.f32 v30, v42  }
0x11b: {  	v52 =	vld [tilespmem:$0x1FF40]  }
0x11c: {  	v28 =	vld [tilespmem:$0x1FDC0];
	v42 =	vsub.f32 v40, v44;
	v30 =	vand.u32 $0x7FFFFFFF, v30;
	v23 =	vsub.f32 v23, v41  }
0x11d: {  	v26 =	vld [tilespmem:$0xEF20];
	v5 =	vmul.f32 v30, v5  }
0x11e: {  	v21 =	vld [tilespmem:$0x1FDF0];
	v3 =	vadd.f32 v17, v3;
	v17 =	vand.u32 $0x7FFFFFFF, v23;
	v23 =	vand.u32 $0x7FFFFFFF, v42  }
0x11f: {  	v11 =	vmul.f32 v23, v11;
	v23 =	vld [tilespmem:$0x1FAA0]  }
0x120: {  	v4 =	vadd.f32 v5, v4;
	v5 =	vmul.f32 v17, v24;
	v24 =	vld [tilespmem:$0x1FAB0]  }
0x121: {  	v15 =	vld [tilespmem:$0xEF30]  }
0x122: {  	v33 =	vld [tilespmem:$0xF000]  }
0x123: {  	v25 =	vld [tilespmem:$0xEF40]  }
0x124: {  	v9 =	vld [tilespmem:$0xEF50];
	v21 =	vor.u32 v21, v14  }
0x125: {  	v23 =	vsub.f32 v23, v24;
	v24 =	vld [tilespmem:$0x1FAC0]  }
0x126: {  	v18 =	vld [tilespmem:$0xEF60]  }
0x127: {  	v44 =	vld [tilespmem:$0x1FAF0]  }
0x128: {  	v40 =	vld [tilespmem:$0x1FB20]  }
0x129: {  	v32 =	vld.idx.msk [tilespmem:v21+s15+$0x0], $0xffff  }
0x12a: {  	v5 =	vadd.f32 v5, v7;
	v7 =	vld.idx.msk [tilespmem:v21+s16+$0x0], $0xffff;
	v21 =	vand.u32 $0x7FFFFFFF, v23;
	v24 =	vsub.f32 v24, v43  }
0x12b: {  	v21 =	vmul.f32 v21, v26;
	v26 =	vld [tilespmem:$0x1FB10]  }
0x12c: {  	v23 =	vand.u32 $0x7FFFFFFF, v24;
	v24 =	vld [tilespmem:$0x1FAE0]  }
0x12d: {  	v15 =	vmul.f32 v23, v15;
	v23 =	vld [tilespmem:$0x1FB00]  }
0x12e: {  	v41 =	vld [tilespmem:$0x1FB30]  }
0x12f: {  	v6 =	vld [tilespmem:$0xEF70]  }
0x130: {  	v62 =	vld [tilespmem:$0x1FF50]  }
0x131: {  	v12 =	vld [tilespmem:$0xEFB0];
	v24 =	vsub.f32 v24, v44  }
0x132: {  	v0 =	vld [tilespmem:$0xEFD0];
	v23 =	vsub.f32 v23, v26  }
0x133: {  	v19 =	vld [tilespmem:$0xEF80];
	v2 =	vadd.f32 v16, v2;
	v37 =	vsub.f32 v40, v41;
	v24 =	vand.u32 $0x7FFFFFFF, v24  }
0x134: {  	v1 =	vld [tilespmem:$0xEFE0];
	v3 =	vadd.f32 v21, v3;
	v23 =	vand.u32 $0x7FFFFFFF, v23;
	v21 =	vmul.f32 v24, v25  }
0x135: {  	v28 =	vor.u32 v28, v14;
	v38 =	vld [tilespmem:$0xF030];
	v2 =	vadd.f32 v11, v2;
	v9 =	vmul.f32 v23, v9  }
0x136: {  	v4 =	vadd.f32 v15, v4;
	v15 =	vand.u32 $0x7FFFFFFF, v37;
	v5 =	vadd.f32 v21, v5;
	v21 =	vld [tilespmem:$0x1FB50]  }
0x137: {  	v2 =	vadd.f32 v9, v2;
	v9 =	vmul.f32 v15, v18;
	v18 =	vld [tilespmem:$0x1FB40]  }
0x138: {  	v10 =	vld [tilespmem:$0xEF90]  }
0x139: {  	v39 =	vld [tilespmem:$0xF050]  }
0x13a: {  	v13 =	vld.idx.msk [tilespmem:v28+s15+$0x0], $0xffff  }
0x13b: {  	v25 =	vld [tilespmem:$0x1FB70]  }
0x13c: {  	v18 =	vsub.f32 v18, v21;
	v21 =	vld [tilespmem:$0x1FB60]  }
0x13d: {  	v45 =	vor.u32 v55, v14;
	v22 =	vld.idx.msk [tilespmem:v28+s16+$0x0], $0xffff  }
0x13e: {  	v28 =	vld [tilespmem:$0x1FDE0]  }
0x13f: {  	v29 =	vld [tilespmem:$0xEFC0]  }
0x140: {  	v30 =	vld [tilespmem:$0x1FE00]  }
0x141: {  	v44 =	vld [tilespmem:$0x1FBA0];
	v21 =	vsub.f32 v21, v25  }
0x142: {  	v3 =	vadd.f32 v9, v3;
	v9 =	vld.idx.msk [tilespmem:v45+s16+$0x0], $0xffff  }
0x143: {  	v28 =	vor.u32 v28, v14;
	v18 =	vand.u32 $0x7FFFFFFF, v18;
	v25 =	vld.idx.msk [tilespmem:v45+s15+$0x0], $0xffff;
	v21 =	vand.u32 $0x7FFFFFFF, v21  }
0x144: {  	v6 =	vmul.f32 v18, v6;
	v18 =	vmul.f32 v21, v19;
	v19 =	vld [tilespmem:$0x1FB80]  }
0x145: {  	v21 =	vld [tilespmem:$0x1FB90]  }
0x146: {  	v45 =	vld [tilespmem:$0x1FBB0]  }
0x147: {  	v8 =	vld [tilespmem:$0xEFF0];
	v30 =	vor.u32 v30, v14  }
0x148: {  	v16 =	vld.idx.msk [tilespmem:v28+s15+$0x0], $0xffff  }
0x149: {  	v28 =	vld.idx.msk [tilespmem:v28+s16+$0x0], $0xffff;
	v11 =	vor.u32 v54, v14  }
0x14a: {  	v17 =	vld [tilespmem:$0xF010];
	v7 =	vsub.f32 v32, v7;
	v43 =	vsel vm0, v47, v46;
	v19 =	vsub.f32 v19, v21  }
0x14b: {  	v32 =	vld [tilespmem:$0x1FFB0];
	v37 =	vcombine.low v43, v59;
	v4 =	vadd.f32 v6, v4;
	v40 =	vsub.f32 v44, v45  }
0x14c: {  	v26 =	vld.idx.msk [tilespmem:v30+s15+$0x0], $0xffff;
	v44 =	vsel vm0, v49, v48;
	v45 =	vsel vm0, v61, v50;
	v6 =	vand.u32 $0x7FFFFFFF, v19  }
0x14d: {  	v41 =	vcombine.low v44, v60;
	v44 =	vld [tilespmem:$0x1FBD0];
	v6 =	vmul.f32 v6, v10;
	v10 =	vand.u32 $0x7FFFFFFF, v40  }
0x14e: {  	v40 =	vcombine.low v45, v63;
	v45 =	vld [tilespmem:$0x1FBF0];
	v10 =	vmul.f32 v10, v27  }
0x14f: {  	v2 =	vadd.f32 v6, v2;
	v6 =	vld [tilespmem:$0x1FBC0]  }
0x150: {  	v37 =	vor.u32 v37, v14;
	v3 =	vadd.f32 v10, v3;
	v10 =	vld [tilespmem:$0x1FBE0]  }
0x151: {  	v30 =	vld.idx.msk [tilespmem:v30+s16+$0x0], $0xffff  }
0x152: {  	v36 =	vsel vm0, v57, v61;
	v23 =	vld.idx.msk [tilespmem:v11+s15+$0x0], $0xffff  }
0x153: {  	v42 =	vcombine.low v56, v36;
	v11 =	vld.idx.msk [tilespmem:v11+s16+$0x0], $0xffff  }
0x154: {  	v6 =	vsub.f32 v6, v44;
	v44 =	vld [tilespmem:$0x1FD80]  }
0x155: {  	v24 =	vor.u32 v42, v14;
	v42 =	vld.idx.msk [tilespmem:v37+s15+$0x0], $0xffff;
	v10 =	vsub.f32 v10, v45  }
0x156: {  	v35 =	vor.u32 v58, v14;
	v37 =	vld.idx.msk [tilespmem:v37+s16+$0x0], $0xffff  }
0x157: {  	v15 =	vld [tilespmem:$0xF040];
	v10 =	vand.u32 $0x7FFFFFFF, v10  }
0x158: {  	v43 =	vsel vm0, v51, v53;
	v10 =	vmul.f32 v10, v29;
	v29 =	vld [tilespmem:$0x1FC00]  }
0x159: {  	v43 =	vcombine.low v43, v44;
	v44 =	vld [tilespmem:$0x1FC10]  }
0x15a: {  	v26 =	vsub.f32 v26, v30;
	v30 =	vld [tilespmem:$0x1FD90]  }
0x15b: {  	v5 =	vadd.f32 v18, v5;
	v18 =	vld.idx.msk [tilespmem:v35+s15+$0x0], $0xffff  }
0x15c: {  	v21 =	vld.idx.msk [tilespmem:v24+s15+$0x0], $0xffff  }
0x15d: {  	v45 =	vld [tilespmem:$0x1FC30]  }
0x15e: {  	v29 =	vsub.f32 v29, v44;
	v44 =	vld [tilespmem:$0x1FC20]  }
0x15f: {  	v24 =	vld.idx.msk [tilespmem:v24+s16+$0x0], $0xffff;
	v6 =	vand.u32 $0x7FFFFFFF, v6  }
0x160: {  	v27 =	vld.idx.msk [tilespmem:v35+s16+$0x0], $0xffff;
	v35 =	vor.u32 v41, v14;
	v6 =	vmul.f32 v6, v12  }
0x161: {  	v19 =	vld [tilespmem:$0xF060];
	v40 =	vor.u32 v40, v14  }
0x162: {  	v41 =	vld [tilespmem:$0xF070];
	v4 =	vadd.f32 v6, v4  }
0x163: {  	v6 =	vsub.f32 v13, v22;
	v22 =	vor.u32 v43, v14;
	v43 =	vld [tilespmem:$0x1FF60];
	v44 =	vsub.f32 v44, v45  }
0x164: {  	v12 =	vld [tilespmem:$0xF080];
	v5 =	vadd.f32 v10, v5  }
0x165: {  	v13 =	vld.idx.msk [tilespmem:v35+s16+$0x0], $0xffff;
	v6 =	vand.u32 $0x7FFFFFFF, v6;
	v10 =	vand.u32 $0x7FFFFFFF, v29;
	v29 =	vand.u32 $0x7FFFFFFF, v44  }
0x166: {  	v6 =	vmul.f32 v6, v8;
	v8 =	vsub.f32 v31, v20;
	v20 =	vld.idx.msk [tilespmem:v40+s16+$0x0], $0xffff;
	v1 =	vmul.f32 v29, v1  }
0x167: {  	v0 =	vmul.f32 v10, v0;
	v10 =	vld.idx.msk [tilespmem:v40+s15+$0x0], $0xffff  }
0x168: {  	v29 =	vor.u32 v43, v14;
	v43 =	vld [tilespmem:$0x1FF70];
	v1 =	vadd.f32 v1, v3  }
0x169: {  	v45 =	vld.idx.msk [tilespmem:v35+s15+$0x0], $0xffff;
	v3 =	vadd.f32 v6, v4;
	v6 =	vsub.f32 v16, v28  }
0x16a: {  	v35 =	vld [tilespmem:$0xF090]  }
0x16b: {  	v11 =	vsub.f32 v23, v11;
	v4 =	vand.u32 $0x7FFFFFFF, v8;
	v8 =	vld.idx.msk [tilespmem:v22+s15+$0x0], $0xffff;
	v6 =	vand.u32 $0x7FFFFFFF, v6  }
0x16c: {  	v0 =	vadd.f32 v0, v2;
	v16 =	vld.idx.msk [tilespmem:v22+s16+$0x0], $0xffff;
	v4 =	vmul.f32 v4, v33;
	v6 =	vmul.f32 v6, v17  }
0x16d: {  	v30 =	vcombine.low v36, v30;
	v11 =	vand.u32 $0x7FFFFFFF, v11;
	v28 =	vld [tilespmem:$0xF0B0];
	v22 =	vor.u32 v43, v14  }
0x16e: {  	v17 =	vld.idx.msk [tilespmem:v29+s15+$0x0], $0xffff;
	v4 =	vadd.f32 v4, v5;
	v0 =	vadd.f32 v6, v0;
	v6 =	vmul.f32 v11, v15  }
0x16f: {  	v7 =	vand.u32 $0x7FFFFFFF, v7;
	v23 =	vand.u32 $0x7FFFFFFF, v26;
	v26 =	vld.idx.msk [tilespmem:v29+s16+$0x0], $0xffff;
	v29 =	vor.u32 v30, v14  }
0x170: {  	v7 =	vmul.f32 v7, v34;
	v43 =	vld [tilespmem:$0x1FF80];
	v4 =	vadd.f32 v6, v4  }
0x171: {  	v5 =	vmul.f32 v23, v38;
	v6 =	vsub.f32 v21, v24;
	v21 =	vsub.f32 v42, v37;
	v37 =	vld [tilespmem:$0x1FFA0]  }
0x172: {  	v18 =	vsub.f32 v18, v27;
	v1 =	vadd.f32 v7, v1;
	v7 =	vld.idx.msk [tilespmem:v22+s15+$0x0], $0xffff  }
0x173: {  	v3 =	vadd.f32 v5, v3;
	v5 =	vsub.f32 v25, v9;
	v9 =	vld.idx.msk [tilespmem:v22+s16+$0x0], $0xffff  }
0x174: {  	v22 =	vld.idx.msk [tilespmem:v29+s15+$0x0], $0xffff  }
0x175: {  	v18 =	vand.u32 $0x7FFFFFFF, v18;
	v24 =	vld.idx.msk [tilespmem:v29+s16+$0x0], $0xffff  }
0x176: {  	v18 =	vmul.f32 v18, v41;
	v8 =	vsub.f32 v8, v16;
	v29 =	vld [tilespmem:$0x1FF90]  }
0x177: {  	v2 =	vld [tilespmem:$0xF0A0];
	v11 =	vor.u32 v43, v14  }
0x178: {  	v23 =	vld [tilespmem:$0xF0C0];
	v5 =	vand.u32 $0x7FFFFFFF, v5;
	v3 =	vadd.f32 v18, v3;
	v8 =	vand.u32 $0x7FFFFFFF, v8  }
0x179: {  	v15 =	vld [tilespmem:$0xF0D0];
	v8 =	vmul.f32 v8, v28;
	v6 =	vand.u32 $0x7FFFFFFF, v6;
	v27 =	vor.u32 v37, v14  }
0x17a: {  	v5 =	vmul.f32 v5, v39;
	v6 =	vmul.f32 v6, v19;
	v19 =	vand.u32 $0x7FFFFFFF, v21;
	v21 =	vld [tilespmem:$0xF0E0]  }
0x17b: {  	v36 =	vadd.f32 v8, v3;
	v3 =	vld [tilespmem:$0xF100];
	v12 =	vmul.f32 v19, v12;
	v25 =	vor.u32 v29, v14  }
0x17c: {  	v10 =	vsub.f32 v10, v20;
	v19 =	vld.idx.msk [tilespmem:v11+s15+$0x0], $0xffff  }
0x17d: {  	v0 =	vadd.f32 v5, v0;
	v5 =	vld.idx.msk [tilespmem:v11+s16+$0x0], $0xffff;
	v4 =	vadd.f32 v12, v4;
	v11 =	vor.u32 v32, v14  }
0x17e: {  	v10 =	vand.u32 $0x7FFFFFFF, v10;
	v12 =	vsub.f32 v45, v13;
	v7 =	vsub.f32 v7, v9;
	v9 =	vld.idx.msk [tilespmem:v27+s15+$0x0], $0xffff  }
0x17f: {  	v2 =	vmul.f32 v10, v2;
	v10 =	vld.idx.msk [tilespmem:v27+s16+$0x0], $0xffff  }
0x180: {  	v12 =	vand.u32 $0x7FFFFFFF, v12;
	v13 =	vld.idx.msk [tilespmem:v25+s15+$0x0], $0xffff  }
0x181: {  	v14 =	vsub.f32 v17, v26;
	v12 =	vmul.f32 v12, v35;
	v16 =	vld.idx.msk [tilespmem:v25+s16+$0x0], $0xffff  }
0x182: {  	v7 =	vand.u32 $0x7FFFFFFF, v7;
	v17 =	vld.idx.msk [tilespmem:v11+s15+$0x0], $0xffff  }
0x183: {  	v14 =	vand.u32 $0x7FFFFFFF, v14;
	v7 =	vmul.f32 v7, v15;
	v0 =	vadd.f32 v12, v0;
	v11 =	vld.idx.msk [tilespmem:v11+s16+$0x0], $0xffff  }
0x184: {  	v1 =	vadd.f32 v6, v1;
	v6 =	vld [tilespmem:$0xF0F0];
	v12 =	vmul.f32 v14, v23  }
0x185: {  	v8 =	vsub.f32 v22, v24;
	v0 =	vadd.f32 v7, v0;
	v7 =	vld [tilespmem:$0xF110]  }
0x186: {  	v5 =	vsub.f32 v19, v5;
	v4 =	vadd.f32 v12, v4;
	v12 =	vld [tilespmem:$0xF120]  }
0x187: {  	v34 =	vld [tilespmem:$0x1FEE0];
	v1 =	vadd.f32 v2, v1;
	v8 =	vand.u32 $0x7FFFFFFF, v8;
	v13 =	vsub.f32 v13, v16  }
0x188: {  	v41 =	vld [tilespmem:$0x1FF10];
	v5 =	vand.u32 $0x7FFFFFFF, v5;
	v9 =	vsub.f32 v9, v10;
	v10 =	vsub.f32 v17, v11  }
0x189: {  	v31 =	vld [tilespmem:$0x1FEC0];
	v8 =	vmul.f32 v8, v21;
	v5 =	vmul.f32 v5, v6;
	v6 =	vand.u32 $0x7FFFFFFF, v13  }
0x18a: {  	v40 =	vld [tilespmem:$0x1FF00];
	v3 =	vmul.f32 v6, v3;
	v6 =	vand.u32 $0x7FFFFFFF, v9;
	v9 =	vand.u32 $0x7FFFFFFF, v10  }
0x18b: {  	v44 =	vld [tilespmem:$0x1FF30];
	v1 =	vadd.f32 v8, v1;
	v6 =	vmul.f32 v6, v7;
	v7 =	vmul.f32 v9, v12  }
0x18c: {  	v20 =	vld [tilespmem:$0x1FE70];
	v2 =	vadd.f32 v5, v36;
	v3 =	vadd.f32 v3, v4  }
0x18d: {  	v37 =	vld [tilespmem:$0x1FC40];
	v0 =	vadd.f32 v6, v0;
	v1 =	vadd.f32 v7, v1  }
0x18e: {  	v39 =	vld [tilespmem:$0x1FC60]  }
0x18f: {  	v33 =	vld [tilespmem:$0x1FED0];
	v2 =	vadd.f32 v3, v2;
	v0 =	vadd.f32 v1, v0  }
0x190: {  	v30 =	vld [tilespmem:$0x1FEB0]  }
0x191: {  	v38 =	vld [tilespmem:$0x1FEF0];
	v0 =	vadd.f32 v0, v2  }
0x192: {  	v42 =	vld [tilespmem:$0x1FF20];
	v1 =	vand.u32 $0x78, v37  }
0x193: {  	v18 =	vld [tilespmem:$0x1FE50];
	v1 =	vadd.s32 v39, v1;
	v0 =	vmax.f32 v0, $0.0e+00  }
0x194: {  	v28 =	vld [tilespmem:$0x1FEA0];
	v0 =	vmul.f32 $1.442695020e+00, v0  }
0x195: {  	v24 =	vld [tilespmem:$0x1FE90]  }
0x196: {  	v15 =	vld [tilespmem:$0x1FE20];
	(erf) = vpow2.f32 v0  }
0x197: {  	v23 =	vld [tilespmem:$0x1FE80]  }
0x198: {  	v43 =	vld.idx.msk [tilespmem:v1+s13+$0x0], $0xffff  }
0x199: {  	v19 =	vld [tilespmem:$0x1FE60]  }
0x19a: {  	v8 =	vld [tilespmem:$0x1FFF0]  }
0x19b: {  	v16 =	vld [tilespmem:$0x1FE30]  }
0x19c: {  	p0 =	seq.s32 s23, $0x40;
	v17 =	vld [tilespmem:$0x1FE40]  }
.Ltmp1:
0x19d: {  	v13 =	vld [tilespmem:$0x1FE10];
	(pc) =	sbr.rel @!p0 .LBB2_6-.Ltmp1, $4  }
0x19e: {  	v4 =	vld [tilespmem:$0x1FFC0]  }
0x19f: {  	v6 =	vld [tilespmem:$0x1FFD0];
	v45 =	vpop (erf)  }
0x1a0: {  	[tilespmem:v43+s4+$0x0] =	vst.idx.add.f32.msk $0xffff, v45  }
0x1a1: {  	s23 =	sadd.s32 $0x10, s23;
	v11 =	vlaneseq.u32;
	v7 =	vld [tilespmem:$0x1FFE0];
	[tilespmem:s22+$0x0] =	vst v45;
	s22 =	sadd.s32 $0x10, s22  }
0x1a2: {  	p0 =	seq.s32 s21, $0x7D  }
.Ltmp2:
0x1a3: {  	_ = 	snop;
	(pc) =	sbr.rel @!p0 .LBB2_5-.Ltmp2, $2  }
0x1a4: {  	_ =	sdelay $0x2  }
0x1a5: {  	s20 =	sadd.s32 $0x50, s20  }
0x1a6: {  	[hbm4b:s7+s4] =	stream.linear.scatter [tilespmem:s18], [sflag:$0x2], $0x2710, $0x38;
	[tilespmem:$0xF130] =	vst v63  }
0x1a7: {  	s19 =	sadd.s32 $0x1, s19;
	_ =	swait.ge [sflag:s11], $0x2710  }
0x1a8: {  	p0 =	sne.s32 s19, s9;
	[sflag:s11] =	ssyncset.done $0x0  }
.Ltmp3:
0x1a9: {  	[sflag:s11] =	ssyncadd.s32 $0xFFFFD8F0;
	(pc) =	sbr.rel @p0 .LBB2_1-.Ltmp3, $4  }
0x1aa: {  	[hbm4b:s8+s4] =	stream.linear.scatter [tilespmem:s4], [sflag:$0x2], $0x2800, $0x38;
	[tilespmem:$0xF130] =	vst v63  }
0x1ab: {  	_ =	swait.ge [sflag:s11], $0x2800  }
0x1ac: {  	[sflag:s11] =	ssyncset.done $0x0  }
0x1ad: {  	v12 =	vimm.f32 $0.0e+00;
	[sflag:s11] =	ssyncadd.s32 $0xFFFFD800  }
0x1ae: {  	_ =	sfence.sel $0x180000  }
0x1af: {  	[bflag:$0x0] =	sbarrier.arrive $0xFFFF  }
0x1b0: {  	p0 =	sne.s32 s2, $0x0;
	_ =	strace $0x90000047  }
0x1b1: {  	s0 =	sadd.s32 @!p0 $0x100000, s3;
	[bflag:$0x2] =	sbarrier.arrive $0xFFFF  }
0x1b2: {  	[sflag:s0] =	ssyncadd.tile.s32 @!p0 $0x1;
	_ =	shalt  }
.Lfunc_end2:
_tile_overlayer_lowered:
.L_overlay_start_2:
0x1b3: {  	(tag) =	ssettag $0x2  }
0x1b4: {  	s0 =	rddreg [dreg:$0x0];
	s2 =	stileid.u32  }
0x1b5: {  	s1 =	rddreg [dreg:$0x1];
	p0 =	sne.s32 s2, $0x0  }
0x1b6: {  	s3 =	rddreg [dreg:$0x2];
	[bflag:$0x3] =	sbarrier.arrive $0xFFFF;
	s2 =	simm.s32 @!p0 $0x1C02  }
0x1b7: {  	[timem:s3], [sflag:s2] =	dma.local @!p0 [hbm:s0], s1  }
0x1b8: {  	s0 =	simm.s32 @!p0 $0x2  }
0x1b9: {  	_ =	swait.ge @!p0 [sflag:s0], s1  }
0x1ba: {  	s1 =	ssub.s32 @!p0 $0x0, s1;
	[sflag:s0] =	ssyncset.done @!p0 $0x0  }
0x1bb: {  	[sflag:s0] =	ssyncadd.s32 @!p0 s1  }
0x1bc: {  	[bflag:$0x3] =	sbarrier.arrive $0xFFFF  }
0x1bd: {  	_ =	shalt  }

</sc_bundles>
